<compile_context>
chip_gen: v7x
topology: tpu7x:2x2x1
jax: 0.10.2.dev20260603
libtpu: 0.0.44.dev20260713+nightly
codegen_flags: <defaults>
</compile_context>

<pallas_src>
import functools

import jax
import jax.numpy as jnp
from jax import lax
from jax.experimental import pallas as pl
from jax.experimental.pallas import tpu as pltpu
from jax.experimental.pallas import tpu_sc as plsc

L = 16
NC, NS = 2, 16
NW = NC * NS
K = 16
CELL = 1.0
NX = 20
NY = 20
NBATCH = 4
NB = NBATCH * NX * NY
NBP = 1664


def _make_body(n_ref, n_query):
  qw = n_query // NW
  nvec = n_ref // L

  def body(rb_h, rx_h, ry_h, rz_h, qb_h, qx_h, qy_h, qz_h, rad_h, nn_h,
           out_ri, out_qi,
           rbf, rxf, ryf, rzf, sidx, barr,
           counts, countsb, starts, cursors, cursorsb,
           qbv, qxv, qyv, qzv, cxlo_a, cxhi_a, base_a, dy1_a,
           se1a, se2a, se3a,
           stage_ri, stage_qi, cur_d, cur_i, tmpa, parv, nnv):
    wid = lax.axis_index("c") * NS + lax.axis_index("s")
    iota = lax.iota(jnp.int32, L)
    zeros16 = jnp.zeros((L,), jnp.int32)

    pltpu.sync_copy(rb_h, rbf)
    pltpu.sync_copy(rx_h, rxf)
    pltpu.sync_copy(ry_h, ryf)
    pltpu.sync_copy(rz_h, rzf)
    pltpu.sync_copy(rad_h, parv)
    pltpu.sync_copy(nn_h, nnv)
    rv = parv[...]
    r2v = rv * rv

    def zero_body(k, _):
      plsc.store_scatter(counts, [k * L + iota], zeros16)
      plsc.store_scatter(countsb, [k * L + iota], zeros16)
      return 0

    lax.fori_loop(0, NBP // L, zero_body, 0)

    half = n_ref // 2

    def make_cnt(cnts):
      def cnt_body(i):
        idxv = i + iota
        bb = plsc.load_gather(rbf, [idxv])
        xx = plsc.load_gather(rxf, [idxv])
        yy = plsc.load_gather(ryf, [idxv])
        cx = jnp.clip((xx * (1.0 / CELL)).astype(jnp.int32), 0, NX - 1)
        cy = jnp.clip((yy * (1.0 / CELL)).astype(jnp.int32), 0, NY - 1)
        bkt = (bb.astype(jnp.int32) * NX + cx) * NY + cy
        rank, is_last = plsc.scan_count(bkt)
        plsc.addupdate_scatter(cnts, [bkt], rank, mask=is_last)
        packed = bkt | (rank << 16) | jnp.where(is_last, 1 << 21, 0)
        plsc.store_scatter(barr, [idxv], packed)
      return cnt_body

    plsc.parallel_loop(0, half, step=L, unroll=4)(make_cnt(counts))
    plsc.parallel_loop(half, n_ref, step=L, unroll=4)(make_cnt(countsb))

    def psum_body(k, carry):
      idxv = k * L + iota
      cnta = plsc.load_gather(counts, [idxv])
      cntb = plsc.load_gather(countsb, [idxv])
      cnt = cnta + cntb
      cm = plsc.cumsum(cnt)
      st = carry + cm - cnt
      plsc.store_scatter(starts, [idxv], st)
      plsc.store_scatter(cursors, [idxv], st)
      plsc.store_scatter(cursorsb, [idxv], st + cnta)
      tmpa[...] = cm
      return carry + plsc.load_gather(tmpa, [jnp.full((L,), L - 1, jnp.int32)])

    lax.fori_loop(0, NBP // L, psum_body, zeros16)

    def pos_one(idxv, curs):
      pk = plsc.load_gather(barr, [idxv])
      bkt = pk & 0xFFFF
      rank = (pk >> 16) & 31
      is_last = (pk >> 21) == 1
      cg = plsc.load_gather(curs, [bkt])
      pos = cg + rank - 1
      plsc.store_scatter(curs, [bkt], pos + 1, mask=is_last)
      plsc.store_scatter(sidx, [pos], idxv)

    def pos_body(j, _):
      pos_one(j * L + iota, cursors)
      pos_one(half + j * L + iota, cursorsb)
      return 0

    lax.fori_loop(0, half // L, pos_body, 0, unroll=2)

    qbase = wid * qw
    pltpu.sync_copy(qb_h.at[pl.ds(qbase, qw)], qbv)
    pltpu.sync_copy(qx_h.at[pl.ds(qbase, qw)], qxv)
    pltpu.sync_copy(qy_h.at[pl.ds(qbase, qw)], qyv)
    pltpu.sync_copy(qz_h.at[pl.ds(qbase, qw)], qzv)

    def cellc(v, hi):
      return jnp.clip((v * (1.0 / CELL)).astype(jnp.int32), 0, hi)

    for t in range(qw // L):
      idxv = t * L + iota
      qbb = plsc.load_gather(qbv, [idxv])
      qxx = plsc.load_gather(qxv, [idxv])
      qyy = plsc.load_gather(qyv, [idxv])
      cxlo = cellc(jnp.maximum(qxx - rv, 0.0), NX - 1)
      cxhi = cellc(jnp.maximum(qxx + rv, 0.0), NX - 1)
      cylo = cellc(jnp.maximum(qyy - rv, 0.0), NY - 1)
      cyhi = cellc(jnp.maximum(qyy + rv, 0.0), NY - 1)
      qbi = qbb.astype(jnp.int32)
      base0 = qbi * (NX * NY) + cylo
      dy1 = cyhi - cylo + 1
      plsc.store_scatter(cxlo_a, [idxv], cxlo)
      plsc.store_scatter(cxhi_a, [idxv], cxhi)
      plsc.store_scatter(base_a, [idxv], base0)
      plsc.store_scatter(dy1_a, [idxv], dy1)
      for k, sea in ((0, se1a), (1, se2a), (2, se3a)):
        live = (cxlo + k) <= cxhi
        b0 = base0 + jnp.minimum(cxlo + k, cxhi) * NY
        sk = plsc.load_gather(starts, [b0])
        ek = plsc.load_gather(starts, [b0 + dy1])
        se = jnp.where(live, sk | (ek << 16), 0)
        plsc.store_scatter(sea, [idxv], se)

    inf16 = jnp.full((L,), jnp.inf, jnp.float32)
    neg16 = jnp.full((L,), -1, jnp.int32)
    nnvec = nnv[...]

    def q_body(q, _):
      qf = jnp.full((L,), q, jnp.int32)
      qxb = plsc.load_gather(qxv, [qf])
      qyb = plsc.load_gather(qyv, [qf])
      qzb = plsc.load_gather(qzv, [qf])
      cur_d[...] = inf16
      cur_i[...] = neg16

      def scan_strip(s, e):
        def probe(idxv):
          m = idxv < e
          idxc = jnp.where(m, idxv, 0)
          si = plsc.load_gather(sidx, [idxc])
          xx = plsc.load_gather(rxf, [si])
          yy = plsc.load_gather(ryf, [si])
          zz = plsc.load_gather(rzf, [si])
          dx = xx - qxb
          dy = yy - qyb
          dz = zz - qzb
          d2 = dx * dx + dy * dy + dz * dz
          return m & (d2 <= r2v), d2, si

        def merge(valid, d2, si):
          cand_d = jnp.where(valid, d2, inf16)
          cs, civ = plsc.sort_key_val(cand_d, si)
          rd = lax.rev(cur_d[...], (0,))
          ri = lax.rev(cur_i[...], (0,))
          take = cs < rd
          nd, ni = plsc.sort_key_val(
              jnp.minimum(cs, rd), jnp.where(take, civ, ri))
          cur_d[...] = nd
          cur_i[...] = ni

        def w_body(base):
          v0, d0, s0 = probe(base + iota)
          v1, d1, s1 = probe(base + L + iota)
          merge(v0, d0, s0)
          merge(v1, d1, s1)
          return base + 2 * L

        lax.while_loop(lambda b: b < e, w_body, s)

      for sea in (se1a, se2a, se3a):
        se = sea[pl.ds(q, L)][0]
        scan_strip(se & 0xFFFF, se >> 16)

      cxlo = cxlo_a[pl.ds(q, L)][0]
      cxhi = cxhi_a[pl.ds(q, L)][0]

      @pl.when(cxhi - cxlo > 2)
      def _():
        base0 = base_a[pl.ds(q, L)][0]
        dy1 = dy1_a[pl.ds(q, L)][0]

        def cx_body(cxx, _):
          b0 = base0 + cxx * NY
          scan_strip(starts[pl.ds(b0, L)][0], starts[pl.ds(b0 + dy1, L)][0])
          return 0

        lax.fori_loop(cxlo + 3, cxhi + 1, cx_body, 0)

      km = (cur_d[...] < jnp.inf) & (iota < nnvec)
      plsc.store_scatter(stage_ri, [q * K + iota],
                         jnp.where(km, cur_i[...], neg16))
      plsc.store_scatter(stage_qi, [q * K + iota],
                         jnp.where(km, qbase + qf, neg16))
      return 0

    lax.fori_loop(0, qw, q_body, 0)

    pltpu.sync_copy(stage_ri, out_ri.at[pl.ds(qbase * K, qw * K)])
    pltpu.sync_copy(stage_qi, out_qi.at[pl.ds(qbase * K, qw * K)])

  return body


def _build(n_ref, n_query):
  qw = n_query // NW
  mesh = plsc.VectorSubcoreMesh(
      core_axis_name="c", subcore_axis_name="s",
      num_cores=NC, num_subcores=NS)
  scratch = [
      pltpu.VMEM((n_ref,), jnp.float32),
      pltpu.VMEM((n_ref,), jnp.float32),
      pltpu.VMEM((n_ref,), jnp.float32),
      pltpu.VMEM((n_ref,), jnp.float32),
      pltpu.VMEM((n_ref,), jnp.int32),
      pltpu.VMEM((n_ref,), jnp.int32),
      pltpu.VMEM((NBP,), jnp.int32),
      pltpu.VMEM((NBP,), jnp.int32),
      pltpu.VMEM((NBP,), jnp.int32),
      pltpu.VMEM((NBP,), jnp.int32),
      pltpu.VMEM((NBP,), jnp.int32),
      pltpu.VMEM((qw,), jnp.float32),
      pltpu.VMEM((qw,), jnp.float32),
      pltpu.VMEM((qw,), jnp.float32),
      pltpu.VMEM((qw,), jnp.float32),
      pltpu.VMEM((qw + L,), jnp.int32),
      pltpu.VMEM((qw + L,), jnp.int32),
      pltpu.VMEM((qw + L,), jnp.int32),
      pltpu.VMEM((qw + L,), jnp.int32),
      pltpu.VMEM((qw + L,), jnp.int32),
      pltpu.VMEM((qw + L,), jnp.int32),
      pltpu.VMEM((qw + L,), jnp.int32),
      pltpu.VMEM((qw * K,), jnp.int32),
      pltpu.VMEM((qw * K,), jnp.int32),
      pltpu.VMEM((L,), jnp.float32),
      pltpu.VMEM((L,), jnp.int32),
      pltpu.VMEM((L,), jnp.int32),
      pltpu.VMEM((L,), jnp.float32),
      pltpu.VMEM((L,), jnp.int32),
  ]
  out_type = [
      jax.ShapeDtypeStruct((n_query * K,), jnp.int32),
      jax.ShapeDtypeStruct((n_query * K,), jnp.int32),
  ]
  return pl.kernel(
      _make_body(n_ref, n_query),
      out_type=out_type,
      mesh=mesh,
      scratch_types=scratch,
      compiler_params=pltpu.CompilerParams(needs_layout_passes=False),
  )


def kernel(ref, query, radius, num_neighbors):
  n_ref = ref.shape[0]
  n_query = query.shape[0]
  rb = ref[:, 0]
  rx = ref[:, 1]
  ry = ref[:, 2]
  rz = ref[:, 3]
  qb = query[:, 0]
  qx = query[:, 1]
  qy = query[:, 2]
  qz = query[:, 3]
  rad = jnp.full((L,), radius, jnp.float32)
  nn = jnp.full((L,), num_neighbors, jnp.int32)
  run = _build(n_ref, n_query)
  out_ri, out_qi = run(rb, rx, ry, rz, qb, qx, qy, qz, rad, nn)
  edges = jnp.stack([out_ri, out_qi], axis=0).astype(jnp.int64)
  return edges

# --- scband reference (transcript-rebuilt; emitter-appended) ---
"""Pipeline reference for scband-radius-graph-51977694216361 (READ-ONLY COPY).

The authoritative reference and input builder live on the scoring server;
editing this copy changes nothing except your own understanding.
"""

import jax, jax.numpy as jnp
import numpy as np

N_REF = 16384
N_QUERY = 4096
NDIM = 3
N_BATCH = 4

def setup_inputs(seed: int = 0) -> dict:
    key = jax.random.key(seed)
    k1, k2, k3, k4 = jax.random.split(key, 4)
    ref_xyz = jax.random.uniform(k1, (N_REF, NDIM), dtype=jnp.float32) * 20.0
    ref_b = jax.random.randint(k2, (N_REF, 1), 0, N_BATCH).astype(jnp.float32)
    ref = jnp.concatenate([ref_b, ref_xyz], axis=1)
    q_xyz = jax.random.uniform(k3, (N_QUERY, NDIM), dtype=jnp.float32) * 20.0
    q_b = jax.random.randint(k4, (N_QUERY, 1), 0, N_BATCH).astype(jnp.float32)
    query = jnp.concatenate([q_b, q_xyz], axis=1)
    return {"ref": ref, "query": query, "radius": 1, "num_neighbors": 16}

def reference(ref, query, radius, num_neighbors):
    # Faithful math of RadiusGraph.forward: for each query point, find up to
    # num_neighbors reference points within `radius` in the SAME batch
    # (column 0 is the batch index; the voxel hash grid in the original is
    # purely an acceleration structure). Output is a fixed-size padded edge
    # list [2, M*K] with (ref_idx, query_idx) columns, -1 padding, sorted by
    # distance (sort_by_dist behavior).
    M = query.shape[0]
    K = 16
    # radius may arrive as python int/float -> broadcast per-query like the module
    radius_arr = jnp.zeros((M,), dtype=query.dtype) + radius
    b_ref = ref[:, 0]
    b_q = query[:, 0]
    p_ref = ref[:, 1:]
    p_q = query[:, 1:]
    # pairwise squared distances [M, N]
    d2 = jnp.sum((p_q[:, None, :] - p_ref[None, :, :]) ** 2, axis=-1)
    same_batch = jnp.abs(b_q[:, None] - b_ref[None, :]) < 0.5
    within = d2 <= (radius_arr[:, None] ** 2)
    valid = same_batch & within
    d2_masked = jnp.where(valid, d2, jnp.inf)
    neg_vals, idx = jax.lax.top_k(-d2_masked, K)  # nearest first
    valid_k = (neg_vals > -jnp.inf) & (jnp.arange(K, dtype=jnp.int32)[None, :] < num_neighbors)
    ref_idx = jnp.where(valid_k, idx, -1)
    q_idx = jnp.broadcast_to(jnp.arange(M, dtype=jnp.int32)[:, None], (M, K))
    q_idx = jnp.where(valid_k, q_idx, -1)
    edges = jnp.stack([ref_idx.reshape(-1), q_idx.reshape(-1)], axis=0).astype(jnp.int64)
    return edges

if __name__ == "__main__":
    import jax
    _d = setup_inputs()
    print(jax.jit(kernel)(*tuple(_d.values())))

</pallas_src>

<mosaic_0001>
#map = affine_map<(d0, d1) -> (0)>
module attributes {stable_mosaic.version = 14 : i64} {
  func.func @body(%arg0: i32, %arg1: i32, %arg2: memref<16384xf32, #tpu.memory_space<hbm>>, %arg3: memref<16384xf32, #tpu.memory_space<hbm>>, %arg4: memref<16384xf32, #tpu.memory_space<hbm>>, %arg5: memref<16384xf32, #tpu.memory_space<hbm>>, %arg6: memref<4096xf32, #tpu.memory_space<hbm>>, %arg7: memref<4096xf32, #tpu.memory_space<hbm>>, %arg8: memref<4096xf32, #tpu.memory_space<hbm>>, %arg9: memref<4096xf32, #tpu.memory_space<hbm>>, %arg10: memref<16xf32, #tpu.memory_space<hbm>>, %arg11: memref<16xi32, #tpu.memory_space<hbm>>, %arg12: memref<65536xi32, #tpu.memory_space<hbm>>, %arg13: memref<65536xi32, #tpu.memory_space<hbm>>, %arg14: memref<16384xf32, #tpu.memory_space<vmem>>, %arg15: memref<16384xf32, #tpu.memory_space<vmem>>, %arg16: memref<16384xf32, #tpu.memory_space<vmem>>, %arg17: memref<16384xf32, #tpu.memory_space<vmem>>, %arg18: memref<16384xi32, #tpu.memory_space<vmem>>, %arg19: memref<16384xi32, #tpu.memory_space<vmem>>, %arg20: memref<1664xi32, #tpu.memory_space<vmem>>, %arg21: memref<1664xi32, #tpu.memory_space<vmem>>, %arg22: memref<1664xi32, #tpu.memory_space<vmem>>, %arg23: memref<1664xi32, #tpu.memory_space<vmem>>, %arg24: memref<1664xi32, #tpu.memory_space<vmem>>, %arg25: memref<128xf32, #tpu.memory_space<vmem>>, %arg26: memref<128xf32, #tpu.memory_space<vmem>>, %arg27: memref<128xf32, #tpu.memory_space<vmem>>, %arg28: memref<128xf32, #tpu.memory_space<vmem>>, %arg29: memref<144xi32, #tpu.memory_space<vmem>>, %arg30: memref<144xi32, #tpu.memory_space<vmem>>, %arg31: memref<144xi32, #tpu.memory_space<vmem>>, %arg32: memref<144xi32, #tpu.memory_space<vmem>>, %arg33: memref<144xi32, #tpu.memory_space<vmem>>, %arg34: memref<144xi32, #tpu.memory_space<vmem>>, %arg35: memref<144xi32, #tpu.memory_space<vmem>>, %arg36: memref<2048xi32, #tpu.memory_space<vmem>>, %arg37: memref<2048xi32, #tpu.memory_space<vmem>>, %arg38: memref<16xf32, #tpu.memory_space<vmem>>, %arg39: memref<16xi32, #tpu.memory_space<vmem>>, %arg40: memref<16xi32, #tpu.memory_space<vmem>>, %arg41: memref<16xf32, #tpu.memory_space<vmem>>, %arg42: memref<16xi32, #tpu.memory_space<vmem>>) attributes {dimension_semantics = [#tpu.dimension_semantics<core_parallel>, #tpu.dimension_semantics<subcore_parallel>], iteration_bounds = array<i64: 2, 16>, scalar_prefetch = 0 : i64, scratch_operands = 29 : i64, tpu.core_type = #tpu.core_type<sc_vector_subcore>, window_params = [{transform_indices = #map}, {transform_indices = #map}, {transform_indices = #map}, {transform_indices = #map}, {transform_indices = #map}, {transform_indices = #map}, {transform_indices = #map}, {transform_indices = #map}, {transform_indices = #map}, {transform_indices = #map}, {transform_indices = #map}, {transform_indices = #map}]} {
    %mul3A = arith.constant 16 : i32
    %mul3A_0 = arith.muli %arg0, %mul3A : i32
    %add3A = arith.addi %mul3A_0, %arg1 : i32
    %iota3A = tpu.iota {dimensions = array<i32: 0>} : vector<16xi32>
    %broadcast_in_dim3A = arith.constant 0 : i32
    %broadcast_in_dim3A_1 = vector.broadcast %broadcast_in_dim3A : i32 to vector<16xi32>
    "tpu.region"() ({
      %run_scoped3A = tpu.sem_alloc : memref<!tpu.dma_semaphore, #tpu.memory_space<semaphore_mem>>
      tpu.enqueue_dma source(%arg2 : memref<16384xf32, #tpu.memory_space<hbm>>) target(%arg14 : memref<16384xf32, #tpu.memory_space<vmem>>) target_semaphore(%run_scoped3A : memref<!tpu.dma_semaphore, #tpu.memory_space<semaphore_mem>>)
      tpu.wait_dma2 semaphore(%run_scoped3A : memref<!tpu.dma_semaphore, #tpu.memory_space<semaphore_mem>>) src(%arg2 : memref<16384xf32, #tpu.memory_space<hbm>>) dst(%arg14 : memref<16384xf32, #tpu.memory_space<vmem>>)
      tpu.yield
    }) : () -> ()
    "tpu.region"() ({
      %run_scoped3A = tpu.sem_alloc : memref<!tpu.dma_semaphore, #tpu.memory_space<semaphore_mem>>
      tpu.enqueue_dma source(%arg3 : memref<16384xf32, #tpu.memory_space<hbm>>) target(%arg15 : memref<16384xf32, #tpu.memory_space<vmem>>) target_semaphore(%run_scoped3A : memref<!tpu.dma_semaphore, #tpu.memory_space<semaphore_mem>>)
      tpu.wait_dma2 semaphore(%run_scoped3A : memref<!tpu.dma_semaphore, #tpu.memory_space<semaphore_mem>>) src(%arg3 : memref<16384xf32, #tpu.memory_space<hbm>>) dst(%arg15 : memref<16384xf32, #tpu.memory_space<vmem>>)
      tpu.yield
    }) : () -> ()
    "tpu.region"() ({
      %run_scoped3A = tpu.sem_alloc : memref<!tpu.dma_semaphore, #tpu.memory_space<semaphore_mem>>
      tpu.enqueue_dma source(%arg4 : memref<16384xf32, #tpu.memory_space<hbm>>) target(%arg16 : memref<16384xf32, #tpu.memory_space<vmem>>) target_semaphore(%run_scoped3A : memref<!tpu.dma_semaphore, #tpu.memory_space<semaphore_mem>>)
      tpu.wait_dma2 semaphore(%run_scoped3A : memref<!tpu.dma_semaphore, #tpu.memory_space<semaphore_mem>>) src(%arg4 : memref<16384xf32, #tpu.memory_space<hbm>>) dst(%arg16 : memref<16384xf32, #tpu.memory_space<vmem>>)
      tpu.yield
    }) : () -> ()
    "tpu.region"() ({
      %run_scoped3A = tpu.sem_alloc : memref<!tpu.dma_semaphore, #tpu.memory_space<semaphore_mem>>
      tpu.enqueue_dma source(%arg5 : memref<16384xf32, #tpu.memory_space<hbm>>) target(%arg17 : memref<16384xf32, #tpu.memory_space<vmem>>) target_semaphore(%run_scoped3A : memref<!tpu.dma_semaphore, #tpu.memory_space<semaphore_mem>>)
      tpu.wait_dma2 semaphore(%run_scoped3A : memref<!tpu.dma_semaphore, #tpu.memory_space<semaphore_mem>>) src(%arg5 : memref<16384xf32, #tpu.memory_space<hbm>>) dst(%arg17 : memref<16384xf32, #tpu.memory_space<vmem>>)
      tpu.yield
    }) : () -> ()
    "tpu.region"() ({
      %run_scoped3A = tpu.sem_alloc : memref<!tpu.dma_semaphore, #tpu.memory_space<semaphore_mem>>
      tpu.enqueue_dma source(%arg10 : memref<16xf32, #tpu.memory_space<hbm>>) target(%arg41 : memref<16xf32, #tpu.memory_space<vmem>>) target_semaphore(%run_scoped3A : memref<!tpu.dma_semaphore, #tpu.memory_space<semaphore_mem>>)
      tpu.wait_dma2 semaphore(%run_scoped3A : memref<!tpu.dma_semaphore, #tpu.memory_space<semaphore_mem>>) src(%arg10 : memref<16xf32, #tpu.memory_space<hbm>>) dst(%arg41 : memref<16xf32, #tpu.memory_space<vmem>>)
      tpu.yield
    }) : () -> ()
    "tpu.region"() ({
      %run_scoped3A = tpu.sem_alloc : memref<!tpu.dma_semaphore, #tpu.memory_space<semaphore_mem>>
      tpu.enqueue_dma source(%arg11 : memref<16xi32, #tpu.memory_space<hbm>>) target(%arg42 : memref<16xi32, #tpu.memory_space<vmem>>) target_semaphore(%run_scoped3A : memref<!tpu.dma_semaphore, #tpu.memory_space<semaphore_mem>>)
      tpu.wait_dma2 semaphore(%run_scoped3A : memref<!tpu.dma_semaphore, #tpu.memory_space<semaphore_mem>>) src(%arg11 : memref<16xi32, #tpu.memory_space<hbm>>) dst(%arg42 : memref<16xi32, #tpu.memory_space<vmem>>)
      tpu.yield
    }) : () -> ()
    %get3A = arith.constant 0 : index
    %get3A_2 = tpu.vector_load %arg41[%get3A] {strides = array<i32>} : memref<16xf32, #tpu.memory_space<vmem>>, vector<16xf32>,
    %mul3A_3 = arith.mulf %get3A_2, %get3A_2 : vector<16xf32>
    %scan3A = arith.constant 0 : i32
    %scan3A_4 = arith.constant 0 : i32
    %scan3A_5 = arith.constant 104 : i32
    %scan3A_6 = arith.addi %scan3A_4, %scan3A_5 : i32
    %scan3A_7 = arith.constant 1 : i32
    %scan3A_8 = scf.for %scan3A_1133 = %scan3A_4 to %scan3A_6 step %scan3A_7 iter_args(%scan3A_1134 = %scan3A) -> (i32)  : i32 {
      %mul3A_1135 = arith.constant 16 : i32
      %mul3A_1136 = arith.muli %scan3A_1133, %mul3A_1135 : i32
      %add3A_1137 = vector.broadcast %mul3A_1136 : i32 to vector<16xi32>
      %add3A_1138 = arith.addi %add3A_1137, %iota3A : vector<16xi32>
      tpu.vector_store_idx %arg20[%add3A_1138], %broadcast_in_dim3A_1 : memref<1664xi32, #tpu.memory_space<vmem>>[vector<16xi32>], vector<16xi32>,
      %mul3A_1139 = arith.constant 16 : i32
      %mul3A_1140 = arith.muli %scan3A_1133, %mul3A_1139 : i32
      %add3A_1141 = vector.broadcast %mul3A_1140 : i32 to vector<16xi32>
      %add3A_1142 = arith.addi %add3A_1141, %iota3A : vector<16xi32>
      tpu.vector_store_idx %arg21[%add3A_1142], %broadcast_in_dim3A_1 : memref<1664xi32, #tpu.memory_space<vmem>>[vector<16xi32>], vector<16xi32>,
      %scan3A_1143 = arith.constant 0 : i32
      scf.yield %scan3A_1143 : i32
    }
    %scan3A_9 = arith.constant 104 : i32
    %parallel_loop3A = arith.constant 0 : i32
    %parallel_loop3A_10 = arith.constant 8192 : i32
    %parallel_loop3A_11 = arith.constant 16 : i32
    scf.for %parallel_loop3A_1133 = %parallel_loop3A to %parallel_loop3A_10 step %parallel_loop3A_11  : i32 {
      %parallel_loop3A_1134 = vector.broadcast %parallel_loop3A_1133 : i32 to vector<16xi32>
      %parallel_loop3A_1135 = arith.addi %parallel_loop3A_1134, %iota3A : vector<16xi32>
      %parallel_loop3A_1136 = tpu.vector_load_idx %arg14[%parallel_loop3A_1135] : memref<16384xf32, #tpu.memory_space<vmem>>[vector<16xi32>], vector<16xf32>,
      %parallel_loop3A_1137 = tpu.vector_load_idx %arg15[%parallel_loop3A_1135] : memref<16384xf32, #tpu.memory_space<vmem>>[vector<16xi32>], vector<16xf32>,
      %parallel_loop3A_1138 = tpu.vector_load_idx %arg16[%parallel_loop3A_1135] : memref<16384xf32, #tpu.memory_space<vmem>>[vector<16xi32>], vector<16xf32>,
      %parallel_loop3A_1139 = arith.constant 1.000000e+00 : f32
      %parallel_loop3A_1140 = vector.broadcast %parallel_loop3A_1139 : f32 to vector<16xf32>
      %parallel_loop3A_1141 = arith.mulf %parallel_loop3A_1137, %parallel_loop3A_1140 : vector<16xf32>
      %parallel_loop3A_1142 = arith.fptosi %parallel_loop3A_1141 : vector<16xf32> to vector<16xi32>
      %parallel_loop3A_1143 = arith.constant 0 : i32
      %parallel_loop3A_1144 = arith.constant 19 : i32
      %parallel_loop3A_1145 = vector.broadcast %parallel_loop3A_1143 : i32 to vector<16xi32>
      %parallel_loop3A_1146 = arith.maxsi %parallel_loop3A_1145, %parallel_loop3A_1142 : vector<16xi32>
      %parallel_loop3A_1147 = vector.broadcast %parallel_loop3A_1144 : i32 to vector<16xi32>
      %parallel_loop3A_1148 = arith.minsi %parallel_loop3A_1147, %parallel_loop3A_1146 : vector<16xi32>
      %parallel_loop3A_1149 = arith.constant 1.000000e+00 : f32
      %parallel_loop3A_1150 = vector.broadcast %parallel_loop3A_1149 : f32 to vector<16xf32>
      %parallel_loop3A_1151 = arith.mulf %parallel_loop3A_1138, %parallel_loop3A_1150 : vector<16xf32>
      %parallel_loop3A_1152 = arith.fptosi %parallel_loop3A_1151 : vector<16xf32> to vector<16xi32>
      %parallel_loop3A_1153 = arith.constant 0 : i32
      %parallel_loop3A_1154 = arith.constant 19 : i32
      %parallel_loop3A_1155 = vector.broadcast %parallel_loop3A_1153 : i32 to vector<16xi32>
      %parallel_loop3A_1156 = arith.maxsi %parallel_loop3A_1155, %parallel_loop3A_1152 : vector<16xi32>
      %parallel_loop3A_1157 = vector.broadcast %parallel_loop3A_1154 : i32 to vector<16xi32>
      %parallel_loop3A_1158 = arith.minsi %parallel_loop3A_1157, %parallel_loop3A_1156 : vector<16xi32>
      %parallel_loop3A_1159 = arith.fptosi %parallel_loop3A_1136 : vector<16xf32> to vector<16xi32>
      %parallel_loop3A_1160 = arith.constant 20 : i32
      %parallel_loop3A_1161 = vector.broadcast %parallel_loop3A_1160 : i32 to vector<16xi32>
      %parallel_loop3A_1162 = arith.muli %parallel_loop3A_1159, %parallel_loop3A_1161 : vector<16xi32>
      %parallel_loop3A_1163 = arith.addi %parallel_loop3A_1162, %parallel_loop3A_1148 : vector<16xi32>
      %parallel_loop3A_1164 = arith.constant 20 : i32
      %parallel_loop3A_1165 = vector.broadcast %parallel_loop3A_1164 : i32 to vector<16xi32>
      %parallel_loop3A_1166 = arith.muli %parallel_loop3A_1163, %parallel_loop3A_1165 : vector<16xi32>
      %parallel_loop3A_1167 = arith.addi %parallel_loop3A_1166, %parallel_loop3A_1158 : vector<16xi32>
      %parallel_loop3A_1168 = arith.constant true
      %parallel_loop3A_1169 = vector.broadcast %parallel_loop3A_1168 : i1 to vector<16xi1>
      %parallel_loop3A_1170, %parallel_loop3A_1171 = tpu.scan_count mask(%parallel_loop3A_1169 : vector<16xi1>) value(%parallel_loop3A_1167 : vector<16xi32>) : vector<16xi1>, vector<16xi32>
      tpu.vector_store_idx %arg20[%parallel_loop3A_1167], %parallel_loop3A_1171 masked %parallel_loop3A_1170 {add = true} : memref<1664xi32, #tpu.memory_space<vmem>>[vector<16xi32>], vector<16xi32>, vector<16xi1>
      %parallel_loop3A_1172 = arith.constant 16 : i32
      %parallel_loop3A_1173 = vector.broadcast %parallel_loop3A_1172 : i32 to vector<16xi32>
      %parallel_loop3A_1174 = arith.shli %parallel_loop3A_1171, %parallel_loop3A_1173 : vector<16xi32>
      %parallel_loop3A_1175 = arith.ori %parallel_loop3A_1167, %parallel_loop3A_1174 : vector<16xi32>
      %parallel_loop3A_1176 = arith.constant 2097152 : i32
      %parallel_loop3A_1177 = arith.constant 0 : i32
      %parallel_loop3A_1178 = vector.broadcast %parallel_loop3A_1176 : i32 to vector<16xi32>
      %parallel_loop3A_1179 = vector.broadcast %parallel_loop3A_1177 : i32 to vector<16xi32>
      %parallel_loop3A_1180 = arith.select %parallel_loop3A_1170, %parallel_loop3A_1178, %parallel_loop3A_1179 : vector<16xi1>, vector<16xi32>
      %parallel_loop3A_1181 = arith.ori %parallel_loop3A_1175, %parallel_loop3A_1180 : vector<16xi32>
      tpu.vector_store_idx %arg19[%parallel_loop3A_1135], %parallel_loop3A_1181 : memref<16384xi32, #tpu.memory_space<vmem>>[vector<16xi32>], vector<16xi32>,
    } {sc.loop_unroll_factor = 4 : i64, sc.parallel_access}
    %parallel_loop3A_12 = arith.constant 8192 : i32
    %parallel_loop3A_13 = arith.constant 16384 : i32
    %parallel_loop3A_14 = arith.constant 16 : i32
    scf.for %parallel_loop3A_1133 = %parallel_loop3A_12 to %parallel_loop3A_13 step %parallel_loop3A_14  : i32 {
      %parallel_loop3A_1134 = vector.broadcast %parallel_loop3A_1133 : i32 to vector<16xi32>
      %parallel_loop3A_1135 = arith.addi %parallel_loop3A_1134, %iota3A : vector<16xi32>
      %parallel_loop3A_1136 = tpu.vector_load_idx %arg14[%parallel_loop3A_1135] : memref<16384xf32, #tpu.memory_space<vmem>>[vector<16xi32>], vector<16xf32>,
      %parallel_loop3A_1137 = tpu.vector_load_idx %arg15[%parallel_loop3A_1135] : memref<16384xf32, #tpu.memory_space<vmem>>[vector<16xi32>], vector<16xf32>,
      %parallel_loop3A_1138 = tpu.vector_load_idx %arg16[%parallel_loop3A_1135] : memref<16384xf32, #tpu.memory_space<vmem>>[vector<16xi32>], vector<16xf32>,
      %parallel_loop3A_1139 = arith.constant 1.000000e+00 : f32
      %parallel_loop3A_1140 = vector.broadcast %parallel_loop3A_1139 : f32 to vector<16xf32>
      %parallel_loop3A_1141 = arith.mulf %parallel_loop3A_1137, %parallel_loop3A_1140 : vector<16xf32>
      %parallel_loop3A_1142 = arith.fptosi %parallel_loop3A_1141 : vector<16xf32> to vector<16xi32>
      %parallel_loop3A_1143 = arith.constant 0 : i32
      %parallel_loop3A_1144 = arith.constant 19 : i32
      %parallel_loop3A_1145 = vector.broadcast %parallel_loop3A_1143 : i32 to vector<16xi32>
      %parallel_loop3A_1146 = arith.maxsi %parallel_loop3A_1145, %parallel_loop3A_1142 : vector<16xi32>
      %parallel_loop3A_1147 = vector.broadcast %parallel_loop3A_1144 : i32 to vector<16xi32>
      %parallel_loop3A_1148 = arith.minsi %parallel_loop3A_1147, %parallel_loop3A_1146 : vector<16xi32>
      %parallel_loop3A_1149 = arith.constant 1.000000e+00 : f32
      %parallel_loop3A_1150 = vector.broadcast %parallel_loop3A_1149 : f32 to vector<16xf32>
      %parallel_loop3A_1151 = arith.mulf %parallel_loop3A_1138, %parallel_loop3A_1150 : vector<16xf32>
      %parallel_loop3A_1152 = arith.fptosi %parallel_loop3A_1151 : vector<16xf32> to vector<16xi32>
      %parallel_loop3A_1153 = arith.constant 0 : i32
      %parallel_loop3A_1154 = arith.constant 19 : i32
      %parallel_loop3A_1155 = vector.broadcast %parallel_loop3A_1153 : i32 to vector<16xi32>
      %parallel_loop3A_1156 = arith.maxsi %parallel_loop3A_1155, %parallel_loop3A_1152 : vector<16xi32>
      %parallel_loop3A_1157 = vector.broadcast %parallel_loop3A_1154 : i32 to vector<16xi32>
      %parallel_loop3A_1158 = arith.minsi %parallel_loop3A_1157, %parallel_loop3A_1156 : vector<16xi32>
      %parallel_loop3A_1159 = arith.fptosi %parallel_loop3A_1136 : vector<16xf32> to vector<16xi32>
      %parallel_loop3A_1160 = arith.constant 20 : i32
      %parallel_loop3A_1161 = vector.broadcast %parallel_loop3A_1160 : i32 to vector<16xi32>
      %parallel_loop3A_1162 = arith.muli %parallel_loop3A_1159, %parallel_loop3A_1161 : vector<16xi32>
      %parallel_loop3A_1163 = arith.addi %parallel_loop3A_1162, %parallel_loop3A_1148 : vector<16xi32>
      %parallel_loop3A_1164 = arith.constant 20 : i32
      %parallel_loop3A_1165 = vector.broadcast %parallel_loop3A_1164 : i32 to vector<16xi32>
      %parallel_loop3A_1166 = arith.muli %parallel_loop3A_1163, %parallel_loop3A_1165 : vector<16xi32>
      %parallel_loop3A_1167 = arith.addi %parallel_loop3A_1166, %parallel_loop3A_1158 : vector<16xi32>
      %parallel_loop3A_1168 = arith.constant true
      %parallel_loop3A_1169 = vector.broadcast %parallel_loop3A_1168 : i1 to vector<16xi1>
      %parallel_loop3A_1170, %parallel_loop3A_1171 = tpu.scan_count mask(%parallel_loop3A_1169 : vector<16xi1>) value(%parallel_loop3A_1167 : vector<16xi32>) : vector<16xi1>, vector<16xi32>
      tpu.vector_store_idx %arg21[%parallel_loop3A_1167], %parallel_loop3A_1171 masked %parallel_loop3A_1170 {add = true} : memref<1664xi32, #tpu.memory_space<vmem>>[vector<16xi32>], vector<16xi32>, vector<16xi1>
      %parallel_loop3A_1172 = arith.constant 16 : i32
      %parallel_loop3A_1173 = vector.broadcast %parallel_loop3A_1172 : i32 to vector<16xi32>
      %parallel_loop3A_1174 = arith.shli %parallel_loop3A_1171, %parallel_loop3A_1173 : vector<16xi32>
      %parallel_loop3A_1175 = arith.ori %parallel_loop3A_1167, %parallel_loop3A_1174 : vector<16xi32>
      %parallel_loop3A_1176 = arith.constant 2097152 : i32
      %parallel_loop3A_1177 = arith.constant 0 : i32
      %parallel_loop3A_1178 = vector.broadcast %parallel_loop3A_1176 : i32 to vector<16xi32>
      %parallel_loop3A_1179 = vector.broadcast %parallel_loop3A_1177 : i32 to vector<16xi32>
      %parallel_loop3A_1180 = arith.select %parallel_loop3A_1170, %parallel_loop3A_1178, %parallel_loop3A_1179 : vector<16xi1>, vector<16xi32>
      %parallel_loop3A_1181 = arith.ori %parallel_loop3A_1175, %parallel_loop3A_1180 : vector<16xi32>
      tpu.vector_store_idx %arg19[%parallel_loop3A_1135], %parallel_loop3A_1181 : memref<16384xi32, #tpu.memory_space<vmem>>[vector<16xi32>], vector<16xi32>,
    } {sc.loop_unroll_factor = 4 : i64, sc.parallel_access}
    %scan3A_15 = arith.constant 0 : i32
    %scan3A_16 = arith.constant 104 : i32
    %scan3A_17 = arith.addi %scan3A_15, %scan3A_16 : i32
    %scan3A_18 = arith.constant 1 : i32
    %scan3A_19 = scf.for %scan3A_1133 = %scan3A_15 to %scan3A_17 step %scan3A_18 iter_args(%scan3A_1134 = %broadcast_in_dim3A_1) -> (vector<16xi32>)  : i32 {
      %mul3A_1135 = arith.constant 16 : i32
      %mul3A_1136 = arith.muli %scan3A_1133, %mul3A_1135 : i32
      %add3A_1137 = vector.broadcast %mul3A_1136 : i32 to vector<16xi32>
      %add3A_1138 = arith.addi %add3A_1137, %iota3A : vector<16xi32>
      %gather3A_1139 = tpu.vector_load_idx %arg20[%add3A_1138] : memref<1664xi32, #tpu.memory_space<vmem>>[vector<16xi32>], vector<16xi32>,
      %gather3A_1140 = tpu.vector_load_idx %arg21[%add3A_1138] : memref<1664xi32, #tpu.memory_space<vmem>>[vector<16xi32>], vector<16xi32>,
      %add3A_1141 = arith.addi %gather3A_1139, %gather3A_1140 : vector<16xi32>
      %broadcast_in_dim3A_1142 = arith.constant true
      %broadcast_in_dim3A_1143 = vector.broadcast %broadcast_in_dim3A_1142 : i1 to vector<16xi1>
      %masked_cumsum3A = tpu.scan <sum>, %add3A_1141 masked %broadcast_in_dim3A_1143 : vector<16xi32>, vector<16xi1> -> vector<16xi32>
      %add3A_1144 = arith.addi %scan3A_1134, %masked_cumsum3A : vector<16xi32>
      %sub3A_1145 = arith.subi %add3A_1144, %add3A_1141 : vector<16xi32>
      tpu.vector_store_idx %arg22[%add3A_1138], %sub3A_1145 : memref<1664xi32, #tpu.memory_space<vmem>>[vector<16xi32>], vector<16xi32>,
      tpu.vector_store_idx %arg23[%add3A_1138], %sub3A_1145 : memref<1664xi32, #tpu.memory_space<vmem>>[vector<16xi32>], vector<16xi32>,
      %add3A_1146 = arith.addi %sub3A_1145, %gather3A_1139 : vector<16xi32>
      tpu.vector_store_idx %arg24[%add3A_1138], %add3A_1146 : memref<1664xi32, #tpu.memory_space<vmem>>[vector<16xi32>], vector<16xi32>,
      %swap3A = arith.constant 0 : index
      %swap3A_1147 = tpu.vector_load %arg40[%swap3A] {strides = array<i32>} : memref<16xi32, #tpu.memory_space<vmem>>, vector<16xi32>,
      tpu.vector_store %arg40[%swap3A], %masked_cumsum3A {strides = array<i32>} : memref<16xi32, #tpu.memory_space<vmem>>, vector<16xi32>,
      %broadcast_in_dim3A_1148 = arith.constant 15 : i32
      %broadcast_in_dim3A_1149 = vector.broadcast %broadcast_in_dim3A_1148 : i32 to vector<16xi32>
      %gather3A_1150 = tpu.vector_load_idx %arg40[%broadcast_in_dim3A_1149] : memref<16xi32, #tpu.memory_space<vmem>>[vector<16xi32>], vector<16xi32>,
      %add3A_1151 = arith.addi %scan3A_1134, %gather3A_1150 : vector<16xi32>
      scf.yield %add3A_1151 : vector<16xi32>
    }
    %scan3A_20 = arith.constant 104 : i32
    %scan3A_21 = arith.constant 0 : i32
    %scan3A_22 = arith.constant 0 : i32
    %scan3A_23 = arith.constant 512 : i32
    %scan3A_24 = arith.addi %scan3A_22, %scan3A_23 : i32
    %scan3A_25 = arith.constant 2 : i32
    %scan3A_26 = scf.for %scan3A_1133 = %scan3A_22 to %scan3A_24 step %scan3A_25 iter_args(%scan3A_1134 = %scan3A_21) -> (i32)  : i32 {
      %mul3A_1135 = arith.constant 16 : i32
      %mul3A_1136 = arith.muli %scan3A_1133, %mul3A_1135 : i32
      %add3A_1137 = vector.broadcast %mul3A_1136 : i32 to vector<16xi32>
      %add3A_1138 = arith.addi %add3A_1137, %iota3A : vector<16xi32>
      %gather3A_1139 = tpu.vector_load_idx %arg19[%add3A_1138] : memref<16384xi32, #tpu.memory_space<vmem>>[vector<16xi32>], vector<16xi32>,
      %and3A = arith.constant 65535 : i32
      %and3A_1140 = vector.broadcast %and3A : i32 to vector<16xi32>
      %and3A_1141 = arith.andi %gather3A_1139, %and3A_1140 : vector<16xi32>
      %shift_right_arithmetic3A = arith.constant 16 : i32
      %shift_right_arithmetic3A_1142 = vector.broadcast %shift_right_arithmetic3A : i32 to vector<16xi32>
      %shift_right_arithmetic3A_1143 = arith.shrsi %gather3A_1139, %shift_right_arithmetic3A_1142 : vector<16xi32>
      %and3A_1144 = arith.constant 31 : i32
      %and3A_1145 = vector.broadcast %and3A_1144 : i32 to vector<16xi32>
      %and3A_1146 = arith.andi %shift_right_arithmetic3A_1143, %and3A_1145 : vector<16xi32>
      %shift_right_arithmetic3A_1147 = arith.constant 21 : i32
      %shift_right_arithmetic3A_1148 = vector.broadcast %shift_right_arithmetic3A_1147 : i32 to vector<16xi32>
      %shift_right_arithmetic3A_1149 = arith.shrsi %gather3A_1139, %shift_right_arithmetic3A_1148 : vector<16xi32>
      %eq3A = arith.constant 1 : i32
      %eq3A_1150 = vector.broadcast %eq3A : i32 to vector<16xi32>
      %eq3A_1151 = arith.cmpi eq, %shift_right_arithmetic3A_1149, %eq3A_1150 : vector<16xi32>
      %gather3A_1152 = tpu.vector_load_idx %arg23[%and3A_1141] : memref<1664xi32, #tpu.memory_space<vmem>>[vector<16xi32>], vector<16xi32>,
      %add3A_1153 = arith.addi %gather3A_1152, %and3A_1146 : vector<16xi32>
      %sub3A_1154 = arith.constant 1 : i32
      %sub3A_1155 = vector.broadcast %sub3A_1154 : i32 to vector<16xi32>
      %sub3A_1156 = arith.subi %add3A_1153, %sub3A_1155 : vector<16xi32>
      %add3A_1157 = arith.constant 1 : i32
      %add3A_1158 = vector.broadcast %add3A_1157 : i32 to vector<16xi32>
      %add3A_1159 = arith.addi %sub3A_1156, %add3A_1158 : vector<16xi32>
      tpu.vector_store_idx %arg23[%and3A_1141], %add3A_1159 masked %eq3A_1151 : memref<1664xi32, #tpu.memory_space<vmem>>[vector<16xi32>], vector<16xi32>, vector<16xi1>
      tpu.vector_store_idx %arg18[%sub3A_1156], %add3A_1138 : memref<16384xi32, #tpu.memory_space<vmem>>[vector<16xi32>], vector<16xi32>,
      %mul3A_1160 = arith.constant 16 : i32
      %mul3A_1161 = arith.muli %scan3A_1133, %mul3A_1160 : i32
      %add3A_1162 = arith.constant 8192 : i32
      %add3A_1163 = arith.addi %add3A_1162, %mul3A_1161 : i32
      %add3A_1164 = vector.broadcast %add3A_1163 : i32 to vector<16xi32>
      %add3A_1165 = arith.addi %add3A_1164, %iota3A : vector<16xi32>
      %gather3A_1166 = tpu.vector_load_idx %arg19[%add3A_1165] : memref<16384xi32, #tpu.memory_space<vmem>>[vector<16xi32>], vector<16xi32>,
      %and3A_1167 = arith.constant 65535 : i32
      %and3A_1168 = vector.broadcast %and3A_1167 : i32 to vector<16xi32>
      %and3A_1169 = arith.andi %gather3A_1166, %and3A_1168 : vector<16xi32>
      %shift_right_arithmetic3A_1170 = arith.constant 16 : i32
      %shift_right_arithmetic3A_1171 = vector.broadcast %shift_right_arithmetic3A_1170 : i32 to vector<16xi32>
      %shift_right_arithmetic3A_1172 = arith.shrsi %gather3A_1166, %shift_right_arithmetic3A_1171 : vector<16xi32>
      %and3A_1173 = arith.constant 31 : i32
      %and3A_1174 = vector.broadcast %and3A_1173 : i32 to vector<16xi32>
      %and3A_1175 = arith.andi %shift_right_arithmetic3A_1172, %and3A_1174 : vector<16xi32>
      %shift_right_arithmetic3A_1176 = arith.constant 21 : i32
      %shift_right_arithmetic3A_1177 = vector.broadcast %shift_right_arithmetic3A_1176 : i32 to vector<16xi32>
      %shift_right_arithmetic3A_1178 = arith.shrsi %gather3A_1166, %shift_right_arithmetic3A_1177 : vector<16xi32>
      %eq3A_1179 = arith.constant 1 : i32
      %eq3A_1180 = vector.broadcast %eq3A_1179 : i32 to vector<16xi32>
      %eq3A_1181 = arith.cmpi eq, %shift_right_arithmetic3A_1178, %eq3A_1180 : vector<16xi32>
      %gather3A_1182 = tpu.vector_load_idx %arg24[%and3A_1169] : memref<1664xi32, #tpu.memory_space<vmem>>[vector<16xi32>], vector<16xi32>,
      %add3A_1183 = arith.addi %gather3A_1182, %and3A_1175 : vector<16xi32>
      %sub3A_1184 = arith.constant 1 : i32
      %sub3A_1185 = vector.broadcast %sub3A_1184 : i32 to vector<16xi32>
      %sub3A_1186 = arith.subi %add3A_1183, %sub3A_1185 : vector<16xi32>
      %add3A_1187 = arith.constant 1 : i32
      %add3A_1188 = vector.broadcast %add3A_1187 : i32 to vector<16xi32>
      %add3A_1189 = arith.addi %sub3A_1186, %add3A_1188 : vector<16xi32>
      tpu.vector_store_idx %arg24[%and3A_1169], %add3A_1189 masked %eq3A_1181 : memref<1664xi32, #tpu.memory_space<vmem>>[vector<16xi32>], vector<16xi32>, vector<16xi1>
      tpu.vector_store_idx %arg18[%sub3A_1186], %add3A_1165 : memref<16384xi32, #tpu.memory_space<vmem>>[vector<16xi32>], vector<16xi32>,
      %scan3A_1190 = arith.constant 0 : i32
      %scan3A_1191 = arith.constant 1 : i32
      %scan3A_1192 = arith.addi %scan3A_1133, %scan3A_1191 : i32
      %mul3A_1193 = arith.constant 16 : i32
      %mul3A_1194 = arith.muli %scan3A_1192, %mul3A_1193 : i32
      %add3A_1195 = vector.broadcast %mul3A_1194 : i32 to vector<16xi32>
      %add3A_1196 = arith.addi %add3A_1195, %iota3A : vector<16xi32>
      %gather3A_1197 = tpu.vector_load_idx %arg19[%add3A_1196] : memref<16384xi32, #tpu.memory_space<vmem>>[vector<16xi32>], vector<16xi32>,
      %and3A_1198 = arith.constant 65535 : i32
      %and3A_1199 = vector.broadcast %and3A_1198 : i32 to vector<16xi32>
      %and3A_1200 = arith.andi %gather3A_1197, %and3A_1199 : vector<16xi32>
      %shift_right_arithmetic3A_1201 = arith.constant 16 : i32
      %shift_right_arithmetic3A_1202 = vector.broadcast %shift_right_arithmetic3A_1201 : i32 to vector<16xi32>
      %shift_right_arithmetic3A_1203 = arith.shrsi %gather3A_1197, %shift_right_arithmetic3A_1202 : vector<16xi32>
      %and3A_1204 = arith.constant 31 : i32
      %and3A_1205 = vector.broadcast %and3A_1204 : i32 to vector<16xi32>
      %and3A_1206 = arith.andi %shift_right_arithmetic3A_1203, %and3A_1205 : vector<16xi32>
      %shift_right_arithmetic3A_1207 = arith.constant 21 : i32
      %shift_right_arithmetic3A_1208 = vector.broadcast %shift_right_arithmetic3A_1207 : i32 to vector<16xi32>
      %shift_right_arithmetic3A_1209 = arith.shrsi %gather3A_1197, %shift_right_arithmetic3A_1208 : vector<16xi32>
      %eq3A_1210 = arith.constant 1 : i32
      %eq3A_1211 = vector.broadcast %eq3A_1210 : i32 to vector<16xi32>
      %eq3A_1212 = arith.cmpi eq, %shift_right_arithmetic3A_1209, %eq3A_1211 : vector<16xi32>
      %gather3A_1213 = tpu.vector_load_idx %arg23[%and3A_1200] : memref<1664xi32, #tpu.memory_space<vmem>>[vector<16xi32>], vector<16xi32>,
      %add3A_1214 = arith.addi %gather3A_1213, %and3A_1206 : vector<16xi32>
      %sub3A_1215 = arith.constant 1 : i32
      %sub3A_1216 = vector.broadcast %sub3A_1215 : i32 to vector<16xi32>
      %sub3A_1217 = arith.subi %add3A_1214, %sub3A_1216 : vector<16xi32>
      %add3A_1218 = arith.constant 1 : i32
      %add3A_1219 = vector.broadcast %add3A_1218 : i32 to vector<16xi32>
      %add3A_1220 = arith.addi %sub3A_1217, %add3A_1219 : vector<16xi32>
      tpu.vector_store_idx %arg23[%and3A_1200], %add3A_1220 masked %eq3A_1212 : memref<1664xi32, #tpu.memory_space<vmem>>[vector<16xi32>], vector<16xi32>, vector<16xi1>
      tpu.vector_store_idx %arg18[%sub3A_1217], %add3A_1196 : memref<16384xi32, #tpu.memory_space<vmem>>[vector<16xi32>], vector<16xi32>,
      %mul3A_1221 = arith.constant 16 : i32
      %mul3A_1222 = arith.muli %scan3A_1192, %mul3A_1221 : i32
      %add3A_1223 = arith.constant 8192 : i32
      %add3A_1224 = arith.addi %add3A_1223, %mul3A_1222 : i32
      %add3A_1225 = vector.broadcast %add3A_1224 : i32 to vector<16xi32>
      %add3A_1226 = arith.addi %add3A_1225, %iota3A : vector<16xi32>
      %gather3A_1227 = tpu.vector_load_idx %arg19[%add3A_1226] : memref<16384xi32, #tpu.memory_space<vmem>>[vector<16xi32>], vector<16xi32>,
      %and3A_1228 = arith.constant 65535 : i32
      %and3A_1229 = vector.broadcast %and3A_1228 : i32 to vector<16xi32>
      %and3A_1230 = arith.andi %gather3A_1227, %and3A_1229 : vector<16xi32>
      %shift_right_arithmetic3A_1231 = arith.constant 16 : i32
      %shift_right_arithmetic3A_1232 = vector.broadcast %shift_right_arithmetic3A_1231 : i32 to vector<16xi32>
      %shift_right_arithmetic3A_1233 = arith.shrsi %gather3A_1227, %shift_right_arithmetic3A_1232 : vector<16xi32>
      %and3A_1234 = arith.constant 31 : i32
      %and3A_1235 = vector.broadcast %and3A_1234 : i32 to vector<16xi32>
      %and3A_1236 = arith.andi %shift_right_arithmetic3A_1233, %and3A_1235 : vector<16xi32>
      %shift_right_arithmetic3A_1237 = arith.constant 21 : i32
      %shift_right_arithmetic3A_1238 = vector.broadcast %shift_right_arithmetic3A_1237 : i32 to vector<16xi32>
      %shift_right_arithmetic3A_1239 = arith.shrsi %gather3A_1227, %shift_right_arithmetic3A_1238 : vector<16xi32>
      %eq3A_1240 = arith.constant 1 : i32
      %eq3A_1241 = vector.broadcast %eq3A_1240 : i32 to vector<16xi32>
      %eq3A_1242 = arith.cmpi eq, %shift_right_arithmetic3A_1239, %eq3A_1241 : vector<16xi32>
      %gather3A_1243 = tpu.vector_load_idx %arg24[%and3A_1230] : memref<1664xi32, #tpu.memory_space<vmem>>[vector<16xi32>], vector<16xi32>,
      %add3A_1244 = arith.addi %gather3A_1243, %and3A_1236 : vector<16xi32>
      %sub3A_1245 = arith.constant 1 : i32
      %sub3A_1246 = vector.broadcast %sub3A_1245 : i32 to vector<16xi32>
      %sub3A_1247 = arith.subi %add3A_1244, %sub3A_1246 : vector<16xi32>
      %add3A_1248 = arith.constant 1 : i32
      %add3A_1249 = vector.broadcast %add3A_1248 : i32 to vector<16xi32>
      %add3A_1250 = arith.addi %sub3A_1247, %add3A_1249 : vector<16xi32>
      tpu.vector_store_idx %arg24[%and3A_1230], %add3A_1250 masked %eq3A_1242 : memref<1664xi32, #tpu.memory_space<vmem>>[vector<16xi32>], vector<16xi32>, vector<16xi1>
      tpu.vector_store_idx %arg18[%sub3A_1247], %add3A_1226 : memref<16384xi32, #tpu.memory_space<vmem>>[vector<16xi32>], vector<16xi32>,
      %scan3A_1251 = arith.constant 0 : i32
      scf.yield %scan3A_1251 : i32
    }
    %scan3A_27 = arith.constant 512 : i32
    %mul3A_28 = arith.constant 128 : i32
    %mul3A_29 = arith.muli %add3A, %mul3A_28 : i32
    "tpu.region"() ({
      %run_scoped3A = tpu.sem_alloc : memref<!tpu.dma_semaphore, #tpu.memory_space<semaphore_mem>>
      %dma_start3A = tpu.memref_slice %arg6[%mul3A_29] : memref<4096xf32, #tpu.memory_space<hbm>> -> memref<128xf32, #tpu.memory_space<hbm>>
      %dma_start3A_1133 = tpu.memref_slice %arg6[%mul3A_29] : memref<4096xf32, #tpu.memory_space<hbm>> -> memref<128xf32, #tpu.memory_space<hbm>>
      tpu.enqueue_dma source(%dma_start3A_1133 : memref<128xf32, #tpu.memory_space<hbm>>) target(%arg25 : memref<128xf32, #tpu.memory_space<vmem>>) target_semaphore(%run_scoped3A : memref<!tpu.dma_semaphore, #tpu.memory_space<semaphore_mem>>)
      %dma_wait3A = tpu.memref_slice %arg6[%mul3A_29] : memref<4096xf32, #tpu.memory_space<hbm>> -> memref<128xf32, #tpu.memory_space<hbm>>
      %dma_wait3A_1134 = tpu.memref_slice %arg6[%mul3A_29] : memref<4096xf32, #tpu.memory_space<hbm>> -> memref<128xf32, #tpu.memory_space<hbm>>
      tpu.wait_dma2 semaphore(%run_scoped3A : memref<!tpu.dma_semaphore, #tpu.memory_space<semaphore_mem>>) src(%dma_wait3A_1134 : memref<128xf32, #tpu.memory_space<hbm>>) dst(%arg25 : memref<128xf32, #tpu.memory_space<vmem>>)
      tpu.yield
    }) : () -> ()
    "tpu.region"() ({
      %run_scoped3A = tpu.sem_alloc : memref<!tpu.dma_semaphore, #tpu.memory_space<semaphore_mem>>
      %dma_start3A = tpu.memref_slice %arg7[%mul3A_29] : memref<4096xf32, #tpu.memory_space<hbm>> -> memref<128xf32, #tpu.memory_space<hbm>>
      %dma_start3A_1133 = tpu.memref_slice %arg7[%mul3A_29] : memref<4096xf32, #tpu.memory_space<hbm>> -> memref<128xf32, #tpu.memory_space<hbm>>
      tpu.enqueue_dma source(%dma_start3A_1133 : memref<128xf32, #tpu.memory_space<hbm>>) target(%arg26 : memref<128xf32, #tpu.memory_space<vmem>>) target_semaphore(%run_scoped3A : memref<!tpu.dma_semaphore, #tpu.memory_space<semaphore_mem>>)
      %dma_wait3A = tpu.memref_slice %arg7[%mul3A_29] : memref<4096xf32, #tpu.memory_space<hbm>> -> memref<128xf32, #tpu.memory_space<hbm>>
      %dma_wait3A_1134 = tpu.memref_slice %arg7[%mul3A_29] : memref<4096xf32, #tpu.memory_space<hbm>> -> memref<128xf32, #tpu.memory_space<hbm>>
      tpu.wait_dma2 semaphore(%run_scoped3A : memref<!tpu.dma_semaphore, #tpu.memory_space<semaphore_mem>>) src(%dma_wait3A_1134 : memref<128xf32, #tpu.memory_space<hbm>>) dst(%arg26 : memref<128xf32, #tpu.memory_space<vmem>>)
      tpu.yield
    }) : () -> ()
    "tpu.region"() ({
      %run_scoped3A = tpu.sem_alloc : memref<!tpu.dma_semaphore, #tpu.memory_space<semaphore_mem>>
      %dma_start3A = tpu.memref_slice %arg8[%mul3A_29] : memref<4096xf32, #tpu.memory_space<hbm>> -> memref<128xf32, #tpu.memory_space<hbm>>
      %dma_start3A_1133 = tpu.memref_slice %arg8[%mul3A_29] : memref<4096xf32, #tpu.memory_space<hbm>> -> memref<128xf32, #tpu.memory_space<hbm>>
      tpu.enqueue_dma source(%dma_start3A_1133 : memref<128xf32, #tpu.memory_space<hbm>>) target(%arg27 : memref<128xf32, #tpu.memory_space<vmem>>) target_semaphore(%run_scoped3A : memref<!tpu.dma_semaphore, #tpu.memory_space<semaphore_mem>>)
      %dma_wait3A = tpu.memref_slice %arg8[%mul3A_29] : memref<4096xf32, #tpu.memory_space<hbm>> -> memref<128xf32, #tpu.memory_space<hbm>>
      %dma_wait3A_1134 = tpu.memref_slice %arg8[%mul3A_29] : memref<4096xf32, #tpu.memory_space<hbm>> -> memref<128xf32, #tpu.memory_space<hbm>>
      tpu.wait_dma2 semaphore(%run_scoped3A : memref<!tpu.dma_semaphore, #tpu.memory_space<semaphore_mem>>) src(%dma_wait3A_1134 : memref<128xf32, #tpu.memory_space<hbm>>) dst(%arg27 : memref<128xf32, #tpu.memory_space<vmem>>)
      tpu.yield
    }) : () -> ()
    "tpu.region"() ({
      %run_scoped3A = tpu.sem_alloc : memref<!tpu.dma_semaphore, #tpu.memory_space<semaphore_mem>>
      %dma_start3A = tpu.memref_slice %arg9[%mul3A_29] : memref<4096xf32, #tpu.memory_space<hbm>> -> memref<128xf32, #tpu.memory_space<hbm>>
      %dma_start3A_1133 = tpu.memref_slice %arg9[%mul3A_29] : memref<4096xf32, #tpu.memory_space<hbm>> -> memref<128xf32, #tpu.memory_space<hbm>>
      tpu.enqueue_dma source(%dma_start3A_1133 : memref<128xf32, #tpu.memory_space<hbm>>) target(%arg28 : memref<128xf32, #tpu.memory_space<vmem>>) target_semaphore(%run_scoped3A : memref<!tpu.dma_semaphore, #tpu.memory_space<semaphore_mem>>)
      %dma_wait3A = tpu.memref_slice %arg9[%mul3A_29] : memref<4096xf32, #tpu.memory_space<hbm>> -> memref<128xf32, #tpu.memory_space<hbm>>
      %dma_wait3A_1134 = tpu.memref_slice %arg9[%mul3A_29] : memref<4096xf32, #tpu.memory_space<hbm>> -> memref<128xf32, #tpu.memory_space<hbm>>
      tpu.wait_dma2 semaphore(%run_scoped3A : memref<!tpu.dma_semaphore, #tpu.memory_space<semaphore_mem>>) src(%dma_wait3A_1134 : memref<128xf32, #tpu.memory_space<hbm>>) dst(%arg28 : memref<128xf32, #tpu.memory_space<vmem>>)
      tpu.yield
    }) : () -> ()
    %add3A_30 = arith.constant 0 : i32
    %add3A_31 = vector.broadcast %add3A_30 : i32 to vector<16xi32>
    %add3A_32 = arith.addi %add3A_31, %iota3A : vector<16xi32>
    %gather3A = tpu.vector_load_idx %arg25[%add3A_32] : memref<128xf32, #tpu.memory_space<vmem>>[vector<16xi32>], vector<16xf32>,
    %gather3A_33 = tpu.vector_load_idx %arg26[%add3A_32] : memref<128xf32, #tpu.memory_space<vmem>>[vector<16xi32>], vector<16xf32>,
    %gather3A_34 = tpu.vector_load_idx %arg27[%add3A_32] : memref<128xf32, #tpu.memory_space<vmem>>[vector<16xi32>], vector<16xf32>,
    %sub3A = arith.subf %gather3A_33, %get3A_2 : vector<16xf32>
    %max3A = arith.constant 0.000000e+00 : f32
    %max3A_35 = vector.broadcast %max3A : f32 to vector<16xf32>
    %max3A_36 = arith.maximumf %sub3A, %max3A_35 : vector<16xf32>
    %mul3A_37 = arith.constant 1.000000e+00 : f32
    %mul3A_38 = vector.broadcast %mul3A_37 : f32 to vector<16xf32>
    %mul3A_39 = arith.mulf %max3A_36, %mul3A_38 : vector<16xf32>
    %convert_element_type3A = arith.fptosi %mul3A_39 : vector<16xf32> to vector<16xi32>
    %jit3A = arith.constant 0 : i32
    %jit3A_40 = arith.constant 19 : i32
    %max3A_41 = vector.broadcast %jit3A : i32 to vector<16xi32>
    %max3A_42 = arith.maxsi %max3A_41, %convert_element_type3A : vector<16xi32>
    %min3A = vector.broadcast %jit3A_40 : i32 to vector<16xi32>
    %min3A_43 = arith.minsi %min3A, %max3A_42 : vector<16xi32>
    %add3A_44 = arith.addf %gather3A_33, %get3A_2 : vector<16xf32>
    %max3A_45 = arith.constant 0.000000e+00 : f32
    %max3A_46 = vector.broadcast %max3A_45 : f32 to vector<16xf32>
    %max3A_47 = arith.maximumf %add3A_44, %max3A_46 : vector<16xf32>
    %mul3A_48 = arith.constant 1.000000e+00 : f32
    %mul3A_49 = vector.broadcast %mul3A_48 : f32 to vector<16xf32>
    %mul3A_50 = arith.mulf %max3A_47, %mul3A_49 : vector<16xf32>
    %convert_element_type3A_51 = arith.fptosi %mul3A_50 : vector<16xf32> to vector<16xi32>
    %jit3A_52 = arith.constant 0 : i32
    %jit3A_53 = arith.constant 19 : i32
    %max3A_54 = vector.broadcast %jit3A_52 : i32 to vector<16xi32>
    %max3A_55 = arith.maxsi %max3A_54, %convert_element_type3A_51 : vector<16xi32>
    %min3A_56 = vector.broadcast %jit3A_53 : i32 to vector<16xi32>
    %min3A_57 = arith.minsi %min3A_56, %max3A_55 : vector<16xi32>
    %sub3A_58 = arith.subf %gather3A_34, %get3A_2 : vector<16xf32>
    %max3A_59 = arith.constant 0.000000e+00 : f32
    %max3A_60 = vector.broadcast %max3A_59 : f32 to vector<16xf32>
    %max3A_61 = arith.maximumf %sub3A_58, %max3A_60 : vector<16xf32>
    %mul3A_62 = arith.constant 1.000000e+00 : f32
    %mul3A_63 = vector.broadcast %mul3A_62 : f32 to vector<16xf32>
    %mul3A_64 = arith.mulf %max3A_61, %mul3A_63 : vector<16xf32>
    %convert_element_type3A_65 = arith.fptosi %mul3A_64 : vector<16xf32> to vector<16xi32>
    %jit3A_66 = arith.constant 0 : i32
    %jit3A_67 = arith.constant 19 : i32
    %max3A_68 = vector.broadcast %jit3A_66 : i32 to vector<16xi32>
    %max3A_69 = arith.maxsi %max3A_68, %convert_element_type3A_65 : vector<16xi32>
    %min3A_70 = vector.broadcast %jit3A_67 : i32 to vector<16xi32>
    %min3A_71 = arith.minsi %min3A_70, %max3A_69 : vector<16xi32>
    %add3A_72 = arith.addf %gather3A_34, %get3A_2 : vector<16xf32>
    %max3A_73 = arith.constant 0.000000e+00 : f32
    %max3A_74 = vector.broadcast %max3A_73 : f32 to vector<16xf32>
    %max3A_75 = arith.maximumf %add3A_72, %max3A_74 : vector<16xf32>
    %mul3A_76 = arith.constant 1.000000e+00 : f32
    %mul3A_77 = vector.broadcast %mul3A_76 : f32 to vector<16xf32>
    %mul3A_78 = arith.mulf %max3A_75, %mul3A_77 : vector<16xf32>
    %convert_element_type3A_79 = arith.fptosi %mul3A_78 : vector<16xf32> to vector<16xi32>
    %jit3A_80 = arith.constant 0 : i32
    %jit3A_81 = arith.constant 19 : i32
    %max3A_82 = vector.broadcast %jit3A_80 : i32 to vector<16xi32>
    %max3A_83 = arith.maxsi %max3A_82, %convert_element_type3A_79 : vector<16xi32>
    %min3A_84 = vector.broadcast %jit3A_81 : i32 to vector<16xi32>
    %min3A_85 = arith.minsi %min3A_84, %max3A_83 : vector<16xi32>
    %convert_element_type3A_86 = arith.fptosi %gather3A : vector<16xf32> to vector<16xi32>
    %mul3A_87 = arith.constant 400 : i32
    %mul3A_88 = vector.broadcast %mul3A_87 : i32 to vector<16xi32>
    %mul3A_89 = arith.muli %convert_element_type3A_86, %mul3A_88 : vector<16xi32>
    %add3A_90 = arith.addi %mul3A_89, %min3A_71 : vector<16xi32>
    %sub3A_91 = arith.subi %min3A_85, %min3A_71 : vector<16xi32>
    %add3A_92 = arith.constant 1 : i32
    %add3A_93 = vector.broadcast %add3A_92 : i32 to vector<16xi32>
    %add3A_94 = arith.addi %sub3A_91, %add3A_93 : vector<16xi32>
    tpu.vector_store_idx %arg29[%add3A_32], %min3A_43 : memref<144xi32, #tpu.memory_space<vmem>>[vector<16xi32>], vector<16xi32>,
    tpu.vector_store_idx %arg30[%add3A_32], %min3A_57 : memref<144xi32, #tpu.memory_space<vmem>>[vector<16xi32>], vector<16xi32>,
    tpu.vector_store_idx %arg31[%add3A_32], %add3A_90 : memref<144xi32, #tpu.memory_space<vmem>>[vector<16xi32>], vector<16xi32>,
    tpu.vector_store_idx %arg32[%add3A_32], %add3A_94 : memref<144xi32, #tpu.memory_space<vmem>>[vector<16xi32>], vector<16xi32>,
    %add3A_95 = arith.constant 0 : i32
    %add3A_96 = vector.broadcast %add3A_95 : i32 to vector<16xi32>
    %add3A_97 = arith.addi %min3A_43, %add3A_96 : vector<16xi32>
    %le3A = arith.cmpi sle, %add3A_97, %min3A_57 : vector<16xi32>
    %add3A_98 = arith.constant 0 : i32
    %add3A_99 = vector.broadcast %add3A_98 : i32 to vector<16xi32>
    %add3A_100 = arith.addi %min3A_43, %add3A_99 : vector<16xi32>
    %min3A_101 = arith.minsi %add3A_100, %min3A_57 : vector<16xi32>
    %mul3A_102 = arith.constant 20 : i32
    %mul3A_103 = vector.broadcast %mul3A_102 : i32 to vector<16xi32>
    %mul3A_104 = arith.muli %min3A_101, %mul3A_103 : vector<16xi32>
    %add3A_105 = arith.addi %add3A_90, %mul3A_104 : vector<16xi32>
    %gather3A_106 = tpu.vector_load_idx %arg22[%add3A_105] : memref<1664xi32, #tpu.memory_space<vmem>>[vector<16xi32>], vector<16xi32>,
    %add3A_107 = arith.addi %add3A_105, %add3A_94 : vector<16xi32>
    %gather3A_108 = tpu.vector_load_idx %arg22[%add3A_107] : memref<1664xi32, #tpu.memory_space<vmem>>[vector<16xi32>], vector<16xi32>,
    %shift_left3A = arith.constant 16 : i32
    %shift_left3A_109 = vector.broadcast %shift_left3A : i32 to vector<16xi32>
    %shift_left3A_110 = arith.shli %gather3A_108, %shift_left3A_109 : vector<16xi32>
    %or3A = arith.ori %gather3A_106, %shift_left3A_110 : vector<16xi32>
    %jit3A_111 = arith.constant 0 : i32
    %broadcast_in_dim3A_112 = vector.broadcast %jit3A_111 : i32 to vector<16xi32>
    %select_n3A = arith.select %le3A, %or3A, %broadcast_in_dim3A_112 : vector<16xi1>, vector<16xi32>
    tpu.vector_store_idx %arg33[%add3A_32], %select_n3A : memref<144xi32, #tpu.memory_space<vmem>>[vector<16xi32>], vector<16xi32>,
    %add3A_113 = arith.constant 1 : i32
    %add3A_114 = vector.broadcast %add3A_113 : i32 to vector<16xi32>
    %add3A_115 = arith.addi %min3A_43, %add3A_114 : vector<16xi32>
    %le3A_116 = arith.cmpi sle, %add3A_115, %min3A_57 : vector<16xi32>
    %add3A_117 = arith.constant 1 : i32
    %add3A_118 = vector.broadcast %add3A_117 : i32 to vector<16xi32>
    %add3A_119 = arith.addi %min3A_43, %add3A_118 : vector<16xi32>
    %min3A_120 = arith.minsi %add3A_119, %min3A_57 : vector<16xi32>
    %mul3A_121 = arith.constant 20 : i32
    %mul3A_122 = vector.broadcast %mul3A_121 : i32 to vector<16xi32>
    %mul3A_123 = arith.muli %min3A_120, %mul3A_122 : vector<16xi32>
    %add3A_124 = arith.addi %add3A_90, %mul3A_123 : vector<16xi32>
    %gather3A_125 = tpu.vector_load_idx %arg22[%add3A_124] : memref<1664xi32, #tpu.memory_space<vmem>>[vector<16xi32>], vector<16xi32>,
    %add3A_126 = arith.addi %add3A_124, %add3A_94 : vector<16xi32>
    %gather3A_127 = tpu.vector_load_idx %arg22[%add3A_126] : memref<1664xi32, #tpu.memory_space<vmem>>[vector<16xi32>], vector<16xi32>,
    %shift_left3A_128 = arith.constant 16 : i32
    %shift_left3A_129 = vector.broadcast %shift_left3A_128 : i32 to vector<16xi32>
    %shift_left3A_130 = arith.shli %gather3A_127, %shift_left3A_129 : vector<16xi32>
    %or3A_131 = arith.ori %gather3A_125, %shift_left3A_130 : vector<16xi32>
    %jit3A_132 = arith.constant 0 : i32
    %broadcast_in_dim3A_133 = vector.broadcast %jit3A_132 : i32 to vector<16xi32>
    %select_n3A_134 = arith.select %le3A_116, %or3A_131, %broadcast_in_dim3A_133 : vector<16xi1>, vector<16xi32>
    tpu.vector_store_idx %arg34[%add3A_32], %select_n3A_134 : memref<144xi32, #tpu.memory_space<vmem>>[vector<16xi32>], vector<16xi32>,
    %add3A_135 = arith.constant 2 : i32
    %add3A_136 = vector.broadcast %add3A_135 : i32 to vector<16xi32>
    %add3A_137 = arith.addi %min3A_43, %add3A_136 : vector<16xi32>
    %le3A_138 = arith.cmpi sle, %add3A_137, %min3A_57 : vector<16xi32>
    %add3A_139 = arith.constant 2 : i32
    %add3A_140 = vector.broadcast %add3A_139 : i32 to vector<16xi32>
    %add3A_141 = arith.addi %min3A_43, %add3A_140 : vector<16xi32>
    %min3A_142 = arith.minsi %add3A_141, %min3A_57 : vector<16xi32>
    %mul3A_143 = arith.constant 20 : i32
    %mul3A_144 = vector.broadcast %mul3A_143 : i32 to vector<16xi32>
    %mul3A_145 = arith.muli %min3A_142, %mul3A_144 : vector<16xi32>
    %add3A_146 = arith.addi %add3A_90, %mul3A_145 : vector<16xi32>
    %gather3A_147 = tpu.vector_load_idx %arg22[%add3A_146] : memref<1664xi32, #tpu.memory_space<vmem>>[vector<16xi32>], vector<16xi32>,
    %add3A_148 = arith.addi %add3A_146, %add3A_94 : vector<16xi32>
    %gather3A_149 = tpu.vector_load_idx %arg22[%add3A_148] : memref<1664xi32, #tpu.memory_space<vmem>>[vector<16xi32>], vector<16xi32>,
    %shift_left3A_150 = arith.constant 16 : i32
    %shift_left3A_151 = vector.broadcast %shift_left3A_150 : i32 to vector<16xi32>
    %shift_left3A_152 = arith.shli %gather3A_149, %shift_left3A_151 : vector<16xi32>
    %or3A_153 = arith.ori %gather3A_147, %shift_left3A_152 : vector<16xi32>
    %jit3A_154 = arith.constant 0 : i32
    %broadcast_in_dim3A_155 = vector.broadcast %jit3A_154 : i32 to vector<16xi32>
    %select_n3A_156 = arith.select %le3A_138, %or3A_153, %broadcast_in_dim3A_155 : vector<16xi1>, vector<16xi32>
    tpu.vector_store_idx %arg35[%add3A_32], %select_n3A_156 : memref<144xi32, #tpu.memory_space<vmem>>[vector<16xi32>], vector<16xi32>,
    %add3A_157 = arith.constant 16 : i32
    %add3A_158 = vector.broadcast %add3A_157 : i32 to vector<16xi32>
    %add3A_159 = arith.addi %add3A_158, %iota3A : vector<16xi32>
    %gather3A_160 = tpu.vector_load_idx %arg25[%add3A_159] : memref<128xf32, #tpu.memory_space<vmem>>[vector<16xi32>], vector<16xf32>,
    %gather3A_161 = tpu.vector_load_idx %arg26[%add3A_159] : memref<128xf32, #tpu.memory_space<vmem>>[vector<16xi32>], vector<16xf32>,
    %gather3A_162 = tpu.vector_load_idx %arg27[%add3A_159] : memref<128xf32, #tpu.memory_space<vmem>>[vector<16xi32>], vector<16xf32>,
    %sub3A_163 = arith.subf %gather3A_161, %get3A_2 : vector<16xf32>
    %max3A_164 = arith.constant 0.000000e+00 : f32
    %max3A_165 = vector.broadcast %max3A_164 : f32 to vector<16xf32>
    %max3A_166 = arith.maximumf %sub3A_163, %max3A_165 : vector<16xf32>
    %mul3A_167 = arith.constant 1.000000e+00 : f32
    %mul3A_168 = vector.broadcast %mul3A_167 : f32 to vector<16xf32>
    %mul3A_169 = arith.mulf %max3A_166, %mul3A_168 : vector<16xf32>
    %convert_element_type3A_170 = arith.fptosi %mul3A_169 : vector<16xf32> to vector<16xi32>
    %jit3A_171 = arith.constant 0 : i32
    %jit3A_172 = arith.constant 19 : i32
    %max3A_173 = vector.broadcast %jit3A_171 : i32 to vector<16xi32>
    %max3A_174 = arith.maxsi %max3A_173, %convert_element_type3A_170 : vector<16xi32>
    %min3A_175 = vector.broadcast %jit3A_172 : i32 to vector<16xi32>
    %min3A_176 = arith.minsi %min3A_175, %max3A_174 : vector<16xi32>
    %add3A_177 = arith.addf %gather3A_161, %get3A_2 : vector<16xf32>
    %max3A_178 = arith.constant 0.000000e+00 : f32
    %max3A_179 = vector.broadcast %max3A_178 : f32 to vector<16xf32>
    %max3A_180 = arith.maximumf %add3A_177, %max3A_179 : vector<16xf32>
    %mul3A_181 = arith.constant 1.000000e+00 : f32
    %mul3A_182 = vector.broadcast %mul3A_181 : f32 to vector<16xf32>
    %mul3A_183 = arith.mulf %max3A_180, %mul3A_182 : vector<16xf32>
    %convert_element_type3A_184 = arith.fptosi %mul3A_183 : vector<16xf32> to vector<16xi32>
    %jit3A_185 = arith.constant 0 : i32
    %jit3A_186 = arith.constant 19 : i32
    %max3A_187 = vector.broadcast %jit3A_185 : i32 to vector<16xi32>
    %max3A_188 = arith.maxsi %max3A_187, %convert_element_type3A_184 : vector<16xi32>
    %min3A_189 = vector.broadcast %jit3A_186 : i32 to vector<16xi32>
    %min3A_190 = arith.minsi %min3A_189, %max3A_188 : vector<16xi32>
    %sub3A_191 = arith.subf %gather3A_162, %get3A_2 : vector<16xf32>
    %max3A_192 = arith.constant 0.000000e+00 : f32
    %max3A_193 = vector.broadcast %max3A_192 : f32 to vector<16xf32>
    %max3A_194 = arith.maximumf %sub3A_191, %max3A_193 : vector<16xf32>
    %mul3A_195 = arith.constant 1.000000e+00 : f32
    %mul3A_196 = vector.broadcast %mul3A_195 : f32 to vector<16xf32>
    %mul3A_197 = arith.mulf %max3A_194, %mul3A_196 : vector<16xf32>
    %convert_element_type3A_198 = arith.fptosi %mul3A_197 : vector<16xf32> to vector<16xi32>
    %jit3A_199 = arith.constant 0 : i32
    %jit3A_200 = arith.constant 19 : i32
    %max3A_201 = vector.broadcast %jit3A_199 : i32 to vector<16xi32>
    %max3A_202 = arith.maxsi %max3A_201, %convert_element_type3A_198 : vector<16xi32>
    %min3A_203 = vector.broadcast %jit3A_200 : i32 to vector<16xi32>
    %min3A_204 = arith.minsi %min3A_203, %max3A_202 : vector<16xi32>
    %add3A_205 = arith.addf %gather3A_162, %get3A_2 : vector<16xf32>
    %max3A_206 = arith.constant 0.000000e+00 : f32
    %max3A_207 = vector.broadcast %max3A_206 : f32 to vector<16xf32>
    %max3A_208 = arith.maximumf %add3A_205, %max3A_207 : vector<16xf32>
    %mul3A_209 = arith.constant 1.000000e+00 : f32
    %mul3A_210 = vector.broadcast %mul3A_209 : f32 to vector<16xf32>
    %mul3A_211 = arith.mulf %max3A_208, %mul3A_210 : vector<16xf32>
    %convert_element_type3A_212 = arith.fptosi %mul3A_211 : vector<16xf32> to vector<16xi32>
    %jit3A_213 = arith.constant 0 : i32
    %jit3A_214 = arith.constant 19 : i32
    %max3A_215 = vector.broadcast %jit3A_213 : i32 to vector<16xi32>
    %max3A_216 = arith.maxsi %max3A_215, %convert_element_type3A_212 : vector<16xi32>
    %min3A_217 = vector.broadcast %jit3A_214 : i32 to vector<16xi32>
    %min3A_218 = arith.minsi %min3A_217, %max3A_216 : vector<16xi32>
    %convert_element_type3A_219 = arith.fptosi %gather3A_160 : vector<16xf32> to vector<16xi32>
    %mul3A_220 = arith.constant 400 : i32
    %mul3A_221 = vector.broadcast %mul3A_220 : i32 to vector<16xi32>
    %mul3A_222 = arith.muli %convert_element_type3A_219, %mul3A_221 : vector<16xi32>
    %add3A_223 = arith.addi %mul3A_222, %min3A_204 : vector<16xi32>
    %sub3A_224 = arith.subi %min3A_218, %min3A_204 : vector<16xi32>
    %add3A_225 = arith.constant 1 : i32
    %add3A_226 = vector.broadcast %add3A_225 : i32 to vector<16xi32>
    %add3A_227 = arith.addi %sub3A_224, %add3A_226 : vector<16xi32>
    tpu.vector_store_idx %arg29[%add3A_159], %min3A_176 : memref<144xi32, #tpu.memory_space<vmem>>[vector<16xi32>], vector<16xi32>,
    tpu.vector_store_idx %arg30[%add3A_159], %min3A_190 : memref<144xi32, #tpu.memory_space<vmem>>[vector<16xi32>], vector<16xi32>,
    tpu.vector_store_idx %arg31[%add3A_159], %add3A_223 : memref<144xi32, #tpu.memory_space<vmem>>[vector<16xi32>], vector<16xi32>,
    tpu.vector_store_idx %arg32[%add3A_159], %add3A_227 : memref<144xi32, #tpu.memory_space<vmem>>[vector<16xi32>], vector<16xi32>,
    %add3A_228 = arith.constant 0 : i32
    %add3A_229 = vector.broadcast %add3A_228 : i32 to vector<16xi32>
    %add3A_230 = arith.addi %min3A_176, %add3A_229 : vector<16xi32>
    %le3A_231 = arith.cmpi sle, %add3A_230, %min3A_190 : vector<16xi32>
    %add3A_232 = arith.constant 0 : i32
    %add3A_233 = vector.broadcast %add3A_232 : i32 to vector<16xi32>
    %add3A_234 = arith.addi %min3A_176, %add3A_233 : vector<16xi32>
    %min3A_235 = arith.minsi %add3A_234, %min3A_190 : vector<16xi32>
    %mul3A_236 = arith.constant 20 : i32
    %mul3A_237 = vector.broadcast %mul3A_236 : i32 to vector<16xi32>
    %mul3A_238 = arith.muli %min3A_235, %mul3A_237 : vector<16xi32>
    %add3A_239 = arith.addi %add3A_223, %mul3A_238 : vector<16xi32>
    %gather3A_240 = tpu.vector_load_idx %arg22[%add3A_239] : memref<1664xi32, #tpu.memory_space<vmem>>[vector<16xi32>], vector<16xi32>,
    %add3A_241 = arith.addi %add3A_239, %add3A_227 : vector<16xi32>
    %gather3A_242 = tpu.vector_load_idx %arg22[%add3A_241] : memref<1664xi32, #tpu.memory_space<vmem>>[vector<16xi32>], vector<16xi32>,
    %shift_left3A_243 = arith.constant 16 : i32
    %shift_left3A_244 = vector.broadcast %shift_left3A_243 : i32 to vector<16xi32>
    %shift_left3A_245 = arith.shli %gather3A_242, %shift_left3A_244 : vector<16xi32>
    %or3A_246 = arith.ori %gather3A_240, %shift_left3A_245 : vector<16xi32>
    %jit3A_247 = arith.constant 0 : i32
    %broadcast_in_dim3A_248 = vector.broadcast %jit3A_247 : i32 to vector<16xi32>
    %select_n3A_249 = arith.select %le3A_231, %or3A_246, %broadcast_in_dim3A_248 : vector<16xi1>, vector<16xi32>
    tpu.vector_store_idx %arg33[%add3A_159], %select_n3A_249 : memref<144xi32, #tpu.memory_space<vmem>>[vector<16xi32>], vector<16xi32>,
    %add3A_250 = arith.constant 1 : i32
    %add3A_251 = vector.broadcast %add3A_250 : i32 to vector<16xi32>
    %add3A_252 = arith.addi %min3A_176, %add3A_251 : vector<16xi32>
    %le3A_253 = arith.cmpi sle, %add3A_252, %min3A_190 : vector<16xi32>
    %add3A_254 = arith.constant 1 : i32
    %add3A_255 = vector.broadcast %add3A_254 : i32 to vector<16xi32>
    %add3A_256 = arith.addi %min3A_176, %add3A_255 : vector<16xi32>
    %min3A_257 = arith.minsi %add3A_256, %min3A_190 : vector<16xi32>
    %mul3A_258 = arith.constant 20 : i32
    %mul3A_259 = vector.broadcast %mul3A_258 : i32 to vector<16xi32>
    %mul3A_260 = arith.muli %min3A_257, %mul3A_259 : vector<16xi32>
    %add3A_261 = arith.addi %add3A_223, %mul3A_260 : vector<16xi32>
    %gather3A_262 = tpu.vector_load_idx %arg22[%add3A_261] : memref<1664xi32, #tpu.memory_space<vmem>>[vector<16xi32>], vector<16xi32>,
    %add3A_263 = arith.addi %add3A_261, %add3A_227 : vector<16xi32>
    %gather3A_264 = tpu.vector_load_idx %arg22[%add3A_263] : memref<1664xi32, #tpu.memory_space<vmem>>[vector<16xi32>], vector<16xi32>,
    %shift_left3A_265 = arith.constant 16 : i32
    %shift_left3A_266 = vector.broadcast %shift_left3A_265 : i32 to vector<16xi32>
    %shift_left3A_267 = arith.shli %gather3A_264, %shift_left3A_266 : vector<16xi32>
    %or3A_268 = arith.ori %gather3A_262, %shift_left3A_267 : vector<16xi32>
    %jit3A_269 = arith.constant 0 : i32
    %broadcast_in_dim3A_270 = vector.broadcast %jit3A_269 : i32 to vector<16xi32>
    %select_n3A_271 = arith.select %le3A_253, %or3A_268, %broadcast_in_dim3A_270 : vector<16xi1>, vector<16xi32>
    tpu.vector_store_idx %arg34[%add3A_159], %select_n3A_271 : memref<144xi32, #tpu.memory_space<vmem>>[vector<16xi32>], vector<16xi32>,
    %add3A_272 = arith.constant 2 : i32
    %add3A_273 = vector.broadcast %add3A_272 : i32 to vector<16xi32>
    %add3A_274 = arith.addi %min3A_176, %add3A_273 : vector<16xi32>
    %le3A_275 = arith.cmpi sle, %add3A_274, %min3A_190 : vector<16xi32>
    %add3A_276 = arith.constant 2 : i32
    %add3A_277 = vector.broadcast %add3A_276 : i32 to vector<16xi32>
    %add3A_278 = arith.addi %min3A_176, %add3A_277 : vector<16xi32>
    %min3A_279 = arith.minsi %add3A_278, %min3A_190 : vector<16xi32>
    %mul3A_280 = arith.constant 20 : i32
    %mul3A_281 = vector.broadcast %mul3A_280 : i32 to vector<16xi32>
    %mul3A_282 = arith.muli %min3A_279, %mul3A_281 : vector<16xi32>
    %add3A_283 = arith.addi %add3A_223, %mul3A_282 : vector<16xi32>
    %gather3A_284 = tpu.vector_load_idx %arg22[%add3A_283] : memref<1664xi32, #tpu.memory_space<vmem>>[vector<16xi32>], vector<16xi32>,
    %add3A_285 = arith.addi %add3A_283, %add3A_227 : vector<16xi32>
    %gather3A_286 = tpu.vector_load_idx %arg22[%add3A_285] : memref<1664xi32, #tpu.memory_space<vmem>>[vector<16xi32>], vector<16xi32>,
    %shift_left3A_287 = arith.constant 16 : i32
    %shift_left3A_288 = vector.broadcast %shift_left3A_287 : i32 to vector<16xi32>
    %shift_left3A_289 = arith.shli %gather3A_286, %shift_left3A_288 : vector<16xi32>
    %or3A_290 = arith.ori %gather3A_284, %shift_left3A_289 : vector<16xi32>
    %jit3A_291 = arith.constant 0 : i32
    %broadcast_in_dim3A_292 = vector.broadcast %jit3A_291 : i32 to vector<16xi32>
    %select_n3A_293 = arith.select %le3A_275, %or3A_290, %broadcast_in_dim3A_292 : vector<16xi1>, vector<16xi32>
    tpu.vector_store_idx %arg35[%add3A_159], %select_n3A_293 : memref<144xi32, #tpu.memory_space<vmem>>[vector<16xi32>], vector<16xi32>,
    %add3A_294 = arith.constant 32 : i32
    %add3A_295 = vector.broadcast %add3A_294 : i32 to vector<16xi32>
    %add3A_296 = arith.addi %add3A_295, %iota3A : vector<16xi32>
    %gather3A_297 = tpu.vector_load_idx %arg25[%add3A_296] : memref<128xf32, #tpu.memory_space<vmem>>[vector<16xi32>], vector<16xf32>,
    %gather3A_298 = tpu.vector_load_idx %arg26[%add3A_296] : memref<128xf32, #tpu.memory_space<vmem>>[vector<16xi32>], vector<16xf32>,
    %gather3A_299 = tpu.vector_load_idx %arg27[%add3A_296] : memref<128xf32, #tpu.memory_space<vmem>>[vector<16xi32>], vector<16xf32>,
    %sub3A_300 = arith.subf %gather3A_298, %get3A_2 : vector<16xf32>
    %max3A_301 = arith.constant 0.000000e+00 : f32
    %max3A_302 = vector.broadcast %max3A_301 : f32 to vector<16xf32>
    %max3A_303 = arith.maximumf %sub3A_300, %max3A_302 : vector<16xf32>
    %mul3A_304 = arith.constant 1.000000e+00 : f32
    %mul3A_305 = vector.broadcast %mul3A_304 : f32 to vector<16xf32>
    %mul3A_306 = arith.mulf %max3A_303, %mul3A_305 : vector<16xf32>
    %convert_element_type3A_307 = arith.fptosi %mul3A_306 : vector<16xf32> to vector<16xi32>
    %jit3A_308 = arith.constant 0 : i32
    %jit3A_309 = arith.constant 19 : i32
    %max3A_310 = vector.broadcast %jit3A_308 : i32 to vector<16xi32>
    %max3A_311 = arith.maxsi %max3A_310, %convert_element_type3A_307 : vector<16xi32>
    %min3A_312 = vector.broadcast %jit3A_309 : i32 to vector<16xi32>
    %min3A_313 = arith.minsi %min3A_312, %max3A_311 : vector<16xi32>
    %add3A_314 = arith.addf %gather3A_298, %get3A_2 : vector<16xf32>
    %max3A_315 = arith.constant 0.000000e+00 : f32
    %max3A_316 = vector.broadcast %max3A_315 : f32 to vector<16xf32>
    %max3A_317 = arith.maximumf %add3A_314, %max3A_316 : vector<16xf32>
    %mul3A_318 = arith.constant 1.000000e+00 : f32
    %mul3A_319 = vector.broadcast %mul3A_318 : f32 to vector<16xf32>
    %mul3A_320 = arith.mulf %max3A_317, %mul3A_319 : vector<16xf32>
    %convert_element_type3A_321 = arith.fptosi %mul3A_320 : vector<16xf32> to vector<16xi32>
    %jit3A_322 = arith.constant 0 : i32
    %jit3A_323 = arith.constant 19 : i32
    %max3A_324 = vector.broadcast %jit3A_322 : i32 to vector<16xi32>
    %max3A_325 = arith.maxsi %max3A_324, %convert_element_type3A_321 : vector<16xi32>
    %min3A_326 = vector.broadcast %jit3A_323 : i32 to vector<16xi32>
    %min3A_327 = arith.minsi %min3A_326, %max3A_325 : vector<16xi32>
    %sub3A_328 = arith.subf %gather3A_299, %get3A_2 : vector<16xf32>
    %max3A_329 = arith.constant 0.000000e+00 : f32
    %max3A_330 = vector.broadcast %max3A_329 : f32 to vector<16xf32>
    %max3A_331 = arith.maximumf %sub3A_328, %max3A_330 : vector<16xf32>
    %mul3A_332 = arith.constant 1.000000e+00 : f32
    %mul3A_333 = vector.broadcast %mul3A_332 : f32 to vector<16xf32>
    %mul3A_334 = arith.mulf %max3A_331, %mul3A_333 : vector<16xf32>
    %convert_element_type3A_335 = arith.fptosi %mul3A_334 : vector<16xf32> to vector<16xi32>
    %jit3A_336 = arith.constant 0 : i32
    %jit3A_337 = arith.constant 19 : i32
    %max3A_338 = vector.broadcast %jit3A_336 : i32 to vector<16xi32>
    %max3A_339 = arith.maxsi %max3A_338, %convert_element_type3A_335 : vector<16xi32>
    %min3A_340 = vector.broadcast %jit3A_337 : i32 to vector<16xi32>
    %min3A_341 = arith.minsi %min3A_340, %max3A_339 : vector<16xi32>
    %add3A_342 = arith.addf %gather3A_299, %get3A_2 : vector<16xf32>
    %max3A_343 = arith.constant 0.000000e+00 : f32
    %max3A_344 = vector.broadcast %max3A_343 : f32 to vector<16xf32>
    %max3A_345 = arith.maximumf %add3A_342, %max3A_344 : vector<16xf32>
    %mul3A_346 = arith.constant 1.000000e+00 : f32
    %mul3A_347 = vector.broadcast %mul3A_346 : f32 to vector<16xf32>
    %mul3A_348 = arith.mulf %max3A_345, %mul3A_347 : vector<16xf32>
    %convert_element_type3A_349 = arith.fptosi %mul3A_348 : vector<16xf32> to vector<16xi32>
    %jit3A_350 = arith.constant 0 : i32
    %jit3A_351 = arith.constant 19 : i32
    %max3A_352 = vector.broadcast %jit3A_350 : i32 to vector<16xi32>
    %max3A_353 = arith.maxsi %max3A_352, %convert_element_type3A_349 : vector<16xi32>
    %min3A_354 = vector.broadcast %jit3A_351 : i32 to vector<16xi32>
    %min3A_355 = arith.minsi %min3A_354, %max3A_353 : vector<16xi32>
    %convert_element_type3A_356 = arith.fptosi %gather3A_297 : vector<16xf32> to vector<16xi32>
    %mul3A_357 = arith.constant 400 : i32
    %mul3A_358 = vector.broadcast %mul3A_357 : i32 to vector<16xi32>
    %mul3A_359 = arith.muli %convert_element_type3A_356, %mul3A_358 : vector<16xi32>
    %add3A_360 = arith.addi %mul3A_359, %min3A_341 : vector<16xi32>
    %sub3A_361 = arith.subi %min3A_355, %min3A_341 : vector<16xi32>
    %add3A_362 = arith.constant 1 : i32
    %add3A_363 = vector.broadcast %add3A_362 : i32 to vector<16xi32>
    %add3A_364 = arith.addi %sub3A_361, %add3A_363 : vector<16xi32>
    tpu.vector_store_idx %arg29[%add3A_296], %min3A_313 : memref<144xi32, #tpu.memory_space<vmem>>[vector<16xi32>], vector<16xi32>,
    tpu.vector_store_idx %arg30[%add3A_296], %min3A_327 : memref<144xi32, #tpu.memory_space<vmem>>[vector<16xi32>], vector<16xi32>,
    tpu.vector_store_idx %arg31[%add3A_296], %add3A_360 : memref<144xi32, #tpu.memory_space<vmem>>[vector<16xi32>], vector<16xi32>,
    tpu.vector_store_idx %arg32[%add3A_296], %add3A_364 : memref<144xi32, #tpu.memory_space<vmem>>[vector<16xi32>], vector<16xi32>,
    %add3A_365 = arith.constant 0 : i32
    %add3A_366 = vector.broadcast %add3A_365 : i32 to vector<16xi32>
    %add3A_367 = arith.addi %min3A_313, %add3A_366 : vector<16xi32>
    %le3A_368 = arith.cmpi sle, %add3A_367, %min3A_327 : vector<16xi32>
    %add3A_369 = arith.constant 0 : i32
    %add3A_370 = vector.broadcast %add3A_369 : i32 to vector<16xi32>
    %add3A_371 = arith.addi %min3A_313, %add3A_370 : vector<16xi32>
    %min3A_372 = arith.minsi %add3A_371, %min3A_327 : vector<16xi32>
    %mul3A_373 = arith.constant 20 : i32
    %mul3A_374 = vector.broadcast %mul3A_373 : i32 to vector<16xi32>
    %mul3A_375 = arith.muli %min3A_372, %mul3A_374 : vector<16xi32>
    %add3A_376 = arith.addi %add3A_360, %mul3A_375 : vector<16xi32>
    %gather3A_377 = tpu.vector_load_idx %arg22[%add3A_376] : memref<1664xi32, #tpu.memory_space<vmem>>[vector<16xi32>], vector<16xi32>,
    %add3A_378 = arith.addi %add3A_376, %add3A_364 : vector<16xi32>
    %gather3A_379 = tpu.vector_load_idx %arg22[%add3A_378] : memref<1664xi32, #tpu.memory_space<vmem>>[vector<16xi32>], vector<16xi32>,
    %shift_left3A_380 = arith.constant 16 : i32
    %shift_left3A_381 = vector.broadcast %shift_left3A_380 : i32 to vector<16xi32>
    %shift_left3A_382 = arith.shli %gather3A_379, %shift_left3A_381 : vector<16xi32>
    %or3A_383 = arith.ori %gather3A_377, %shift_left3A_382 : vector<16xi32>
    %jit3A_384 = arith.constant 0 : i32
    %broadcast_in_dim3A_385 = vector.broadcast %jit3A_384 : i32 to vector<16xi32>
    %select_n3A_386 = arith.select %le3A_368, %or3A_383, %broadcast_in_dim3A_385 : vector<16xi1>, vector<16xi32>
    tpu.vector_store_idx %arg33[%add3A_296], %select_n3A_386 : memref<144xi32, #tpu.memory_space<vmem>>[vector<16xi32>], vector<16xi32>,
    %add3A_387 = arith.constant 1 : i32
    %add3A_388 = vector.broadcast %add3A_387 : i32 to vector<16xi32>
    %add3A_389 = arith.addi %min3A_313, %add3A_388 : vector<16xi32>
    %le3A_390 = arith.cmpi sle, %add3A_389, %min3A_327 : vector<16xi32>
    %add3A_391 = arith.constant 1 : i32
    %add3A_392 = vector.broadcast %add3A_391 : i32 to vector<16xi32>
    %add3A_393 = arith.addi %min3A_313, %add3A_392 : vector<16xi32>
    %min3A_394 = arith.minsi %add3A_393, %min3A_327 : vector<16xi32>
    %mul3A_395 = arith.constant 20 : i32
    %mul3A_396 = vector.broadcast %mul3A_395 : i32 to vector<16xi32>
    %mul3A_397 = arith.muli %min3A_394, %mul3A_396 : vector<16xi32>
    %add3A_398 = arith.addi %add3A_360, %mul3A_397 : vector<16xi32>
    %gather3A_399 = tpu.vector_load_idx %arg22[%add3A_398] : memref<1664xi32, #tpu.memory_space<vmem>>[vector<16xi32>], vector<16xi32>,
    %add3A_400 = arith.addi %add3A_398, %add3A_364 : vector<16xi32>
    %gather3A_401 = tpu.vector_load_idx %arg22[%add3A_400] : memref<1664xi32, #tpu.memory_space<vmem>>[vector<16xi32>], vector<16xi32>,
    %shift_left3A_402 = arith.constant 16 : i32
    %shift_left3A_403 = vector.broadcast %shift_left3A_402 : i32 to vector<16xi32>
    %shift_left3A_404 = arith.shli %gather3A_401, %shift_left3A_403 : vector<16xi32>
    %or3A_405 = arith.ori %gather3A_399, %shift_left3A_404 : vector<16xi32>
    %jit3A_406 = arith.constant 0 : i32
    %broadcast_in_dim3A_407 = vector.broadcast %jit3A_406 : i32 to vector<16xi32>
    %select_n3A_408 = arith.select %le3A_390, %or3A_405, %broadcast_in_dim3A_407 : vector<16xi1>, vector<16xi32>
    tpu.vector_store_idx %arg34[%add3A_296], %select_n3A_408 : memref<144xi32, #tpu.memory_space<vmem>>[vector<16xi32>], vector<16xi32>,
    %add3A_409 = arith.constant 2 : i32
    %add3A_410 = vector.broadcast %add3A_409 : i32 to vector<16xi32>
    %add3A_411 = arith.addi %min3A_313, %add3A_410 : vector<16xi32>
    %le3A_412 = arith.cmpi sle, %add3A_411, %min3A_327 : vector<16xi32>
    %add3A_413 = arith.constant 2 : i32
    %add3A_414 = vector.broadcast %add3A_413 : i32 to vector<16xi32>
    %add3A_415 = arith.addi %min3A_313, %add3A_414 : vector<16xi32>
    %min3A_416 = arith.minsi %add3A_415, %min3A_327 : vector<16xi32>
    %mul3A_417 = arith.constant 20 : i32
    %mul3A_418 = vector.broadcast %mul3A_417 : i32 to vector<16xi32>
    %mul3A_419 = arith.muli %min3A_416, %mul3A_418 : vector<16xi32>
    %add3A_420 = arith.addi %add3A_360, %mul3A_419 : vector<16xi32>
    %gather3A_421 = tpu.vector_load_idx %arg22[%add3A_420] : memref<1664xi32, #tpu.memory_space<vmem>>[vector<16xi32>], vector<16xi32>,
    %add3A_422 = arith.addi %add3A_420, %add3A_364 : vector<16xi32>
    %gather3A_423 = tpu.vector_load_idx %arg22[%add3A_422] : memref<1664xi32, #tpu.memory_space<vmem>>[vector<16xi32>], vector<16xi32>,
    %shift_left3A_424 = arith.constant 16 : i32
    %shift_left3A_425 = vector.broadcast %shift_left3A_424 : i32 to vector<16xi32>
    %shift_left3A_426 = arith.shli %gather3A_423, %shift_left3A_425 : vector<16xi32>
    %or3A_427 = arith.ori %gather3A_421, %shift_left3A_426 : vector<16xi32>
    %jit3A_428 = arith.constant 0 : i32
    %broadcast_in_dim3A_429 = vector.broadcast %jit3A_428 : i32 to vector<16xi32>
    %select_n3A_430 = arith.select %le3A_412, %or3A_427, %broadcast_in_dim3A_429 : vector<16xi1>, vector<16xi32>
    tpu.vector_store_idx %arg35[%add3A_296], %select_n3A_430 : memref<144xi32, #tpu.memory_space<vmem>>[vector<16xi32>], vector<16xi32>,
    %add3A_431 = arith.constant 48 : i32
    %add3A_432 = vector.broadcast %add3A_431 : i32 to vector<16xi32>
    %add3A_433 = arith.addi %add3A_432, %iota3A : vector<16xi32>
    %gather3A_434 = tpu.vector_load_idx %arg25[%add3A_433] : memref<128xf32, #tpu.memory_space<vmem>>[vector<16xi32>], vector<16xf32>,
    %gather3A_435 = tpu.vector_load_idx %arg26[%add3A_433] : memref<128xf32, #tpu.memory_space<vmem>>[vector<16xi32>], vector<16xf32>,
    %gather3A_436 = tpu.vector_load_idx %arg27[%add3A_433] : memref<128xf32, #tpu.memory_space<vmem>>[vector<16xi32>], vector<16xf32>,
    %sub3A_437 = arith.subf %gather3A_435, %get3A_2 : vector<16xf32>
    %max3A_438 = arith.constant 0.000000e+00 : f32
    %max3A_439 = vector.broadcast %max3A_438 : f32 to vector<16xf32>
    %max3A_440 = arith.maximumf %sub3A_437, %max3A_439 : vector<16xf32>
    %mul3A_441 = arith.constant 1.000000e+00 : f32
    %mul3A_442 = vector.broadcast %mul3A_441 : f32 to vector<16xf32>
    %mul3A_443 = arith.mulf %max3A_440, %mul3A_442 : vector<16xf32>
    %convert_element_type3A_444 = arith.fptosi %mul3A_443 : vector<16xf32> to vector<16xi32>
    %jit3A_445 = arith.constant 0 : i32
    %jit3A_446 = arith.constant 19 : i32
    %max3A_447 = vector.broadcast %jit3A_445 : i32 to vector<16xi32>
    %max3A_448 = arith.maxsi %max3A_447, %convert_element_type3A_444 : vector<16xi32>
    %min3A_449 = vector.broadcast %jit3A_446 : i32 to vector<16xi32>
    %min3A_450 = arith.minsi %min3A_449, %max3A_448 : vector<16xi32>
    %add3A_451 = arith.addf %gather3A_435, %get3A_2 : vector<16xf32>
    %max3A_452 = arith.constant 0.000000e+00 : f32
    %max3A_453 = vector.broadcast %max3A_452 : f32 to vector<16xf32>
    %max3A_454 = arith.maximumf %add3A_451, %max3A_453 : vector<16xf32>
    %mul3A_455 = arith.constant 1.000000e+00 : f32
    %mul3A_456 = vector.broadcast %mul3A_455 : f32 to vector<16xf32>
    %mul3A_457 = arith.mulf %max3A_454, %mul3A_456 : vector<16xf32>
    %convert_element_type3A_458 = arith.fptosi %mul3A_457 : vector<16xf32> to vector<16xi32>
    %jit3A_459 = arith.constant 0 : i32
    %jit3A_460 = arith.constant 19 : i32
    %max3A_461 = vector.broadcast %jit3A_459 : i32 to vector<16xi32>
    %max3A_462 = arith.maxsi %max3A_461, %convert_element_type3A_458 : vector<16xi32>
    %min3A_463 = vector.broadcast %jit3A_460 : i32 to vector<16xi32>
    %min3A_464 = arith.minsi %min3A_463, %max3A_462 : vector<16xi32>
    %sub3A_465 = arith.subf %gather3A_436, %get3A_2 : vector<16xf32>
    %max3A_466 = arith.constant 0.000000e+00 : f32
    %max3A_467 = vector.broadcast %max3A_466 : f32 to vector<16xf32>
    %max3A_468 = arith.maximumf %sub3A_465, %max3A_467 : vector<16xf32>
    %mul3A_469 = arith.constant 1.000000e+00 : f32
    %mul3A_470 = vector.broadcast %mul3A_469 : f32 to vector<16xf32>
    %mul3A_471 = arith.mulf %max3A_468, %mul3A_470 : vector<16xf32>
    %convert_element_type3A_472 = arith.fptosi %mul3A_471 : vector<16xf32> to vector<16xi32>
    %jit3A_473 = arith.constant 0 : i32
    %jit3A_474 = arith.constant 19 : i32
    %max3A_475 = vector.broadcast %jit3A_473 : i32 to vector<16xi32>
    %max3A_476 = arith.maxsi %max3A_475, %convert_element_type3A_472 : vector<16xi32>
    %min3A_477 = vector.broadcast %jit3A_474 : i32 to vector<16xi32>
    %min3A_478 = arith.minsi %min3A_477, %max3A_476 : vector<16xi32>
    %add3A_479 = arith.addf %gather3A_436, %get3A_2 : vector<16xf32>
    %max3A_480 = arith.constant 0.000000e+00 : f32
    %max3A_481 = vector.broadcast %max3A_480 : f32 to vector<16xf32>
    %max3A_482 = arith.maximumf %add3A_479, %max3A_481 : vector<16xf32>
    %mul3A_483 = arith.constant 1.000000e+00 : f32
    %mul3A_484 = vector.broadcast %mul3A_483 : f32 to vector<16xf32>
    %mul3A_485 = arith.mulf %max3A_482, %mul3A_484 : vector<16xf32>
    %convert_element_type3A_486 = arith.fptosi %mul3A_485 : vector<16xf32> to vector<16xi32>
    %jit3A_487 = arith.constant 0 : i32
    %jit3A_488 = arith.constant 19 : i32
    %max3A_489 = vector.broadcast %jit3A_487 : i32 to vector<16xi32>
    %max3A_490 = arith.maxsi %max3A_489, %convert_element_type3A_486 : vector<16xi32>
    %min3A_491 = vector.broadcast %jit3A_488 : i32 to vector<16xi32>
    %min3A_492 = arith.minsi %min3A_491, %max3A_490 : vector<16xi32>
    %convert_element_type3A_493 = arith.fptosi %gather3A_434 : vector<16xf32> to vector<16xi32>
    %mul3A_494 = arith.constant 400 : i32
    %mul3A_495 = vector.broadcast %mul3A_494 : i32 to vector<16xi32>
    %mul3A_496 = arith.muli %convert_element_type3A_493, %mul3A_495 : vector<16xi32>
    %add3A_497 = arith.addi %mul3A_496, %min3A_478 : vector<16xi32>
    %sub3A_498 = arith.subi %min3A_492, %min3A_478 : vector<16xi32>
    %add3A_499 = arith.constant 1 : i32
    %add3A_500 = vector.broadcast %add3A_499 : i32 to vector<16xi32>
    %add3A_501 = arith.addi %sub3A_498, %add3A_500 : vector<16xi32>
    tpu.vector_store_idx %arg29[%add3A_433], %min3A_450 : memref<144xi32, #tpu.memory_space<vmem>>[vector<16xi32>], vector<16xi32>,
    tpu.vector_store_idx %arg30[%add3A_433], %min3A_464 : memref<144xi32, #tpu.memory_space<vmem>>[vector<16xi32>], vector<16xi32>,
    tpu.vector_store_idx %arg31[%add3A_433], %add3A_497 : memref<144xi32, #tpu.memory_space<vmem>>[vector<16xi32>], vector<16xi32>,
    tpu.vector_store_idx %arg32[%add3A_433], %add3A_501 : memref<144xi32, #tpu.memory_space<vmem>>[vector<16xi32>], vector<16xi32>,
    %add3A_502 = arith.constant 0 : i32
    %add3A_503 = vector.broadcast %add3A_502 : i32 to vector<16xi32>
    %add3A_504 = arith.addi %min3A_450, %add3A_503 : vector<16xi32>
    %le3A_505 = arith.cmpi sle, %add3A_504, %min3A_464 : vector<16xi32>
    %add3A_506 = arith.constant 0 : i32
    %add3A_507 = vector.broadcast %add3A_506 : i32 to vector<16xi32>
    %add3A_508 = arith.addi %min3A_450, %add3A_507 : vector<16xi32>
    %min3A_509 = arith.minsi %add3A_508, %min3A_464 : vector<16xi32>
    %mul3A_510 = arith.constant 20 : i32
    %mul3A_511 = vector.broadcast %mul3A_510 : i32 to vector<16xi32>
    %mul3A_512 = arith.muli %min3A_509, %mul3A_511 : vector<16xi32>
    %add3A_513 = arith.addi %add3A_497, %mul3A_512 : vector<16xi32>
    %gather3A_514 = tpu.vector_load_idx %arg22[%add3A_513] : memref<1664xi32, #tpu.memory_space<vmem>>[vector<16xi32>], vector<16xi32>,
    %add3A_515 = arith.addi %add3A_513, %add3A_501 : vector<16xi32>
    %gather3A_516 = tpu.vector_load_idx %arg22[%add3A_515] : memref<1664xi32, #tpu.memory_space<vmem>>[vector<16xi32>], vector<16xi32>,
    %shift_left3A_517 = arith.constant 16 : i32
    %shift_left3A_518 = vector.broadcast %shift_left3A_517 : i32 to vector<16xi32>
    %shift_left3A_519 = arith.shli %gather3A_516, %shift_left3A_518 : vector<16xi32>
    %or3A_520 = arith.ori %gather3A_514, %shift_left3A_519 : vector<16xi32>
    %jit3A_521 = arith.constant 0 : i32
    %broadcast_in_dim3A_522 = vector.broadcast %jit3A_521 : i32 to vector<16xi32>
    %select_n3A_523 = arith.select %le3A_505, %or3A_520, %broadcast_in_dim3A_522 : vector<16xi1>, vector<16xi32>
    tpu.vector_store_idx %arg33[%add3A_433], %select_n3A_523 : memref<144xi32, #tpu.memory_space<vmem>>[vector<16xi32>], vector<16xi32>,
    %add3A_524 = arith.constant 1 : i32
    %add3A_525 = vector.broadcast %add3A_524 : i32 to vector<16xi32>
    %add3A_526 = arith.addi %min3A_450, %add3A_525 : vector<16xi32>
    %le3A_527 = arith.cmpi sle, %add3A_526, %min3A_464 : vector<16xi32>
    %add3A_528 = arith.constant 1 : i32
    %add3A_529 = vector.broadcast %add3A_528 : i32 to vector<16xi32>
    %add3A_530 = arith.addi %min3A_450, %add3A_529 : vector<16xi32>
    %min3A_531 = arith.minsi %add3A_530, %min3A_464 : vector<16xi32>
    %mul3A_532 = arith.constant 20 : i32
    %mul3A_533 = vector.broadcast %mul3A_532 : i32 to vector<16xi32>
    %mul3A_534 = arith.muli %min3A_531, %mul3A_533 : vector<16xi32>
    %add3A_535 = arith.addi %add3A_497, %mul3A_534 : vector<16xi32>
    %gather3A_536 = tpu.vector_load_idx %arg22[%add3A_535] : memref<1664xi32, #tpu.memory_space<vmem>>[vector<16xi32>], vector<16xi32>,
    %add3A_537 = arith.addi %add3A_535, %add3A_501 : vector<16xi32>
    %gather3A_538 = tpu.vector_load_idx %arg22[%add3A_537] : memref<1664xi32, #tpu.memory_space<vmem>>[vector<16xi32>], vector<16xi32>,
    %shift_left3A_539 = arith.constant 16 : i32
    %shift_left3A_540 = vector.broadcast %shift_left3A_539 : i32 to vector<16xi32>
    %shift_left3A_541 = arith.shli %gather3A_538, %shift_left3A_540 : vector<16xi32>
    %or3A_542 = arith.ori %gather3A_536, %shift_left3A_541 : vector<16xi32>
    %jit3A_543 = arith.constant 0 : i32
    %broadcast_in_dim3A_544 = vector.broadcast %jit3A_543 : i32 to vector<16xi32>
    %select_n3A_545 = arith.select %le3A_527, %or3A_542, %broadcast_in_dim3A_544 : vector<16xi1>, vector<16xi32>
    tpu.vector_store_idx %arg34[%add3A_433], %select_n3A_545 : memref<144xi32, #tpu.memory_space<vmem>>[vector<16xi32>], vector<16xi32>,
    %add3A_546 = arith.constant 2 : i32
    %add3A_547 = vector.broadcast %add3A_546 : i32 to vector<16xi32>
    %add3A_548 = arith.addi %min3A_450, %add3A_547 : vector<16xi32>
    %le3A_549 = arith.cmpi sle, %add3A_548, %min3A_464 : vector<16xi32>
    %add3A_550 = arith.constant 2 : i32
    %add3A_551 = vector.broadcast %add3A_550 : i32 to vector<16xi32>
    %add3A_552 = arith.addi %min3A_450, %add3A_551 : vector<16xi32>
    %min3A_553 = arith.minsi %add3A_552, %min3A_464 : vector<16xi32>
    %mul3A_554 = arith.constant 20 : i32
    %mul3A_555 = vector.broadcast %mul3A_554 : i32 to vector<16xi32>
    %mul3A_556 = arith.muli %min3A_553, %mul3A_555 : vector<16xi32>
    %add3A_557 = arith.addi %add3A_497, %mul3A_556 : vector<16xi32>
    %gather3A_558 = tpu.vector_load_idx %arg22[%add3A_557] : memref<1664xi32, #tpu.memory_space<vmem>>[vector<16xi32>], vector<16xi32>,
    %add3A_559 = arith.addi %add3A_557, %add3A_501 : vector<16xi32>
    %gather3A_560 = tpu.vector_load_idx %arg22[%add3A_559] : memref<1664xi32, #tpu.memory_space<vmem>>[vector<16xi32>], vector<16xi32>,
    %shift_left3A_561 = arith.constant 16 : i32
    %shift_left3A_562 = vector.broadcast %shift_left3A_561 : i32 to vector<16xi32>
    %shift_left3A_563 = arith.shli %gather3A_560, %shift_left3A_562 : vector<16xi32>
    %or3A_564 = arith.ori %gather3A_558, %shift_left3A_563 : vector<16xi32>
    %jit3A_565 = arith.constant 0 : i32
    %broadcast_in_dim3A_566 = vector.broadcast %jit3A_565 : i32 to vector<16xi32>
    %select_n3A_567 = arith.select %le3A_549, %or3A_564, %broadcast_in_dim3A_566 : vector<16xi1>, vector<16xi32>
    tpu.vector_store_idx %arg35[%add3A_433], %select_n3A_567 : memref<144xi32, #tpu.memory_space<vmem>>[vector<16xi32>], vector<16xi32>,
    %add3A_568 = arith.constant 64 : i32
    %add3A_569 = vector.broadcast %add3A_568 : i32 to vector<16xi32>
    %add3A_570 = arith.addi %add3A_569, %iota3A : vector<16xi32>
    %gather3A_571 = tpu.vector_load_idx %arg25[%add3A_570] : memref<128xf32, #tpu.memory_space<vmem>>[vector<16xi32>], vector<16xf32>,
    %gather3A_572 = tpu.vector_load_idx %arg26[%add3A_570] : memref<128xf32, #tpu.memory_space<vmem>>[vector<16xi32>], vector<16xf32>,
    %gather3A_573 = tpu.vector_load_idx %arg27[%add3A_570] : memref<128xf32, #tpu.memory_space<vmem>>[vector<16xi32>], vector<16xf32>,
    %sub3A_574 = arith.subf %gather3A_572, %get3A_2 : vector<16xf32>
    %max3A_575 = arith.constant 0.000000e+00 : f32
    %max3A_576 = vector.broadcast %max3A_575 : f32 to vector<16xf32>
    %max3A_577 = arith.maximumf %sub3A_574, %max3A_576 : vector<16xf32>
    %mul3A_578 = arith.constant 1.000000e+00 : f32
    %mul3A_579 = vector.broadcast %mul3A_578 : f32 to vector<16xf32>
    %mul3A_580 = arith.mulf %max3A_577, %mul3A_579 : vector<16xf32>
    %convert_element_type3A_581 = arith.fptosi %mul3A_580 : vector<16xf32> to vector<16xi32>
    %jit3A_582 = arith.constant 0 : i32
    %jit3A_583 = arith.constant 19 : i32
    %max3A_584 = vector.broadcast %jit3A_582 : i32 to vector<16xi32>
    %max3A_585 = arith.maxsi %max3A_584, %convert_element_type3A_581 : vector<16xi32>
    %min3A_586 = vector.broadcast %jit3A_583 : i32 to vector<16xi32>
    %min3A_587 = arith.minsi %min3A_586, %max3A_585 : vector<16xi32>
    %add3A_588 = arith.addf %gather3A_572, %get3A_2 : vector<16xf32>
    %max3A_589 = arith.constant 0.000000e+00 : f32
    %max3A_590 = vector.broadcast %max3A_589 : f32 to vector<16xf32>
    %max3A_591 = arith.maximumf %add3A_588, %max3A_590 : vector<16xf32>
    %mul3A_592 = arith.constant 1.000000e+00 : f32
    %mul3A_593 = vector.broadcast %mul3A_592 : f32 to vector<16xf32>
    %mul3A_594 = arith.mulf %max3A_591, %mul3A_593 : vector<16xf32>
    %convert_element_type3A_595 = arith.fptosi %mul3A_594 : vector<16xf32> to vector<16xi32>
    %jit3A_596 = arith.constant 0 : i32
    %jit3A_597 = arith.constant 19 : i32
    %max3A_598 = vector.broadcast %jit3A_596 : i32 to vector<16xi32>
    %max3A_599 = arith.maxsi %max3A_598, %convert_element_type3A_595 : vector<16xi32>
    %min3A_600 = vector.broadcast %jit3A_597 : i32 to vector<16xi32>
    %min3A_601 = arith.minsi %min3A_600, %max3A_599 : vector<16xi32>
    %sub3A_602 = arith.subf %gather3A_573, %get3A_2 : vector<16xf32>
    %max3A_603 = arith.constant 0.000000e+00 : f32
    %max3A_604 = vector.broadcast %max3A_603 : f32 to vector<16xf32>
    %max3A_605 = arith.maximumf %sub3A_602, %max3A_604 : vector<16xf32>
    %mul3A_606 = arith.constant 1.000000e+00 : f32
    %mul3A_607 = vector.broadcast %mul3A_606 : f32 to vector<16xf32>
    %mul3A_608 = arith.mulf %max3A_605, %mul3A_607 : vector<16xf32>
    %convert_element_type3A_609 = arith.fptosi %mul3A_608 : vector<16xf32> to vector<16xi32>
    %jit3A_610 = arith.constant 0 : i32
    %jit3A_611 = arith.constant 19 : i32
    %max3A_612 = vector.broadcast %jit3A_610 : i32 to vector<16xi32>
    %max3A_613 = arith.maxsi %max3A_612, %convert_element_type3A_609 : vector<16xi32>
    %min3A_614 = vector.broadcast %jit3A_611 : i32 to vector<16xi32>
    %min3A_615 = arith.minsi %min3A_614, %max3A_613 : vector<16xi32>
    %add3A_616 = arith.addf %gather3A_573, %get3A_2 : vector<16xf32>
    %max3A_617 = arith.constant 0.000000e+00 : f32
    %max3A_618 = vector.broadcast %max3A_617 : f32 to vector<16xf32>
    %max3A_619 = arith.maximumf %add3A_616, %max3A_618 : vector<16xf32>
    %mul3A_620 = arith.constant 1.000000e+00 : f32
    %mul3A_621 = vector.broadcast %mul3A_620 : f32 to vector<16xf32>
    %mul3A_622 = arith.mulf %max3A_619, %mul3A_621 : vector<16xf32>
    %convert_element_type3A_623 = arith.fptosi %mul3A_622 : vector<16xf32> to vector<16xi32>
    %jit3A_624 = arith.constant 0 : i32
    %jit3A_625 = arith.constant 19 : i32
    %max3A_626 = vector.broadcast %jit3A_624 : i32 to vector<16xi32>
    %max3A_627 = arith.maxsi %max3A_626, %convert_element_type3A_623 : vector<16xi32>
    %min3A_628 = vector.broadcast %jit3A_625 : i32 to vector<16xi32>
    %min3A_629 = arith.minsi %min3A_628, %max3A_627 : vector<16xi32>
    %convert_element_type3A_630 = arith.fptosi %gather3A_571 : vector<16xf32> to vector<16xi32>
    %mul3A_631 = arith.constant 400 : i32
    %mul3A_632 = vector.broadcast %mul3A_631 : i32 to vector<16xi32>
    %mul3A_633 = arith.muli %convert_element_type3A_630, %mul3A_632 : vector<16xi32>
    %add3A_634 = arith.addi %mul3A_633, %min3A_615 : vector<16xi32>
    %sub3A_635 = arith.subi %min3A_629, %min3A_615 : vector<16xi32>
    %add3A_636 = arith.constant 1 : i32
    %add3A_637 = vector.broadcast %add3A_636 : i32 to vector<16xi32>
    %add3A_638 = arith.addi %sub3A_635, %add3A_637 : vector<16xi32>
    tpu.vector_store_idx %arg29[%add3A_570], %min3A_587 : memref<144xi32, #tpu.memory_space<vmem>>[vector<16xi32>], vector<16xi32>,
    tpu.vector_store_idx %arg30[%add3A_570], %min3A_601 : memref<144xi32, #tpu.memory_space<vmem>>[vector<16xi32>], vector<16xi32>,
    tpu.vector_store_idx %arg31[%add3A_570], %add3A_634 : memref<144xi32, #tpu.memory_space<vmem>>[vector<16xi32>], vector<16xi32>,
    tpu.vector_store_idx %arg32[%add3A_570], %add3A_638 : memref<144xi32, #tpu.memory_space<vmem>>[vector<16xi32>], vector<16xi32>,
    %add3A_639 = arith.constant 0 : i32
    %add3A_640 = vector.broadcast %add3A_639 : i32 to vector<16xi32>
    %add3A_641 = arith.addi %min3A_587, %add3A_640 : vector<16xi32>
    %le3A_642 = arith.cmpi sle, %add3A_641, %min3A_601 : vector<16xi32>
    %add3A_643 = arith.constant 0 : i32
    %add3A_644 = vector.broadcast %add3A_643 : i32 to vector<16xi32>
    %add3A_645 = arith.addi %min3A_587, %add3A_644 : vector<16xi32>
    %min3A_646 = arith.minsi %add3A_645, %min3A_601 : vector<16xi32>
    %mul3A_647 = arith.constant 20 : i32
    %mul3A_648 = vector.broadcast %mul3A_647 : i32 to vector<16xi32>
    %mul3A_649 = arith.muli %min3A_646, %mul3A_648 : vector<16xi32>
    %add3A_650 = arith.addi %add3A_634, %mul3A_649 : vector<16xi32>
    %gather3A_651 = tpu.vector_load_idx %arg22[%add3A_650] : memref<1664xi32, #tpu.memory_space<vmem>>[vector<16xi32>], vector<16xi32>,
    %add3A_652 = arith.addi %add3A_650, %add3A_638 : vector<16xi32>
    %gather3A_653 = tpu.vector_load_idx %arg22[%add3A_652] : memref<1664xi32, #tpu.memory_space<vmem>>[vector<16xi32>], vector<16xi32>,
    %shift_left3A_654 = arith.constant 16 : i32
    %shift_left3A_655 = vector.broadcast %shift_left3A_654 : i32 to vector<16xi32>
    %shift_left3A_656 = arith.shli %gather3A_653, %shift_left3A_655 : vector<16xi32>
    %or3A_657 = arith.ori %gather3A_651, %shift_left3A_656 : vector<16xi32>
    %jit3A_658 = arith.constant 0 : i32
    %broadcast_in_dim3A_659 = vector.broadcast %jit3A_658 : i32 to vector<16xi32>
    %select_n3A_660 = arith.select %le3A_642, %or3A_657, %broadcast_in_dim3A_659 : vector<16xi1>, vector<16xi32>
    tpu.vector_store_idx %arg33[%add3A_570], %select_n3A_660 : memref<144xi32, #tpu.memory_space<vmem>>[vector<16xi32>], vector<16xi32>,
    %add3A_661 = arith.constant 1 : i32
    %add3A_662 = vector.broadcast %add3A_661 : i32 to vector<16xi32>
    %add3A_663 = arith.addi %min3A_587, %add3A_662 : vector<16xi32>
    %le3A_664 = arith.cmpi sle, %add3A_663, %min3A_601 : vector<16xi32>
    %add3A_665 = arith.constant 1 : i32
    %add3A_666 = vector.broadcast %add3A_665 : i32 to vector<16xi32>
    %add3A_667 = arith.addi %min3A_587, %add3A_666 : vector<16xi32>
    %min3A_668 = arith.minsi %add3A_667, %min3A_601 : vector<16xi32>
    %mul3A_669 = arith.constant 20 : i32
    %mul3A_670 = vector.broadcast %mul3A_669 : i32 to vector<16xi32>
    %mul3A_671 = arith.muli %min3A_668, %mul3A_670 : vector<16xi32>
    %add3A_672 = arith.addi %add3A_634, %mul3A_671 : vector<16xi32>
    %gather3A_673 = tpu.vector_load_idx %arg22[%add3A_672] : memref<1664xi32, #tpu.memory_space<vmem>>[vector<16xi32>], vector<16xi32>,
    %add3A_674 = arith.addi %add3A_672, %add3A_638 : vector<16xi32>
    %gather3A_675 = tpu.vector_load_idx %arg22[%add3A_674] : memref<1664xi32, #tpu.memory_space<vmem>>[vector<16xi32>], vector<16xi32>,
    %shift_left3A_676 = arith.constant 16 : i32
    %shift_left3A_677 = vector.broadcast %shift_left3A_676 : i32 to vector<16xi32>
    %shift_left3A_678 = arith.shli %gather3A_675, %shift_left3A_677 : vector<16xi32>
    %or3A_679 = arith.ori %gather3A_673, %shift_left3A_678 : vector<16xi32>
    %jit3A_680 = arith.constant 0 : i32
    %broadcast_in_dim3A_681 = vector.broadcast %jit3A_680 : i32 to vector<16xi32>
    %select_n3A_682 = arith.select %le3A_664, %or3A_679, %broadcast_in_dim3A_681 : vector<16xi1>, vector<16xi32>
    tpu.vector_store_idx %arg34[%add3A_570], %select_n3A_682 : memref<144xi32, #tpu.memory_space<vmem>>[vector<16xi32>], vector<16xi32>,
    %add3A_683 = arith.constant 2 : i32
    %add3A_684 = vector.broadcast %add3A_683 : i32 to vector<16xi32>
    %add3A_685 = arith.addi %min3A_587, %add3A_684 : vector<16xi32>
    %le3A_686 = arith.cmpi sle, %add3A_685, %min3A_601 : vector<16xi32>
    %add3A_687 = arith.constant 2 : i32
    %add3A_688 = vector.broadcast %add3A_687 : i32 to vector<16xi32>
    %add3A_689 = arith.addi %min3A_587, %add3A_688 : vector<16xi32>
    %min3A_690 = arith.minsi %add3A_689, %min3A_601 : vector<16xi32>
    %mul3A_691 = arith.constant 20 : i32
    %mul3A_692 = vector.broadcast %mul3A_691 : i32 to vector<16xi32>
    %mul3A_693 = arith.muli %min3A_690, %mul3A_692 : vector<16xi32>
    %add3A_694 = arith.addi %add3A_634, %mul3A_693 : vector<16xi32>
    %gather3A_695 = tpu.vector_load_idx %arg22[%add3A_694] : memref<1664xi32, #tpu.memory_space<vmem>>[vector<16xi32>], vector<16xi32>,
    %add3A_696 = arith.addi %add3A_694, %add3A_638 : vector<16xi32>
    %gather3A_697 = tpu.vector_load_idx %arg22[%add3A_696] : memref<1664xi32, #tpu.memory_space<vmem>>[vector<16xi32>], vector<16xi32>,
    %shift_left3A_698 = arith.constant 16 : i32
    %shift_left3A_699 = vector.broadcast %shift_left3A_698 : i32 to vector<16xi32>
    %shift_left3A_700 = arith.shli %gather3A_697, %shift_left3A_699 : vector<16xi32>
    %or3A_701 = arith.ori %gather3A_695, %shift_left3A_700 : vector<16xi32>
    %jit3A_702 = arith.constant 0 : i32
    %broadcast_in_dim3A_703 = vector.broadcast %jit3A_702 : i32 to vector<16xi32>
    %select_n3A_704 = arith.select %le3A_686, %or3A_701, %broadcast_in_dim3A_703 : vector<16xi1>, vector<16xi32>
    tpu.vector_store_idx %arg35[%add3A_570], %select_n3A_704 : memref<144xi32, #tpu.memory_space<vmem>>[vector<16xi32>], vector<16xi32>,
    %add3A_705 = arith.constant 80 : i32
    %add3A_706 = vector.broadcast %add3A_705 : i32 to vector<16xi32>
    %add3A_707 = arith.addi %add3A_706, %iota3A : vector<16xi32>
    %gather3A_708 = tpu.vector_load_idx %arg25[%add3A_707] : memref<128xf32, #tpu.memory_space<vmem>>[vector<16xi32>], vector<16xf32>,
    %gather3A_709 = tpu.vector_load_idx %arg26[%add3A_707] : memref<128xf32, #tpu.memory_space<vmem>>[vector<16xi32>], vector<16xf32>,
    %gather3A_710 = tpu.vector_load_idx %arg27[%add3A_707] : memref<128xf32, #tpu.memory_space<vmem>>[vector<16xi32>], vector<16xf32>,
    %sub3A_711 = arith.subf %gather3A_709, %get3A_2 : vector<16xf32>
    %max3A_712 = arith.constant 0.000000e+00 : f32
    %max3A_713 = vector.broadcast %max3A_712 : f32 to vector<16xf32>
    %max3A_714 = arith.maximumf %sub3A_711, %max3A_713 : vector<16xf32>
    %mul3A_715 = arith.constant 1.000000e+00 : f32
    %mul3A_716 = vector.broadcast %mul3A_715 : f32 to vector<16xf32>
    %mul3A_717 = arith.mulf %max3A_714, %mul3A_716 : vector<16xf32>
    %convert_element_type3A_718 = arith.fptosi %mul3A_717 : vector<16xf32> to vector<16xi32>
    %jit3A_719 = arith.constant 0 : i32
    %jit3A_720 = arith.constant 19 : i32
    %max3A_721 = vector.broadcast %jit3A_719 : i32 to vector<16xi32>
    %max3A_722 = arith.maxsi %max3A_721, %convert_element_type3A_718 : vector<16xi32>
    %min3A_723 = vector.broadcast %jit3A_720 : i32 to vector<16xi32>
    %min3A_724 = arith.minsi %min3A_723, %max3A_722 : vector<16xi32>
    %add3A_725 = arith.addf %gather3A_709, %get3A_2 : vector<16xf32>
    %max3A_726 = arith.constant 0.000000e+00 : f32
    %max3A_727 = vector.broadcast %max3A_726 : f32 to vector<16xf32>
    %max3A_728 = arith.maximumf %add3A_725, %max3A_727 : vector<16xf32>
    %mul3A_729 = arith.constant 1.000000e+00 : f32
    %mul3A_730 = vector.broadcast %mul3A_729 : f32 to vector<16xf32>
    %mul3A_731 = arith.mulf %max3A_728, %mul3A_730 : vector<16xf32>
    %convert_element_type3A_732 = arith.fptosi %mul3A_731 : vector<16xf32> to vector<16xi32>
    %jit3A_733 = arith.constant 0 : i32
    %jit3A_734 = arith.constant 19 : i32
    %max3A_735 = vector.broadcast %jit3A_733 : i32 to vector<16xi32>
    %max3A_736 = arith.maxsi %max3A_735, %convert_element_type3A_732 : vector<16xi32>
    %min3A_737 = vector.broadcast %jit3A_734 : i32 to vector<16xi32>
    %min3A_738 = arith.minsi %min3A_737, %max3A_736 : vector<16xi32>
    %sub3A_739 = arith.subf %gather3A_710, %get3A_2 : vector<16xf32>
    %max3A_740 = arith.constant 0.000000e+00 : f32
    %max3A_741 = vector.broadcast %max3A_740 : f32 to vector<16xf32>
    %max3A_742 = arith.maximumf %sub3A_739, %max3A_741 : vector<16xf32>
    %mul3A_743 = arith.constant 1.000000e+00 : f32
    %mul3A_744 = vector.broadcast %mul3A_743 : f32 to vector<16xf32>
    %mul3A_745 = arith.mulf %max3A_742, %mul3A_744 : vector<16xf32>
    %convert_element_type3A_746 = arith.fptosi %mul3A_745 : vector<16xf32> to vector<16xi32>
    %jit3A_747 = arith.constant 0 : i32
    %jit3A_748 = arith.constant 19 : i32
    %max3A_749 = vector.broadcast %jit3A_747 : i32 to vector<16xi32>
    %max3A_750 = arith.maxsi %max3A_749, %convert_element_type3A_746 : vector<16xi32>
    %min3A_751 = vector.broadcast %jit3A_748 : i32 to vector<16xi32>
    %min3A_752 = arith.minsi %min3A_751, %max3A_750 : vector<16xi32>
    %add3A_753 = arith.addf %gather3A_710, %get3A_2 : vector<16xf32>
    %max3A_754 = arith.constant 0.000000e+00 : f32
    %max3A_755 = vector.broadcast %max3A_754 : f32 to vector<16xf32>
    %max3A_756 = arith.maximumf %add3A_753, %max3A_755 : vector<16xf32>
    %mul3A_757 = arith.constant 1.000000e+00 : f32
    %mul3A_758 = vector.broadcast %mul3A_757 : f32 to vector<16xf32>
    %mul3A_759 = arith.mulf %max3A_756, %mul3A_758 : vector<16xf32>
    %convert_element_type3A_760 = arith.fptosi %mul3A_759 : vector<16xf32> to vector<16xi32>
    %jit3A_761 = arith.constant 0 : i32
    %jit3A_762 = arith.constant 19 : i32
    %max3A_763 = vector.broadcast %jit3A_761 : i32 to vector<16xi32>
    %max3A_764 = arith.maxsi %max3A_763, %convert_element_type3A_760 : vector<16xi32>
    %min3A_765 = vector.broadcast %jit3A_762 : i32 to vector<16xi32>
    %min3A_766 = arith.minsi %min3A_765, %max3A_764 : vector<16xi32>
    %convert_element_type3A_767 = arith.fptosi %gather3A_708 : vector<16xf32> to vector<16xi32>
    %mul3A_768 = arith.constant 400 : i32
    %mul3A_769 = vector.broadcast %mul3A_768 : i32 to vector<16xi32>
    %mul3A_770 = arith.muli %convert_element_type3A_767, %mul3A_769 : vector<16xi32>
    %add3A_771 = arith.addi %mul3A_770, %min3A_752 : vector<16xi32>
    %sub3A_772 = arith.subi %min3A_766, %min3A_752 : vector<16xi32>
    %add3A_773 = arith.constant 1 : i32
    %add3A_774 = vector.broadcast %add3A_773 : i32 to vector<16xi32>
    %add3A_775 = arith.addi %sub3A_772, %add3A_774 : vector<16xi32>
    tpu.vector_store_idx %arg29[%add3A_707], %min3A_724 : memref<144xi32, #tpu.memory_space<vmem>>[vector<16xi32>], vector<16xi32>,
    tpu.vector_store_idx %arg30[%add3A_707], %min3A_738 : memref<144xi32, #tpu.memory_space<vmem>>[vector<16xi32>], vector<16xi32>,
    tpu.vector_store_idx %arg31[%add3A_707], %add3A_771 : memref<144xi32, #tpu.memory_space<vmem>>[vector<16xi32>], vector<16xi32>,
    tpu.vector_store_idx %arg32[%add3A_707], %add3A_775 : memref<144xi32, #tpu.memory_space<vmem>>[vector<16xi32>], vector<16xi32>,
    %add3A_776 = arith.constant 0 : i32
    %add3A_777 = vector.broadcast %add3A_776 : i32 to vector<16xi32>
    %add3A_778 = arith.addi %min3A_724, %add3A_777 : vector<16xi32>
    %le3A_779 = arith.cmpi sle, %add3A_778, %min3A_738 : vector<16xi32>
    %add3A_780 = arith.constant 0 : i32
    %add3A_781 = vector.broadcast %add3A_780 : i32 to vector<16xi32>
    %add3A_782 = arith.addi %min3A_724, %add3A_781 : vector<16xi32>
    %min3A_783 = arith.minsi %add3A_782, %min3A_738 : vector<16xi32>
    %mul3A_784 = arith.constant 20 : i32
    %mul3A_785 = vector.broadcast %mul3A_784 : i32 to vector<16xi32>
    %mul3A_786 = arith.muli %min3A_783, %mul3A_785 : vector<16xi32>
    %add3A_787 = arith.addi %add3A_771, %mul3A_786 : vector<16xi32>
    %gather3A_788 = tpu.vector_load_idx %arg22[%add3A_787] : memref<1664xi32, #tpu.memory_space<vmem>>[vector<16xi32>], vector<16xi32>,
    %add3A_789 = arith.addi %add3A_787, %add3A_775 : vector<16xi32>
    %gather3A_790 = tpu.vector_load_idx %arg22[%add3A_789] : memref<1664xi32, #tpu.memory_space<vmem>>[vector<16xi32>], vector<16xi32>,
    %shift_left3A_791 = arith.constant 16 : i32
    %shift_left3A_792 = vector.broadcast %shift_left3A_791 : i32 to vector<16xi32>
    %shift_left3A_793 = arith.shli %gather3A_790, %shift_left3A_792 : vector<16xi32>
    %or3A_794 = arith.ori %gather3A_788, %shift_left3A_793 : vector<16xi32>
    %jit3A_795 = arith.constant 0 : i32
    %broadcast_in_dim3A_796 = vector.broadcast %jit3A_795 : i32 to vector<16xi32>
    %select_n3A_797 = arith.select %le3A_779, %or3A_794, %broadcast_in_dim3A_796 : vector<16xi1>, vector<16xi32>
    tpu.vector_store_idx %arg33[%add3A_707], %select_n3A_797 : memref<144xi32, #tpu.memory_space<vmem>>[vector<16xi32>], vector<16xi32>,
    %add3A_798 = arith.constant 1 : i32
    %add3A_799 = vector.broadcast %add3A_798 : i32 to vector<16xi32>
    %add3A_800 = arith.addi %min3A_724, %add3A_799 : vector<16xi32>
    %le3A_801 = arith.cmpi sle, %add3A_800, %min3A_738 : vector<16xi32>
    %add3A_802 = arith.constant 1 : i32
    %add3A_803 = vector.broadcast %add3A_802 : i32 to vector<16xi32>
    %add3A_804 = arith.addi %min3A_724, %add3A_803 : vector<16xi32>
    %min3A_805 = arith.minsi %add3A_804, %min3A_738 : vector<16xi32>
    %mul3A_806 = arith.constant 20 : i32
    %mul3A_807 = vector.broadcast %mul3A_806 : i32 to vector<16xi32>
    %mul3A_808 = arith.muli %min3A_805, %mul3A_807 : vector<16xi32>
    %add3A_809 = arith.addi %add3A_771, %mul3A_808 : vector<16xi32>
    %gather3A_810 = tpu.vector_load_idx %arg22[%add3A_809] : memref<1664xi32, #tpu.memory_space<vmem>>[vector<16xi32>], vector<16xi32>,
    %add3A_811 = arith.addi %add3A_809, %add3A_775 : vector<16xi32>
    %gather3A_812 = tpu.vector_load_idx %arg22[%add3A_811] : memref<1664xi32, #tpu.memory_space<vmem>>[vector<16xi32>], vector<16xi32>,
    %shift_left3A_813 = arith.constant 16 : i32
    %shift_left3A_814 = vector.broadcast %shift_left3A_813 : i32 to vector<16xi32>
    %shift_left3A_815 = arith.shli %gather3A_812, %shift_left3A_814 : vector<16xi32>
    %or3A_816 = arith.ori %gather3A_810, %shift_left3A_815 : vector<16xi32>
    %jit3A_817 = arith.constant 0 : i32
    %broadcast_in_dim3A_818 = vector.broadcast %jit3A_817 : i32 to vector<16xi32>
    %select_n3A_819 = arith.select %le3A_801, %or3A_816, %broadcast_in_dim3A_818 : vector<16xi1>, vector<16xi32>
    tpu.vector_store_idx %arg34[%add3A_707], %select_n3A_819 : memref<144xi32, #tpu.memory_space<vmem>>[vector<16xi32>], vector<16xi32>,
    %add3A_820 = arith.constant 2 : i32
    %add3A_821 = vector.broadcast %add3A_820 : i32 to vector<16xi32>
    %add3A_822 = arith.addi %min3A_724, %add3A_821 : vector<16xi32>
    %le3A_823 = arith.cmpi sle, %add3A_822, %min3A_738 : vector<16xi32>
    %add3A_824 = arith.constant 2 : i32
    %add3A_825 = vector.broadcast %add3A_824 : i32 to vector<16xi32>
    %add3A_826 = arith.addi %min3A_724, %add3A_825 : vector<16xi32>
    %min3A_827 = arith.minsi %add3A_826, %min3A_738 : vector<16xi32>
    %mul3A_828 = arith.constant 20 : i32
    %mul3A_829 = vector.broadcast %mul3A_828 : i32 to vector<16xi32>
    %mul3A_830 = arith.muli %min3A_827, %mul3A_829 : vector<16xi32>
    %add3A_831 = arith.addi %add3A_771, %mul3A_830 : vector<16xi32>
    %gather3A_832 = tpu.vector_load_idx %arg22[%add3A_831] : memref<1664xi32, #tpu.memory_space<vmem>>[vector<16xi32>], vector<16xi32>,
    %add3A_833 = arith.addi %add3A_831, %add3A_775 : vector<16xi32>
    %gather3A_834 = tpu.vector_load_idx %arg22[%add3A_833] : memref<1664xi32, #tpu.memory_space<vmem>>[vector<16xi32>], vector<16xi32>,
    %shift_left3A_835 = arith.constant 16 : i32
    %shift_left3A_836 = vector.broadcast %shift_left3A_835 : i32 to vector<16xi32>
    %shift_left3A_837 = arith.shli %gather3A_834, %shift_left3A_836 : vector<16xi32>
    %or3A_838 = arith.ori %gather3A_832, %shift_left3A_837 : vector<16xi32>
    %jit3A_839 = arith.constant 0 : i32
    %broadcast_in_dim3A_840 = vector.broadcast %jit3A_839 : i32 to vector<16xi32>
    %select_n3A_841 = arith.select %le3A_823, %or3A_838, %broadcast_in_dim3A_840 : vector<16xi1>, vector<16xi32>
    tpu.vector_store_idx %arg35[%add3A_707], %select_n3A_841 : memref<144xi32, #tpu.memory_space<vmem>>[vector<16xi32>], vector<16xi32>,
    %add3A_842 = arith.constant 96 : i32
    %add3A_843 = vector.broadcast %add3A_842 : i32 to vector<16xi32>
    %add3A_844 = arith.addi %add3A_843, %iota3A : vector<16xi32>
    %gather3A_845 = tpu.vector_load_idx %arg25[%add3A_844] : memref<128xf32, #tpu.memory_space<vmem>>[vector<16xi32>], vector<16xf32>,
    %gather3A_846 = tpu.vector_load_idx %arg26[%add3A_844] : memref<128xf32, #tpu.memory_space<vmem>>[vector<16xi32>], vector<16xf32>,
    %gather3A_847 = tpu.vector_load_idx %arg27[%add3A_844] : memref<128xf32, #tpu.memory_space<vmem>>[vector<16xi32>], vector<16xf32>,
    %sub3A_848 = arith.subf %gather3A_846, %get3A_2 : vector<16xf32>
    %max3A_849 = arith.constant 0.000000e+00 : f32
    %max3A_850 = vector.broadcast %max3A_849 : f32 to vector<16xf32>
    %max3A_851 = arith.maximumf %sub3A_848, %max3A_850 : vector<16xf32>
    %mul3A_852 = arith.constant 1.000000e+00 : f32
    %mul3A_853 = vector.broadcast %mul3A_852 : f32 to vector<16xf32>
    %mul3A_854 = arith.mulf %max3A_851, %mul3A_853 : vector<16xf32>
    %convert_element_type3A_855 = arith.fptosi %mul3A_854 : vector<16xf32> to vector<16xi32>
    %jit3A_856 = arith.constant 0 : i32
    %jit3A_857 = arith.constant 19 : i32
    %max3A_858 = vector.broadcast %jit3A_856 : i32 to vector<16xi32>
    %max3A_859 = arith.maxsi %max3A_858, %convert_element_type3A_855 : vector<16xi32>
    %min3A_860 = vector.broadcast %jit3A_857 : i32 to vector<16xi32>
    %min3A_861 = arith.minsi %min3A_860, %max3A_859 : vector<16xi32>
    %add3A_862 = arith.addf %gather3A_846, %get3A_2 : vector<16xf32>
    %max3A_863 = arith.constant 0.000000e+00 : f32
    %max3A_864 = vector.broadcast %max3A_863 : f32 to vector<16xf32>
    %max3A_865 = arith.maximumf %add3A_862, %max3A_864 : vector<16xf32>
    %mul3A_866 = arith.constant 1.000000e+00 : f32
    %mul3A_867 = vector.broadcast %mul3A_866 : f32 to vector<16xf32>
    %mul3A_868 = arith.mulf %max3A_865, %mul3A_867 : vector<16xf32>
    %convert_element_type3A_869 = arith.fptosi %mul3A_868 : vector<16xf32> to vector<16xi32>
    %jit3A_870 = arith.constant 0 : i32
    %jit3A_871 = arith.constant 19 : i32
    %max3A_872 = vector.broadcast %jit3A_870 : i32 to vector<16xi32>
    %max3A_873 = arith.maxsi %max3A_872, %convert_element_type3A_869 : vector<16xi32>
    %min3A_874 = vector.broadcast %jit3A_871 : i32 to vector<16xi32>
    %min3A_875 = arith.minsi %min3A_874, %max3A_873 : vector<16xi32>
    %sub3A_876 = arith.subf %gather3A_847, %get3A_2 : vector<16xf32>
    %max3A_877 = arith.constant 0.000000e+00 : f32
    %max3A_878 = vector.broadcast %max3A_877 : f32 to vector<16xf32>
    %max3A_879 = arith.maximumf %sub3A_876, %max3A_878 : vector<16xf32>
    %mul3A_880 = arith.constant 1.000000e+00 : f32
    %mul3A_881 = vector.broadcast %mul3A_880 : f32 to vector<16xf32>
    %mul3A_882 = arith.mulf %max3A_879, %mul3A_881 : vector<16xf32>
    %convert_element_type3A_883 = arith.fptosi %mul3A_882 : vector<16xf32> to vector<16xi32>
    %jit3A_884 = arith.constant 0 : i32
    %jit3A_885 = arith.constant 19 : i32
    %max3A_886 = vector.broadcast %jit3A_884 : i32 to vector<16xi32>
    %max3A_887 = arith.maxsi %max3A_886, %convert_element_type3A_883 : vector<16xi32>
    %min3A_888 = vector.broadcast %jit3A_885 : i32 to vector<16xi32>
    %min3A_889 = arith.minsi %min3A_888, %max3A_887 : vector<16xi32>
    %add3A_890 = arith.addf %gather3A_847, %get3A_2 : vector<16xf32>
    %max3A_891 = arith.constant 0.000000e+00 : f32
    %max3A_892 = vector.broadcast %max3A_891 : f32 to vector<16xf32>
    %max3A_893 = arith.maximumf %add3A_890, %max3A_892 : vector<16xf32>
    %mul3A_894 = arith.constant 1.000000e+00 : f32
    %mul3A_895 = vector.broadcast %mul3A_894 : f32 to vector<16xf32>
    %mul3A_896 = arith.mulf %max3A_893, %mul3A_895 : vector<16xf32>
    %convert_element_type3A_897 = arith.fptosi %mul3A_896 : vector<16xf32> to vector<16xi32>
    %jit3A_898 = arith.constant 0 : i32
    %jit3A_899 = arith.constant 19 : i32
    %max3A_900 = vector.broadcast %jit3A_898 : i32 to vector<16xi32>
    %max3A_901 = arith.maxsi %max3A_900, %convert_element_type3A_897 : vector<16xi32>
    %min3A_902 = vector.broadcast %jit3A_899 : i32 to vector<16xi32>
    %min3A_903 = arith.minsi %min3A_902, %max3A_901 : vector<16xi32>
    %convert_element_type3A_904 = arith.fptosi %gather3A_845 : vector<16xf32> to vector<16xi32>
    %mul3A_905 = arith.constant 400 : i32
    %mul3A_906 = vector.broadcast %mul3A_905 : i32 to vector<16xi32>
    %mul3A_907 = arith.muli %convert_element_type3A_904, %mul3A_906 : vector<16xi32>
    %add3A_908 = arith.addi %mul3A_907, %min3A_889 : vector<16xi32>
    %sub3A_909 = arith.subi %min3A_903, %min3A_889 : vector<16xi32>
    %add3A_910 = arith.constant 1 : i32
    %add3A_911 = vector.broadcast %add3A_910 : i32 to vector<16xi32>
    %add3A_912 = arith.addi %sub3A_909, %add3A_911 : vector<16xi32>
    tpu.vector_store_idx %arg29[%add3A_844], %min3A_861 : memref<144xi32, #tpu.memory_space<vmem>>[vector<16xi32>], vector<16xi32>,
    tpu.vector_store_idx %arg30[%add3A_844], %min3A_875 : memref<144xi32, #tpu.memory_space<vmem>>[vector<16xi32>], vector<16xi32>,
    tpu.vector_store_idx %arg31[%add3A_844], %add3A_908 : memref<144xi32, #tpu.memory_space<vmem>>[vector<16xi32>], vector<16xi32>,
    tpu.vector_store_idx %arg32[%add3A_844], %add3A_912 : memref<144xi32, #tpu.memory_space<vmem>>[vector<16xi32>], vector<16xi32>,
    %add3A_913 = arith.constant 0 : i32
    %add3A_914 = vector.broadcast %add3A_913 : i32 to vector<16xi32>
    %add3A_915 = arith.addi %min3A_861, %add3A_914 : vector<16xi32>
    %le3A_916 = arith.cmpi sle, %add3A_915, %min3A_875 : vector<16xi32>
    %add3A_917 = arith.constant 0 : i32
    %add3A_918 = vector.broadcast %add3A_917 : i32 to vector<16xi32>
    %add3A_919 = arith.addi %min3A_861, %add3A_918 : vector<16xi32>
    %min3A_920 = arith.minsi %add3A_919, %min3A_875 : vector<16xi32>
    %mul3A_921 = arith.constant 20 : i32
    %mul3A_922 = vector.broadcast %mul3A_921 : i32 to vector<16xi32>
    %mul3A_923 = arith.muli %min3A_920, %mul3A_922 : vector<16xi32>
    %add3A_924 = arith.addi %add3A_908, %mul3A_923 : vector<16xi32>
    %gather3A_925 = tpu.vector_load_idx %arg22[%add3A_924] : memref<1664xi32, #tpu.memory_space<vmem>>[vector<16xi32>], vector<16xi32>,
    %add3A_926 = arith.addi %add3A_924, %add3A_912 : vector<16xi32>
    %gather3A_927 = tpu.vector_load_idx %arg22[%add3A_926] : memref<1664xi32, #tpu.memory_space<vmem>>[vector<16xi32>], vector<16xi32>,
    %shift_left3A_928 = arith.constant 16 : i32
    %shift_left3A_929 = vector.broadcast %shift_left3A_928 : i32 to vector<16xi32>
    %shift_left3A_930 = arith.shli %gather3A_927, %shift_left3A_929 : vector<16xi32>
    %or3A_931 = arith.ori %gather3A_925, %shift_left3A_930 : vector<16xi32>
    %jit3A_932 = arith.constant 0 : i32
    %broadcast_in_dim3A_933 = vector.broadcast %jit3A_932 : i32 to vector<16xi32>
    %select_n3A_934 = arith.select %le3A_916, %or3A_931, %broadcast_in_dim3A_933 : vector<16xi1>, vector<16xi32>
    tpu.vector_store_idx %arg33[%add3A_844], %select_n3A_934 : memref<144xi32, #tpu.memory_space<vmem>>[vector<16xi32>], vector<16xi32>,
    %add3A_935 = arith.constant 1 : i32
    %add3A_936 = vector.broadcast %add3A_935 : i32 to vector<16xi32>
    %add3A_937 = arith.addi %min3A_861, %add3A_936 : vector<16xi32>
    %le3A_938 = arith.cmpi sle, %add3A_937, %min3A_875 : vector<16xi32>
    %add3A_939 = arith.constant 1 : i32
    %add3A_940 = vector.broadcast %add3A_939 : i32 to vector<16xi32>
    %add3A_941 = arith.addi %min3A_861, %add3A_940 : vector<16xi32>
    %min3A_942 = arith.minsi %add3A_941, %min3A_875 : vector<16xi32>
    %mul3A_943 = arith.constant 20 : i32
    %mul3A_944 = vector.broadcast %mul3A_943 : i32 to vector<16xi32>
    %mul3A_945 = arith.muli %min3A_942, %mul3A_944 : vector<16xi32>
    %add3A_946 = arith.addi %add3A_908, %mul3A_945 : vector<16xi32>
    %gather3A_947 = tpu.vector_load_idx %arg22[%add3A_946] : memref<1664xi32, #tpu.memory_space<vmem>>[vector<16xi32>], vector<16xi32>,
    %add3A_948 = arith.addi %add3A_946, %add3A_912 : vector<16xi32>
    %gather3A_949 = tpu.vector_load_idx %arg22[%add3A_948] : memref<1664xi32, #tpu.memory_space<vmem>>[vector<16xi32>], vector<16xi32>,
    %shift_left3A_950 = arith.constant 16 : i32
    %shift_left3A_951 = vector.broadcast %shift_left3A_950 : i32 to vector<16xi32>
    %shift_left3A_952 = arith.shli %gather3A_949, %shift_left3A_951 : vector<16xi32>
    %or3A_953 = arith.ori %gather3A_947, %shift_left3A_952 : vector<16xi32>
    %jit3A_954 = arith.constant 0 : i32
    %broadcast_in_dim3A_955 = vector.broadcast %jit3A_954 : i32 to vector<16xi32>
    %select_n3A_956 = arith.select %le3A_938, %or3A_953, %broadcast_in_dim3A_955 : vector<16xi1>, vector<16xi32>
    tpu.vector_store_idx %arg34[%add3A_844], %select_n3A_956 : memref<144xi32, #tpu.memory_space<vmem>>[vector<16xi32>], vector<16xi32>,
    %add3A_957 = arith.constant 2 : i32
    %add3A_958 = vector.broadcast %add3A_957 : i32 to vector<16xi32>
    %add3A_959 = arith.addi %min3A_861, %add3A_958 : vector<16xi32>
    %le3A_960 = arith.cmpi sle, %add3A_959, %min3A_875 : vector<16xi32>
    %add3A_961 = arith.constant 2 : i32
    %add3A_962 = vector.broadcast %add3A_961 : i32 to vector<16xi32>
    %add3A_963 = arith.addi %min3A_861, %add3A_962 : vector<16xi32>
    %min3A_964 = arith.minsi %add3A_963, %min3A_875 : vector<16xi32>
    %mul3A_965 = arith.constant 20 : i32
    %mul3A_966 = vector.broadcast %mul3A_965 : i32 to vector<16xi32>
    %mul3A_967 = arith.muli %min3A_964, %mul3A_966 : vector<16xi32>
    %add3A_968 = arith.addi %add3A_908, %mul3A_967 : vector<16xi32>
    %gather3A_969 = tpu.vector_load_idx %arg22[%add3A_968] : memref<1664xi32, #tpu.memory_space<vmem>>[vector<16xi32>], vector<16xi32>,
    %add3A_970 = arith.addi %add3A_968, %add3A_912 : vector<16xi32>
    %gather3A_971 = tpu.vector_load_idx %arg22[%add3A_970] : memref<1664xi32, #tpu.memory_space<vmem>>[vector<16xi32>], vector<16xi32>,
    %shift_left3A_972 = arith.constant 16 : i32
    %shift_left3A_973 = vector.broadcast %shift_left3A_972 : i32 to vector<16xi32>
    %shift_left3A_974 = arith.shli %gather3A_971, %shift_left3A_973 : vector<16xi32>
    %or3A_975 = arith.ori %gather3A_969, %shift_left3A_974 : vector<16xi32>
    %jit3A_976 = arith.constant 0 : i32
    %broadcast_in_dim3A_977 = vector.broadcast %jit3A_976 : i32 to vector<16xi32>
    %select_n3A_978 = arith.select %le3A_960, %or3A_975, %broadcast_in_dim3A_977 : vector<16xi1>, vector<16xi32>
    tpu.vector_store_idx %arg35[%add3A_844], %select_n3A_978 : memref<144xi32, #tpu.memory_space<vmem>>[vector<16xi32>], vector<16xi32>,
    %add3A_979 = arith.constant 112 : i32
    %add3A_980 = vector.broadcast %add3A_979 : i32 to vector<16xi32>
    %add3A_981 = arith.addi %add3A_980, %iota3A : vector<16xi32>
    %gather3A_982 = tpu.vector_load_idx %arg25[%add3A_981] : memref<128xf32, #tpu.memory_space<vmem>>[vector<16xi32>], vector<16xf32>,
    %gather3A_983 = tpu.vector_load_idx %arg26[%add3A_981] : memref<128xf32, #tpu.memory_space<vmem>>[vector<16xi32>], vector<16xf32>,
    %gather3A_984 = tpu.vector_load_idx %arg27[%add3A_981] : memref<128xf32, #tpu.memory_space<vmem>>[vector<16xi32>], vector<16xf32>,
    %sub3A_985 = arith.subf %gather3A_983, %get3A_2 : vector<16xf32>
    %max3A_986 = arith.constant 0.000000e+00 : f32
    %max3A_987 = vector.broadcast %max3A_986 : f32 to vector<16xf32>
    %max3A_988 = arith.maximumf %sub3A_985, %max3A_987 : vector<16xf32>
    %mul3A_989 = arith.constant 1.000000e+00 : f32
    %mul3A_990 = vector.broadcast %mul3A_989 : f32 to vector<16xf32>
    %mul3A_991 = arith.mulf %max3A_988, %mul3A_990 : vector<16xf32>
    %convert_element_type3A_992 = arith.fptosi %mul3A_991 : vector<16xf32> to vector<16xi32>
    %jit3A_993 = arith.constant 0 : i32
    %jit3A_994 = arith.constant 19 : i32
    %max3A_995 = vector.broadcast %jit3A_993 : i32 to vector<16xi32>
    %max3A_996 = arith.maxsi %max3A_995, %convert_element_type3A_992 : vector<16xi32>
    %min3A_997 = vector.broadcast %jit3A_994 : i32 to vector<16xi32>
    %min3A_998 = arith.minsi %min3A_997, %max3A_996 : vector<16xi32>
    %add3A_999 = arith.addf %gather3A_983, %get3A_2 : vector<16xf32>
    %max3A_1000 = arith.constant 0.000000e+00 : f32
    %max3A_1001 = vector.broadcast %max3A_1000 : f32 to vector<16xf32>
    %max3A_1002 = arith.maximumf %add3A_999, %max3A_1001 : vector<16xf32>
    %mul3A_1003 = arith.constant 1.000000e+00 : f32
    %mul3A_1004 = vector.broadcast %mul3A_1003 : f32 to vector<16xf32>
    %mul3A_1005 = arith.mulf %max3A_1002, %mul3A_1004 : vector<16xf32>
    %convert_element_type3A_1006 = arith.fptosi %mul3A_1005 : vector<16xf32> to vector<16xi32>
    %jit3A_1007 = arith.constant 0 : i32
    %jit3A_1008 = arith.constant 19 : i32
    %max3A_1009 = vector.broadcast %jit3A_1007 : i32 to vector<16xi32>
    %max3A_1010 = arith.maxsi %max3A_1009, %convert_element_type3A_1006 : vector<16xi32>
    %min3A_1011 = vector.broadcast %jit3A_1008 : i32 to vector<16xi32>
    %min3A_1012 = arith.minsi %min3A_1011, %max3A_1010 : vector<16xi32>
    %sub3A_1013 = arith.subf %gather3A_984, %get3A_2 : vector<16xf32>
    %max3A_1014 = arith.constant 0.000000e+00 : f32
    %max3A_1015 = vector.broadcast %max3A_1014 : f32 to vector<16xf32>
    %max3A_1016 = arith.maximumf %sub3A_1013, %max3A_1015 : vector<16xf32>
    %mul3A_1017 = arith.constant 1.000000e+00 : f32
    %mul3A_1018 = vector.broadcast %mul3A_1017 : f32 to vector<16xf32>
    %mul3A_1019 = arith.mulf %max3A_1016, %mul3A_1018 : vector<16xf32>
    %convert_element_type3A_1020 = arith.fptosi %mul3A_1019 : vector<16xf32> to vector<16xi32>
    %jit3A_1021 = arith.constant 0 : i32
    %jit3A_1022 = arith.constant 19 : i32
    %max3A_1023 = vector.broadcast %jit3A_1021 : i32 to vector<16xi32>
    %max3A_1024 = arith.maxsi %max3A_1023, %convert_element_type3A_1020 : vector<16xi32>
    %min3A_1025 = vector.broadcast %jit3A_1022 : i32 to vector<16xi32>
    %min3A_1026 = arith.minsi %min3A_1025, %max3A_1024 : vector<16xi32>
    %add3A_1027 = arith.addf %gather3A_984, %get3A_2 : vector<16xf32>
    %max3A_1028 = arith.constant 0.000000e+00 : f32
    %max3A_1029 = vector.broadcast %max3A_1028 : f32 to vector<16xf32>
    %max3A_1030 = arith.maximumf %add3A_1027, %max3A_1029 : vector<16xf32>
    %mul3A_1031 = arith.constant 1.000000e+00 : f32
    %mul3A_1032 = vector.broadcast %mul3A_1031 : f32 to vector<16xf32>
    %mul3A_1033 = arith.mulf %max3A_1030, %mul3A_1032 : vector<16xf32>
    %convert_element_type3A_1034 = arith.fptosi %mul3A_1033 : vector<16xf32> to vector<16xi32>
    %jit3A_1035 = arith.constant 0 : i32
    %jit3A_1036 = arith.constant 19 : i32
    %max3A_1037 = vector.broadcast %jit3A_1035 : i32 to vector<16xi32>
    %max3A_1038 = arith.maxsi %max3A_1037, %convert_element_type3A_1034 : vector<16xi32>
    %min3A_1039 = vector.broadcast %jit3A_1036 : i32 to vector<16xi32>
    %min3A_1040 = arith.minsi %min3A_1039, %max3A_1038 : vector<16xi32>
    %convert_element_type3A_1041 = arith.fptosi %gather3A_982 : vector<16xf32> to vector<16xi32>
    %mul3A_1042 = arith.constant 400 : i32
    %mul3A_1043 = vector.broadcast %mul3A_1042 : i32 to vector<16xi32>
    %mul3A_1044 = arith.muli %convert_element_type3A_1041, %mul3A_1043 : vector<16xi32>
    %add3A_1045 = arith.addi %mul3A_1044, %min3A_1026 : vector<16xi32>
    %sub3A_1046 = arith.subi %min3A_1040, %min3A_1026 : vector<16xi32>
    %add3A_1047 = arith.constant 1 : i32
    %add3A_1048 = vector.broadcast %add3A_1047 : i32 to vector<16xi32>
    %add3A_1049 = arith.addi %sub3A_1046, %add3A_1048 : vector<16xi32>
    tpu.vector_store_idx %arg29[%add3A_981], %min3A_998 : memref<144xi32, #tpu.memory_space<vmem>>[vector<16xi32>], vector<16xi32>,
    tpu.vector_store_idx %arg30[%add3A_981], %min3A_1012 : memref<144xi32, #tpu.memory_space<vmem>>[vector<16xi32>], vector<16xi32>,
    tpu.vector_store_idx %arg31[%add3A_981], %add3A_1045 : memref<144xi32, #tpu.memory_space<vmem>>[vector<16xi32>], vector<16xi32>,
    tpu.vector_store_idx %arg32[%add3A_981], %add3A_1049 : memref<144xi32, #tpu.memory_space<vmem>>[vector<16xi32>], vector<16xi32>,
    %add3A_1050 = arith.constant 0 : i32
    %add3A_1051 = vector.broadcast %add3A_1050 : i32 to vector<16xi32>
    %add3A_1052 = arith.addi %min3A_998, %add3A_1051 : vector<16xi32>
    %le3A_1053 = arith.cmpi sle, %add3A_1052, %min3A_1012 : vector<16xi32>
    %add3A_1054 = arith.constant 0 : i32
    %add3A_1055 = vector.broadcast %add3A_1054 : i32 to vector<16xi32>
    %add3A_1056 = arith.addi %min3A_998, %add3A_1055 : vector<16xi32>
    %min3A_1057 = arith.minsi %add3A_1056, %min3A_1012 : vector<16xi32>
    %mul3A_1058 = arith.constant 20 : i32
    %mul3A_1059 = vector.broadcast %mul3A_1058 : i32 to vector<16xi32>
    %mul3A_1060 = arith.muli %min3A_1057, %mul3A_1059 : vector<16xi32>
    %add3A_1061 = arith.addi %add3A_1045, %mul3A_1060 : vector<16xi32>
    %gather3A_1062 = tpu.vector_load_idx %arg22[%add3A_1061] : memref<1664xi32, #tpu.memory_space<vmem>>[vector<16xi32>], vector<16xi32>,
    %add3A_1063 = arith.addi %add3A_1061, %add3A_1049 : vector<16xi32>
    %gather3A_1064 = tpu.vector_load_idx %arg22[%add3A_1063] : memref<1664xi32, #tpu.memory_space<vmem>>[vector<16xi32>], vector<16xi32>,
    %shift_left3A_1065 = arith.constant 16 : i32
    %shift_left3A_1066 = vector.broadcast %shift_left3A_1065 : i32 to vector<16xi32>
    %shift_left3A_1067 = arith.shli %gather3A_1064, %shift_left3A_1066 : vector<16xi32>
    %or3A_1068 = arith.ori %gather3A_1062, %shift_left3A_1067 : vector<16xi32>
    %jit3A_1069 = arith.constant 0 : i32
    %broadcast_in_dim3A_1070 = vector.broadcast %jit3A_1069 : i32 to vector<16xi32>
    %select_n3A_1071 = arith.select %le3A_1053, %or3A_1068, %broadcast_in_dim3A_1070 : vector<16xi1>, vector<16xi32>
    tpu.vector_store_idx %arg33[%add3A_981], %select_n3A_1071 : memref<144xi32, #tpu.memory_space<vmem>>[vector<16xi32>], vector<16xi32>,
    %add3A_1072 = arith.constant 1 : i32
    %add3A_1073 = vector.broadcast %add3A_1072 : i32 to vector<16xi32>
    %add3A_1074 = arith.addi %min3A_998, %add3A_1073 : vector<16xi32>
    %le3A_1075 = arith.cmpi sle, %add3A_1074, %min3A_1012 : vector<16xi32>
    %add3A_1076 = arith.constant 1 : i32
    %add3A_1077 = vector.broadcast %add3A_1076 : i32 to vector<16xi32>
    %add3A_1078 = arith.addi %min3A_998, %add3A_1077 : vector<16xi32>
    %min3A_1079 = arith.minsi %add3A_1078, %min3A_1012 : vector<16xi32>
    %mul3A_1080 = arith.constant 20 : i32
    %mul3A_1081 = vector.broadcast %mul3A_1080 : i32 to vector<16xi32>
    %mul3A_1082 = arith.muli %min3A_1079, %mul3A_1081 : vector<16xi32>
    %add3A_1083 = arith.addi %add3A_1045, %mul3A_1082 : vector<16xi32>
    %gather3A_1084 = tpu.vector_load_idx %arg22[%add3A_1083] : memref<1664xi32, #tpu.memory_space<vmem>>[vector<16xi32>], vector<16xi32>,
    %add3A_1085 = arith.addi %add3A_1083, %add3A_1049 : vector<16xi32>
    %gather3A_1086 = tpu.vector_load_idx %arg22[%add3A_1085] : memref<1664xi32, #tpu.memory_space<vmem>>[vector<16xi32>], vector<16xi32>,
    %shift_left3A_1087 = arith.constant 16 : i32
    %shift_left3A_1088 = vector.broadcast %shift_left3A_1087 : i32 to vector<16xi32>
    %shift_left3A_1089 = arith.shli %gather3A_1086, %shift_left3A_1088 : vector<16xi32>
    %or3A_1090 = arith.ori %gather3A_1084, %shift_left3A_1089 : vector<16xi32>
    %jit3A_1091 = arith.constant 0 : i32
    %broadcast_in_dim3A_1092 = vector.broadcast %jit3A_1091 : i32 to vector<16xi32>
    %select_n3A_1093 = arith.select %le3A_1075, %or3A_1090, %broadcast_in_dim3A_1092 : vector<16xi1>, vector<16xi32>
    tpu.vector_store_idx %arg34[%add3A_981], %select_n3A_1093 : memref<144xi32, #tpu.memory_space<vmem>>[vector<16xi32>], vector<16xi32>,
    %add3A_1094 = arith.constant 2 : i32
    %add3A_1095 = vector.broadcast %add3A_1094 : i32 to vector<16xi32>
    %add3A_1096 = arith.addi %min3A_998, %add3A_1095 : vector<16xi32>
    %le3A_1097 = arith.cmpi sle, %add3A_1096, %min3A_1012 : vector<16xi32>
    %add3A_1098 = arith.constant 2 : i32
    %add3A_1099 = vector.broadcast %add3A_1098 : i32 to vector<16xi32>
    %add3A_1100 = arith.addi %min3A_998, %add3A_1099 : vector<16xi32>
    %min3A_1101 = arith.minsi %add3A_1100, %min3A_1012 : vector<16xi32>
    %mul3A_1102 = arith.constant 20 : i32
    %mul3A_1103 = vector.broadcast %mul3A_1102 : i32 to vector<16xi32>
    %mul3A_1104 = arith.muli %min3A_1101, %mul3A_1103 : vector<16xi32>
    %add3A_1105 = arith.addi %add3A_1045, %mul3A_1104 : vector<16xi32>
    %gather3A_1106 = tpu.vector_load_idx %arg22[%add3A_1105] : memref<1664xi32, #tpu.memory_space<vmem>>[vector<16xi32>], vector<16xi32>,
    %add3A_1107 = arith.addi %add3A_1105, %add3A_1049 : vector<16xi32>
    %gather3A_1108 = tpu.vector_load_idx %arg22[%add3A_1107] : memref<1664xi32, #tpu.memory_space<vmem>>[vector<16xi32>], vector<16xi32>,
    %shift_left3A_1109 = arith.constant 16 : i32
    %shift_left3A_1110 = vector.broadcast %shift_left3A_1109 : i32 to vector<16xi32>
    %shift_left3A_1111 = arith.shli %gather3A_1108, %shift_left3A_1110 : vector<16xi32>
    %or3A_1112 = arith.ori %gather3A_1106, %shift_left3A_1111 : vector<16xi32>
    %jit3A_1113 = arith.constant 0 : i32
    %broadcast_in_dim3A_1114 = vector.broadcast %jit3A_1113 : i32 to vector<16xi32>
    %select_n3A_1115 = arith.select %le3A_1097, %or3A_1112, %broadcast_in_dim3A_1114 : vector<16xi1>, vector<16xi32>
    tpu.vector_store_idx %arg35[%add3A_981], %select_n3A_1115 : memref<144xi32, #tpu.memory_space<vmem>>[vector<16xi32>], vector<16xi32>,
    %broadcast_in_dim3A_1116 = arith.constant 0x7F800000 : f32
    %broadcast_in_dim3A_1117 = vector.broadcast %broadcast_in_dim3A_1116 : f32 to vector<16xf32>
    %broadcast_in_dim3A_1118 = arith.constant -1 : i32
    %broadcast_in_dim3A_1119 = vector.broadcast %broadcast_in_dim3A_1118 : i32 to vector<16xi32>
    %get3A_1120 = arith.constant 0 : index
    %get3A_1121 = tpu.vector_load %arg42[%get3A_1120] {strides = array<i32>} : memref<16xi32, #tpu.memory_space<vmem>>, vector<16xi32>,
    %scan3A_1122 = arith.constant 0 : i32
    %scan3A_1123 = arith.constant 0 : i32
    %scan3A_1124 = arith.constant 128 : i32
    %scan3A_1125 = arith.addi %scan3A_1123, %scan3A_1124 : i32
    %scan3A_1126 = arith.constant 1 : i32
    %scan3A_1127 = scf.for %scan3A_1133 = %scan3A_1123 to %scan3A_1125 step %scan3A_1126 iter_args(%scan3A_1134 = %scan3A_1122) -> (i32)  : i32 {
      %broadcast_in_dim3A_1135 = vector.broadcast %scan3A_1133 : i32 to vector<16xi32>
      %gather3A_1136 = tpu.vector_load_idx %arg26[%broadcast_in_dim3A_1135] : memref<128xf32, #tpu.memory_space<vmem>>[vector<16xi32>], vector<16xf32>,
      %gather3A_1137 = tpu.vector_load_idx %arg27[%broadcast_in_dim3A_1135] : memref<128xf32, #tpu.memory_space<vmem>>[vector<16xi32>], vector<16xf32>,
      %gather3A_1138 = tpu.vector_load_idx %arg28[%broadcast_in_dim3A_1135] : memref<128xf32, #tpu.memory_space<vmem>>[vector<16xi32>], vector<16xf32>,
      %swap3A = arith.constant 0 : index
      %swap3A_1139 = tpu.vector_load %arg38[%swap3A] {strides = array<i32>} : memref<16xf32, #tpu.memory_space<vmem>>, vector<16xf32>,
      tpu.vector_store %arg38[%swap3A], %broadcast_in_dim3A_1117 {strides = array<i32>} : memref<16xf32, #tpu.memory_space<vmem>>, vector<16xf32>,
      %swap3A_1140 = arith.constant 0 : index
      %swap3A_1141 = tpu.vector_load %arg39[%swap3A_1140] {strides = array<i32>} : memref<16xi32, #tpu.memory_space<vmem>>, vector<16xi32>,
      tpu.vector_store %arg39[%swap3A_1140], %broadcast_in_dim3A_1119 {strides = array<i32>} : memref<16xi32, #tpu.memory_space<vmem>>, vector<16xi32>,
      %get3A_1142 = arith.index_cast %scan3A_1133 : i32 to index
      %get3A_1143 = tpu.vector_load %arg33[%get3A_1142] {strides = array<i32>} : memref<144xi32, #tpu.memory_space<vmem>>, vector<16xi32>,
      %slice3A = vector.extract_strided_slice %get3A_1143 {offsets = [0], sizes = [1], strides = [1]} : vector<16xi32> to vector<1xi32>
      %squeeze3A = vector.extract %slice3A[0] : i32 from vector<1xi32>
      %and3A = arith.constant 65535 : i32
      %and3A_1144 = arith.andi %squeeze3A, %and3A : i32
      %shift_right_arithmetic3A = arith.constant 16 : i32
      %shift_right_arithmetic3A_1145 = arith.shrsi %squeeze3A, %shift_right_arithmetic3A : i32
      %while3A = scf.while (%while3A_1197 = %and3A_1144) : (i32) -> i32 {
        %lt3A_1198 = arith.cmpi slt, %while3A_1197, %shift_right_arithmetic3A_1145 : i32
        scf.condition(%lt3A_1198) %while3A_1197 : i32
      } do {
      ^bb0(%while3A_1197: i32):
        %add3A_1198 = vector.broadcast %while3A_1197 : i32 to vector<16xi32>
        %add3A_1199 = arith.addi %add3A_1198, %iota3A : vector<16xi32>
        %lt3A_1200 = vector.broadcast %shift_right_arithmetic3A_1145 : i32 to vector<16xi32>
        %lt3A_1201 = arith.cmpi slt, %add3A_1199, %lt3A_1200 : vector<16xi32>
        %jit3A_1202 = arith.constant 0 : i32
        %broadcast_in_dim3A_1203 = vector.broadcast %jit3A_1202 : i32 to vector<16xi32>
        %select_n3A_1204 = arith.select %lt3A_1201, %add3A_1199, %broadcast_in_dim3A_1203 : vector<16xi1>, vector<16xi32>
        %gather3A_1205 = tpu.vector_load_idx %arg18[%select_n3A_1204] : memref<16384xi32, #tpu.memory_space<vmem>>[vector<16xi32>], vector<16xi32>,
        %gather3A_1206 = tpu.vector_load_idx %arg15[%gather3A_1205] : memref<16384xf32, #tpu.memory_space<vmem>>[vector<16xi32>], vector<16xf32>,
        %gather3A_1207 = tpu.vector_load_idx %arg16[%gather3A_1205] : memref<16384xf32, #tpu.memory_space<vmem>>[vector<16xi32>], vector<16xf32>,
        %gather3A_1208 = tpu.vector_load_idx %arg17[%gather3A_1205] : memref<16384xf32, #tpu.memory_space<vmem>>[vector<16xi32>], vector<16xf32>,
        %sub3A_1209 = arith.subf %gather3A_1206, %gather3A_1136 : vector<16xf32>
        %sub3A_1210 = arith.subf %gather3A_1207, %gather3A_1137 : vector<16xf32>
        %sub3A_1211 = arith.subf %gather3A_1208, %gather3A_1138 : vector<16xf32>
        %mul3A_1212 = arith.mulf %sub3A_1209, %sub3A_1209 : vector<16xf32>
        %mul3A_1213 = arith.mulf %sub3A_1210, %sub3A_1210 : vector<16xf32>
        %add3A_1214 = arith.addf %mul3A_1212, %mul3A_1213 : vector<16xf32>
        %mul3A_1215 = arith.mulf %sub3A_1211, %sub3A_1211 : vector<16xf32>
        %add3A_1216 = arith.addf %add3A_1214, %mul3A_1215 : vector<16xf32>
        %le3A_1217 = arith.cmpf ole, %add3A_1216, %mul3A_3 : vector<16xf32>
        %and3A_1218 = arith.andi %lt3A_1201, %le3A_1217 : vector<16xi1>
        %add3A_1219 = arith.constant 16 : i32
        %add3A_1220 = arith.addi %while3A_1197, %add3A_1219 : i32
        %add3A_1221 = vector.broadcast %add3A_1220 : i32 to vector<16xi32>
        %add3A_1222 = arith.addi %add3A_1221, %iota3A : vector<16xi32>
        %lt3A_1223 = vector.broadcast %shift_right_arithmetic3A_1145 : i32 to vector<16xi32>
        %lt3A_1224 = arith.cmpi slt, %add3A_1222, %lt3A_1223 : vector<16xi32>
        %jit3A_1225 = arith.constant 0 : i32
        %broadcast_in_dim3A_1226 = vector.broadcast %jit3A_1225 : i32 to vector<16xi32>
        %select_n3A_1227 = arith.select %lt3A_1224, %add3A_1222, %broadcast_in_dim3A_1226 : vector<16xi1>, vector<16xi32>
        %gather3A_1228 = tpu.vector_load_idx %arg18[%select_n3A_1227] : memref<16384xi32, #tpu.memory_space<vmem>>[vector<16xi32>], vector<16xi32>,
        %gather3A_1229 = tpu.vector_load_idx %arg15[%gather3A_1228] : memref<16384xf32, #tpu.memory_space<vmem>>[vector<16xi32>], vector<16xf32>,
        %gather3A_1230 = tpu.vector_load_idx %arg16[%gather3A_1228] : memref<16384xf32, #tpu.memory_space<vmem>>[vector<16xi32>], vector<16xf32>,
        %gather3A_1231 = tpu.vector_load_idx %arg17[%gather3A_1228] : memref<16384xf32, #tpu.memory_space<vmem>>[vector<16xi32>], vector<16xf32>,
        %sub3A_1232 = arith.subf %gather3A_1229, %gather3A_1136 : vector<16xf32>
        %sub3A_1233 = arith.subf %gather3A_1230, %gather3A_1137 : vector<16xf32>
        %sub3A_1234 = arith.subf %gather3A_1231, %gather3A_1138 : vector<16xf32>
        %mul3A_1235 = arith.mulf %sub3A_1232, %sub3A_1232 : vector<16xf32>
        %mul3A_1236 = arith.mulf %sub3A_1233, %sub3A_1233 : vector<16xf32>
        %add3A_1237 = arith.addf %mul3A_1235, %mul3A_1236 : vector<16xf32>
        %mul3A_1238 = arith.mulf %sub3A_1234, %sub3A_1234 : vector<16xf32>
        %add3A_1239 = arith.addf %add3A_1237, %mul3A_1238 : vector<16xf32>
        %le3A_1240 = arith.cmpf ole, %add3A_1239, %mul3A_3 : vector<16xf32>
        %and3A_1241 = arith.andi %lt3A_1224, %le3A_1240 : vector<16xi1>
        %select_n3A_1242 = arith.select %and3A_1218, %add3A_1216, %broadcast_in_dim3A_1117 : vector<16xi1>, vector<16xf32>
        %masked_sort3A = arith.constant dense<true> : vector<16xi1>
        %masked_sort3A_1243, %masked_sort3A_1244, %masked_sort3A_1245 = tpu.sort %select_n3A_1242, %gather3A_1205 masked %masked_sort3A : (vector<16xf32>, vector<16xi32>, vector<16xi1>) -> (vector<16xi1>, vector<16xf32>, vector<16xi32>)
        %get3A_1246 = arith.constant 0 : index
        %get3A_1247 = tpu.vector_load %arg38[%get3A_1246] {strides = array<i32>} : memref<16xf32, #tpu.memory_space<vmem>>, vector<16xf32>,
        %rev3A = arith.constant 15 : i32
        %rev3A_1248 = vector.broadcast %rev3A : i32 to vector<16xi32>
        %rev3A_1249 = tpu.iota {dimensions = array<i32: 0>} : vector<16xi32>
        %rev3A_1250 = arith.subi %rev3A_1248, %rev3A_1249 : vector<16xi32>
        %rev3A_1251 = tpu.dynamic_gather %get3A_1247[%rev3A_1250] in [0] : vector<16xf32>, vector<16xi32> -> vector<16xf32>
        %get3A_1252 = arith.constant 0 : index
        %get3A_1253 = tpu.vector_load %arg39[%get3A_1252] {strides = array<i32>} : memref<16xi32, #tpu.memory_space<vmem>>, vector<16xi32>,
        %rev3A_1254 = arith.constant 15 : i32
        %rev3A_1255 = vector.broadcast %rev3A_1254 : i32 to vector<16xi32>
        %rev3A_1256 = tpu.iota {dimensions = array<i32: 0>} : vector<16xi32>
        %rev3A_1257 = arith.subi %rev3A_1255, %rev3A_1256 : vector<16xi32>
        %rev3A_1258 = tpu.dynamic_gather %get3A_1253[%rev3A_1257] in [0] : vector<16xi32>, vector<16xi32> -> vector<16xi32>
        %lt3A_1259 = arith.cmpf olt, %masked_sort3A_1244, %rev3A_1251 : vector<16xf32>
        %min3A_1260 = arith.minimumf %masked_sort3A_1244, %rev3A_1251 : vector<16xf32>
        %select_n3A_1261 = arith.select %lt3A_1259, %masked_sort3A_1245, %rev3A_1258 : vector<16xi1>, vector<16xi32>
        %masked_sort3A_1262 = arith.constant dense<true> : vector<16xi1>
        %masked_sort3A_1263, %masked_sort3A_1264, %masked_sort3A_1265 = tpu.sort %min3A_1260, %select_n3A_1261 masked %masked_sort3A_1262 : (vector<16xf32>, vector<16xi32>, vector<16xi1>) -> (vector<16xi1>, vector<16xf32>, vector<16xi32>)
        %swap3A_1266 = arith.constant 0 : index
        %swap3A_1267 = tpu.vector_load %arg38[%swap3A_1266] {strides = array<i32>} : memref<16xf32, #tpu.memory_space<vmem>>, vector<16xf32>,
        tpu.vector_store %arg38[%swap3A_1266], %masked_sort3A_1264 {strides = array<i32>} : memref<16xf32, #tpu.memory_space<vmem>>, vector<16xf32>,
        %swap3A_1268 = arith.constant 0 : index
        %swap3A_1269 = tpu.vector_load %arg39[%swap3A_1268] {strides = array<i32>} : memref<16xi32, #tpu.memory_space<vmem>>, vector<16xi32>,
        tpu.vector_store %arg39[%swap3A_1268], %masked_sort3A_1265 {strides = array<i32>} : memref<16xi32, #tpu.memory_space<vmem>>, vector<16xi32>,
        %select_n3A_1270 = arith.select %and3A_1241, %add3A_1239, %broadcast_in_dim3A_1117 : vector<16xi1>, vector<16xf32>
        %masked_sort3A_1271 = arith.constant dense<true> : vector<16xi1>
        %masked_sort3A_1272, %masked_sort3A_1273, %masked_sort3A_1274 = tpu.sort %select_n3A_1270, %gather3A_1228 masked %masked_sort3A_1271 : (vector<16xf32>, vector<16xi32>, vector<16xi1>) -> (vector<16xi1>, vector<16xf32>, vector<16xi32>)
        %get3A_1275 = arith.constant 0 : index
        %get3A_1276 = tpu.vector_load %arg38[%get3A_1275] {strides = array<i32>} : memref<16xf32, #tpu.memory_space<vmem>>, vector<16xf32>,
        %rev3A_1277 = arith.constant 15 : i32
        %rev3A_1278 = vector.broadcast %rev3A_1277 : i32 to vector<16xi32>
        %rev3A_1279 = tpu.iota {dimensions = array<i32: 0>} : vector<16xi32>
        %rev3A_1280 = arith.subi %rev3A_1278, %rev3A_1279 : vector<16xi32>
        %rev3A_1281 = tpu.dynamic_gather %get3A_1276[%rev3A_1280] in [0] : vector<16xf32>, vector<16xi32> -> vector<16xf32>
        %get3A_1282 = arith.constant 0 : index
        %get3A_1283 = tpu.vector_load %arg39[%get3A_1282] {strides = array<i32>} : memref<16xi32, #tpu.memory_space<vmem>>, vector<16xi32>,
        %rev3A_1284 = arith.constant 15 : i32
        %rev3A_1285 = vector.broadcast %rev3A_1284 : i32 to vector<16xi32>
        %rev3A_1286 = tpu.iota {dimensions = array<i32: 0>} : vector<16xi32>
        %rev3A_1287 = arith.subi %rev3A_1285, %rev3A_1286 : vector<16xi32>
        %rev3A_1288 = tpu.dynamic_gather %get3A_1283[%rev3A_1287] in [0] : vector<16xi32>, vector<16xi32> -> vector<16xi32>
        %lt3A_1289 = arith.cmpf olt, %masked_sort3A_1273, %rev3A_1281 : vector<16xf32>
        %min3A_1290 = arith.minimumf %masked_sort3A_1273, %rev3A_1281 : vector<16xf32>
        %select_n3A_1291 = arith.select %lt3A_1289, %masked_sort3A_1274, %rev3A_1288 : vector<16xi1>, vector<16xi32>
        %masked_sort3A_1292 = arith.constant dense<true> : vector<16xi1>
        %masked_sort3A_1293, %masked_sort3A_1294, %masked_sort3A_1295 = tpu.sort %min3A_1290, %select_n3A_1291 masked %masked_sort3A_1292 : (vector<16xf32>, vector<16xi32>, vector<16xi1>) -> (vector<16xi1>, vector<16xf32>, vector<16xi32>)
        %swap3A_1296 = arith.constant 0 : index
        %swap3A_1297 = tpu.vector_load %arg38[%swap3A_1296] {strides = array<i32>} : memref<16xf32, #tpu.memory_space<vmem>>, vector<16xf32>,
        tpu.vector_store %arg38[%swap3A_1296], %masked_sort3A_1294 {strides = array<i32>} : memref<16xf32, #tpu.memory_space<vmem>>, vector<16xf32>,
        %swap3A_1298 = arith.constant 0 : index
        %swap3A_1299 = tpu.vector_load %arg39[%swap3A_1298] {strides = array<i32>} : memref<16xi32, #tpu.memory_space<vmem>>, vector<16xi32>,
        tpu.vector_store %arg39[%swap3A_1298], %masked_sort3A_1295 {strides = array<i32>} : memref<16xi32, #tpu.memory_space<vmem>>, vector<16xi32>,
        %add3A_1300 = arith.constant 32 : i32
        %add3A_1301 = arith.addi %while3A_1197, %add3A_1300 : i32
        scf.yield %add3A_1301 : i32
      }
      %get3A_1146 = arith.index_cast %scan3A_1133 : i32 to index
      %get3A_1147 = tpu.vector_load %arg34[%get3A_1146] {strides = array<i32>} : memref<144xi32, #tpu.memory_space<vmem>>, vector<16xi32>,
      %slice3A_1148 = vector.extract_strided_slice %get3A_1147 {offsets = [0], sizes = [1], strides = [1]} : vector<16xi32> to vector<1xi32>
      %squeeze3A_1149 = vector.extract %slice3A_1148[0] : i32 from vector<1xi32>
      %and3A_1150 = arith.constant 65535 : i32
      %and3A_1151 = arith.andi %squeeze3A_1149, %and3A_1150 : i32
      %shift_right_arithmetic3A_1152 = arith.constant 16 : i32
      %shift_right_arithmetic3A_1153 = arith.shrsi %squeeze3A_1149, %shift_right_arithmetic3A_1152 : i32
      %while3A_1154 = scf.while (%while3A_1197 = %and3A_1151) : (i32) -> i32 {
        %lt3A_1198 = arith.cmpi slt, %while3A_1197, %shift_right_arithmetic3A_1153 : i32
        scf.condition(%lt3A_1198) %while3A_1197 : i32
      } do {
      ^bb0(%while3A_1197: i32):
        %add3A_1198 = vector.broadcast %while3A_1197 : i32 to vector<16xi32>
        %add3A_1199 = arith.addi %add3A_1198, %iota3A : vector<16xi32>
        %lt3A_1200 = vector.broadcast %shift_right_arithmetic3A_1153 : i32 to vector<16xi32>
        %lt3A_1201 = arith.cmpi slt, %add3A_1199, %lt3A_1200 : vector<16xi32>
        %jit3A_1202 = arith.constant 0 : i32
        %broadcast_in_dim3A_1203 = vector.broadcast %jit3A_1202 : i32 to vector<16xi32>
        %select_n3A_1204 = arith.select %lt3A_1201, %add3A_1199, %broadcast_in_dim3A_1203 : vector<16xi1>, vector<16xi32>
        %gather3A_1205 = tpu.vector_load_idx %arg18[%select_n3A_1204] : memref<16384xi32, #tpu.memory_space<vmem>>[vector<16xi32>], vector<16xi32>,
        %gather3A_1206 = tpu.vector_load_idx %arg15[%gather3A_1205] : memref<16384xf32, #tpu.memory_space<vmem>>[vector<16xi32>], vector<16xf32>,
        %gather3A_1207 = tpu.vector_load_idx %arg16[%gather3A_1205] : memref<16384xf32, #tpu.memory_space<vmem>>[vector<16xi32>], vector<16xf32>,
        %gather3A_1208 = tpu.vector_load_idx %arg17[%gather3A_1205] : memref<16384xf32, #tpu.memory_space<vmem>>[vector<16xi32>], vector<16xf32>,
        %sub3A_1209 = arith.subf %gather3A_1206, %gather3A_1136 : vector<16xf32>
        %sub3A_1210 = arith.subf %gather3A_1207, %gather3A_1137 : vector<16xf32>
        %sub3A_1211 = arith.subf %gather3A_1208, %gather3A_1138 : vector<16xf32>
        %mul3A_1212 = arith.mulf %sub3A_1209, %sub3A_1209 : vector<16xf32>
        %mul3A_1213 = arith.mulf %sub3A_1210, %sub3A_1210 : vector<16xf32>
        %add3A_1214 = arith.addf %mul3A_1212, %mul3A_1213 : vector<16xf32>
        %mul3A_1215 = arith.mulf %sub3A_1211, %sub3A_1211 : vector<16xf32>
        %add3A_1216 = arith.addf %add3A_1214, %mul3A_1215 : vector<16xf32>
        %le3A_1217 = arith.cmpf ole, %add3A_1216, %mul3A_3 : vector<16xf32>
        %and3A_1218 = arith.andi %lt3A_1201, %le3A_1217 : vector<16xi1>
        %add3A_1219 = arith.constant 16 : i32
        %add3A_1220 = arith.addi %while3A_1197, %add3A_1219 : i32
        %add3A_1221 = vector.broadcast %add3A_1220 : i32 to vector<16xi32>
        %add3A_1222 = arith.addi %add3A_1221, %iota3A : vector<16xi32>
        %lt3A_1223 = vector.broadcast %shift_right_arithmetic3A_1153 : i32 to vector<16xi32>
        %lt3A_1224 = arith.cmpi slt, %add3A_1222, %lt3A_1223 : vector<16xi32>
        %jit3A_1225 = arith.constant 0 : i32
        %broadcast_in_dim3A_1226 = vector.broadcast %jit3A_1225 : i32 to vector<16xi32>
        %select_n3A_1227 = arith.select %lt3A_1224, %add3A_1222, %broadcast_in_dim3A_1226 : vector<16xi1>, vector<16xi32>
        %gather3A_1228 = tpu.vector_load_idx %arg18[%select_n3A_1227] : memref<16384xi32, #tpu.memory_space<vmem>>[vector<16xi32>], vector<16xi32>,
        %gather3A_1229 = tpu.vector_load_idx %arg15[%gather3A_1228] : memref<16384xf32, #tpu.memory_space<vmem>>[vector<16xi32>], vector<16xf32>,
        %gather3A_1230 = tpu.vector_load_idx %arg16[%gather3A_1228] : memref<16384xf32, #tpu.memory_space<vmem>>[vector<16xi32>], vector<16xf32>,
        %gather3A_1231 = tpu.vector_load_idx %arg17[%gather3A_1228] : memref<16384xf32, #tpu.memory_space<vmem>>[vector<16xi32>], vector<16xf32>,
        %sub3A_1232 = arith.subf %gather3A_1229, %gather3A_1136 : vector<16xf32>
        %sub3A_1233 = arith.subf %gather3A_1230, %gather3A_1137 : vector<16xf32>
        %sub3A_1234 = arith.subf %gather3A_1231, %gather3A_1138 : vector<16xf32>
        %mul3A_1235 = arith.mulf %sub3A_1232, %sub3A_1232 : vector<16xf32>
        %mul3A_1236 = arith.mulf %sub3A_1233, %sub3A_1233 : vector<16xf32>
        %add3A_1237 = arith.addf %mul3A_1235, %mul3A_1236 : vector<16xf32>
        %mul3A_1238 = arith.mulf %sub3A_1234, %sub3A_1234 : vector<16xf32>
        %add3A_1239 = arith.addf %add3A_1237, %mul3A_1238 : vector<16xf32>
        %le3A_1240 = arith.cmpf ole, %add3A_1239, %mul3A_3 : vector<16xf32>
        %and3A_1241 = arith.andi %lt3A_1224, %le3A_1240 : vector<16xi1>
        %select_n3A_1242 = arith.select %and3A_1218, %add3A_1216, %broadcast_in_dim3A_1117 : vector<16xi1>, vector<16xf32>
        %masked_sort3A = arith.constant dense<true> : vector<16xi1>
        %masked_sort3A_1243, %masked_sort3A_1244, %masked_sort3A_1245 = tpu.sort %select_n3A_1242, %gather3A_1205 masked %masked_sort3A : (vector<16xf32>, vector<16xi32>, vector<16xi1>) -> (vector<16xi1>, vector<16xf32>, vector<16xi32>)
        %get3A_1246 = arith.constant 0 : index
        %get3A_1247 = tpu.vector_load %arg38[%get3A_1246] {strides = array<i32>} : memref<16xf32, #tpu.memory_space<vmem>>, vector<16xf32>,
        %rev3A = arith.constant 15 : i32
        %rev3A_1248 = vector.broadcast %rev3A : i32 to vector<16xi32>
        %rev3A_1249 = tpu.iota {dimensions = array<i32: 0>} : vector<16xi32>
        %rev3A_1250 = arith.subi %rev3A_1248, %rev3A_1249 : vector<16xi32>
        %rev3A_1251 = tpu.dynamic_gather %get3A_1247[%rev3A_1250] in [0] : vector<16xf32>, vector<16xi32> -> vector<16xf32>
        %get3A_1252 = arith.constant 0 : index
        %get3A_1253 = tpu.vector_load %arg39[%get3A_1252] {strides = array<i32>} : memref<16xi32, #tpu.memory_space<vmem>>, vector<16xi32>,
        %rev3A_1254 = arith.constant 15 : i32
        %rev3A_1255 = vector.broadcast %rev3A_1254 : i32 to vector<16xi32>
        %rev3A_1256 = tpu.iota {dimensions = array<i32: 0>} : vector<16xi32>
        %rev3A_1257 = arith.subi %rev3A_1255, %rev3A_1256 : vector<16xi32>
        %rev3A_1258 = tpu.dynamic_gather %get3A_1253[%rev3A_1257] in [0] : vector<16xi32>, vector<16xi32> -> vector<16xi32>
        %lt3A_1259 = arith.cmpf olt, %masked_sort3A_1244, %rev3A_1251 : vector<16xf32>
        %min3A_1260 = arith.minimumf %masked_sort3A_1244, %rev3A_1251 : vector<16xf32>
        %select_n3A_1261 = arith.select %lt3A_1259, %masked_sort3A_1245, %rev3A_1258 : vector<16xi1>, vector<16xi32>
        %masked_sort3A_1262 = arith.constant dense<true> : vector<16xi1>
        %masked_sort3A_1263, %masked_sort3A_1264, %masked_sort3A_1265 = tpu.sort %min3A_1260, %select_n3A_1261 masked %masked_sort3A_1262 : (vector<16xf32>, vector<16xi32>, vector<16xi1>) -> (vector<16xi1>, vector<16xf32>, vector<16xi32>)
        %swap3A_1266 = arith.constant 0 : index
        %swap3A_1267 = tpu.vector_load %arg38[%swap3A_1266] {strides = array<i32>} : memref<16xf32, #tpu.memory_space<vmem>>, vector<16xf32>,
        tpu.vector_store %arg38[%swap3A_1266], %masked_sort3A_1264 {strides = array<i32>} : memref<16xf32, #tpu.memory_space<vmem>>, vector<16xf32>,
        %swap3A_1268 = arith.constant 0 : index
        %swap3A_1269 = tpu.vector_load %arg39[%swap3A_1268] {strides = array<i32>} : memref<16xi32, #tpu.memory_space<vmem>>, vector<16xi32>,
        tpu.vector_store %arg39[%swap3A_1268], %masked_sort3A_1265 {strides = array<i32>} : memref<16xi32, #tpu.memory_space<vmem>>, vector<16xi32>,
        %select_n3A_1270 = arith.select %and3A_1241, %add3A_1239, %broadcast_in_dim3A_1117 : vector<16xi1>, vector<16xf32>
        %masked_sort3A_1271 = arith.constant dense<true> : vector<16xi1>
        %masked_sort3A_1272, %masked_sort3A_1273, %masked_sort3A_1274 = tpu.sort %select_n3A_1270, %gather3A_1228 masked %masked_sort3A_1271 : (vector<16xf32>, vector<16xi32>, vector<16xi1>) -> (vector<16xi1>, vector<16xf32>, vector<16xi32>)
        %get3A_1275 = arith.constant 0 : index
        %get3A_1276 = tpu.vector_load %arg38[%get3A_1275] {strides = array<i32>} : memref<16xf32, #tpu.memory_space<vmem>>, vector<16xf32>,
        %rev3A_1277 = arith.constant 15 : i32
        %rev3A_1278 = vector.broadcast %rev3A_1277 : i32 to vector<16xi32>
        %rev3A_1279 = tpu.iota {dimensions = array<i32: 0>} : vector<16xi32>
        %rev3A_1280 = arith.subi %rev3A_1278, %rev3A_1279 : vector<16xi32>
        %rev3A_1281 = tpu.dynamic_gather %get3A_1276[%rev3A_1280] in [0] : vector<16xf32>, vector<16xi32> -> vector<16xf32>
        %get3A_1282 = arith.constant 0 : index
        %get3A_1283 = tpu.vector_load %arg39[%get3A_1282] {strides = array<i32>} : memref<16xi32, #tpu.memory_space<vmem>>, vector<16xi32>,
        %rev3A_1284 = arith.constant 15 : i32
        %rev3A_1285 = vector.broadcast %rev3A_1284 : i32 to vector<16xi32>
        %rev3A_1286 = tpu.iota {dimensions = array<i32: 0>} : vector<16xi32>
        %rev3A_1287 = arith.subi %rev3A_1285, %rev3A_1286 : vector<16xi32>
        %rev3A_1288 = tpu.dynamic_gather %get3A_1283[%rev3A_1287] in [0] : vector<16xi32>, vector<16xi32> -> vector<16xi32>
        %lt3A_1289 = arith.cmpf olt, %masked_sort3A_1273, %rev3A_1281 : vector<16xf32>
        %min3A_1290 = arith.minimumf %masked_sort3A_1273, %rev3A_1281 : vector<16xf32>
        %select_n3A_1291 = arith.select %lt3A_1289, %masked_sort3A_1274, %rev3A_1288 : vector<16xi1>, vector<16xi32>
        %masked_sort3A_1292 = arith.constant dense<true> : vector<16xi1>
        %masked_sort3A_1293, %masked_sort3A_1294, %masked_sort3A_1295 = tpu.sort %min3A_1290, %select_n3A_1291 masked %masked_sort3A_1292 : (vector<16xf32>, vector<16xi32>, vector<16xi1>) -> (vector<16xi1>, vector<16xf32>, vector<16xi32>)
        %swap3A_1296 = arith.constant 0 : index
        %swap3A_1297 = tpu.vector_load %arg38[%swap3A_1296] {strides = array<i32>} : memref<16xf32, #tpu.memory_space<vmem>>, vector<16xf32>,
        tpu.vector_store %arg38[%swap3A_1296], %masked_sort3A_1294 {strides = array<i32>} : memref<16xf32, #tpu.memory_space<vmem>>, vector<16xf32>,
        %swap3A_1298 = arith.constant 0 : index
        %swap3A_1299 = tpu.vector_load %arg39[%swap3A_1298] {strides = array<i32>} : memref<16xi32, #tpu.memory_space<vmem>>, vector<16xi32>,
        tpu.vector_store %arg39[%swap3A_1298], %masked_sort3A_1295 {strides = array<i32>} : memref<16xi32, #tpu.memory_space<vmem>>, vector<16xi32>,
        %add3A_1300 = arith.constant 32 : i32
        %add3A_1301 = arith.addi %while3A_1197, %add3A_1300 : i32
        scf.yield %add3A_1301 : i32
      }
      %get3A_1155 = arith.index_cast %scan3A_1133 : i32 to index
      %get3A_1156 = tpu.vector_load %arg35[%get3A_1155] {strides = array<i32>} : memref<144xi32, #tpu.memory_space<vmem>>, vector<16xi32>,
      %slice3A_1157 = vector.extract_strided_slice %get3A_1156 {offsets = [0], sizes = [1], strides = [1]} : vector<16xi32> to vector<1xi32>
      %squeeze3A_1158 = vector.extract %slice3A_1157[0] : i32 from vector<1xi32>
      %and3A_1159 = arith.constant 65535 : i32
      %and3A_1160 = arith.andi %squeeze3A_1158, %and3A_1159 : i32
      %shift_right_arithmetic3A_1161 = arith.constant 16 : i32
      %shift_right_arithmetic3A_1162 = arith.shrsi %squeeze3A_1158, %shift_right_arithmetic3A_1161 : i32
      %while3A_1163 = scf.while (%while3A_1197 = %and3A_1160) : (i32) -> i32 {
        %lt3A_1198 = arith.cmpi slt, %while3A_1197, %shift_right_arithmetic3A_1162 : i32
        scf.condition(%lt3A_1198) %while3A_1197 : i32
      } do {
      ^bb0(%while3A_1197: i32):
        %add3A_1198 = vector.broadcast %while3A_1197 : i32 to vector<16xi32>
        %add3A_1199 = arith.addi %add3A_1198, %iota3A : vector<16xi32>
        %lt3A_1200 = vector.broadcast %shift_right_arithmetic3A_1162 : i32 to vector<16xi32>
        %lt3A_1201 = arith.cmpi slt, %add3A_1199, %lt3A_1200 : vector<16xi32>
        %jit3A_1202 = arith.constant 0 : i32
        %broadcast_in_dim3A_1203 = vector.broadcast %jit3A_1202 : i32 to vector<16xi32>
        %select_n3A_1204 = arith.select %lt3A_1201, %add3A_1199, %broadcast_in_dim3A_1203 : vector<16xi1>, vector<16xi32>
        %gather3A_1205 = tpu.vector_load_idx %arg18[%select_n3A_1204] : memref<16384xi32, #tpu.memory_space<vmem>>[vector<16xi32>], vector<16xi32>,
        %gather3A_1206 = tpu.vector_load_idx %arg15[%gather3A_1205] : memref<16384xf32, #tpu.memory_space<vmem>>[vector<16xi32>], vector<16xf32>,
        %gather3A_1207 = tpu.vector_load_idx %arg16[%gather3A_1205] : memref<16384xf32, #tpu.memory_space<vmem>>[vector<16xi32>], vector<16xf32>,
        %gather3A_1208 = tpu.vector_load_idx %arg17[%gather3A_1205] : memref<16384xf32, #tpu.memory_space<vmem>>[vector<16xi32>], vector<16xf32>,
        %sub3A_1209 = arith.subf %gather3A_1206, %gather3A_1136 : vector<16xf32>
        %sub3A_1210 = arith.subf %gather3A_1207, %gather3A_1137 : vector<16xf32>
        %sub3A_1211 = arith.subf %gather3A_1208, %gather3A_1138 : vector<16xf32>
        %mul3A_1212 = arith.mulf %sub3A_1209, %sub3A_1209 : vector<16xf32>
        %mul3A_1213 = arith.mulf %sub3A_1210, %sub3A_1210 : vector<16xf32>
        %add3A_1214 = arith.addf %mul3A_1212, %mul3A_1213 : vector<16xf32>
        %mul3A_1215 = arith.mulf %sub3A_1211, %sub3A_1211 : vector<16xf32>
        %add3A_1216 = arith.addf %add3A_1214, %mul3A_1215 : vector<16xf32>
        %le3A_1217 = arith.cmpf ole, %add3A_1216, %mul3A_3 : vector<16xf32>
        %and3A_1218 = arith.andi %lt3A_1201, %le3A_1217 : vector<16xi1>
        %add3A_1219 = arith.constant 16 : i32
        %add3A_1220 = arith.addi %while3A_1197, %add3A_1219 : i32
        %add3A_1221 = vector.broadcast %add3A_1220 : i32 to vector<16xi32>
        %add3A_1222 = arith.addi %add3A_1221, %iota3A : vector<16xi32>
        %lt3A_1223 = vector.broadcast %shift_right_arithmetic3A_1162 : i32 to vector<16xi32>
        %lt3A_1224 = arith.cmpi slt, %add3A_1222, %lt3A_1223 : vector<16xi32>
        %jit3A_1225 = arith.constant 0 : i32
        %broadcast_in_dim3A_1226 = vector.broadcast %jit3A_1225 : i32 to vector<16xi32>
        %select_n3A_1227 = arith.select %lt3A_1224, %add3A_1222, %broadcast_in_dim3A_1226 : vector<16xi1>, vector<16xi32>
        %gather3A_1228 = tpu.vector_load_idx %arg18[%select_n3A_1227] : memref<16384xi32, #tpu.memory_space<vmem>>[vector<16xi32>], vector<16xi32>,
        %gather3A_1229 = tpu.vector_load_idx %arg15[%gather3A_1228] : memref<16384xf32, #tpu.memory_space<vmem>>[vector<16xi32>], vector<16xf32>,
        %gather3A_1230 = tpu.vector_load_idx %arg16[%gather3A_1228] : memref<16384xf32, #tpu.memory_space<vmem>>[vector<16xi32>], vector<16xf32>,
        %gather3A_1231 = tpu.vector_load_idx %arg17[%gather3A_1228] : memref<16384xf32, #tpu.memory_space<vmem>>[vector<16xi32>], vector<16xf32>,
        %sub3A_1232 = arith.subf %gather3A_1229, %gather3A_1136 : vector<16xf32>
        %sub3A_1233 = arith.subf %gather3A_1230, %gather3A_1137 : vector<16xf32>
        %sub3A_1234 = arith.subf %gather3A_1231, %gather3A_1138 : vector<16xf32>
        %mul3A_1235 = arith.mulf %sub3A_1232, %sub3A_1232 : vector<16xf32>
        %mul3A_1236 = arith.mulf %sub3A_1233, %sub3A_1233 : vector<16xf32>
        %add3A_1237 = arith.addf %mul3A_1235, %mul3A_1236 : vector<16xf32>
        %mul3A_1238 = arith.mulf %sub3A_1234, %sub3A_1234 : vector<16xf32>
        %add3A_1239 = arith.addf %add3A_1237, %mul3A_1238 : vector<16xf32>
        %le3A_1240 = arith.cmpf ole, %add3A_1239, %mul3A_3 : vector<16xf32>
        %and3A_1241 = arith.andi %lt3A_1224, %le3A_1240 : vector<16xi1>
        %select_n3A_1242 = arith.select %and3A_1218, %add3A_1216, %broadcast_in_dim3A_1117 : vector<16xi1>, vector<16xf32>
        %masked_sort3A = arith.constant dense<true> : vector<16xi1>
        %masked_sort3A_1243, %masked_sort3A_1244, %masked_sort3A_1245 = tpu.sort %select_n3A_1242, %gather3A_1205 masked %masked_sort3A : (vector<16xf32>, vector<16xi32>, vector<16xi1>) -> (vector<16xi1>, vector<16xf32>, vector<16xi32>)
        %get3A_1246 = arith.constant 0 : index
        %get3A_1247 = tpu.vector_load %arg38[%get3A_1246] {strides = array<i32>} : memref<16xf32, #tpu.memory_space<vmem>>, vector<16xf32>,
        %rev3A = arith.constant 15 : i32
        %rev3A_1248 = vector.broadcast %rev3A : i32 to vector<16xi32>
        %rev3A_1249 = tpu.iota {dimensions = array<i32: 0>} : vector<16xi32>
        %rev3A_1250 = arith.subi %rev3A_1248, %rev3A_1249 : vector<16xi32>
        %rev3A_1251 = tpu.dynamic_gather %get3A_1247[%rev3A_1250] in [0] : vector<16xf32>, vector<16xi32> -> vector<16xf32>
        %get3A_1252 = arith.constant 0 : index
        %get3A_1253 = tpu.vector_load %arg39[%get3A_1252] {strides = array<i32>} : memref<16xi32, #tpu.memory_space<vmem>>, vector<16xi32>,
        %rev3A_1254 = arith.constant 15 : i32
        %rev3A_1255 = vector.broadcast %rev3A_1254 : i32 to vector<16xi32>
        %rev3A_1256 = tpu.iota {dimensions = array<i32: 0>} : vector<16xi32>
        %rev3A_1257 = arith.subi %rev3A_1255, %rev3A_1256 : vector<16xi32>
        %rev3A_1258 = tpu.dynamic_gather %get3A_1253[%rev3A_1257] in [0] : vector<16xi32>, vector<16xi32> -> vector<16xi32>
        %lt3A_1259 = arith.cmpf olt, %masked_sort3A_1244, %rev3A_1251 : vector<16xf32>
        %min3A_1260 = arith.minimumf %masked_sort3A_1244, %rev3A_1251 : vector<16xf32>
        %select_n3A_1261 = arith.select %lt3A_1259, %masked_sort3A_1245, %rev3A_1258 : vector<16xi1>, vector<16xi32>
        %masked_sort3A_1262 = arith.constant dense<true> : vector<16xi1>
        %masked_sort3A_1263, %masked_sort3A_1264, %masked_sort3A_1265 = tpu.sort %min3A_1260, %select_n3A_1261 masked %masked_sort3A_1262 : (vector<16xf32>, vector<16xi32>, vector<16xi1>) -> (vector<16xi1>, vector<16xf32>, vector<16xi32>)
        %swap3A_1266 = arith.constant 0 : index
        %swap3A_1267 = tpu.vector_load %arg38[%swap3A_1266] {strides = array<i32>} : memref<16xf32, #tpu.memory_space<vmem>>, vector<16xf32>,
        tpu.vector_store %arg38[%swap3A_1266], %masked_sort3A_1264 {strides = array<i32>} : memref<16xf32, #tpu.memory_space<vmem>>, vector<16xf32>,
        %swap3A_1268 = arith.constant 0 : index
        %swap3A_1269 = tpu.vector_load %arg39[%swap3A_1268] {strides = array<i32>} : memref<16xi32, #tpu.memory_space<vmem>>, vector<16xi32>,
        tpu.vector_store %arg39[%swap3A_1268], %masked_sort3A_1265 {strides = array<i32>} : memref<16xi32, #tpu.memory_space<vmem>>, vector<16xi32>,
        %select_n3A_1270 = arith.select %and3A_1241, %add3A_1239, %broadcast_in_dim3A_1117 : vector<16xi1>, vector<16xf32>
        %masked_sort3A_1271 = arith.constant dense<true> : vector<16xi1>
        %masked_sort3A_1272, %masked_sort3A_1273, %masked_sort3A_1274 = tpu.sort %select_n3A_1270, %gather3A_1228 masked %masked_sort3A_1271 : (vector<16xf32>, vector<16xi32>, vector<16xi1>) -> (vector<16xi1>, vector<16xf32>, vector<16xi32>)
        %get3A_1275 = arith.constant 0 : index
        %get3A_1276 = tpu.vector_load %arg38[%get3A_1275] {strides = array<i32>} : memref<16xf32, #tpu.memory_space<vmem>>, vector<16xf32>,
        %rev3A_1277 = arith.constant 15 : i32
        %rev3A_1278 = vector.broadcast %rev3A_1277 : i32 to vector<16xi32>
        %rev3A_1279 = tpu.iota {dimensions = array<i32: 0>} : vector<16xi32>
        %rev3A_1280 = arith.subi %rev3A_1278, %rev3A_1279 : vector<16xi32>
        %rev3A_1281 = tpu.dynamic_gather %get3A_1276[%rev3A_1280] in [0] : vector<16xf32>, vector<16xi32> -> vector<16xf32>
        %get3A_1282 = arith.constant 0 : index
        %get3A_1283 = tpu.vector_load %arg39[%get3A_1282] {strides = array<i32>} : memref<16xi32, #tpu.memory_space<vmem>>, vector<16xi32>,
        %rev3A_1284 = arith.constant 15 : i32
        %rev3A_1285 = vector.broadcast %rev3A_1284 : i32 to vector<16xi32>
        %rev3A_1286 = tpu.iota {dimensions = array<i32: 0>} : vector<16xi32>
        %rev3A_1287 = arith.subi %rev3A_1285, %rev3A_1286 : vector<16xi32>
        %rev3A_1288 = tpu.dynamic_gather %get3A_1283[%rev3A_1287] in [0] : vector<16xi32>, vector<16xi32> -> vector<16xi32>
        %lt3A_1289 = arith.cmpf olt, %masked_sort3A_1273, %rev3A_1281 : vector<16xf32>
        %min3A_1290 = arith.minimumf %masked_sort3A_1273, %rev3A_1281 : vector<16xf32>
        %select_n3A_1291 = arith.select %lt3A_1289, %masked_sort3A_1274, %rev3A_1288 : vector<16xi1>, vector<16xi32>
        %masked_sort3A_1292 = arith.constant dense<true> : vector<16xi1>
        %masked_sort3A_1293, %masked_sort3A_1294, %masked_sort3A_1295 = tpu.sort %min3A_1290, %select_n3A_1291 masked %masked_sort3A_1292 : (vector<16xf32>, vector<16xi32>, vector<16xi1>) -> (vector<16xi1>, vector<16xf32>, vector<16xi32>)
        %swap3A_1296 = arith.constant 0 : index
        %swap3A_1297 = tpu.vector_load %arg38[%swap3A_1296] {strides = array<i32>} : memref<16xf32, #tpu.memory_space<vmem>>, vector<16xf32>,
        tpu.vector_store %arg38[%swap3A_1296], %masked_sort3A_1294 {strides = array<i32>} : memref<16xf32, #tpu.memory_space<vmem>>, vector<16xf32>,
        %swap3A_1298 = arith.constant 0 : index
        %swap3A_1299 = tpu.vector_load %arg39[%swap3A_1298] {strides = array<i32>} : memref<16xi32, #tpu.memory_space<vmem>>, vector<16xi32>,
        tpu.vector_store %arg39[%swap3A_1298], %masked_sort3A_1295 {strides = array<i32>} : memref<16xi32, #tpu.memory_space<vmem>>, vector<16xi32>,
        %add3A_1300 = arith.constant 32 : i32
        %add3A_1301 = arith.addi %while3A_1197, %add3A_1300 : i32
        scf.yield %add3A_1301 : i32
      }
      %get3A_1164 = arith.index_cast %scan3A_1133 : i32 to index
      %get3A_1165 = tpu.vector_load %arg29[%get3A_1164] {strides = array<i32>} : memref<144xi32, #tpu.memory_space<vmem>>, vector<16xi32>,
      %slice3A_1166 = vector.extract_strided_slice %get3A_1165 {offsets = [0], sizes = [1], strides = [1]} : vector<16xi32> to vector<1xi32>
      %squeeze3A_1167 = vector.extract %slice3A_1166[0] : i32 from vector<1xi32>
      %get3A_1168 = arith.index_cast %scan3A_1133 : i32 to index
      %get3A_1169 = tpu.vector_load %arg30[%get3A_1168] {strides = array<i32>} : memref<144xi32, #tpu.memory_space<vmem>>, vector<16xi32>,
      %slice3A_1170 = vector.extract_strided_slice %get3A_1169 {offsets = [0], sizes = [1], strides = [1]} : vector<16xi32> to vector<1xi32>
      %squeeze3A_1171 = vector.extract %slice3A_1170[0] : i32 from vector<1xi32>
      %sub3A_1172 = arith.subi %squeeze3A_1171, %squeeze3A_1167 : i32
      %gt3A = arith.constant 2 : i32
      %gt3A_1173 = arith.cmpi sgt, %sub3A_1172, %gt3A : i32
      %convert_element_type3A_1174 = arith.extui %gt3A_1173 : i1 to i32
      %cond3A = arith.constant 0 : i32
      %cond3A_1175 = arith.cmpi ne, %convert_element_type3A_1174, %cond3A : i32
      scf.if %cond3A_1175 {
        %get3A_1197 = arith.index_cast %scan3A_1133 : i32 to index
        %get3A_1198 = tpu.vector_load %arg31[%get3A_1197] {strides = array<i32>} : memref<144xi32, #tpu.memory_space<vmem>>, vector<16xi32>,
        %slice3A_1199 = vector.extract_strided_slice %get3A_1198 {offsets = [0], sizes = [1], strides = [1]} : vector<16xi32> to vector<1xi32>
        %squeeze3A_1200 = vector.extract %slice3A_1199[0] : i32 from vector<1xi32>
        %get3A_1201 = arith.index_cast %scan3A_1133 : i32 to index
        %get3A_1202 = tpu.vector_load %arg32[%get3A_1201] {strides = array<i32>} : memref<144xi32, #tpu.memory_space<vmem>>, vector<16xi32>,
        %slice3A_1203 = vector.extract_strided_slice %get3A_1202 {offsets = [0], sizes = [1], strides = [1]} : vector<16xi32> to vector<1xi32>
        %squeeze3A_1204 = vector.extract %slice3A_1203[0] : i32 from vector<1xi32>
        %add3A_1205 = arith.constant 3 : i32
        %add3A_1206 = arith.addi %squeeze3A_1167, %add3A_1205 : i32
        %add3A_1207 = arith.constant 1 : i32
        %add3A_1208 = arith.addi %squeeze3A_1171, %add3A_1207 : i32
        %while3A_1209 = arith.constant 0 : i32
        %while3A_1210 = arith.subi %add3A_1208, %add3A_1206 : i32
        %while3A_1211 = arith.addi %add3A_1206, %while3A_1210 : i32
        %while3A_1212 = arith.constant 1 : i32
        %while3A_1213 = arith.divsi %while3A_1210, %while3A_1212 : i32
        %while3A_1214 = arith.muli %while3A_1213, %while3A_1212 : i32
        %while3A_1215 = arith.addi %add3A_1206, %while3A_1214 : i32
        %while3A_1216 = arith.constant 1 : i32
        %while3A_1217 = scf.for %while3A_1220 = %add3A_1206 to %while3A_1215 step %while3A_1216 iter_args(%while3A_1221 = %while3A_1209) -> (i32)  : i32 {
          %mul3A_1222 = arith.constant 20 : i32
          %mul3A_1223 = arith.muli %while3A_1220, %mul3A_1222 : i32
          %add3A_1224 = arith.addi %squeeze3A_1200, %mul3A_1223 : i32
          %get3A_1225 = arith.index_cast %add3A_1224 : i32 to index
          %get3A_1226 = tpu.vector_load %arg22[%get3A_1225] {strides = array<i32>} : memref<1664xi32, #tpu.memory_space<vmem>>, vector<16xi32>,
          %slice3A_1227 = vector.extract_strided_slice %get3A_1226 {offsets = [0], sizes = [1], strides = [1]} : vector<16xi32> to vector<1xi32>
          %squeeze3A_1228 = vector.extract %slice3A_1227[0] : i32 from vector<1xi32>
          %add3A_1229 = arith.addi %add3A_1224, %squeeze3A_1204 : i32
          %get3A_1230 = arith.index_cast %add3A_1229 : i32 to index
          %get3A_1231 = tpu.vector_load %arg22[%get3A_1230] {strides = array<i32>} : memref<1664xi32, #tpu.memory_space<vmem>>, vector<16xi32>,
          %slice3A_1232 = vector.extract_strided_slice %get3A_1231 {offsets = [0], sizes = [1], strides = [1]} : vector<16xi32> to vector<1xi32>
          %squeeze3A_1233 = vector.extract %slice3A_1232[0] : i32 from vector<1xi32>
          %while3A_1234 = scf.while (%while3A_1236 = %squeeze3A_1228) : (i32) -> i32 {
            %lt3A_1237 = arith.cmpi slt, %while3A_1236, %squeeze3A_1233 : i32
            scf.condition(%lt3A_1237) %while3A_1236 : i32
          } do {
          ^bb0(%while3A_1236: i32):
            %add3A_1237 = vector.broadcast %while3A_1236 : i32 to vector<16xi32>
            %add3A_1238 = arith.addi %add3A_1237, %iota3A : vector<16xi32>
            %lt3A_1239 = vector.broadcast %squeeze3A_1233 : i32 to vector<16xi32>
            %lt3A_1240 = arith.cmpi slt, %add3A_1238, %lt3A_1239 : vector<16xi32>
            %jit3A_1241 = arith.constant 0 : i32
            %broadcast_in_dim3A_1242 = vector.broadcast %jit3A_1241 : i32 to vector<16xi32>
            %select_n3A_1243 = arith.select %lt3A_1240, %add3A_1238, %broadcast_in_dim3A_1242 : vector<16xi1>, vector<16xi32>
            %gather3A_1244 = tpu.vector_load_idx %arg18[%select_n3A_1243] : memref<16384xi32, #tpu.memory_space<vmem>>[vector<16xi32>], vector<16xi32>,
            %gather3A_1245 = tpu.vector_load_idx %arg15[%gather3A_1244] : memref<16384xf32, #tpu.memory_space<vmem>>[vector<16xi32>], vector<16xf32>,
            %gather3A_1246 = tpu.vector_load_idx %arg16[%gather3A_1244] : memref<16384xf32, #tpu.memory_space<vmem>>[vector<16xi32>], vector<16xf32>,
            %gather3A_1247 = tpu.vector_load_idx %arg17[%gather3A_1244] : memref<16384xf32, #tpu.memory_space<vmem>>[vector<16xi32>], vector<16xf32>,
            %sub3A_1248 = arith.subf %gather3A_1245, %gather3A_1136 : vector<16xf32>
            %sub3A_1249 = arith.subf %gather3A_1246, %gather3A_1137 : vector<16xf32>
            %sub3A_1250 = arith.subf %gather3A_1247, %gather3A_1138 : vector<16xf32>
            %mul3A_1251 = arith.mulf %sub3A_1248, %sub3A_1248 : vector<16xf32>
            %mul3A_1252 = arith.mulf %sub3A_1249, %sub3A_1249 : vector<16xf32>
            %add3A_1253 = arith.addf %mul3A_1251, %mul3A_1252 : vector<16xf32>
            %mul3A_1254 = arith.mulf %sub3A_1250, %sub3A_1250 : vector<16xf32>
            %add3A_1255 = arith.addf %add3A_1253, %mul3A_1254 : vector<16xf32>
            %le3A_1256 = arith.cmpf ole, %add3A_1255, %mul3A_3 : vector<16xf32>
            %and3A_1257 = arith.andi %lt3A_1240, %le3A_1256 : vector<16xi1>
            %add3A_1258 = arith.constant 16 : i32
            %add3A_1259 = arith.addi %while3A_1236, %add3A_1258 : i32
            %add3A_1260 = vector.broadcast %add3A_1259 : i32 to vector<16xi32>
            %add3A_1261 = arith.addi %add3A_1260, %iota3A : vector<16xi32>
            %lt3A_1262 = vector.broadcast %squeeze3A_1233 : i32 to vector<16xi32>
            %lt3A_1263 = arith.cmpi slt, %add3A_1261, %lt3A_1262 : vector<16xi32>
            %jit3A_1264 = arith.constant 0 : i32
            %broadcast_in_dim3A_1265 = vector.broadcast %jit3A_1264 : i32 to vector<16xi32>
            %select_n3A_1266 = arith.select %lt3A_1263, %add3A_1261, %broadcast_in_dim3A_1265 : vector<16xi1>, vector<16xi32>
            %gather3A_1267 = tpu.vector_load_idx %arg18[%select_n3A_1266] : memref<16384xi32, #tpu.memory_space<vmem>>[vector<16xi32>], vector<16xi32>,
            %gather3A_1268 = tpu.vector_load_idx %arg15[%gather3A_1267] : memref<16384xf32, #tpu.memory_space<vmem>>[vector<16xi32>], vector<16xf32>,
            %gather3A_1269 = tpu.vector_load_idx %arg16[%gather3A_1267] : memref<16384xf32, #tpu.memory_space<vmem>>[vector<16xi32>], vector<16xf32>,
            %gather3A_1270 = tpu.vector_load_idx %arg17[%gather3A_1267] : memref<16384xf32, #tpu.memory_space<vmem>>[vector<16xi32>], vector<16xf32>,
            %sub3A_1271 = arith.subf %gather3A_1268, %gather3A_1136 : vector<16xf32>
            %sub3A_1272 = arith.subf %gather3A_1269, %gather3A_1137 : vector<16xf32>
            %sub3A_1273 = arith.subf %gather3A_1270, %gather3A_1138 : vector<16xf32>
            %mul3A_1274 = arith.mulf %sub3A_1271, %sub3A_1271 : vector<16xf32>
            %mul3A_1275 = arith.mulf %sub3A_1272, %sub3A_1272 : vector<16xf32>
            %add3A_1276 = arith.addf %mul3A_1274, %mul3A_1275 : vector<16xf32>
            %mul3A_1277 = arith.mulf %sub3A_1273, %sub3A_1273 : vector<16xf32>
            %add3A_1278 = arith.addf %add3A_1276, %mul3A_1277 : vector<16xf32>
            %le3A_1279 = arith.cmpf ole, %add3A_1278, %mul3A_3 : vector<16xf32>
            %and3A_1280 = arith.andi %lt3A_1263, %le3A_1279 : vector<16xi1>
            %select_n3A_1281 = arith.select %and3A_1257, %add3A_1255, %broadcast_in_dim3A_1117 : vector<16xi1>, vector<16xf32>
            %masked_sort3A = arith.constant dense<true> : vector<16xi1>
            %masked_sort3A_1282, %masked_sort3A_1283, %masked_sort3A_1284 = tpu.sort %select_n3A_1281, %gather3A_1244 masked %masked_sort3A : (vector<16xf32>, vector<16xi32>, vector<16xi1>) -> (vector<16xi1>, vector<16xf32>, vector<16xi32>)
            %get3A_1285 = arith.constant 0 : index
            %get3A_1286 = tpu.vector_load %arg38[%get3A_1285] {strides = array<i32>} : memref<16xf32, #tpu.memory_space<vmem>>, vector<16xf32>,
            %rev3A = arith.constant 15 : i32
            %rev3A_1287 = vector.broadcast %rev3A : i32 to vector<16xi32>
            %rev3A_1288 = tpu.iota {dimensions = array<i32: 0>} : vector<16xi32>
            %rev3A_1289 = arith.subi %rev3A_1287, %rev3A_1288 : vector<16xi32>
            %rev3A_1290 = tpu.dynamic_gather %get3A_1286[%rev3A_1289] in [0] : vector<16xf32>, vector<16xi32> -> vector<16xf32>
            %get3A_1291 = arith.constant 0 : index
            %get3A_1292 = tpu.vector_load %arg39[%get3A_1291] {strides = array<i32>} : memref<16xi32, #tpu.memory_space<vmem>>, vector<16xi32>,
            %rev3A_1293 = arith.constant 15 : i32
            %rev3A_1294 = vector.broadcast %rev3A_1293 : i32 to vector<16xi32>
            %rev3A_1295 = tpu.iota {dimensions = array<i32: 0>} : vector<16xi32>
            %rev3A_1296 = arith.subi %rev3A_1294, %rev3A_1295 : vector<16xi32>
            %rev3A_1297 = tpu.dynamic_gather %get3A_1292[%rev3A_1296] in [0] : vector<16xi32>, vector<16xi32> -> vector<16xi32>
            %lt3A_1298 = arith.cmpf olt, %masked_sort3A_1283, %rev3A_1290 : vector<16xf32>
            %min3A_1299 = arith.minimumf %masked_sort3A_1283, %rev3A_1290 : vector<16xf32>
            %select_n3A_1300 = arith.select %lt3A_1298, %masked_sort3A_1284, %rev3A_1297 : vector<16xi1>, vector<16xi32>
            %masked_sort3A_1301 = arith.constant dense<true> : vector<16xi1>
            %masked_sort3A_1302, %masked_sort3A_1303, %masked_sort3A_1304 = tpu.sort %min3A_1299, %select_n3A_1300 masked %masked_sort3A_1301 : (vector<16xf32>, vector<16xi32>, vector<16xi1>) -> (vector<16xi1>, vector<16xf32>, vector<16xi32>)
            %swap3A_1305 = arith.constant 0 : index
            %swap3A_1306 = tpu.vector_load %arg38[%swap3A_1305] {strides = array<i32>} : memref<16xf32, #tpu.memory_space<vmem>>, vector<16xf32>,
            tpu.vector_store %arg38[%swap3A_1305], %masked_sort3A_1303 {strides = array<i32>} : memref<16xf32, #tpu.memory_space<vmem>>, vector<16xf32>,
            %swap3A_1307 = arith.constant 0 : index
            %swap3A_1308 = tpu.vector_load %arg39[%swap3A_1307] {strides = array<i32>} : memref<16xi32, #tpu.memory_space<vmem>>, vector<16xi32>,
            tpu.vector_store %arg39[%swap3A_1307], %masked_sort3A_1304 {strides = array<i32>} : memref<16xi32, #tpu.memory_space<vmem>>, vector<16xi32>,
            %select_n3A_1309 = arith.select %and3A_1280, %add3A_1278, %broadcast_in_dim3A_1117 : vector<16xi1>, vector<16xf32>
            %masked_sort3A_1310 = arith.constant dense<true> : vector<16xi1>
            %masked_sort3A_1311, %masked_sort3A_1312, %masked_sort3A_1313 = tpu.sort %select_n3A_1309, %gather3A_1267 masked %masked_sort3A_1310 : (vector<16xf32>, vector<16xi32>, vector<16xi1>) -> (vector<16xi1>, vector<16xf32>, vector<16xi32>)
            %get3A_1314 = arith.constant 0 : index
            %get3A_1315 = tpu.vector_load %arg38[%get3A_1314] {strides = array<i32>} : memref<16xf32, #tpu.memory_space<vmem>>, vector<16xf32>,
            %rev3A_1316 = arith.constant 15 : i32
            %rev3A_1317 = vector.broadcast %rev3A_1316 : i32 to vector<16xi32>
            %rev3A_1318 = tpu.iota {dimensions = array<i32: 0>} : vector<16xi32>
            %rev3A_1319 = arith.subi %rev3A_1317, %rev3A_1318 : vector<16xi32>
            %rev3A_1320 = tpu.dynamic_gather %get3A_1315[%rev3A_1319] in [0] : vector<16xf32>, vector<16xi32> -> vector<16xf32>
            %get3A_1321 = arith.constant 0 : index
            %get3A_1322 = tpu.vector_load %arg39[%get3A_1321] {strides = array<i32>} : memref<16xi32, #tpu.memory_space<vmem>>, vector<16xi32>,
            %rev3A_1323 = arith.constant 15 : i32
            %rev3A_1324 = vector.broadcast %rev3A_1323 : i32 to vector<16xi32>
            %rev3A_1325 = tpu.iota {dimensions = array<i32: 0>} : vector<16xi32>
            %rev3A_1326 = arith.subi %rev3A_1324, %rev3A_1325 : vector<16xi32>
            %rev3A_1327 = tpu.dynamic_gather %get3A_1322[%rev3A_1326] in [0] : vector<16xi32>, vector<16xi32> -> vector<16xi32>
            %lt3A_1328 = arith.cmpf olt, %masked_sort3A_1312, %rev3A_1320 : vector<16xf32>
            %min3A_1329 = arith.minimumf %masked_sort3A_1312, %rev3A_1320 : vector<16xf32>
            %select_n3A_1330 = arith.select %lt3A_1328, %masked_sort3A_1313, %rev3A_1327 : vector<16xi1>, vector<16xi32>
            %masked_sort3A_1331 = arith.constant dense<true> : vector<16xi1>
            %masked_sort3A_1332, %masked_sort3A_1333, %masked_sort3A_1334 = tpu.sort %min3A_1329, %select_n3A_1330 masked %masked_sort3A_1331 : (vector<16xf32>, vector<16xi32>, vector<16xi1>) -> (vector<16xi1>, vector<16xf32>, vector<16xi32>)
            %swap3A_1335 = arith.constant 0 : index
            %swap3A_1336 = tpu.vector_load %arg38[%swap3A_1335] {strides = array<i32>} : memref<16xf32, #tpu.memory_space<vmem>>, vector<16xf32>,
            tpu.vector_store %arg38[%swap3A_1335], %masked_sort3A_1333 {strides = array<i32>} : memref<16xf32, #tpu.memory_space<vmem>>, vector<16xf32>,
            %swap3A_1337 = arith.constant 0 : index
            %swap3A_1338 = tpu.vector_load %arg39[%swap3A_1337] {strides = array<i32>} : memref<16xi32, #tpu.memory_space<vmem>>, vector<16xi32>,
            tpu.vector_store %arg39[%swap3A_1337], %masked_sort3A_1334 {strides = array<i32>} : memref<16xi32, #tpu.memory_space<vmem>>, vector<16xi32>,
            %add3A_1339 = arith.constant 32 : i32
            %add3A_1340 = arith.addi %while3A_1236, %add3A_1339 : i32
            scf.yield %add3A_1340 : i32
          }
          %while3A_1235 = arith.constant 0 : i32
          scf.yield %while3A_1235 : i32
        }
        %while3A_1218 = arith.constant 1 : i32
        %while3A_1219 = scf.for %while3A_1220 = %while3A_1215 to %while3A_1211 step %while3A_1218 iter_args(%while3A_1221 = %while3A_1217) -> (i32)  : i32 {
          %mul3A_1222 = arith.constant 20 : i32
          %mul3A_1223 = arith.muli %while3A_1220, %mul3A_1222 : i32
          %add3A_1224 = arith.addi %squeeze3A_1200, %mul3A_1223 : i32
          %get3A_1225 = arith.index_cast %add3A_1224 : i32 to index
          %get3A_1226 = tpu.vector_load %arg22[%get3A_1225] {strides = array<i32>} : memref<1664xi32, #tpu.memory_space<vmem>>, vector<16xi32>,
          %slice3A_1227 = vector.extract_strided_slice %get3A_1226 {offsets = [0], sizes = [1], strides = [1]} : vector<16xi32> to vector<1xi32>
          %squeeze3A_1228 = vector.extract %slice3A_1227[0] : i32 from vector<1xi32>
          %add3A_1229 = arith.addi %add3A_1224, %squeeze3A_1204 : i32
          %get3A_1230 = arith.index_cast %add3A_1229 : i32 to index
          %get3A_1231 = tpu.vector_load %arg22[%get3A_1230] {strides = array<i32>} : memref<1664xi32, #tpu.memory_space<vmem>>, vector<16xi32>,
          %slice3A_1232 = vector.extract_strided_slice %get3A_1231 {offsets = [0], sizes = [1], strides = [1]} : vector<16xi32> to vector<1xi32>
          %squeeze3A_1233 = vector.extract %slice3A_1232[0] : i32 from vector<1xi32>
          %while3A_1234 = scf.while (%while3A_1236 = %squeeze3A_1228) : (i32) -> i32 {
            %lt3A_1237 = arith.cmpi slt, %while3A_1236, %squeeze3A_1233 : i32
            scf.condition(%lt3A_1237) %while3A_1236 : i32
          } do {
          ^bb0(%while3A_1236: i32):
            %add3A_1237 = vector.broadcast %while3A_1236 : i32 to vector<16xi32>
            %add3A_1238 = arith.addi %add3A_1237, %iota3A : vector<16xi32>
            %lt3A_1239 = vector.broadcast %squeeze3A_1233 : i32 to vector<16xi32>
            %lt3A_1240 = arith.cmpi slt, %add3A_1238, %lt3A_1239 : vector<16xi32>
            %jit3A_1241 = arith.constant 0 : i32
            %broadcast_in_dim3A_1242 = vector.broadcast %jit3A_1241 : i32 to vector<16xi32>
            %select_n3A_1243 = arith.select %lt3A_1240, %add3A_1238, %broadcast_in_dim3A_1242 : vector<16xi1>, vector<16xi32>
            %gather3A_1244 = tpu.vector_load_idx %arg18[%select_n3A_1243] : memref<16384xi32, #tpu.memory_space<vmem>>[vector<16xi32>], vector<16xi32>,
            %gather3A_1245 = tpu.vector_load_idx %arg15[%gather3A_1244] : memref<16384xf32, #tpu.memory_space<vmem>>[vector<16xi32>], vector<16xf32>,
            %gather3A_1246 = tpu.vector_load_idx %arg16[%gather3A_1244] : memref<16384xf32, #tpu.memory_space<vmem>>[vector<16xi32>], vector<16xf32>,
            %gather3A_1247 = tpu.vector_load_idx %arg17[%gather3A_1244] : memref<16384xf32, #tpu.memory_space<vmem>>[vector<16xi32>], vector<16xf32>,
            %sub3A_1248 = arith.subf %gather3A_1245, %gather3A_1136 : vector<16xf32>
            %sub3A_1249 = arith.subf %gather3A_1246, %gather3A_1137 : vector<16xf32>
            %sub3A_1250 = arith.subf %gather3A_1247, %gather3A_1138 : vector<16xf32>
            %mul3A_1251 = arith.mulf %sub3A_1248, %sub3A_1248 : vector<16xf32>
            %mul3A_1252 = arith.mulf %sub3A_1249, %sub3A_1249 : vector<16xf32>
            %add3A_1253 = arith.addf %mul3A_1251, %mul3A_1252 : vector<16xf32>
            %mul3A_1254 = arith.mulf %sub3A_1250, %sub3A_1250 : vector<16xf32>
            %add3A_1255 = arith.addf %add3A_1253, %mul3A_1254 : vector<16xf32>
            %le3A_1256 = arith.cmpf ole, %add3A_1255, %mul3A_3 : vector<16xf32>
            %and3A_1257 = arith.andi %lt3A_1240, %le3A_1256 : vector<16xi1>
            %add3A_1258 = arith.constant 16 : i32
            %add3A_1259 = arith.addi %while3A_1236, %add3A_1258 : i32
            %add3A_1260 = vector.broadcast %add3A_1259 : i32 to vector<16xi32>
            %add3A_1261 = arith.addi %add3A_1260, %iota3A : vector<16xi32>
            %lt3A_1262 = vector.broadcast %squeeze3A_1233 : i32 to vector<16xi32>
            %lt3A_1263 = arith.cmpi slt, %add3A_1261, %lt3A_1262 : vector<16xi32>
            %jit3A_1264 = arith.constant 0 : i32
            %broadcast_in_dim3A_1265 = vector.broadcast %jit3A_1264 : i32 to vector<16xi32>
            %select_n3A_1266 = arith.select %lt3A_1263, %add3A_1261, %broadcast_in_dim3A_1265 : vector<16xi1>, vector<16xi32>
            %gather3A_1267 = tpu.vector_load_idx %arg18[%select_n3A_1266] : memref<16384xi32, #tpu.memory_space<vmem>>[vector<16xi32>], vector<16xi32>,
            %gather3A_1268 = tpu.vector_load_idx %arg15[%gather3A_1267] : memref<16384xf32, #tpu.memory_space<vmem>>[vector<16xi32>], vector<16xf32>,
            %gather3A_1269 = tpu.vector_load_idx %arg16[%gather3A_1267] : memref<16384xf32, #tpu.memory_space<vmem>>[vector<16xi32>], vector<16xf32>,
            %gather3A_1270 = tpu.vector_load_idx %arg17[%gather3A_1267] : memref<16384xf32, #tpu.memory_space<vmem>>[vector<16xi32>], vector<16xf32>,
            %sub3A_1271 = arith.subf %gather3A_1268, %gather3A_1136 : vector<16xf32>
            %sub3A_1272 = arith.subf %gather3A_1269, %gather3A_1137 : vector<16xf32>
            %sub3A_1273 = arith.subf %gather3A_1270, %gather3A_1138 : vector<16xf32>
            %mul3A_1274 = arith.mulf %sub3A_1271, %sub3A_1271 : vector<16xf32>
            %mul3A_1275 = arith.mulf %sub3A_1272, %sub3A_1272 : vector<16xf32>
            %add3A_1276 = arith.addf %mul3A_1274, %mul3A_1275 : vector<16xf32>
            %mul3A_1277 = arith.mulf %sub3A_1273, %sub3A_1273 : vector<16xf32>
            %add3A_1278 = arith.addf %add3A_1276, %mul3A_1277 : vector<16xf32>
            %le3A_1279 = arith.cmpf ole, %add3A_1278, %mul3A_3 : vector<16xf32>
            %and3A_1280 = arith.andi %lt3A_1263, %le3A_1279 : vector<16xi1>
            %select_n3A_1281 = arith.select %and3A_1257, %add3A_1255, %broadcast_in_dim3A_1117 : vector<16xi1>, vector<16xf32>
            %masked_sort3A = arith.constant dense<true> : vector<16xi1>
            %masked_sort3A_1282, %masked_sort3A_1283, %masked_sort3A_1284 = tpu.sort %select_n3A_1281, %gather3A_1244 masked %masked_sort3A : (vector<16xf32>, vector<16xi32>, vector<16xi1>) -> (vector<16xi1>, vector<16xf32>, vector<16xi32>)
            %get3A_1285 = arith.constant 0 : index
            %get3A_1286 = tpu.vector_load %arg38[%get3A_1285] {strides = array<i32>} : memref<16xf32, #tpu.memory_space<vmem>>, vector<16xf32>,
            %rev3A = arith.constant 15 : i32
            %rev3A_1287 = vector.broadcast %rev3A : i32 to vector<16xi32>
            %rev3A_1288 = tpu.iota {dimensions = array<i32: 0>} : vector<16xi32>
            %rev3A_1289 = arith.subi %rev3A_1287, %rev3A_1288 : vector<16xi32>
            %rev3A_1290 = tpu.dynamic_gather %get3A_1286[%rev3A_1289] in [0] : vector<16xf32>, vector<16xi32> -> vector<16xf32>
            %get3A_1291 = arith.constant 0 : index
            %get3A_1292 = tpu.vector_load %arg39[%get3A_1291] {strides = array<i32>} : memref<16xi32, #tpu.memory_space<vmem>>, vector<16xi32>,
            %rev3A_1293 = arith.constant 15 : i32
            %rev3A_1294 = vector.broadcast %rev3A_1293 : i32 to vector<16xi32>
            %rev3A_1295 = tpu.iota {dimensions = array<i32: 0>} : vector<16xi32>
            %rev3A_1296 = arith.subi %rev3A_1294, %rev3A_1295 : vector<16xi32>
            %rev3A_1297 = tpu.dynamic_gather %get3A_1292[%rev3A_1296] in [0] : vector<16xi32>, vector<16xi32> -> vector<16xi32>
            %lt3A_1298 = arith.cmpf olt, %masked_sort3A_1283, %rev3A_1290 : vector<16xf32>
            %min3A_1299 = arith.minimumf %masked_sort3A_1283, %rev3A_1290 : vector<16xf32>
            %select_n3A_1300 = arith.select %lt3A_1298, %masked_sort3A_1284, %rev3A_1297 : vector<16xi1>, vector<16xi32>
            %masked_sort3A_1301 = arith.constant dense<true> : vector<16xi1>
            %masked_sort3A_1302, %masked_sort3A_1303, %masked_sort3A_1304 = tpu.sort %min3A_1299, %select_n3A_1300 masked %masked_sort3A_1301 : (vector<16xf32>, vector<16xi32>, vector<16xi1>) -> (vector<16xi1>, vector<16xf32>, vector<16xi32>)
            %swap3A_1305 = arith.constant 0 : index
            %swap3A_1306 = tpu.vector_load %arg38[%swap3A_1305] {strides = array<i32>} : memref<16xf32, #tpu.memory_space<vmem>>, vector<16xf32>,
            tpu.vector_store %arg38[%swap3A_1305], %masked_sort3A_1303 {strides = array<i32>} : memref<16xf32, #tpu.memory_space<vmem>>, vector<16xf32>,
            %swap3A_1307 = arith.constant 0 : index
            %swap3A_1308 = tpu.vector_load %arg39[%swap3A_1307] {strides = array<i32>} : memref<16xi32, #tpu.memory_space<vmem>>, vector<16xi32>,
            tpu.vector_store %arg39[%swap3A_1307], %masked_sort3A_1304 {strides = array<i32>} : memref<16xi32, #tpu.memory_space<vmem>>, vector<16xi32>,
            %select_n3A_1309 = arith.select %and3A_1280, %add3A_1278, %broadcast_in_dim3A_1117 : vector<16xi1>, vector<16xf32>
            %masked_sort3A_1310 = arith.constant dense<true> : vector<16xi1>
            %masked_sort3A_1311, %masked_sort3A_1312, %masked_sort3A_1313 = tpu.sort %select_n3A_1309, %gather3A_1267 masked %masked_sort3A_1310 : (vector<16xf32>, vector<16xi32>, vector<16xi1>) -> (vector<16xi1>, vector<16xf32>, vector<16xi32>)
            %get3A_1314 = arith.constant 0 : index
            %get3A_1315 = tpu.vector_load %arg38[%get3A_1314] {strides = array<i32>} : memref<16xf32, #tpu.memory_space<vmem>>, vector<16xf32>,
            %rev3A_1316 = arith.constant 15 : i32
            %rev3A_1317 = vector.broadcast %rev3A_1316 : i32 to vector<16xi32>
            %rev3A_1318 = tpu.iota {dimensions = array<i32: 0>} : vector<16xi32>
            %rev3A_1319 = arith.subi %rev3A_1317, %rev3A_1318 : vector<16xi32>
            %rev3A_1320 = tpu.dynamic_gather %get3A_1315[%rev3A_1319] in [0] : vector<16xf32>, vector<16xi32> -> vector<16xf32>
            %get3A_1321 = arith.constant 0 : index
            %get3A_1322 = tpu.vector_load %arg39[%get3A_1321] {strides = array<i32>} : memref<16xi32, #tpu.memory_space<vmem>>, vector<16xi32>,
            %rev3A_1323 = arith.constant 15 : i32
            %rev3A_1324 = vector.broadcast %rev3A_1323 : i32 to vector<16xi32>
            %rev3A_1325 = tpu.iota {dimensions = array<i32: 0>} : vector<16xi32>
            %rev3A_1326 = arith.subi %rev3A_1324, %rev3A_1325 : vector<16xi32>
            %rev3A_1327 = tpu.dynamic_gather %get3A_1322[%rev3A_1326] in [0] : vector<16xi32>, vector<16xi32> -> vector<16xi32>
            %lt3A_1328 = arith.cmpf olt, %masked_sort3A_1312, %rev3A_1320 : vector<16xf32>
            %min3A_1329 = arith.minimumf %masked_sort3A_1312, %rev3A_1320 : vector<16xf32>
            %select_n3A_1330 = arith.select %lt3A_1328, %masked_sort3A_1313, %rev3A_1327 : vector<16xi1>, vector<16xi32>
            %masked_sort3A_1331 = arith.constant dense<true> : vector<16xi1>
            %masked_sort3A_1332, %masked_sort3A_1333, %masked_sort3A_1334 = tpu.sort %min3A_1329, %select_n3A_1330 masked %masked_sort3A_1331 : (vector<16xf32>, vector<16xi32>, vector<16xi1>) -> (vector<16xi1>, vector<16xf32>, vector<16xi32>)
            %swap3A_1335 = arith.constant 0 : index
            %swap3A_1336 = tpu.vector_load %arg38[%swap3A_1335] {strides = array<i32>} : memref<16xf32, #tpu.memory_space<vmem>>, vector<16xf32>,
            tpu.vector_store %arg38[%swap3A_1335], %masked_sort3A_1333 {strides = array<i32>} : memref<16xf32, #tpu.memory_space<vmem>>, vector<16xf32>,
            %swap3A_1337 = arith.constant 0 : index
            %swap3A_1338 = tpu.vector_load %arg39[%swap3A_1337] {strides = array<i32>} : memref<16xi32, #tpu.memory_space<vmem>>, vector<16xi32>,
            tpu.vector_store %arg39[%swap3A_1337], %masked_sort3A_1334 {strides = array<i32>} : memref<16xi32, #tpu.memory_space<vmem>>, vector<16xi32>,
            %add3A_1339 = arith.constant 32 : i32
            %add3A_1340 = arith.addi %while3A_1236, %add3A_1339 : i32
            scf.yield %add3A_1340 : i32
          }
          %while3A_1235 = arith.constant 0 : i32
          scf.yield %while3A_1235 : i32
        }
      } else {
      }
      %get3A_1176 = arith.constant 0 : index
      %get3A_1177 = tpu.vector_load %arg38[%get3A_1176] {strides = array<i32>} : memref<16xf32, #tpu.memory_space<vmem>>, vector<16xf32>,
      %lt3A = arith.constant 0x7F800000 : f32
      %lt3A_1178 = vector.broadcast %lt3A : f32 to vector<16xf32>
      %lt3A_1179 = arith.cmpf olt, %get3A_1177, %lt3A_1178 : vector<16xf32>
      %lt3A_1180 = arith.cmpi slt, %iota3A, %get3A_1121 : vector<16xi32>
      %and3A_1181 = arith.andi %lt3A_1179, %lt3A_1180 : vector<16xi1>
      %mul3A_1182 = arith.constant 16 : i32
      %mul3A_1183 = arith.muli %scan3A_1133, %mul3A_1182 : i32
      %add3A_1184 = vector.broadcast %mul3A_1183 : i32 to vector<16xi32>
      %add3A_1185 = arith.addi %add3A_1184, %iota3A : vector<16xi32>
      %get3A_1186 = arith.constant 0 : index
      %get3A_1187 = tpu.vector_load %arg39[%get3A_1186] {strides = array<i32>} : memref<16xi32, #tpu.memory_space<vmem>>, vector<16xi32>,
      %select_n3A_1188 = arith.select %and3A_1181, %get3A_1187, %broadcast_in_dim3A_1119 : vector<16xi1>, vector<16xi32>
      tpu.vector_store_idx %arg36[%add3A_1185], %select_n3A_1188 : memref<2048xi32, #tpu.memory_space<vmem>>[vector<16xi32>], vector<16xi32>,
      %mul3A_1189 = arith.constant 16 : i32
      %mul3A_1190 = arith.muli %scan3A_1133, %mul3A_1189 : i32
      %add3A_1191 = vector.broadcast %mul3A_1190 : i32 to vector<16xi32>
      %add3A_1192 = arith.addi %add3A_1191, %iota3A : vector<16xi32>
      %add3A_1193 = vector.broadcast %mul3A_29 : i32 to vector<16xi32>
      %add3A_1194 = arith.addi %add3A_1193, %broadcast_in_dim3A_1135 : vector<16xi32>
      %select_n3A_1195 = arith.select %and3A_1181, %add3A_1194, %broadcast_in_dim3A_1119 : vector<16xi1>, vector<16xi32>
      tpu.vector_store_idx %arg37[%add3A_1192], %select_n3A_1195 : memref<2048xi32, #tpu.memory_space<vmem>>[vector<16xi32>], vector<16xi32>,
      %scan3A_1196 = arith.constant 0 : i32
      scf.yield %scan3A_1196 : i32
    }
    %scan3A_1128 = arith.constant 128 : i32
    %mul3A_1129 = arith.constant 16 : i32
    %mul3A_1130 = arith.muli %mul3A_29, %mul3A_1129 : i32
    "tpu.region"() ({
      %run_scoped3A = tpu.sem_alloc : memref<!tpu.dma_semaphore, #tpu.memory_space<semaphore_mem>>
      %dma_start3A = tpu.memref_slice %arg12[%mul3A_1130] : memref<65536xi32, #tpu.memory_space<hbm>> -> memref<2048xi32, #tpu.memory_space<hbm>>
      %dma_start3A_1133 = tpu.memref_slice %arg12[%mul3A_1130] : memref<65536xi32, #tpu.memory_space<hbm>> -> memref<2048xi32, #tpu.memory_space<hbm>>
      tpu.enqueue_dma source(%arg36 : memref<2048xi32, #tpu.memory_space<vmem>>) target(%dma_start3A_1133 : memref<2048xi32, #tpu.memory_space<hbm>>) target_semaphore(%run_scoped3A : memref<!tpu.dma_semaphore, #tpu.memory_space<semaphore_mem>>)
      %dma_wait3A = tpu.memref_slice %arg12[%mul3A_1130] : memref<65536xi32, #tpu.memory_space<hbm>> -> memref<2048xi32, #tpu.memory_space<hbm>>
      %dma_wait3A_1134 = tpu.memref_slice %arg12[%mul3A_1130] : memref<65536xi32, #tpu.memory_space<hbm>> -> memref<2048xi32, #tpu.memory_space<hbm>>
      tpu.wait_dma2 semaphore(%run_scoped3A : memref<!tpu.dma_semaphore, #tpu.memory_space<semaphore_mem>>) src(%arg36 : memref<2048xi32, #tpu.memory_space<vmem>>) dst(%dma_wait3A_1134 : memref<2048xi32, #tpu.memory_space<hbm>>)
      tpu.yield
    }) : () -> ()
    %mul3A_1131 = arith.constant 16 : i32
    %mul3A_1132 = arith.muli %mul3A_29, %mul3A_1131 : i32
    "tpu.region"() ({
      %run_scoped3A = tpu.sem_alloc : memref<!tpu.dma_semaphore, #tpu.memory_space<semaphore_mem>>
      %dma_start3A = tpu.memref_slice %arg13[%mul3A_1132] : memref<65536xi32, #tpu.memory_space<hbm>> -> memref<2048xi32, #tpu.memory_space<hbm>>
      %dma_start3A_1133 = tpu.memref_slice %arg13[%mul3A_1132] : memref<65536xi32, #tpu.memory_space<hbm>> -> memref<2048xi32, #tpu.memory_space<hbm>>
      tpu.enqueue_dma source(%arg37 : memref<2048xi32, #tpu.memory_space<vmem>>) target(%dma_start3A_1133 : memref<2048xi32, #tpu.memory_space<hbm>>) target_semaphore(%run_scoped3A : memref<!tpu.dma_semaphore, #tpu.memory_space<semaphore_mem>>)
      %dma_wait3A = tpu.memref_slice %arg13[%mul3A_1132] : memref<65536xi32, #tpu.memory_space<hbm>> -> memref<2048xi32, #tpu.memory_space<hbm>>
      %dma_wait3A_1134 = tpu.memref_slice %arg13[%mul3A_1132] : memref<65536xi32, #tpu.memory_space<hbm>> -> memref<2048xi32, #tpu.memory_space<hbm>>
      tpu.wait_dma2 semaphore(%run_scoped3A : memref<!tpu.dma_semaphore, #tpu.memory_space<semaphore_mem>>) src(%arg37 : memref<2048xi32, #tpu.memory_space<vmem>>) dst(%dma_wait3A_1134 : memref<2048xi32, #tpu.memory_space<hbm>>)
      tpu.yield
    }) : () -> ()
    return
  }
}

</mosaic_0001>

<sc_bundles>
// kernel: kernel.3.cloned.1.call-start
scs
__scs_entry_jumppad:
0x0: {  	(pc) =	sbr.rel $0x88, $3  }
0x1: {  	(tag) =	ssettag $0x0;
	lr =	simm.s32 $0x1  }
0x2: {  	[smem:$0x3F9D] =	sst lr;
	_ =	strace $0xD0000000  }
0x3: {  	_ = 	snop  }
0x4: {  	_ = 	snop  }
0x5: {  	_ = 	snop  }
0x6: {  	_ = 	snop  }
0x7: {  	_ = 	snop  }
__scs_overlays_trampoline_lowered:
0x8: {  	[smem:$0x3FAC] =	sst s0  }
0x9: {  	[smem:$0x3FAD] =	sst s1  }
0xa: {  	[smem:$0x3FAE] =	sst s2  }
0xb: {  	[smem:$0x3FAF] =	sst s3  }
0xc: {  	[smem:$0x3FB0] =	sst s4  }
0xd: {  	[smem:$0x3FB1] =	sst s5  }
0xe: {  	[smem:$0x3FB2] =	sst s6  }
0xf: {  	[smem:$0x3FB3] =	sst s7  }
0x10: {  	[smem:$0x3FB4] =	sst s8  }
0x11: {  	[smem:$0x3FB5] =	sst s9;
	s0 =	simm.s32 @!p0 $0x0  }
0x12: {  	s1 =	sld [smem:$0x3F9B];
	s0 =	simm.s32 @p0 $0x1  }
0x13: {  	[smem:$0x3FB6] =	sst s0;
	s0 =	simm.s32 @!p1 $0x0  }
0x14: {  	s2 =	sld [smem:$0x3F9A];
	s0 =	simm.s32 @p1 $0x1  }
0x15: {  	[smem:$0x3FB7] =	sst s0;
	s0 =	simm.s32 @!p2 $0x0  }
0x16: {  	s3 =	sld [smem:$0x3FDB];
	s0 =	simm.s32 @p2 $0x1  }
0x17: {  	s4 =	simm.s32 $0x1BF5;
	[smem:$0x3FB9] =	sst s0  }
0x18: {  	s0 =	sld [smem:$0x3F9C];
	_ =	swait.ge [sflag:s4], $0x0  }
0x19: {  	s7 =	sld [smem:$0x3F9D]  }
0x1a: {  	s8 =	sadd.s32 $0xFFFFE003, lr  }
0x1b: {  	s9 =	sadd.s32 $0xFFFFFEF7, lr;
	s5 =	simm.s32 $0xFFFFFFFF;
	p2 =	slt.u32 s8, $0xFFFFF086  }
0x1c: {  	p1 =	slt.u32 s9, $0xF7A;
	s5 =	simm.s32 @!p2 $0x0  }
0x1d: {  	s5 =	simm.s32 @p1 $0x1;
	p0 =	seq.s32 s7, s2  }
0x1e: {  	s7 =	smul.u32 @!p0 $0xF7A, s2;
	p2 =	seq.s32 @!p0 s5, $0x0  }
0x1f: {  	s9 =	smul.u32 $0xF7A, s1;
	s8 =	simm.s32 @!p0 $0x1BF5;
	p2 =	por !p2, p0  }
0x20: {  	[sflag:s8] =	ssyncset.s32 @!p0 $0xFFFFF086;
	s6 =	sadd.s32 @!p0 s3, s7;
	s7 =	simm.s32 @!p0 $0x108  }
0x21: {  	s3 =	sadd.s32 s3, s9;
	s6 =	sadd.s32 @!p0 $0x88, s6;
	s7 =	simm.s32 @p2 $0x1082  }
0x22: {  	[simem:s7], [sflag:s8] =	dma.local @!p0 [hbm:s6], $0xF7A  }
0x23: {  	s9 =	sor.u32 $0xD0000000, s2;
	s6 =	simm.s32 $0x108;
	_ =	swait.ge @!p0 [sflag:s8], $0x0  }
0x24: {  	s3 =	sadd.s32 $0x88, s3;
	s6 =	simm.s32 @!p1 $0x1082;
	[sflag:s4] =	ssyncset.s32 $0xFFFFF086  }
0x25: {  	[simem:s6], [sflag:s4] =	dma.local [hbm:s3], $0xF7A  }
0x26: {  	[smem:$0x3F9D] =	sst s1;
	(tag) =	ssettag s2;
	_ =	strace s9  }
0x27: {  	s1 =	sld [smem:$0x3FAD]  }
0x28: {  	s2 =	sld [smem:$0x3FAE]  }
0x29: {  	s4 =	sld [smem:$0x3FB0]  }
0x2a: {  	p0 =	seq.s32 s5, $0x0;
	s5 =	sld [smem:$0x3FB1]  }
0x2b: {  	s6 =	sld [smem:$0x3FB2]  }
0x2c: {  	s7 =	sld [smem:$0x3FB3]  }
0x2d: {  	s3 =	simm.s32 $0x108;
	s8 =	sld [smem:$0x3FB4]  }
0x2e: {  	s3 =	simm.s32 @!p0 $0x1082;
	s9 =	sld [smem:$0x3FB5]  }
0x2f: {  	lr =	sadd.s32 s0, s3;
	s0 =	sld [smem:$0x3FAC]  }
0x30: {  	s3 =	sld [smem:$0x3FAF]  }
0x31: {  	[smem:$0x3FB8] =	sst s10  }
0x32: {  	s10 =	sld [smem:$0x3FB6];
	_ =	sdelay $0x3  }
0x33: {  	p0 =	seq.s32 s10, $0x1;
	s10 =	sld [smem:$0x3FB8];
	_ =	sdelay $0x3  }
0x34: {  	[smem:$0x3FB8] =	sst s10  }
0x35: {  	s10 =	sld [smem:$0x3FB7];
	_ =	sdelay $0x3  }
0x36: {  	p1 =	seq.s32 s10, $0x1;
	s10 =	sld [smem:$0x3FB8];
	_ =	sdelay $0x3  }
0x37: {  	[smem:$0x3FB8] =	sst s10  }
0x38: {  	s10 =	sld [smem:$0x3FB9]  }
0x39: {  	_ = 	snop;
	(pc) =	sbr.ind lr, $3  }
0x3a: {  	_ = 	snop  }
0x3b: {  	_ = 	snop  }
0x3c: {  	p2 =	seq.s32 s10, $0x1;
	s10 =	sld [smem:$0x3FB8]  }
0x3d: {  	_ =	shalt  }
0x3e: {  	_ =	shalt  }
0x3f: {  	_ =	shalt  }
0x40: {  	_ =	shalt  }
0x41: {  	_ =	shalt  }
0x42: {  	_ =	shalt  }
0x43: {  	_ =	shalt  }
0x44: {  	_ =	shalt  }
0x45: {  	_ =	shalt  }
0x46: {  	_ =	shalt  }
0x47: {  	_ =	shalt  }
0x48: {  	_ =	shalt  }
0x49: {  	_ =	shalt  }
0x4a: {  	_ =	shalt  }
0x4b: {  	_ =	shalt  }
0x4c: {  	_ =	shalt  }
0x4d: {  	_ =	shalt  }
0x4e: {  	_ =	shalt  }
0x4f: {  	_ =	shalt  }
0x50: {  	_ =	shalt  }
0x51: {  	_ =	shalt  }
0x52: {  	_ =	shalt  }
0x53: {  	_ =	shalt  }
0x54: {  	_ =	shalt  }
0x55: {  	_ =	shalt  }
0x56: {  	_ =	shalt  }
0x57: {  	_ =	shalt  }
0x58: {  	_ =	shalt  }
0x59: {  	_ =	shalt  }
0x5a: {  	_ =	shalt  }
0x5b: {  	_ =	shalt  }
0x5c: {  	_ =	shalt  }
0x5d: {  	_ =	shalt  }
0x5e: {  	_ =	shalt  }
0x5f: {  	_ =	shalt  }
0x60: {  	_ =	shalt  }
0x61: {  	_ =	shalt  }
0x62: {  	_ =	shalt  }
0x63: {  	_ =	shalt  }
0x64: {  	_ =	shalt  }
0x65: {  	_ =	shalt  }
0x66: {  	_ =	shalt  }
0x67: {  	_ =	shalt  }
0x68: {  	_ =	shalt  }
0x69: {  	_ =	shalt  }
0x6a: {  	_ =	shalt  }
0x6b: {  	_ =	shalt  }
0x6c: {  	_ =	shalt  }
0x6d: {  	_ =	shalt  }
0x6e: {  	_ =	shalt  }
0x6f: {  	_ =	shalt  }
0x70: {  	_ =	shalt  }
0x71: {  	_ =	shalt  }
0x72: {  	_ =	shalt  }
0x73: {  	_ =	shalt  }
0x74: {  	_ =	shalt  }
0x75: {  	_ =	shalt  }
0x76: {  	_ =	shalt  }
0x77: {  	_ =	shalt  }
0x78: {  	_ =	shalt  }
0x79: {  	_ =	shalt  }
0x7a: {  	_ =	shalt  }
0x7b: {  	_ =	shalt  }
0x7c: {  	_ =	shalt  }
0x7d: {  	_ =	shalt  }
0x7e: {  	_ =	shalt  }
0x7f: {  	_ =	shalt  }
0x80: {  	_ =	shalt  }
0x81: {  	_ =	shalt  }
0x82: {  	_ =	shalt  }
0x83: {  	_ =	shalt  }
0x84: {  	_ =	shalt  }
0x85: {  	_ =	shalt  }
0x86: {  	_ =	shalt  }
0x87: {  	_ =	shalt  }
.Lfunc_end0:
.L_simem_size_0:
called_computation_lowered:
.L_overlay_start_0:
0x88: {  	s2 =	sld [smem:$0x3FD9]  }
0x89: {  	s3 =	sld [smem:$0x3FFE];
	_ =	sdelay $0x1  }
0x8a: {  	s1 =	srdreg.scid  }
0x8b: {  	s0 =	sand.u32 $0x1, s1  }
0x8c: {  	s17 =	sshll.u32 s0, $0xA;
	s2 =	sadd.s32 s3, s2  }
0x8d: {  	s2 =	sadd.s32 s2, s17  }
0x8e: {  	[smem:$0x3FC4] =	sst s2  }
0x8f: {  	_ = 	snop  }
0x90: {  	s2 =	sld [smem:$0x3FD0];
	(tm) =	ssettm $0x1  }
0x91: {  	s18 =	sld [smem:$0x3FFB];
	_ =	sdelay $0x3  }
0x92: {  	_ =	strace s18  }
0x93: {  	s3 =	sld [smem:$0x3FFC];
	_ =	sdelay $0x3  }
0x94: {  	_ =	strace s3  }
0x95: {  	s3 =	sld [smem:$0x3FFD];
	_ =	sdelay $0x3  }
0x96: {  	_ =	strace s3  }
0x97: {  	_ =	strace $0x8FFFFFFF  }
0x98: {  	s19 =	sld [smem:$0x3FDB];
	_ =	sdelay $0x1  }
0x99: {  	s4 =	simm.s32 $_scs_section_size  }
0x9a: {  	s5 =	simm.s32 $_size__tile_overlayer_lowered;
	s6 =	simm.s32 $_tile_overlayer_lowered  }
0x9b: {  	s22 =	simm.s32 $0x1BFF;
	s21 =	sshll.u32 s6, $0x1;
	s3 =	sadd.s32 s4, s19  }
0x9c: {  	s7 =	simm.s32 $0x0;
	s20 =	sshll.u32 s5, $0x1;
	s5 =	sadd.s32 s21, s3  }
0x9d: {  	[timem:s7], [sflag:s22] =	dma.local [hbm:s5], s20  }
0x9e: {  	_ =	swait.ge [sflag:s22], s20  }
0x9f: {  	s4 =	ssub.s32 $0x0, s20;
	[sflag:s22] =	ssyncset.done $0x0  }
0xa0: {  	[sflag:s22] =	ssyncadd.s32 s4;
	_ =	sdelay $0x1  }
0xa1: {  	s23 =	simm.s32 $0x1B8B  }
0xa2: {  	_ =	swait.ge [sflag:s23], $0x1  }
0xa3: {  	[sflag:s23] =	ssyncset.done $0x0  }
0xa4: {  	s25 =	simm.s32 $0x1B8E;
	s24 =	sld [smem:$0x3FFE];
	[sflag:s23] =	ssyncadd.s32 $0xFFFFFFFF  }
0xa5: {  	s26 =	simm.s32 $execute0_lowered;
	[smem:$0x3FD2] =	sst s25  }
0xa6: {  	s5 =	sshll.u32 s26, $0x1;
	_ =	strace $0x80000046;
	[dreg:$0x1] =	wrdreg $0xFFFFFFFF  }
0xa7: {  	s28 =	simm.s32 $_size_execute0_lowered;
	s3 =	sadd.s32 s3, s5;
	[dreg:$0x0] =	wrdreg $0x0  }
0xa8: {  	s5 =	sshll.u32 s28, $0x1;
	[dreg:$0x2] =	wrdreg s3  }
0xa9: {  	[dreg:$0x3] =	wrdreg s5  }
0xaa: {  	[dreg:$0x4] =	wrdreg $0xC0  }
0xab: {  	_ =	task [dreg:s7], $0x5FFFF  }
0xac: {  	[dreg:$0x1] =	wrdreg $0xFFFFFFFF  }
0xad: {  	[dreg:$0x0] =	wrdreg $0x60  }
0xae: {  	[dreg:$0x2] =	wrdreg s24  }
0xaf: {  	[dreg:$0x3] =	wrdreg s2  }
0xb0: {  	[dreg:$0x4] =	wrdreg $0x9  }
0xb1: {  	_ =	task.clear_ibuf [dreg:s7], $0x5FFFF;
	_ =	strace $0x90000046  }
0xb2: {  	s29 =	simm.s32 $0x9;
	_ =	strace $0x80000048  }
0xb3: {  	_ =	swait.ge [sflag:s29], $0x1  }
0xb4: {  	[sflag:s29] =	ssyncadd.s32 $0xFFFFFFFF  }
0xb5: {  	_ =	strace $0x90000048  }
0xb6: {  	_ =	sfence  }
0xb7: {  	s30 =	sld [smem:$0x0];
	_ =	sdelay $0x2  }
0xb8: {  	s31 =	sshll.u32 s1, $0xD;
	s1 =	sshrl.u32 s1, $0x2  }
0xb9: {  	s3 =	sand.u32 $0x4000, s31;
	s1 =	sadd.s32 s1, s30  }
0xba: {  	s0 =	sor.u32 s3, s0;
	s1 =	sshll.u32 s1, $0x11  }
0xbb: {  	s0 =	sor.u32 s1, s0  }
0xbc: {  	s0 =	sadd.s32 $0x8F2B, s0  }
0xbd: {  	[sflag:s0] =	ssyncadd.remote.s32 $0x1  }
0xbe: {  	_ =	sfence.sel $0xFFFF  }
0xbf: {  	[dreg:$0x0] =	wrdreg $0xFFFFFFFF;
	(pc) =	sbr.abs _section_cstart, $3  }
0xc0: {  	[dreg:$0x1] =	wrdreg $0xFFFFFFFF  }
0xc1: {  	_ =	task.clear_ibuf [dreg:s7], $0x2FFFF;
	_ =	strace $0x9FFFFFFF  }
0xc2: {  	(tm) =	ssettm $0x7FFFFFFF  }
0xc3: {  	_ =	shalt  }
tec
execute0_lowered:
.L_overlay_start_1:
0x0: {  	(tag) =	ssettag $0x1  }
0x1: {  	s0 =	rddreg [dreg:$0x0];
	s1 =	srdreg.scid  }
0x2: {  	s3 =	simm.s32 $0x0;
	s4 =	stileid.u32;
	s28 =	simm.s32 $0x19380  }
0x3: {  	s29 =	simm.s32 $0x19A00;
	s30 =	simm.s32 $0x1BA80;
	s31 =	simm.s32 $0x10000  }
0x4: {  	s10 =	simm.s32 $0x1A880;
	s11 =	simm.s32 $0x1A980;
	s12 =	simm.s32 $0x1B180  }
0x5: {  	s13 =	simm.s32 $0x0;
	[smem:$0x7FF] =	sst s3;
	s16 =	sadd.s32 $0x2400, s0  }
0x6: {  	s17 =	sadd.s32 $0x1C00, s0;
	_ =	strace $0x80000047;
	[dreg:$0x3] =	wrdreg s16  }
0x7: {  	s1 =	sand.u32 $0x1, s1;
	s5 =	sadd.s32 $0x1400, s0;
	[dreg:$0x4] =	wrdreg s17  }
0x8: {  	s19 =	sadd.s32 $0x2C00, s0;
	s7 =	sadd.s32 $0x2E00, s0;
	[dreg:$0x5] =	wrdreg s5  }
0x9: {  	s2 =	sshll.u32 s1, $0x4;
	s1 =	ssub.s32 $0x2, s1;
	[dreg:$0x6] =	wrdreg s19  }
0xa: {  	[dreg:$0x7] =	wrdreg s7;
	s17 =	simm.s32 $0x1;
	s2 =	sor.u32 s4, s2  }
0xb: {  	s19 =	simm.s32 $0x8000;
	s6 =	sshrl.u32 s1, $0x1;
	s18 =	sshll.u32 s2, $0x4  }
0xc: {  	s20 =	sshll.u32 s2, $0x8;
	s1 =	ssub.s32 s1, s6;
	s9 =	sshll.u32 s2, $0x7  }
0xd: {  	s2 =	simm.s32 $0x1A100;
	s4 =	sadd.s32 s18, s0;
	s26 =	smax.u32 s1, $0x1  }
0xe: {  	s0 =	sadd.s32 s20, s0;
	s21 =	sadd.s32 $0x1200, s4;
	[dreg:$0xe] =	wrdreg s26  }
0xf: {  	s18 =	simm.s32 $0x4000;
	s22 =	sadd.s32 $0x1000, s4;
	[dreg:$0x8] =	wrdreg s21  }
0x10: {  	s20 =	simm.s32 $0xC000;
	s23 =	sadd.s32 $0xE00, s4;
	[dreg:$0x9] =	wrdreg s22  }
.Ltmp0:
0x11: {  	s24 =	sadd.s32 $0xC00, s4;
	[dreg:$0xa] =	wrdreg s23;
	(pc) =	sbr.rel .LBB2_1-.Ltmp0, $4  }
0x12: {  	s1 =	simm.s32 $0x1A180;
	s25 =	sadd.s32 $0x3000, s0;
	[dreg:$0xb] =	wrdreg s24  }
0x13: {  	s0 =	sadd.s32 $0x5000, s0;
	s26 =	simm.s32 $0x18D00;
	[dreg:$0xc] =	wrdreg s25  }
0x14: {  	v0 =	vlaneseq.u32;
	[dreg:$0xd] =	wrdreg s0;
	s23 =	simm.s32 $0x18000;
	s24 =	simm.s32 $0x18680  }
0x15: {  	v1 =	vimm.s32 $0x0;
	v2 =	vimm.s32 $0xF;
	v3 =	vimm.f32 $+Inf;
	s25 =	simm.s32 $0x14000;
	s0 =	simm.s32 $0x1A080;
	s21 =	simm.s32 $0x1A200  }
.LBB2_57:
0x16: {  	s4 =	rddreg [dreg:$0xc]  }
0x17: {  	[hbm4b:s4+s3] =	stream.linear.scatter [tilespmem:s11], [sflag:$0x1], $0x800, $0x38;
	[tilespmem:$0x1BC00] =	vst v63  }
0x18: {  	_ =	swait.ge [sflag:s17], $0x800  }
0x19: {  	[sflag:s17] =	ssyncset.done $0x0  }
0x1a: {  	s16 =	rddreg [dreg:$0xd];
	[sflag:s17] =	ssyncadd.s32 $0xFFFFF800  }
0x1b: {  	[hbm4b:s16+s3] =	stream.linear.scatter [tilespmem:s12], [sflag:$0x1], $0x800, $0x38;
	[tilespmem:$0x1BC00] =	vst v63  }
0x1c: {  	_ =	swait.ge [sflag:s17], $0x800  }
0x1d: {  	s13 =	sadd.s32 $0x1, s13;
	s22 =	rddreg [dreg:$0xe]  }
0x1e: {  	p0 =	sne.s32 s13, s22  }
.Ltmp1:
0x1f: {  	_ = 	snop;
	(pc) =	sbr.rel @!p0 .LBB2_58-.Ltmp1, $3  }
0x20: {  	_ =	sdelay $0x1  }
0x21: {  	[sflag:s17] =	ssyncset.done $0x0  }
0x22: {  	[sflag:s17] =	ssyncadd.s32 $0xFFFFF800  }
.LBB2_1:
0x23: {  	s4 =	rddreg [dreg:$0x3]  }
0x24: {  	[tilespmem:s3], [sflag:$0x1] =	stream.linear.gather [hbm4b:s4+s3], $0x4000, $0x38;
	[tilespmem:$0x1BC00] =	vst v63  }
0x25: {  	_ =	swait.ge [sflag:s17], $0x4000  }
0x26: {  	[sflag:s17] =	ssyncset.done $0x0  }
0x27: {  	s7 =	rddreg [dreg:$0x4];
	[sflag:s17] =	ssyncadd.s32 $0xFFFFC000  }
0x28: {  	[tilespmem:s18], [sflag:$0x1] =	stream.linear.gather [hbm4b:s7+s3], $0x4000, $0x38;
	[tilespmem:$0x1BC00] =	vst v63  }
0x29: {  	_ =	swait.ge [sflag:s17], $0x4000  }
0x2a: {  	[sflag:s17] =	ssyncset.done $0x0  }
0x2b: {  	s8 =	rddreg [dreg:$0x5];
	[sflag:s17] =	ssyncadd.s32 $0xFFFFC000  }
0x2c: {  	[tilespmem:s19], [sflag:$0x1] =	stream.linear.gather [hbm4b:s8+s3], $0x4000, $0x38;
	[tilespmem:$0x1BC00] =	vst v63  }
0x2d: {  	_ =	swait.ge [sflag:s17], $0x4000  }
0x2e: {  	[sflag:s17] =	ssyncset.done $0x0  }
0x2f: {  	[sflag:s17] =	ssyncadd.s32 $0xFFFFC000  }
0x30: {  	s14 =	rddreg [dreg:$0x1]  }
0x31: {  	[tilespmem:s20], [sflag:$0x1] =	stream.linear.gather [hbm4b:s14+s3], $0x4000, $0x38;
	[tilespmem:$0x1BC00] =	vst v63  }
0x32: {  	_ =	swait.ge [sflag:s17], $0x4000  }
0x33: {  	[sflag:s17] =	ssyncset.done $0x0  }
0x34: {  	s5 =	simm.s32 $0x1BB00;
	s15 =	rddreg [dreg:$0x6];
	[sflag:s17] =	ssyncadd.s32 $0xFFFFC000  }
0x35: {  	[tilespmem:s5], [sflag:$0x1] =	stream.linear.gather [hbm4b:s15+s3], $0x80, $0x38;
	[tilespmem:$0x1BC00] =	vst v63  }
0x36: {  	_ =	swait.ge [sflag:s17], $0x80  }
0x37: {  	[sflag:s17] =	ssyncset.done $0x0  }
0x38: {  	s22 =	simm.s32 $0x1BB80;
	s16 =	rddreg [dreg:$0x7];
	[sflag:s17] =	ssyncadd.s32 $0xFFFFFF80  }
0x39: {  	[tilespmem:s22], [sflag:$0x1] =	stream.linear.gather [hbm4b:s16+s3], $0x80, $0x38;
	[tilespmem:$0x1BC00] =	vst v63  }
0x3a: {  	_ =	swait.ge [sflag:s17], $0x80  }
0x3b: {  	[sflag:s17] =	ssyncset.done $0x0  }
0x3c: {  	[sflag:s17] =	ssyncadd.s32 $0xFFFFFF80  }
0x3d: {  	s4 =	simm.s32 $0x0;
	v4 =	vld [tilespmem:$0x1BB00]  }
.LBB2_2:
0x3e: {  	v5 =	vor.u32 s4, v0  }
0x3f: {  	p0 =	sne.s32 s4, $0x670  }
.Ltmp2:
0x40: {  	_ = 	snop;
	(pc) =	sbr.rel @p0 .LBB2_2-.Ltmp2, $3  }
0x41: {  	_ =	sdelay $0x1  }
0x42: {  	[tilespmem:v5+s23+$0x0] =	vst.idx.msk $0xffff, v1  }
0x43: {  	s4 =	sadd.s32 $0x10, s4;
	[tilespmem:v5+s24+$0x0] =	vst.idx.msk $0xffff, v1  }
0x44: {  	s4 =	simm.s32 $0x10  }
0x45: {  	v17 =	vor.u32 s4, v0  }
0x46: {  	s16 =	simm.s32 $0x20  }
0x47: {  	s5 =	simm.s32 $0x30;
	v18 =	vor.u32 s16, v0  }
0x48: {  	v19 =	vor.u32 s5, v0;
	_ =	sdelay $0x1  }
0x49: {  	v6 =	vld.idx.msk [tilespmem:v17+s3+$0x0], $0xffff  }
0x4a: {  	v7 =	vld.idx.msk [tilespmem:v17+s18+$0x0], $0xffff  }
0x4b: {  	s22 =	simm.s32 $0x0;
	v8 =	vld.idx.msk [tilespmem:v18+s19+$0x0], $0xffff  }
0x4c: {  	v5 =	vor.u32 s22, v0;
	v9 =	vld.idx.msk [tilespmem:v19+s19+$0x0], $0xffff  }
0x4d: {  	v10 =	vld.idx.msk [tilespmem:v17+s19+$0x0], $0xffff  }
0x4e: {  	v11 =	vld.idx.msk [tilespmem:v19+s3+$0x0], $0xffff  }
0x4f: {  	v12 =	vld.idx.msk [tilespmem:v18+s18+$0x0], $0xffff  }
0x50: {  	v13 =	vld.idx.msk [tilespmem:v18+s3+$0x0], $0xffff  }
0x51: {  	v16 =	vld.idx.msk [tilespmem:v5+s18+$0x0], $0xffff  }
0x52: {  	v8 =	vtrunc.f32 v8;
	v7 =	vtrunc.f32 v7  }
0x53: {  	v6 =	vtrunc.f32 v6;
	v11 =	vtrunc.f32 v11  }
0x54: {  	v12 =	vtrunc.f32 v12;
	v9 =	vtrunc.f32 v9  }
0x55: {  	v13 =	vtrunc.f32 v13;
	v10 =	vtrunc.f32 v10  }
0x56: {  	v16 =	vtrunc.f32 v16;
	v8 =	vcvt.f32.s32 v8  }
0x57: {  	v15 =	vld.idx.msk [tilespmem:v5+s19+$0x0], $0xffff;
	v7 =	vcvt.f32.s32 v7;
	v6 =	vcvt.f32.s32 v6  }
0x58: {  	v20 =	vld.idx.msk [tilespmem:v5+s3+$0x0], $0xffff;
	v11 =	vcvt.f32.s32 v11;
	v12 =	vcvt.f32.s32 v12  }
0x59: {  	v14 =	vld.idx.msk [tilespmem:v19+s18+$0x0], $0xffff;
	v16 =	vcvt.f32.s32 v16;
	v13 =	vcvt.f32.s32 v13  }
0x5a: {  	v10 =	vcvt.f32.s32 v10;
	vm0 =	vgt.s32 v8, $0x0;
	v11 =	vmul.u32 $0x14, v11  }
0x5b: {  	v13 =	vmul.u32 $0x14, v13;
	v8 =	vnsel vm0, $0x0, v8;
	vm0 =	vgt.s32 v7, $0x0  }
0x5c: {  	v7 =	vnsel vm0, $0x0, v7;
	vm0 =	vgt.s32 v12, $0x0;
	v23 =	vmin.u32 v8, $0x13  }
0x5d: {  	v8 =	vtrunc.f32 v20;
	v21 =	vmin.u32 v7, $0x13;
	v7 =	vtrunc.f32 v15  }
0x5e: {  	s7 =	simm.s32 $0x70;
	v15 =	vmul.u32 $0x14, v6;
	v6 =	vtrunc.f32 v14;
	v12 =	vnsel vm0, $0x0, v12  }
0x5f: {  	s6 =	simm.s32 $0x60;
	s5 =	simm.s32 $0x50;
	v20 =	vcvt.f32.s32 v8;
	v8 =	vor.u32 s7, v0;
	v22 =	vcvt.f32.s32 v7  }
0x60: {  	v14 =	vcvt.f32.s32 v6;
	v6 =	vor.u32 s5, v0;
	v7 =	vor.u32 s6, v0  }
0x61: {  	v12 =	vmin.u32 v12, $0x13;
	v20 =	vmul.u32 $0x14, v20;
	v15 =	vadd.s32 v15, v21  }
0x62: {  	v21 =	vcvt.f32.s32 v9;
	vm0 =	vgt.s32 v14, $0x0;
	vm1 =	vgt.s32 v22, $0x0  }
0x63: {  	v15 =	vmul.u32 $0x14, v15;
	v14 =	vnsel vm0, $0x0, v14;
	vm0 =	vgt.s32 v16, $0x0  }
0x64: {  	v22 =	vnsel vm1, $0x0, v22;
	v16 =	vnsel vm0, $0x0, v16;
	vm0 =	vgt.s32 v10, $0x0;
	v27 =	vld.idx.msk [tilespmem:v8+s3+$0x0], $0xffff  }
0x65: {  	v9 =	vmin.u32 v14, $0x13;
	v25 =	vld.idx.msk [tilespmem:v6+s3+$0x0], $0xffff;
	v10 =	vnsel vm0, $0x0, v10;
	v16 =	vmin.u32 v16, $0x13  }
0x66: {  	v14 =	vld.idx.msk [tilespmem:v7+s19+$0x0], $0xffff;
	v11 =	vadd.s32 v11, v9;
	v9 =	vadd.s32 v13, v12;
	vm0 =	vgt.s32 v21, $0x0  }
0x67: {  	s8 =	simm.s32 $0x40;
	v26 =	vld.idx.msk [tilespmem:v6+s18+$0x0], $0xffff;
	v10 =	vmin.u32 v10, $0x13;
	v13 =	vadd.s32 v20, v16;
	v16 =	vmul.u32 $0x14, v9  }
0x68: {  	v12 =	vld.idx.msk [tilespmem:v8+s19+$0x0], $0xffff;
	v9 =	vor.u32 s8, v0;
	v20 =	vnsel vm0, $0x0, v21;
	v11 =	vmul.u32 $0x14, v11  }
0x69: {  	v21 =	vadd.s32 v10, v15;
	v10 =	vmin.u32 v20, $0x13;
	v13 =	vmul.u32 $0x14, v13  }
0x6a: {  	v15 =	vld.idx.msk [tilespmem:v7+s18+$0x0], $0xffff;
	v24 =	vadd.s32 v23, v16;
	v16 =	vmin.u32 v22, $0x13;
	v22 =	vadd.s32 v10, v11  }
0x6b: {  	v20 =	vld.idx.msk [tilespmem:v6+s19+$0x0], $0xffff;
	v23 =	vadd.s32 v16, v13;
	v10 =	vtrunc.f32 v14;
	v13 =	vtrunc.f32 v25  }
0x6c: {  	v11 =	vld.idx.msk [tilespmem:v7+s3+$0x0], $0xffff;
	v16 =	vtrunc.f32 v26;
	v26 =	vtrunc.f32 v27  }
0x6d: {  	v25 =	vld.idx.msk [tilespmem:v8+s18+$0x0], $0xffff;
	v29 =	vtrunc.f32 v12;
	v10 =	vcvt.f32.s32 v10  }
0x6e: {  	v14 =	vld.idx.msk [tilespmem:v9+s19+$0x0], $0xffff;
	v13 =	vcvt.f32.s32 v13;
	v16 =	vcvt.f32.s32 v16  }
0x6f: {  	v27 =	vld.idx.msk [tilespmem:v9+s18+$0x0], $0xffff;
	v26 =	vcvt.f32.s32 v26;
	v15 =	vtrunc.f32 v15  }
0x70: {  	v28 =	vld.idx.msk [tilespmem:v9+s3+$0x0], $0xffff;
	v29 =	vcvt.f32.s32 v29;
	vm0 =	vgt.s32 v10, $0x0;
	v15 =	vcvt.f32.s32 v15  }
0x71: {  	v13 =	vmul.u32 $0x14, v13;
	v10 =	vnsel vm0, $0x0, v10;
	vm0 =	vgt.s32 v16, $0x0  }
0x72: {  	(xrf1) =	vunique.msk.u32 $0xffff, v21;
	v26 =	vmul.u32 $0x14, v26;
	vm15 =	vgt.s32 v29, $0x0;
	v12 =	vnsel vm0, $0x0, v16  }
0x73: {  	(xrf1) =	vunique.msk.u32 $0xffff, v24;
	v16 =	vtrunc.f32 v11;
	v31 =	vmin.u32 v10, $0x13;
	v10 =	vtrunc.f32 v25  }
0x74: {  	(xrf1) =	vunique.msk.u32 $0xffff, v22;
	vm0 =	vgt.s32 v15, $0x0;
	v11 =	vtrunc.f32 v14;
	v14 =	vtrunc.f32 v20  }
0x75: {  	s14 =	simm.s32 $0x90;
	v30 =	vmin.u32 v12, $0x13;
	v12 =	vtrunc.f32 v27;
	v25 =	vtrunc.f32 v28  }
0x76: {  	s15 =	simm.s32 $0xA0;
	(xrf1) =	vunique.msk.u32 $0xffff, v23;
	v15 =	vnsel vm0, $0x0, v15;
	v27 =	vcvt.f32.s32 v10;
	v10 =	vor.u32 s14, v0  }
0x77: {  	s16 =	simm.s32 $0xB0;
	v16 =	vcvt.f32.s32 v16;
	v20 =	vcvt.f32.s32 v11;
	v11 =	vor.u32 s15, v0  }
0x78: {  	v28 =	vcvt.f32.s32 v12;
	v25 =	vcvt.f32.s32 v25;
	v12 =	vor.u32 s16, v0  }
0x79: {  	v15 =	vmin.u32 v15, $0x13;
	v14 =	vcvt.f32.s32 v14;
	v13 =	vadd.s32 v13, v30  }
0x7a: {  	vm0 =	vgt.s32 v27, $0x0;
	v13 =	vmul.u32 $0x14, v13;
	v16 =	vmul.u32 $0x14, v16  }
0x7b: {  	vm1 =	vgt.s32 v20, $0x0;
	v27 =	vnsel vm0, $0x0, v27;
	v25 =	vmul.u32 $0x14, v25  }
0x7c: {  	vm4 =	vgt.s32 v28, $0x0;
	vm14 =	vgt.s32 v14, $0x0;
	v20 =	vnsel vm1, $0x0, v20  }
0x7d: {  	v28 =	vnsel vm4, $0x0, v28;
	v27 =	vmin.u32 v27, $0x13;
	v14 =	vnsel vm14, $0x0, v14  }
0x7e: {  	v15 =	vadd.s32 v16, v15;
	v20 =	vmin.u32 v20, $0x13;
	v30 =	vld.idx.msk [tilespmem:v10+s3+$0x0], $0xffff;
	v28 =	vmin.u32 v28, $0x13  }
0x7f: {  	v14 =	vmin.u32 v14, $0x13;
	v26 =	vadd.s32 v26, v27;
	v40 =	vld.idx.msk [tilespmem:v10+s18+$0x0], $0xffff;
	v16 =	vadd.s32 v25, v28  }
0x80: {  	s22 =	simm.s32 $0x80;
	_, v32, vm3 =	vpop (xrf1);
	v27 =	vld.idx.msk [tilespmem:v11+s19+$0x0], $0xffff;
	v25 =	vnsel vm15, $0x0, v29;
	v29 =	vmul.u32 $0x14, v15;
	v26 =	vmul.u32 $0x14, v26  }
0x81: {  	v59 =	vld.idx.msk [tilespmem:v10+s19+$0x0], $0xffff;
	v15 =	vor.u32 s22, v0;
	v13 =	vadd.s32 v14, v13;
	_, v33, vm0 =	vpop (xrf1);
	v35 =	vshll.u32 v32, $0x10  }
0x82: {  	v57 =	vld.idx.msk [tilespmem:v12+s3+$0x0], $0xffff;
	v25 =	vmin.u32 v25, $0x13;
	v41 =	vmul.u32 $0x14, v16;
	v42 =	vsel vm3, $0x200000, v1;
	_, v34, vm2 =	vpop (xrf1)  }
0x83: {  	v36 =	vshll.u32 v33, $0x10;
	v28 =	vsel vm0, $0x200000, v1;
	v16 =	vadd.s32 v25, v26;
	v26 =	vld.idx.msk [tilespmem:v11+s18+$0x0], $0xffff  }
0x84: {  	v43 =	vld.idx.msk [tilespmem:v12+s19+$0x0], $0xffff;
	(xrf1) =	vunique.msk.u32 $0xffff, v13;
	v14 =	vadd.s32 v31, v29;
	_, v37, vm1 =	vpop (xrf1);
	v39 =	vshll.u32 v34, $0x10;
	v20 =	vadd.s32 v20, v41  }
0x85: {  	v31 =	vld.idx.msk [tilespmem:v11+s3+$0x0], $0xffff;
	(xrf1) =	vunique.msk.u32 $0xffff, v14;
	v38 =	vshll.u32 v37, $0x10;
	v25 =	vtrunc.f32 v27;
	v27 =	vsel vm2, $0x200000, v1  }
0x86: {  	v29 =	vtrunc.f32 v30;
	(xrf1) =	vunique.msk.u32 $0xffff, v16;
	v60 =	vld.idx.msk [tilespmem:v15+s19+$0x0], $0xffff;
	v25 =	vcvt.f32.s32 v25;
	v27 =	vor.u32 v39, v27  }
0x87: {  	v62 =	vld.idx.msk [tilespmem:v12+s18+$0x0], $0xffff;
	v58 =	vcvt.f32.s32 v29;
	v29 =	vtrunc.f32 v57;
	(xrf1) =	vunique.msk.u32 $0xffff, v20;
	v27 =	vor.u32 v22, v27  }
0x88: {  	v26 =	vtrunc.f32 v26;
	[tilespmem:v22+s23+$0x0] =	vst.idx.add.s32.msk vm2, v34;
	v22 =	vtrunc.f32 v40;
	vm2 =	vgt.s32 v25, $0x0  }
0x89: {  	[tilespmem:v24+s23+$0x0] =	vst.idx.add.s32.msk vm0, v33;
	v61 =	vnsel vm2, $0x0, v25;
	v25 =	vcvt.f32.s32 v29;
	v29 =	vsel vm1, $0x200000, v1  }
0x8a: {  	v30 =	vcvt.f32.s32 v26;
	[tilespmem:v19+s25+$0x0] =	vst.idx.msk $0xffff, v27;
	v27 =	vor.u32 v36, v28;
	v38 =	vor.u32 v38, v29  }
0x8b: {  	v19 =	vld.idx.msk [tilespmem:v15+s18+$0x0], $0xffff;
	v29 =	vtrunc.f32 v31;
	v27 =	vor.u32 v24, v27;
	v31 =	vtrunc.f32 v60  }
0x8c: {  	v35 =	vor.u32 v35, v42;
	v40 =	vcvt.f32.s32 v22;
	[tilespmem:v18+s25+$0x0] =	vst.idx.msk $0xffff, v27;
	v27 =	vcvt.f32.s32 v31;
	v31 =	vld.idx.msk [tilespmem:v15+s3+$0x0], $0xffff  }
0x8d: {  	v63 =	vor.u32 v21, v35;
	[tilespmem:v21+s23+$0x0] =	vst.idx.add.s32.msk vm3, v32;
	v21 =	vtrunc.f32 v62;
	v22 =	vtrunc.f32 v43  }
0x8e: {  	[tilespmem:v23+s23+$0x0] =	vst.idx.add.s32.msk vm1, v37;
	v28 =	vtrunc.f32 v59;
	vm1 =	vgt.s32 v30, $0x0;
	vm2 =	vgt.s32 v40, $0x0  }
0x8f: {  	v24 =	vmul.u32 $0x14, v58;
	v18 =	vmin.u32 v61, $0x13;
	v26 =	vnsel vm2, $0x0, v40  }
0x90: {  	s4 =	simm.s32 $0xC0;
	[tilespmem:v17+s25+$0x0] =	vst.idx.msk $0xffff, v63;
	v26 =	vmin.u32 v26, $0x13;
	v32 =	vtrunc.f32 v19;
	v19 =	vor.u32 v23, v38  }
.LBB2_4:
0x91: {  	s5 =	sadd.s32 $0x10, s4;
	s6 =	sadd.s32 $0x20, s4;
	s14 =	sadd.s32 $0x30, s4;
	v34 =	vtrunc.f32 v31;
	v30 =	vnsel vm1, $0x0, v30;
	v31 =	vcvt.f32.s32 v21;
	[tilespmem:v5+s25+$0x0] =	vst.idx.msk $0xffff, v19;
	v17 =	vmovc v10;
	v5 =	vmovc v9  }
0x92: {  	p0 =	slt.u32 s4, $0x1FC0;
	v32 =	vcvt.f32.s32 v32;
	v9 =	vmovc v15;
	v19 =	vmovc v20;
	v10 =	vor.u32 s5, v0;
	v21 =	vor.u32 s6, v0;
	s5 =	smov.u32 s4;
	s4 =	sadd.s32 $0x40, s4  }
0x93: {  	v20 =	vcvt.f32.s32 v29;
	v15 =	vcvt.f32.s32 v34;
	vm0 =	vgt.s32 v31, $0x0;
	_, v23, vm2 =	vpop (xrf1)  }
0x94: {  	vm1 =	vgt.s32 v27, $0x0;
	v29 =	vor.u32 s14, v0;
	v31 =	vnsel vm0, $0x0, v31;
	_, v33, vm0 =	vpop (xrf1)  }
0x95: {  	v25 =	vmul.u32 $0x14, v25;
	v27 =	vnsel vm1, $0x0, v27;
	v15 =	vmul.u32 $0x14, v15;
	_, v34, vm3 =	vpop (xrf1)  }
0x96: {  	v30 =	vmin.u32 v30, $0x13;
	v27 =	vmin.u32 v27, $0x13;
	v35 =	vshll.u32 v23, $0x10  }
0x97: {  	v28 =	vcvt.f32.s32 v28;
	vm4 =	vgt.s32 v32, $0x0;
	v37 =	vshll.u32 v33, $0x10;
	v36 =	vld.idx.msk [tilespmem:v10+s3+$0x0], $0xffff;
	_, v38, vm1 =	vpop (xrf1)  }
0x98: {  	v24 =	vadd.s32 v24, v26;
	v32 =	vnsel vm4, $0x0, v32;
	v39 =	vld.idx.msk [tilespmem:v10+s18+$0x0], $0xffff;
	v26 =	vshll.u32 v38, $0x10  }
0x99: {  	v24 =	vmul.u32 $0x14, v24;
	vm4 =	vgt.s32 v28, $0x0;
	v31 =	vmin.u32 v31, $0x13;
	[tilespmem:v13+s23+$0x0] =	vst.idx.add.s32.msk vm2, v23  }
0x9a: {  	v22 =	vcvt.f32.s32 v22;
	v20 =	vmul.u32 $0x14, v20;
	v28 =	vnsel vm4, $0x0, v28;
	v23 =	vld.idx.msk [tilespmem:v21+s19+$0x0], $0xffff  }
0x9b: {  	v32 =	vmin.u32 v32, $0x13;
	v28 =	vmin.u32 v28, $0x13;
	v25 =	vadd.s32 v25, v31;
	v40 =	vld.idx.msk [tilespmem:v29+s19+$0x0], $0xffff  }
0x9c: {  	v20 =	vadd.s32 v20, v30;
	vm4 =	vgt.s32 v22, $0x0;
	v30 =	vshll.u32 v34, $0x10;
	[tilespmem:v16+s23+$0x0] =	vst.idx.add.s32.msk vm3, v34  }
0x9d: {  	v31 =	vadd.s32 v15, v32;
	v15 =	vnsel vm4, $0x0, v22;
	v32 =	vsel vm0, $0x200000, v1;
	v34 =	vld.idx.msk [tilespmem:v10+s19+$0x0], $0xffff  }
0x9e: {  	v20 =	vmul.u32 $0x14, v20;
	v41 =	vmin.u32 v15, $0x13;
	v25 =	vmul.u32 $0x14, v25;
	v22 =	vld.idx.msk [tilespmem:v29+s3+$0x0], $0xffff  }
0x9f: {  	v43 =	vsel vm2, $0x200000, v1;
	v15 =	vor.u32 s5, v0;
	v31 =	vmul.u32 $0x14, v31;
	v42 =	vld.idx.msk [tilespmem:v21+s3+$0x0], $0xffff  }
0xa0: {  	v35 =	vor.u32 v35, v43;
	v45 =	vadd.s32 v28, v24;
	v24 =	vadd.s32 v41, v25;
	v44 =	vld.idx.msk [tilespmem:v21+s18+$0x0], $0xffff  }
0xa1: {  	v18 =	vadd.s32 v18, v20;
	v20 =	vsel vm3, $0x200000, v1;
	v23 =	vtrunc.f32 v23;
	(xrf1) =	vunique.msk.u32 $0xffff, v45  }
0xa2: {  	v28 =	vor.u32 v30, v20;
	v25 =	vtrunc.f32 v36;
	v23 =	vcvt.f32.s32 v23;
	(xrf1) =	vunique.msk.u32 $0xffff, v18  }
0xa3: {  	v20 =	vadd.s32 v27, v31;
	v16 =	vor.u32 v16, v28;
	v36 =	vcvt.f32.s32 v25;
	v41 =	vld.idx.msk [tilespmem:v29+s18+$0x0], $0xffff;
	(xrf1) =	vunique.msk.u32 $0xffff, v24  }
0xa4: {  	v25 =	vtrunc.f32 v39;
	vm2 =	vgt.s32 v23, $0x0;
	v22 =	vtrunc.f32 v22;
	v27 =	vld.idx.msk [tilespmem:v15+s19+$0x0], $0xffff;
	[tilespmem:v8+s25+$0x0] =	vst.idx.msk $0xffff, v16;
	v8 =	vmovc v12  }
0xa5: {  	v28 =	vcvt.f32.s32 v25;
	v23 =	vnsel vm2, $0x0, v23;
	v25 =	vcvt.f32.s32 v22;
	v12 =	vmovc v29;
	v39 =	vld.idx.msk [tilespmem:v15+s18+$0x0], $0xffff;
	(xrf1) =	vunique.msk.u32 $0xffff, v20  }
0xa6: {  	v22 =	vtrunc.f32 v40;
	v40 =	vsel vm1, $0x200000, v1;
	v16 =	vmovc v24;
	v29 =	vtrunc.f32 v44;
	v31 =	vld.idx.msk [tilespmem:v15+s3+$0x0], $0xffff  }
0xa7: {  	vm2 =	vgt.s32 v28, $0x0;
	v30 =	vcvt.f32.s32 v29;
	[tilespmem:v19+s23+$0x0] =	vst.idx.add.s32.msk vm1, v38;
	v38 =	vor.u32 v26, v40  }
.Ltmp3:
0xa8: {  	v24 =	vnsel vm2, $0x0, v28;
	v28 =	vor.u32 v37, v32;
	v29 =	vtrunc.f32 v42;
	[tilespmem:v14+s23+$0x0] =	vst.idx.add.s32.msk vm0, v33;
	(pc) =	sbr.rel @p0 .LBB2_4-.Ltmp3, $4  }
0xa9: {  	v32 =	vor.u32 v14, v28;
	v26 =	vmin.u32 v24, $0x13;
	vm1 =	vgt.s32 v30, $0x0;
	v14 =	vmovc v18  }
0xaa: {  	v28 =	vtrunc.f32 v34;
	v24 =	vmul.u32 $0x14, v36;
	v18 =	vtrunc.f32 v27;
	[tilespmem:v7+s25+$0x0] =	vst.idx.msk $0xffff, v32;
	v7 =	vmovc v11;
	v11 =	vmovc v21  }
0xab: {  	v27 =	vcvt.f32.s32 v18;
	v18 =	vmin.u32 v23, $0x13;
	v23 =	vor.u32 v13, v35;
	v13 =	vmovc v45  }
0xac: {  	v19 =	vor.u32 v19, v38;
	v32 =	vtrunc.f32 v39;
	v21 =	vtrunc.f32 v41;
	[tilespmem:v6+s25+$0x0] =	vst.idx.msk $0xffff, v23;
	v6 =	vmovc v17  }
0xad: {  	v17 =	vtrunc.f32 v31;
	v21 =	vcvt.f32.s32 v21;
	v23 =	vnsel vm1, $0x0, v30  }
0xae: {  	v30 =	vcvt.f32.s32 v32;
	v29 =	vcvt.f32.s32 v29;
	vm11 =	vgt.s32 v27, $0x0  }
0xaf: {  	v25 =	vmul.u32 $0x14, v25;
	v28 =	vcvt.f32.s32 v28;
	v24 =	vadd.s32 v24, v26  }
0xb0: {  	v22 =	vcvt.f32.s32 v22;
	v17 =	vcvt.f32.s32 v17;
	v23 =	vmin.u32 v23, $0x13  }
0xb1: {  	v24 =	vmul.u32 $0x14, v24;
	vm0 =	vgt.s32 v21, $0x0;
	vm12 =	vgt.s32 v30, $0x0  }
0xb2: {  	vm13 =	vgt.s32 v28, $0x0;
	v26 =	vmul.u32 $0x14, v29;
	vm14 =	vgt.s32 v22, $0x0  }
0xb3: {  	v21 =	vnsel vm0, $0x0, v21;
	v17 =	vmul.u32 $0x14, v17;
	v30 =	vnsel vm12, $0x0, v30  }
0xb4: {  	v28 =	vnsel vm13, $0x0, v28;
	v21 =	vmin.u32 v21, $0x13;
	v23 =	vadd.s32 v26, v23  }
0xb5: {  	v28 =	vmin.u32 v28, $0x13;
	v21 =	vadd.s32 v25, v21;
	v23 =	vmul.u32 $0x14, v23  }
0xb6: {  	v22 =	vnsel vm14, $0x0, v22;
	v24 =	vadd.s32 v28, v24;
	v21 =	vmul.u32 $0x14, v21  }
0xb7: {  	v22 =	vmin.u32 v22, $0x13;
	(xrf1) =	vunique.msk.u32 $0xffff, v24;
	v18 =	vadd.s32 v18, v23;
	v23 =	vnsel vm11, $0x0, v27  }
0xb8: {  	v29 =	vmin.u32 v30, $0x13;
	v21 =	vadd.s32 v22, v21;
	(xrf1) =	vunique.msk.u32 $0xffff, v18;
	v22 =	vmin.u32 v23, $0x13  }
0xb9: {  	v17 =	vadd.s32 v17, v29  }
0xba: {  	v17 =	vmul.u32 $0x14, v17;
	(xrf1) =	vunique.msk.u32 $0xffff, v21;
	_ =	sdelay $0x1  }
0xbb: {  	v17 =	vadd.s32 v22, v17;
	_, v22, vm15 =	vpop (xrf1)  }
0xbc: {  	(xrf1) =	vunique.msk.u32 $0xffff, v17;
	_, v23, vm2 =	vpop (xrf1)  }
0xbd: {  	_, v25, vm7 =	vpop (xrf1);
	_ =	sdelay $0x1  }
0xbe: {  	[tilespmem:v5+s25+$0x0] =	vst.idx.msk $0xffff, v19;
	v5 =	vshll.u32 v25, $0x10;
	v19 =	vsel vm7, $0x200000, v1  }
0xbf: {  	_, v26, vm3 =	vpop (xrf1);
	v5 =	vor.u32 v5, v19  }
0xc0: {  	v5 =	vor.u32 v16, v5  }
0xc1: {  	[tilespmem:v13+s23+$0x0] =	vst.idx.add.s32.msk vm15, v22  }
0xc2: {  	[tilespmem:v16+s23+$0x0] =	vst.idx.add.s32.msk vm7, v25;
	v25 =	vsel vm2, $0x200000, v1  }
0xc3: {  	v27 =	vsel vm15, $0x200000, v1;
	v19 =	vshll.u32 v22, $0x10;
	v22 =	vshll.u32 v23, $0x10;
	[tilespmem:v14+s23+$0x0] =	vst.idx.add.s32.msk vm2, v23;
	_, v16, vm4 =	vpop (xrf1)  }
0xc4: {  	v19 =	vor.u32 v19, v27;
	[tilespmem:v8+s25+$0x0] =	vst.idx.msk $0xffff, v5;
	v22 =	vor.u32 v22, v25;
	_, v5, vm8 =	vpop (xrf1)  }
0xc5: {  	v8 =	vshll.u32 v26, $0x10;
	[tilespmem:v20+s23+$0x0] =	vst.idx.add.s32.msk vm3, v26;
	v26 =	vsel vm3, $0x200000, v1;
	v57 =	vor.u32 v14, v22  }
0xc6: {  	v8 =	vor.u32 v8, v26;
	[tilespmem:v7+s25+$0x0] =	vst.idx.msk $0xffff, v57;
	v7 =	vor.u32 v13, v19;
	_, v25, vm9 =	vpop (xrf1)  }
0xc7: {  	v8 =	vor.u32 v20, v8;
	v59 =	vsel vm8, $0x200000, v1;
	[tilespmem:v6+s25+$0x0] =	vst.idx.msk $0xffff, v7  }
0xc8: {  	[tilespmem:v9+s25+$0x0] =	vst.idx.msk $0xffff, v8;
	v8 =	vshll.u32 v5, $0x10;
	v6 =	vshll.u32 v25, $0x10;
	v7 =	vsel vm9, $0x200000, v1  }
0xc9: {  	_, v58, vm10 =	vpop (xrf1);
	v8 =	vor.u32 v8, v59;
	[tilespmem:v24+s23+$0x0] =	vst.idx.add.s32.msk vm4, v16;
	v6 =	vor.u32 v6, v7  }
0xca: {  	v7 =	vshll.u32 v16, $0x10;
	v16 =	vsel vm4, $0x200000, v1;
	v8 =	vor.u32 v18, v8;
	[tilespmem:v18+s23+$0x0] =	vst.idx.add.s32.msk vm8, v5  }
0xcb: {  	s5 =	simm.s32 $0x2030;
	v7 =	vor.u32 v7, v16;
	[tilespmem:v11+s25+$0x0] =	vst.idx.msk $0xffff, v8  }
0xcc: {  	v5 =	vor.u32 s5, v0;
	v8 =	vor.u32 v24, v7;
	[tilespmem:v21+s23+$0x0] =	vst.idx.add.s32.msk vm9, v25  }
0xcd: {  	s16 =	simm.s32 $0x2020;
	v9 =	vshll.u32 v58, $0x10;
	v60 =	vsel vm10, $0x200000, v1;
	v6 =	vor.u32 v21, v6;
	[tilespmem:v10+s25+$0x0] =	vst.idx.msk $0xffff, v8  }
0xce: {  	v9 =	vor.u32 v9, v60;
	v7 =	vor.u32 s16, v0;
	[tilespmem:v12+s25+$0x0] =	vst.idx.msk $0xffff, v6  }
0xcf: {  	v9 =	vor.u32 v17, v9;
	[tilespmem:v17+s23+$0x0] =	vst.idx.add.s32.msk vm10, v58  }
0xd0: {  	s4 =	simm.s32 $0x2010;
	[tilespmem:v15+s25+$0x0] =	vst.idx.msk $0xffff, v9  }
0xd1: {  	s14 =	simm.s32 $0x0;
	v6 =	vor.u32 s4, v0;
	v9 =	vld.idx.msk [tilespmem:v5+s19+$0x0], $0xffff  }
0xd2: {  	v13 =	vld.idx.msk [tilespmem:v5+s14+$0x0], $0xffff  }
0xd3: {  	v61 =	vld.idx.msk [tilespmem:v7+s14+$0x0], $0xffff  }
0xd4: {  	v62 =	vld.idx.msk [tilespmem:v7+s18+$0x0], $0xffff  }
0xd5: {  	v10 =	vld.idx.msk [tilespmem:v7+s19+$0x0], $0xffff  }
0xd6: {  	v8 =	vld.idx.msk [tilespmem:v6+s19+$0x0], $0xffff  }
0xd7: {  	v11 =	vld.idx.msk [tilespmem:v6+s18+$0x0], $0xffff  }
0xd8: {  	v13 =	vtrunc.f32 v13;
	v12 =	vtrunc.f32 v61  }
0xd9: {  	v14 =	vtrunc.f32 v62;
	v29 =	vcvt.f32.s32 v13  }
0xda: {  	v12 =	vcvt.f32.s32 v12;
	v14 =	vcvt.f32.s32 v14  }
0xdb: {  	v17 =	vld.idx.msk [tilespmem:v5+s18+$0x0], $0xffff;
	v63 =	vtrunc.f32 v8;
	v8 =	vtrunc.f32 v9  }
0xdc: {  	s22 =	simm.s32 $0x2000;
	v9 =	vtrunc.f32 v10;
	v10 =	vld.idx.msk [tilespmem:v6+s14+$0x0], $0xffff;
	v11 =	vtrunc.f32 v11  }
0xdd: {  	v16 =	vcvt.f32.s32 v8;
	v9 =	vcvt.f32.s32 v9;
	v8 =	vor.u32 s22, v0  }
0xde: {  	v11 =	vcvt.f32.s32 v11;
	v18 =	vcvt.f32.s32 v63;
	vm14 =	vgt.s32 v14, $0x0  }
0xdf: {  	p1 =	por $0x1, $0x1;
	v12 =	vmul.u32 $0x14, v12;
	v14 =	vnsel vm14, $0x0, v14;
	vm11 =	vgt.s32 v9, $0x0  }
.Ltmp4:
0xe0: {  	vm12 =	vgt.s32 v16, $0x0;
	v20 =	vnsel vm11, $0x0, v9;
	v9 =	vtrunc.f32 v17;
	(pc) =	sbr.rel @!p1 .LBB2_6-.Ltmp4, $4  }
0xe1: {  	vm13 =	vgt.s32 v11, $0x0;
	v10 =	vtrunc.f32 v10;
	v9 =	vcvt.f32.s32 v9  }
0xe2: {  	v14 =	vmin.u32 v14, $0x13;
	v11 =	vnsel vm13, $0x0, v11;
	v10 =	vcvt.f32.s32 v10;
	v22 =	vld.idx.msk [tilespmem:v8+s19+$0x0], $0xffff  }
0xe3: {  	v27 =	vadd.s32 v12, v14;
	v35 =	vnsel vm12, $0x0, v16;
	v28 =	vld.idx.msk [tilespmem:v8+s18+$0x0], $0xffff;
	vm15 =	vgt.s32 v9, $0x0  }
0xe4: {  	p0 =	por $0x0, $0x0;
	s4 =	simm.s32 $0x2040;
	v23 =	vmin.u32 v11, $0x13;
	v30 =	vld.idx.msk [tilespmem:v8+s14+$0x0], $0xffff;
	v21 =	vmul.u32 $0x14, v10;
	v25 =	vnsel vm15, $0x0, v9  }
0xe5: {  	_ = 	snop  }
0xe6: {  	s22 =	simm.s32 $0x2060  }
0xe7: {  	v16 =	vor.u32 s22, v0  }
0xe8: {  	v9 =	vtrunc.f32 v28  }
0xe9: {  	v14 =	vcvt.f32.s32 v9;
	v9 =	vmul.u32 $0x14, v27  }
0xea: {  	v19 =	vmin.u32 v20, $0x13  }
0xeb: {  	s5 =	simm.s32 $0x2050;
	v9 =	vadd.s32 v19, v9  }
0xec: {  	v12 =	vmul.u32 $0x14, v29;
	v15 =	vor.u32 s5, v0;
	v24 =	vld.idx.msk [tilespmem:v16+s19+$0x0], $0xffff;
	(xrf1) =	vunique.msk.u32 $0xffff, v9  }
0xed: {  	v19 =	vadd.s32 v21, v23;
	v23 =	vmin.u32 v25, $0x13  }
0xee: {  	v12 =	vadd.s32 v12, v23  }
0xef: {  	s6 =	simm.s32 $0x2070;
	v11 =	vmin.u32 v35, $0x13;
	v12 =	vmul.u32 $0x14, v12  }
0xf0: {  	s14 =	simm.s32 $0x0;
	v13 =	vor.u32 s6, v0;
	v17 =	vtrunc.f32 v22;
	v10 =	vtrunc.f32 v30  }
0xf1: {  	v10 =	vcvt.f32.s32 v10;
	v11 =	vadd.s32 v11, v12;
	v12 =	vtrunc.f32 v24;
	v24 =	vld.idx.msk [tilespmem:v15+s14+$0x0], $0xffff  }
0xf2: {  	vm0 =	vgt.s32 v18, $0x0;
	v17 =	vcvt.f32.s32 v17;
	v20 =	vld.idx.msk [tilespmem:v15+s19+$0x0], $0xffff  }
0xf3: {  	v21 =	vmul.u32 $0x14, v10;
	v10 =	vnsel vm0, $0x0, v18;
	v18 =	vld.idx.msk [tilespmem:v15+s18+$0x0], $0xffff;
	vm0 =	vgt.s32 v14, $0x0  }
0xf4: {  	vm1 =	vgt.s32 v17, $0x0;
	v14 =	vnsel vm0, $0x0, v14  }
0xf5: {  	v17 =	vnsel vm1, $0x0, v17;
	v19 =	vmul.u32 $0x14, v19;
	v14 =	vmin.u32 v14, $0x13  }
0xf6: {  	v22 =	vld.idx.msk [tilespmem:v13+s19+$0x0], $0xffff;
	v10 =	vmin.u32 v10, $0x13;
	v14 =	vadd.s32 v21, v14;
	v24 =	vtrunc.f32 v24  }
0xf7: {  	v10 =	vadd.s32 v10, v19;
	v14 =	vmul.u32 $0x14, v14;
	v26 =	vcvt.f32.s32 v12  }
0xf8: {  	v23 =	vmin.u32 v17, $0x13;
	(xrf1) =	vunique.msk.u32 $0xffff, v10;
	v20 =	vtrunc.f32 v20;
	v18 =	vtrunc.f32 v18  }
0xf9: {  	v25 =	vld.idx.msk [tilespmem:v13+s14+$0x0], $0xffff;
	v14 =	vadd.s32 v23, v14;
	v23 =	vcvt.f32.s32 v18;
	vm0 =	vgt.s32 v26, $0x0  }
0xfa: {  	v19 =	vld.idx.msk [tilespmem:v16+s14+$0x0], $0xffff;
	v18 =	vcvt.f32.s32 v20;
	v20 =	vnsel vm0, $0x0, v26;
	v26 =	vcvt.f32.s32 v24;
	_, v24, vm0 =	vpop (xrf1);
	(xrf1) =	vunique.msk.u32 $0xffff, v11  }
0xfb: {  	v21 =	vld.idx.msk [tilespmem:v16+s18+$0x0], $0xffff;
	v17 =	vtrunc.f32 v22;
	(xrf1) =	vunique.msk.u32 $0xffff, v14  }
0xfc: {  	v31 =	vcvt.f32.s32 v17;
	v17 =	vor.u32 s4, v0  }
0xfd: {  	v22 =	vld.idx.msk [tilespmem:v13+s18+$0x0], $0xffff;
	_ =	sdelay $0x1  }
0xfe: {  	v12 =	vtrunc.f32 v19;
	v19 =	vtrunc.f32 v25  }
0xff: {  	vm2 =	vgt.s32 v31, $0x0;
	v25 =	vcvt.f32.s32 v12;
	v21 =	vtrunc.f32 v21  }
0x100: {  	p2 =	por $0x1, $0x1;
	v12 =	vimm.s32 $0x0;
	vm1 =	vgt.s32 v23, $0x0;
	v21 =	vcvt.f32.s32 v21;
	v28 =	vld.idx.msk [tilespmem:v17+s18+$0x0], $0xffff  }
.Ltmp5:
0x101: {  	v29 =	vcvt.f32.s32 v19;
	v35 =	vnsel vm2, $0x0, v31;
	v22 =	vtrunc.f32 v22;
	v30 =	vld.idx.msk [tilespmem:v17+s14+$0x0], $0xffff;
	(pc) =	sbr.rel @!p2 .LBB2_8-.Ltmp5, $4  }
0x102: {  	v23 =	vnsel vm1, $0x0, v23;
	v32 =	vcvt.f32.s32 v22;
	vm1 =	vgt.s32 v21, $0x0  }
0x103: {  	v25 =	vmul.u32 $0x14, v25;
	v23 =	vmin.u32 v23, $0x13;
	v21 =	vnsel vm1, $0x0, v21  }
0x104: {  	vm3 =	vgt.s32 v32, $0x0;
	v27 =	vmin.u32 v21, $0x13;
	v21 =	vmul.u32 $0x14, v26  }
0x105: {  	p1 =	por $0x1, $0x1;
	s4 =	simm.s32 $0x2080;
	v22 =	vld.idx.msk [tilespmem:v17+s19+$0x0], $0xffff;
	v27 =	vadd.s32 v25, v27;
	v25 =	vnsel vm3, $0x0, v32;
	v19 =	vshll.u32 v24, $0x10;
	_, v26, vm1 =	vpop (xrf1)  }
.LBB2_9:
0x106: {  	s5 =	sadd.s32 $0x10, s4;
	s6 =	sadd.s32 $0x20, s4;
	s14 =	sadd.s32 $0x30, s4;
	v28 =	vtrunc.f32 v28;
	v30 =	vtrunc.f32 v30;
	v31 =	vmin.u32 v35, $0x13  }
0x107: {  	p2 =	slt.u32 s4, $0x3FC0;
	v29 =	vmul.u32 $0x14, v29;
	v32 =	vor.u32 s5, v0;
	v33 =	vor.u32 s6, v0;
	[tilespmem:v9+s24+$0x0] =	vst.idx.add.s32.msk vm0, v24;
	_, v24, vm2 =	vpop (xrf1);
	s5 =	smov.u32 s4;
	s4 =	sadd.s32 $0x40, s4  }
0x108: {  	v35 =	vshll.u32 v26, $0x10;
	v34 =	vor.u32 s14, v0;
	v28 =	vcvt.f32.s32 v28;
	_, v36, vm3 =	vpop (xrf1)  }
0x109: {  	v27 =	vmul.u32 $0x14, v27;
	v37 =	vsel vm1, $0x200000, v12;
	v30 =	vcvt.f32.s32 v30  }
0x10a: {  	v22 =	vtrunc.f32 v22;
	v20 =	vmin.u32 v20, $0x13;
	[tilespmem:v10+s24+$0x0] =	vst.idx.add.s32.msk vm1, v26;
	v26 =	vshll.u32 v24, $0x10  }
0x10b: {  	s14 =	simm.s32 $0x0;
	v22 =	vcvt.f32.s32 v22;
	v30 =	vmul.u32 $0x14, v30;
	v38 =	vshll.u32 v36, $0x10  }
0x10c: {  	v25 =	vmin.u32 v25, $0x13;
	v40 =	vsel vm3, $0x200000, v12;
	vm1 =	vgt.s32 v18, $0x0;
	v39 =	vld.idx.msk [tilespmem:v33+s18+$0x0], $0xffff  }
0x10d: {  	vm4 =	vgt.s32 v22, $0x0;
	v38 =	vor.u32 v38, v40;
	v18 =	vnsel vm1, $0x0, v18;
	v41 =	vld.idx.msk [tilespmem:v32+s19+$0x0], $0xffff  }
0x10e: {  	v20 =	vadd.s32 v20, v27;
	v22 =	vnsel vm4, $0x0, v22;
	vm1 =	vgt.s32 v28, $0x0;
	v40 =	vld.idx.msk [tilespmem:v34+s19+$0x0], $0xffff  }
0x10f: {  	v21 =	vadd.s32 v21, v23;
	v23 =	vadd.s32 v29, v25;
	v22 =	vmin.u32 v22, $0x13;
	[tilespmem:v14+s24+$0x0] =	vst.idx.add.s32.msk vm3, v36  }
0x110: {  	v21 =	vmul.u32 $0x14, v21;
	v27 =	vnsel vm1, $0x0, v28;
	v28 =	vsel vm0, $0x200000, v12;
	v25 =	vld.idx.msk [tilespmem:v32+s18+$0x0], $0xffff;
	(xrf1) =	vunique.msk.u32 $0xffff, v20  }
0x111: {  	v18 =	vmin.u32 v18, $0x13;
	v27 =	vmin.u32 v27, $0x13;
	v19 =	vor.u32 v19, v28;
	v29 =	vld.idx.msk [tilespmem:v33+s19+$0x0], $0xffff  }
0x112: {  	v18 =	vadd.s32 v18, v21;
	v21 =	vmul.u32 $0x14, v23;
	v23 =	vor.u32 v14, v38;
	v28 =	vld.idx.msk [tilespmem:v34+s14+$0x0], $0xffff  }
0x113: {  	v14 =	vadd.s32 v30, v27;
	v27 =	vor.u32 v35, v37;
	v30 =	vsel vm2, $0x200000, v12;
	v36 =	vld.idx.msk [tilespmem:v33+s14+$0x0], $0xffff;
	(xrf1) =	vunique.msk.u32 $0xffff, v18  }
0x114: {  	v14 =	vmul.u32 $0x14, v14;
	v27 =	vor.u32 v10, v27;
	v10 =	vmovc v18;
	v35 =	vtrunc.f32 v41;
	v37 =	vld.idx.msk [tilespmem:v34+s18+$0x0], $0xffff  }
0x115: {  	v21 =	vadd.s32 v31, v21;
	v18 =	vtrunc.f32 v40;
	v38 =	vld.idx.msk [tilespmem:v32+s14+$0x0], $0xffff;
	[tilespmem:v6+s25+$0x0] =	vst.idx.msk $0xffff, v27;
	v6 =	vmov v15  }
0x116: {  	v14 =	vadd.s32 v22, v14;
	v27 =	vor.u32 s5, v0;
	v15 =	vmovc v32;
	(xrf1) =	vunique.msk.u32 $0xffff, v21;
	[tilespmem:v8+s25+$0x0] =	vst.idx.msk $0xffff, v23  }
0x117: {  	v31 =	vcvt.f32.s32 v18;
	v18 =	vor.u32 v9, v19;
	v9 =	vmovc v20;
	v8 =	vtrunc.f32 v29;
	(xrf1) =	vunique.msk.u32 $0xffff, v14  }
0x118: {  	v19 =	vtrunc.f32 v25;
	v20 =	vcvt.f32.s32 v8;
	v8 =	vor.u32 v26, v30;
	[tilespmem:v7+s25+$0x0] =	vst.idx.msk $0xffff, v18;
	v7 =	vmovc v16  }
0x119: {  	v23 =	vtrunc.f32 v28;
	v18 =	vtrunc.f32 v36;
	v26 =	vor.u32 v11, v8;
	v16 =	vmovc v33;
	[tilespmem:v11+s24+$0x0] =	vst.idx.add.s32.msk vm2, v24  }
0x11a: {  	v19 =	vcvt.f32.s32 v19;
	vm0 =	vgt.s32 v20, $0x0;
	v25 =	vcvt.f32.s32 v18;
	[tilespmem:v5+s25+$0x0] =	vst.idx.msk $0xffff, v26;
	v5 =	vmovc v13;
	v13 =	vmovc v34  }
0x11b: {  	v33 =	vtrunc.f32 v39;
	vm2 =	vgt.s32 v31, $0x0;
	v11 =	vmovc v21;
	v8 =	vmov v17;
	v22 =	vld.idx.msk [tilespmem:v27+s19+$0x0], $0xffff  }
0x11c: {  	vm1 =	vgt.s32 v19, $0x0;
	v18 =	vcvt.f32.s32 v35;
	v21 =	vcvt.f32.s32 v33;
	v17 =	vmovc v27;
	v28 =	vld.idx.msk [tilespmem:v27+s18+$0x0], $0xffff  }
0x11d: {  	v29 =	vtrunc.f32 v38;
	v20 =	vnsel vm0, $0x0, v20;
	v26 =	vtrunc.f32 v37;
	v30 =	vld.idx.msk [tilespmem:v27+s14+$0x0], $0xffff  }
.Ltmp6:
0x11e: {  	v32 =	vnsel vm1, $0x0, v19;
	vm1 =	vgt.s32 v21, $0x0;
	v27 =	vcvt.f32.s32 v29;
	_, v24, vm0 =	vpop (xrf1);
	(pc) =	sbr.rel @p2 .LBB2_9-.Ltmp6, $4  }
0x11f: {  	v25 =	vmul.u32 $0x14, v25;
	v33 =	vcvt.f32.s32 v26;
	v19 =	vnsel vm1, $0x0, v21  }
0x120: {  	v34 =	vmin.u32 v19, $0x13;
	v29 =	vcvt.f32.s32 v23;
	v19 =	vshll.u32 v24, $0x10  }
0x121: {  	vm3 =	vgt.s32 v33, $0x0;
	v21 =	vmul.u32 $0x14, v27;
	v27 =	vadd.s32 v25, v34;
	_, v26, vm1 =	vpop (xrf1)  }
0x122: {  	v35 =	vnsel vm2, $0x0, v31;
	v23 =	vmin.u32 v32, $0x13;
	v25 =	vnsel vm3, $0x0, v33  }
0x123: {  	v34 =	vmov v6;
	v31 =	vmov v8;
	v32 =	vmov v7  }
0x124: {  	v33 =	vmovc v5;
	v6 =	vmovc v15;
	v7 =	vmov v16;
	v5 =	vmov v13;
	v8 =	vmov v17  }
.LBB2_11:
0x125: {  	v13 =	vtrunc.f32 v28  }
0x126: {  	v15 =	vtrunc.f32 v30;
	v17 =	vmul.u32 $0x14, v29;
	v22 =	vtrunc.f32 v22  }
0x127: {  	v27 =	vmul.u32 $0x14, v27;
	v20 =	vmin.u32 v20, $0x13;
	vm2 =	vgt.s32 v18, $0x0  }
0x128: {  	v25 =	vmin.u32 v25, $0x13;
	v21 =	vadd.s32 v21, v23;
	v13 =	vcvt.f32.s32 v13  }
0x129: {  	v15 =	vcvt.f32.s32 v15;
	v22 =	vcvt.f32.s32 v22;
	v18 =	vnsel vm2, $0x0, v18  }
0x12a: {  	v21 =	vmul.u32 $0x14, v21;
	v20 =	vadd.s32 v20, v27;
	v17 =	vadd.s32 v17, v25  }
0x12b: {  	v18 =	vmin.u32 v18, $0x13;
	v15 =	vmul.u32 $0x14, v15;
	vm12 =	vgt.s32 v13, $0x0  }
0x12c: {  	vm3 =	vgt.s32 v22, $0x0;
	(xrf1) =	vunique.msk.u32 $0xffff, v20;
	v18 =	vadd.s32 v18, v21;
	v13 =	vnsel vm12, $0x0, v13  }
0x12d: {  	v17 =	vmul.u32 $0x14, v17;
	v54 =	vnsel vm3, $0x0, v22;
	(xrf1) =	vunique.msk.u32 $0xffff, v18;
	v13 =	vmin.u32 v13, $0x13  }
0x12e: {  	v16 =	vmin.u32 v35, $0x13;
	v13 =	vadd.s32 v15, v13;
	v15 =	vmin.u32 v54, $0x13  }
0x12f: {  	v16 =	vadd.s32 v16, v17;
	v13 =	vmul.u32 $0x14, v13  }
0x130: {  	(xrf1) =	vunique.msk.u32 $0xffff, v16  }
0x131: {  	v13 =	vadd.s32 v15, v13  }
0x132: {  	(xrf1) =	vunique.msk.u32 $0xffff, v13;
	_, v15, vm2 =	vpop @p1 (xrf1)  }
0x133: {  	_, v17, vm3 =	vpop @p1 (xrf1);
	_ =	sdelay $0x3  }
0x134: {  	v21 =	vshll.u32 @p1 v26, $0x10;
	v22 =	vsel @p1 vm1, $0x200000, v12  }
0x135: {  	[tilespmem:v10+s24+$0x0] =	vst.idx.add.s32.msk @p1 vm1, v26;
	v21 =	vor.u32 @p1 v21, v22  }
0x136: {  	v10 =	vor.u32 @p1 v10, v21;
	v23 =	vshll.u32 @p1 v17, $0x10;
	[tilespmem:v14+s24+$0x0] =	vst.idx.add.s32.msk @p1 vm3, v17;
	v17 =	vsel @p1 vm0, $0x200000, v12  }
0x137: {  	[tilespmem:v34+s25+$0x0] =	vst.idx.msk @p1 $0xffff, v10;
	v10 =	vshll.u32 @p1 v15, $0x10;
	_, v55, vm13 =	vpop (xrf1);
	v17 =	vor.u32 @p1 v19, v17  }
0x138: {  	[tilespmem:v9+s24+$0x0] =	vst.idx.add.s32.msk @p1 vm0, v24;
	v24 =	vsel @p1 vm3, $0x200000, v12;
	v12 =	vsel @p1 vm2, $0x200000, v12;
	_, v56, vm14 =	vpop (xrf1);
	v9 =	vor.u32 @p1 v9, v17  }
0x139: {  	[tilespmem:v32+s25+$0x0] =	vst.idx.msk @p1 $0xffff, v9;
	v9 =	vor.u32 @p1 v10, v12  }
0x13a: {  	[tilespmem:v11+s24+$0x0] =	vst.idx.add.s32.msk @p1 vm2, v15;
	v9 =	vor.u32 @p1 v11, v9  }
0x13b: {  	v23 =	vor.u32 @p1 v23, v24;
	_, v57, vm15 =	vpop (xrf1);
	[tilespmem:v33+s25+$0x0] =	vst.idx.msk @p1 $0xffff, v9;
	v9 =	vimm.s32 $0x0  }
0x13c: {  	v14 =	vor.u32 @p1 v14, v23;
	v11 =	vshll.u32 v56, $0x10;
	v59 =	vsel vm14, $0x200000, v9  }
0x13d: {  	[tilespmem:v31+s25+$0x0] =	vst.idx.msk @p1 $0xffff, v14;
	_, v58, vm4 =	vpop (xrf1);
	v11 =	vor.u32 v11, v59  }
0x13e: {  	v10 =	vshll.u32 v55, $0x10;
	[tilespmem:v18+s24+$0x0] =	vst.idx.add.s32.msk vm14, v56;
	v11 =	vor.u32 v18, v11  }
0x13f: {  	v63 =	vsel vm13, $0x200000, v9;
	[tilespmem:v6+s25+$0x0] =	vst.idx.msk $0xffff, v11;
	v6 =	vshll.u32 v57, $0x10;
	v11 =	vsel vm15, $0x200000, v9  }
0x140: {  	[tilespmem:v20+s24+$0x0] =	vst.idx.add.s32.msk vm13, v55;
	v14 =	vor.u32 v10, v63;
	v10 =	vor.u32 s14, v0;
	v6 =	vor.u32 v6, v11  }
0x141: {  	v60 =	vshll.u32 v58, $0x10;
	v61 =	vsel vm4, $0x200000, v9;
	[tilespmem:v16+s24+$0x0] =	vst.idx.add.s32.msk vm15, v57;
	v6 =	vor.u32 v16, v6  }
0x142: {  	p1 =	sne.s32 s14, $0x670;
	v62 =	vor.u32 v60, v61;
	[tilespmem:v5+s25+$0x0] =	vst.idx.msk $0xffff, v6  }
.Ltmp7:
0x143: {  	v12 =	vor.u32 v13, v62;
	[tilespmem:v13+s24+$0x0] =	vst.idx.add.s32.msk vm4, v58;
	(pc) =	sbr.rel @!p1 .LBB2_12-.Ltmp7, $4  }
0x144: {  	[tilespmem:v8+s25+$0x0] =	vst.idx.msk $0xffff, v12;
	v8 =	vor.u32 v20, v14  }
0x145: {  	[tilespmem:v7+s25+$0x0] =	vst.idx.msk $0xffff, v8  }
0x146: {  	v5 =	vld.idx.msk [tilespmem:v10+s23+$0x0], $0xffff  }
0x147: {  	s4 =	sadd.s32 $0x10, s14;
	v11 =	vld.idx.msk [tilespmem:v10+s24+$0x0], $0xffff  }
0x148: {  	_ =	sdelay $0x3  }
0x149: {  	v6 =	vadd.s32 v5, v11  }
0x14a: {  	(xrf0) =	vadd.scan.msk.s32 $0xffff, v6;
	_ =	sdelay $0x5  }
0x14b: {  	v6 =	vsub.s32 v9, v6;
	v7, _, _ =	vpop (xrf0)  }
0x14c: {  	v8 =	vadd.s32 v7, v6  }
0x14d: {  	v6 =	vor.u32 s4, v0;
	[tilespmem:v10+s26+$0x0] =	vst.idx.msk $0xffff, v8  }
0x14e: {  	p1 =	sne.s32 s4, $0x670;
	v5 =	vadd.s32 v5, v8;
	[tilespmem:v10+s28+$0x0] =	vst.idx.msk $0xffff, v8  }
.Ltmp8:
0x14f: {  	[tilespmem:v10+s29+$0x0] =	vst.idx.msk $0xffff, v5;
	(pc) =	sbr.rel @!p1 .LBB2_14-.Ltmp8, $4  }
0x150: {  	[tilespmem:$0x1BA80] =	vst v7  }
0x151: {  	v8 =	vld.idx.msk [tilespmem:v2+s30+$0x0], $0xffff  }
0x152: {  	v5 =	vld.idx.msk [tilespmem:v6+s23+$0x0], $0xffff  }
0x153: {  	p0 =	por $0x1, $0x1;
	s4 =	sadd.s32 $0x10, s4;
	v7 =	vimm.s32 $0x0;
	v11 =	vld.idx.msk [tilespmem:v6+s24+$0x0], $0xffff  }
.LBB2_15:
0x154: {  	_ = 	snop  }
0x155: {  	p1 =	sne.s32 s4, $0x670;
	s5 =	smov.u32 s4;
	s4 =	sadd.s32 $0x10, s4  }
0x156: {  	v7 =	vadd.s32 v7, v8;
	_ =	sdelay $0x1  }
0x157: {  	v8 =	vadd.s32 v5, v11  }
0x158: {  	(xrf0) =	vadd.scan.msk.s32 $0xffff, v8;
	_ =	sdelay $0x4  }
0x159: {  	v8 =	vsub.s32 v7, v8  }
0x15a: {  	v10, _, _ =	vpop (xrf0)  }
0x15b: {  	v8 =	vadd.s32 v10, v8  }
0x15c: {  	v11 =	vor.u32 s5, v0;
	[tilespmem:v6+s26+$0x0] =	vst.idx.msk $0xffff, v8;
	v5 =	vadd.s32 v5, v8  }
0x15d: {  	[tilespmem:v6+s28+$0x0] =	vst.idx.msk $0xffff, v8  }
.Ltmp9:
0x15e: {  	[tilespmem:v6+s29+$0x0] =	vst.idx.msk $0xffff, v5;
	v6 =	vmov v11;
	(pc) =	sbr.rel @p1 .LBB2_15-.Ltmp9, $4  }
0x15f: {  	[tilespmem:$0x1BA80] =	vst v10  }
0x160: {  	v8 =	vld.idx.msk [tilespmem:v2+s30+$0x0], $0xffff  }
0x161: {  	v5 =	vld.idx.msk [tilespmem:v11+s23+$0x0], $0xffff  }
0x162: {  	v11 =	vld.idx.msk [tilespmem:v11+s24+$0x0], $0xffff  }
0x163: {  	v10 =	vmov v6  }
.LBB2_17:
0x164: {  	_ =	sdelay $0x2  }
0x165: {  	v6 =	vadd.s32 v5, v11  }
0x166: {  	(xrf0) =	vadd.scan.msk.s32 $0xffff, v6;
	_ =	sdelay $0x1  }
0x167: {  	v7 =	vadd.s32 @p0 v7, v8  }
0x168: {  	v7 =	vpsel p0, v7, v9;
	_ =	sdelay $0x2  }
0x169: {  	v6 =	vsub.s32 v7, v6;
	v7, _, _ =	vpop (xrf0)  }
0x16a: {  	v6 =	vadd.s32 v7, v6  }
0x16b: {  	[tilespmem:v10+s26+$0x0] =	vst.idx.msk $0xffff, v6  }
0x16c: {  	v5 =	vadd.s32 v5, v6;
	[tilespmem:v10+s28+$0x0] =	vst.idx.msk $0xffff, v6  }
0x16d: {  	[tilespmem:v10+s29+$0x0] =	vst.idx.msk $0xffff, v5  }
0x16e: {  	s4 =	simm.s32 $0xFFFFFFFE;
	[tilespmem:$0x1BA80] =	vst v7  }
.LBB2_18:
0x16f: {  	v5 =	vor.u32 s14, v0;
	_ =	sdelay $0x4  }
0x170: {  	v6 =	vld.idx.msk [tilespmem:v5+s25+$0x0], $0xffff;
	_ =	sdelay $0x4  }
0x171: {  	v7 =	vand.u32 $0xFFFF, v6;
	_ =	sdelay $0x4  }
0x172: {  	v8 =	vld.idx.msk [tilespmem:v7+s28+$0x0], $0xffff;
	_ =	sdelay $0x2  }
0x173: {  	v9 =	vshrl.u32 v6, $0x10;
	v6 =	vand.u32 $0xFFE00000, v6  }
0x174: {  	v9 =	vand.u32 $0x1F, v9;
	vm0 =	veq.s32 v6, $0x200000  }
0x175: {  	v6 =	vadd.s32 v8, v9  }
0x176: {  	s5 =	sadd.s32 $0x2000, s14;
	v8 =	vadd.s32 $0xFFFFFFFF, v6  }
0x177: {  	v58 =	vor.u32 s5, v0;
	_ =	sdelay $0x2  }
0x178: {  	[tilespmem:v7+s28+$0x0] =	vst.idx.msk vm0, v6  }
0x179: {  	[tilespmem:v8+s31+$0x0] =	vst.idx.msk $0xffff, v5  }
0x17a: {  	v5 =	vld.idx.msk [tilespmem:v58+s25+$0x0], $0xffff;
	_ =	sdelay $0x4  }
0x17b: {  	v6 =	vand.u32 $0xFFFF, v5;
	_ =	sdelay $0x4  }
0x17c: {  	v7 =	vld.idx.msk [tilespmem:v6+s29+$0x0], $0xffff;
	_ =	sdelay $0x2  }
0x17d: {  	v59 =	vshrl.u32 v5, $0x10;
	v5 =	vand.u32 $0xFFE00000, v5  }
0x17e: {  	v8 =	vand.u32 $0x1F, v59;
	vm13 =	veq.s32 v5, $0x200000  }
0x17f: {  	v5 =	vadd.s32 v7, v8  }
0x180: {  	s16 =	sadd.s32 $0x10, s14;
	v7 =	vadd.s32 $0xFFFFFFFF, v5  }
0x181: {  	v60 =	vor.u32 s16, v0;
	_ =	sdelay $0x2  }
0x182: {  	[tilespmem:v6+s29+$0x0] =	vst.idx.msk vm13, v5  }
0x183: {  	[tilespmem:v7+s31+$0x0] =	vst.idx.msk $0xffff, v58  }
0x184: {  	v5 =	vld.idx.msk [tilespmem:v60+s25+$0x0], $0xffff;
	_ =	sdelay $0x4  }
0x185: {  	v6 =	vand.u32 $0xFFFF, v5;
	_ =	sdelay $0x4  }
0x186: {  	v7 =	vld.idx.msk [tilespmem:v6+s28+$0x0], $0xffff;
	_ =	sdelay $0x2  }
0x187: {  	v61 =	vshrl.u32 v5, $0x10;
	v5 =	vand.u32 $0xFFE00000, v5  }
0x188: {  	v9 =	vand.u32 $0x1F, v61;
	vm14 =	veq.s32 v5, $0x200000  }
0x189: {  	v5 =	vadd.s32 v7, v9  }
0x18a: {  	s22 =	sadd.s32 $0x2010, s14;
	v7 =	vadd.s32 $0xFFFFFFFF, v5  }
0x18b: {  	v62 =	vor.u32 s22, v0;
	_ =	sdelay $0x2  }
0x18c: {  	[tilespmem:v6+s28+$0x0] =	vst.idx.msk vm14, v5  }
0x18d: {  	[tilespmem:v7+s31+$0x0] =	vst.idx.msk $0xffff, v60  }
0x18e: {  	v5 =	vld.idx.msk [tilespmem:v62+s25+$0x0], $0xffff;
	_ =	sdelay $0x4  }
0x18f: {  	v6 =	vand.u32 $0xFFFF, v5;
	_ =	sdelay $0x4  }
0x190: {  	v7 =	vld.idx.msk [tilespmem:v6+s29+$0x0], $0xffff;
	_ =	sdelay $0x2  }
0x191: {  	v63 =	vshrl.u32 v5, $0x10;
	v5 =	vand.u32 $0xFFE00000, v5  }
0x192: {  	vm15 =	veq.s32 v5, $0x200000;
	v5 =	vand.u32 $0x1F, v63  }
0x193: {  	s4 =	sadd.s32 $0x2, s4;
	v5 =	vadd.s32 v7, v5  }
0x194: {  	p0 =	slt.u32 s4, $0x1FE;
	v7 =	vadd.s32 $0xFFFFFFFF, v5  }
.Ltmp10:
0x195: {  	_ = 	snop;
	(pc) =	sbr.rel @p0 .LBB2_18-.Ltmp10, $3  }
0x196: {  	_ =	sdelay $0x1  }
0x197: {  	[tilespmem:v6+s29+$0x0] =	vst.idx.msk vm15, v5  }
0x198: {  	s14 =	sadd.s32 $0x20, s14;
	[tilespmem:v7+s31+$0x0] =	vst.idx.msk $0xffff, v62  }
0x199: {  	s14 =	simm.s32 $0x0;
	s4 =	rddreg [dreg:$0x8]  }
0x19a: {  	[tilespmem:s0], [sflag:$0x1] =	stream.linear.gather [hbm4b:s4+s14], $0x80, $0x38;
	[tilespmem:$0x1BC00] =	vst v63  }
0x19b: {  	_ =	swait.ge [sflag:s17], $0x80  }
0x19c: {  	[sflag:s17] =	ssyncset.done $0x0  }
0x19d: {  	s8 =	rddreg [dreg:$0x9];
	[sflag:s17] =	ssyncadd.s32 $0xFFFFFF80  }
0x19e: {  	[tilespmem:s2], [sflag:$0x1] =	stream.linear.gather [hbm4b:s8+s14], $0x80, $0x38;
	[tilespmem:$0x1BC00] =	vst v63  }
0x19f: {  	_ =	swait.ge [sflag:s17], $0x80  }
0x1a0: {  	[sflag:s17] =	ssyncset.done $0x0  }
0x1a1: {  	s15 =	rddreg [dreg:$0xa];
	[sflag:s17] =	ssyncadd.s32 $0xFFFFFF80  }
0x1a2: {  	[tilespmem:s1], [sflag:$0x1] =	stream.linear.gather [hbm4b:s15+s14], $0x80, $0x38;
	[tilespmem:$0x1BC00] =	vst v63  }
0x1a3: {  	_ =	swait.ge [sflag:s17], $0x80  }
0x1a4: {  	[sflag:s17] =	ssyncset.done $0x0  }
0x1a5: {  	s16 =	rddreg [dreg:$0xb];
	[sflag:s17] =	ssyncadd.s32 $0xFFFFFF80  }
0x1a6: {  	[tilespmem:s21], [sflag:$0x1] =	stream.linear.gather [hbm4b:s16+s14], $0x80, $0x38;
	[tilespmem:$0x1BC00] =	vst v63  }
0x1a7: {  	_ =	swait.ge [sflag:s17], $0x80  }
0x1a8: {  	[sflag:s17] =	ssyncset.done $0x0  }
0x1a9: {  	[sflag:s17] =	ssyncadd.s32 $0xFFFFFF80  }
0x1aa: {  	v5 =	vld.idx.msk [tilespmem:v0+s2+$0x0], $0xffff  }
0x1ab: {  	v6 =	vld.idx.msk [tilespmem:v0+s1+$0x0], $0xffff  }
0x1ac: {  	v8 =	vld.idx.msk [tilespmem:v0+s0+$0x0], $0xffff;
	_ =	sdelay $0x3  }
0x1ad: {  	v7 =	vsub.f32 v5, v4  }
0x1ae: {  	v5 =	vadd.f32 v5, v4;
	v9 =	vsub.f32 v6, v4;
	v8 =	vtrunc.f32 v8  }
0x1af: {  	v6 =	vadd.f32 v6, v4;
	v8 =	vcvt.f32.s32 v8;
	v7 =	vmax.f32 v7, $0.0e+00  }
0x1b0: {  	v5 =	vmax.f32 v5, $0.0e+00;
	v9 =	vmax.f32 v9, $0.0e+00;
	v7 =	vtrunc.f32 v7  }
0x1b1: {  	v5 =	vtrunc.f32 v5;
	v9 =	vtrunc.f32 v9  }
0x1b2: {  	v6 =	vmax.f32 v6, $0.0e+00;
	v7 =	vcvt.f32.s32 v7;
	v5 =	vcvt.f32.s32 v5  }
0x1b3: {  	v6 =	vtrunc.f32 v6;
	v8 =	vmul.u32 $0x190, v8;
	v9 =	vcvt.f32.s32 v9  }
0x1b4: {  	v6 =	vcvt.f32.s32 v6;
	vm0 =	vgt.s32 v7, $0x0;
	vm9 =	vgt.s32 v5, $0x0  }
0x1b5: {  	vm10 =	vgt.s32 v9, $0x0;
	v7 =	vnsel vm0, $0x0, v7;
	v5 =	vnsel vm9, $0x0, v5  }
0x1b6: {  	vm11 =	vgt.s32 v6, $0x0;
	v10 =	vmin.u32 v7, $0x13;
	v11 =	vmin.u32 v5, $0x13  }
0x1b7: {  	v9 =	vnsel vm10, $0x0, v9;
	v6 =	vnsel vm11, $0x0, v6;
	v12 =	vmin.u32 v10, v11  }
0x1b8: {  	v9 =	vmin.u32 v9, $0x13;
	v6 =	vmin.u32 v6, $0x13;
	v12 =	vmul.u32 $0x14, v12  }
0x1b9: {  	v8 =	vadd.s32 v8, v9;
	v6 =	vsub.s32 v6, v9  }
0x1ba: {  	v6 =	vadd.s32 $0x1, v6;
	v37 =	vadd.s32 v12, v8  }
0x1bb: {  	s22 =	simm.s32 $0x1A280;
	v12 =	vadd.s32 v6, v37  }
0x1bc: {  	s5 =	simm.s32 $0x1A380;
	[tilespmem:v0+s22+$0x0] =	vst.idx.msk $0xffff, v10  }
0x1bd: {  	s6 =	simm.s32 $0x1A480;
	[tilespmem:v0+s5+$0x0] =	vst.idx.msk $0xffff, v11  }
0x1be: {  	s7 =	simm.s32 $0x1A580;
	[tilespmem:v0+s6+$0x0] =	vst.idx.msk $0xffff, v8  }
0x1bf: {  	v13 =	vadd.s32 $0x1, v10;
	[tilespmem:v0+s7+$0x0] =	vst.idx.msk $0xffff, v6  }
0x1c0: {  	v13 =	vmin.u32 v13, v11;
	v12 =	vld.idx.msk [tilespmem:v12+s26+$0x0], $0xffff  }
0x1c1: {  	v13 =	vmul.u32 $0x14, v13;
	v9 =	vld.idx.msk [tilespmem:v37+s26+$0x0], $0xffff;
	_ =	sdelay $0x1  }
0x1c2: {  	v13 =	vadd.s32 v8, v13  }
0x1c3: {  	v14 =	vadd.s32 v6, v13  }
0x1c4: {  	v12 =	vshll.u32 v12, $0x10  }
0x1c5: {  	vm12 =	vlt.u32 v5, v10;
	v5 =	vor.u32 v9, v12  }
0x1c6: {  	s8 =	simm.s32 $0x1A680;
	v5 =	vsel vm12, $0x0, v5  }
0x1c7: {  	[tilespmem:v0+s8+$0x0] =	vst.idx.msk $0xffff, v5;
	v5 =	vadd.s32 $0x2, v10  }
0x1c8: {  	v38 =	vld.idx.msk [tilespmem:v14+s26+$0x0], $0xffff;
	v10 =	vmin.u32 v5, v11  }
0x1c9: {  	v39 =	vld.idx.msk [tilespmem:v13+s26+$0x0], $0xffff;
	v10 =	vmul.u32 $0x14, v10;
	_ =	sdelay $0x1  }
0x1ca: {  	v8 =	vadd.s32 v8, v10  }
0x1cb: {  	v6 =	vadd.s32 v6, v8  }
0x1cc: {  	v9 =	vshll.u32 v38, $0x10  }
0x1cd: {  	vm13 =	vlt.u32 v7, v11;
	v7 =	vor.u32 v39, v9  }
0x1ce: {  	s15 =	simm.s32 $0x1A780;
	v7 =	vnsel vm13, $0x0, v7  }
0x1cf: {  	[tilespmem:v0+s15+$0x0] =	vst.idx.msk $0xffff, v7  }
0x1d0: {  	v6 =	vld.idx.msk [tilespmem:v6+s26+$0x0], $0xffff  }
0x1d1: {  	v7 =	vld.idx.msk [tilespmem:v8+s26+$0x0], $0xffff;
	_ =	sdelay $0x2  }
0x1d2: {  	v40 =	vor.u32 $0x10, v0  }
0x1d3: {  	v6 =	vshll.u32 v6, $0x10  }
0x1d4: {  	vm14 =	vgt.u32 v5, v11;
	v5 =	vor.u32 v7, v6  }
0x1d5: {  	v5 =	vsel vm14, $0x0, v5  }
0x1d6: {  	[tilespmem:v0+s10+$0x0] =	vst.idx.msk $0xffff, v5  }
0x1d7: {  	v5 =	vld.idx.msk [tilespmem:v40+s2+$0x0], $0xffff  }
0x1d8: {  	v6 =	vld.idx.msk [tilespmem:v40+s1+$0x0], $0xffff  }
0x1d9: {  	v41 =	vld.idx.msk [tilespmem:v40+s0+$0x0], $0xffff;
	_ =	sdelay $0x3  }
0x1da: {  	v7 =	vsub.f32 v5, v4  }
0x1db: {  	v5 =	vadd.f32 v5, v4;
	v42 =	vsub.f32 v6, v4;
	v9 =	vtrunc.f32 v41  }
0x1dc: {  	v6 =	vadd.f32 v6, v4;
	v9 =	vcvt.f32.s32 v9;
	v7 =	vmax.f32 v7, $0.0e+00  }
0x1dd: {  	v5 =	vmax.f32 v5, $0.0e+00;
	v10 =	vmax.f32 v42, $0.0e+00;
	v7 =	vtrunc.f32 v7  }
0x1de: {  	v5 =	vtrunc.f32 v5;
	v10 =	vtrunc.f32 v10  }
0x1df: {  	v6 =	vmax.f32 v6, $0.0e+00;
	v7 =	vcvt.f32.s32 v7;
	v5 =	vcvt.f32.s32 v5  }
0x1e0: {  	v6 =	vtrunc.f32 v6;
	v9 =	vmul.u32 $0x190, v9;
	v10 =	vcvt.f32.s32 v10  }
0x1e1: {  	v6 =	vcvt.f32.s32 v6;
	vm15 =	vgt.s32 v7, $0x0;
	vm4 =	vgt.s32 v5, $0x0  }
0x1e2: {  	vm5 =	vgt.s32 v10, $0x0;
	v7 =	vnsel vm15, $0x0, v7;
	v5 =	vnsel vm4, $0x0, v5  }
0x1e3: {  	vm6 =	vgt.s32 v6, $0x0;
	v43 =	vmin.u32 v7, $0x13;
	v44 =	vmin.u32 v5, $0x13  }
0x1e4: {  	v10 =	vnsel vm5, $0x0, v10;
	v6 =	vnsel vm6, $0x0, v6;
	v45 =	vmin.u32 v43, v44  }
0x1e5: {  	v10 =	vmin.u32 v10, $0x13;
	v6 =	vmin.u32 v6, $0x13;
	v13 =	vmul.u32 $0x14, v45  }
0x1e6: {  	v9 =	vadd.s32 v9, v10;
	v6 =	vsub.s32 v6, v10  }
0x1e7: {  	v6 =	vadd.s32 $0x1, v6;
	v46 =	vadd.s32 v13, v9  }
0x1e8: {  	v13 =	vadd.s32 v6, v46  }
0x1e9: {  	[tilespmem:v40+s22+$0x0] =	vst.idx.msk $0xffff, v43  }
0x1ea: {  	[tilespmem:v40+s5+$0x0] =	vst.idx.msk $0xffff, v44  }
0x1eb: {  	[tilespmem:v40+s6+$0x0] =	vst.idx.msk $0xffff, v9  }
0x1ec: {  	v47 =	vadd.s32 $0x1, v43;
	[tilespmem:v40+s7+$0x0] =	vst.idx.msk $0xffff, v6  }
0x1ed: {  	v14 =	vmin.u32 v47, v44;
	v13 =	vld.idx.msk [tilespmem:v13+s26+$0x0], $0xffff  }
0x1ee: {  	v14 =	vmul.u32 $0x14, v14;
	v10 =	vld.idx.msk [tilespmem:v46+s26+$0x0], $0xffff;
	_ =	sdelay $0x1  }
0x1ef: {  	v14 =	vadd.s32 v9, v14  }
0x1f0: {  	v15 =	vadd.s32 v6, v14  }
0x1f1: {  	v13 =	vshll.u32 v13, $0x10  }
0x1f2: {  	vm7 =	vlt.u32 v5, v43;
	v5 =	vor.u32 v10, v13  }
0x1f3: {  	v5 =	vsel vm7, $0x0, v5  }
0x1f4: {  	[tilespmem:v40+s8+$0x0] =	vst.idx.msk $0xffff, v5;
	v5 =	vadd.s32 $0x2, v43  }
0x1f5: {  	v48 =	vld.idx.msk [tilespmem:v15+s26+$0x0], $0xffff;
	v11 =	vmin.u32 v5, v44  }
0x1f6: {  	v49 =	vld.idx.msk [tilespmem:v14+s26+$0x0], $0xffff;
	v11 =	vmul.u32 $0x14, v11;
	_ =	sdelay $0x1  }
0x1f7: {  	v9 =	vadd.s32 v9, v11  }
0x1f8: {  	v6 =	vadd.s32 v6, v9  }
0x1f9: {  	v10 =	vshll.u32 v48, $0x10  }
0x1fa: {  	vm8 =	vlt.u32 v7, v44;
	v7 =	vor.u32 v49, v10  }
0x1fb: {  	v7 =	vnsel vm8, $0x0, v7  }
0x1fc: {  	[tilespmem:v40+s15+$0x0] =	vst.idx.msk $0xffff, v7  }
0x1fd: {  	v6 =	vld.idx.msk [tilespmem:v6+s26+$0x0], $0xffff  }
0x1fe: {  	v7 =	vld.idx.msk [tilespmem:v9+s26+$0x0], $0xffff;
	_ =	sdelay $0x2  }
0x1ff: {  	v50 =	vor.u32 $0x20, v0  }
0x200: {  	v6 =	vshll.u32 v6, $0x10  }
0x201: {  	vm9 =	vgt.u32 v5, v44;
	v5 =	vor.u32 v7, v6  }
0x202: {  	v5 =	vsel vm9, $0x0, v5  }
0x203: {  	[tilespmem:v40+s10+$0x0] =	vst.idx.msk $0xffff, v5  }
0x204: {  	v5 =	vld.idx.msk [tilespmem:v50+s2+$0x0], $0xffff  }
0x205: {  	v6 =	vld.idx.msk [tilespmem:v50+s1+$0x0], $0xffff  }
0x206: {  	v8 =	vld.idx.msk [tilespmem:v50+s0+$0x0], $0xffff;
	_ =	sdelay $0x3  }
0x207: {  	v7 =	vsub.f32 v5, v4  }
0x208: {  	v5 =	vadd.f32 v5, v4;
	v51 =	vsub.f32 v6, v4;
	v8 =	vtrunc.f32 v8  }
0x209: {  	v6 =	vadd.f32 v6, v4;
	v8 =	vcvt.f32.s32 v8;
	v7 =	vmax.f32 v7, $0.0e+00  }
0x20a: {  	v5 =	vmax.f32 v5, $0.0e+00;
	v10 =	vmax.f32 v51, $0.0e+00;
	v7 =	vtrunc.f32 v7  }
0x20b: {  	v5 =	vtrunc.f32 v5;
	v10 =	vtrunc.f32 v10  }
0x20c: {  	v6 =	vmax.f32 v6, $0.0e+00;
	v7 =	vcvt.f32.s32 v7;
	v5 =	vcvt.f32.s32 v5  }
0x20d: {  	v6 =	vtrunc.f32 v6;
	v8 =	vmul.u32 $0x190, v8;
	v10 =	vcvt.f32.s32 v10  }
0x20e: {  	v6 =	vcvt.f32.s32 v6;
	vm10 =	vgt.s32 v7, $0x0;
	vm11 =	vgt.s32 v5, $0x0  }
0x20f: {  	vm12 =	vgt.s32 v10, $0x0;
	v7 =	vnsel vm10, $0x0, v7;
	v5 =	vnsel vm11, $0x0, v5  }
0x210: {  	vm13 =	vgt.s32 v6, $0x0;
	v52 =	vmin.u32 v7, $0x13;
	v53 =	vmin.u32 v5, $0x13  }
0x211: {  	v10 =	vnsel vm12, $0x0, v10;
	v6 =	vnsel vm13, $0x0, v6;
	v54 =	vmin.u32 v52, v53  }
0x212: {  	v10 =	vmin.u32 v10, $0x13;
	v6 =	vmin.u32 v6, $0x13;
	v13 =	vmul.u32 $0x14, v54  }
0x213: {  	v8 =	vadd.s32 v8, v10;
	v6 =	vsub.s32 v6, v10  }
0x214: {  	v6 =	vadd.s32 $0x1, v6;
	v55 =	vadd.s32 v13, v8  }
0x215: {  	v13 =	vadd.s32 v6, v55  }
0x216: {  	[tilespmem:v50+s22+$0x0] =	vst.idx.msk $0xffff, v52  }
0x217: {  	[tilespmem:v50+s5+$0x0] =	vst.idx.msk $0xffff, v53  }
0x218: {  	[tilespmem:v50+s6+$0x0] =	vst.idx.msk $0xffff, v8  }
0x219: {  	v56 =	vadd.s32 $0x1, v52;
	[tilespmem:v50+s7+$0x0] =	vst.idx.msk $0xffff, v6  }
0x21a: {  	v14 =	vmin.u32 v56, v53;
	v13 =	vld.idx.msk [tilespmem:v13+s26+$0x0], $0xffff  }
0x21b: {  	v14 =	vmul.u32 $0x14, v14;
	v10 =	vld.idx.msk [tilespmem:v55+s26+$0x0], $0xffff;
	_ =	sdelay $0x1  }
0x21c: {  	v14 =	vadd.s32 v8, v14  }
0x21d: {  	v57 =	vadd.s32 v6, v14  }
0x21e: {  	v13 =	vshll.u32 v13, $0x10  }
0x21f: {  	vm14 =	vlt.u32 v5, v52;
	v5 =	vor.u32 v10, v13  }
0x220: {  	v5 =	vsel vm14, $0x0, v5  }
0x221: {  	[tilespmem:v50+s8+$0x0] =	vst.idx.msk $0xffff, v5;
	v5 =	vadd.s32 $0x2, v52  }
0x222: {  	v58 =	vld.idx.msk [tilespmem:v57+s26+$0x0], $0xffff;
	v11 =	vmin.u32 v5, v53  }
0x223: {  	v59 =	vld.idx.msk [tilespmem:v14+s26+$0x0], $0xffff;
	v11 =	vmul.u32 $0x14, v11;
	_ =	sdelay $0x1  }
0x224: {  	v8 =	vadd.s32 v8, v11  }
0x225: {  	v6 =	vadd.s32 v6, v8  }
0x226: {  	v10 =	vshll.u32 v58, $0x10  }
0x227: {  	vm15 =	vlt.u32 v7, v53;
	v7 =	vor.u32 v59, v10  }
0x228: {  	v7 =	vnsel vm15, $0x0, v7  }
0x229: {  	[tilespmem:v50+s15+$0x0] =	vst.idx.msk $0xffff, v7  }
0x22a: {  	v6 =	vld.idx.msk [tilespmem:v6+s26+$0x0], $0xffff  }
0x22b: {  	v7 =	vld.idx.msk [tilespmem:v8+s26+$0x0], $0xffff;
	_ =	sdelay $0x2  }
0x22c: {  	v60 =	vor.u32 $0x30, v0  }
0x22d: {  	v6 =	vshll.u32 v6, $0x10  }
0x22e: {  	vm4 =	vgt.u32 v5, v53;
	v5 =	vor.u32 v7, v6  }
0x22f: {  	v5 =	vsel vm4, $0x0, v5  }
0x230: {  	[tilespmem:v50+s10+$0x0] =	vst.idx.msk $0xffff, v5  }
0x231: {  	v5 =	vld.idx.msk [tilespmem:v60+s2+$0x0], $0xffff  }
0x232: {  	v6 =	vld.idx.msk [tilespmem:v60+s1+$0x0], $0xffff  }
0x233: {  	v9 =	vld.idx.msk [tilespmem:v60+s0+$0x0], $0xffff;
	_ =	sdelay $0x3  }
0x234: {  	v7 =	vsub.f32 v5, v4  }
0x235: {  	v5 =	vadd.f32 v5, v4;
	v61 =	vsub.f32 v6, v4;
	v9 =	vtrunc.f32 v9  }
0x236: {  	v6 =	vadd.f32 v6, v4;
	v9 =	vcvt.f32.s32 v9;
	v7 =	vmax.f32 v7, $0.0e+00  }
0x237: {  	v5 =	vmax.f32 v5, $0.0e+00;
	v10 =	vmax.f32 v61, $0.0e+00;
	v7 =	vtrunc.f32 v7  }
0x238: {  	v5 =	vtrunc.f32 v5;
	v10 =	vtrunc.f32 v10  }
0x239: {  	v6 =	vmax.f32 v6, $0.0e+00;
	v7 =	vcvt.f32.s32 v7;
	v5 =	vcvt.f32.s32 v5  }
0x23a: {  	v6 =	vtrunc.f32 v6;
	v9 =	vmul.u32 $0x190, v9;
	v10 =	vcvt.f32.s32 v10  }
0x23b: {  	v6 =	vcvt.f32.s32 v6;
	vm5 =	vgt.s32 v7, $0x0;
	vm6 =	vgt.s32 v5, $0x0  }
0x23c: {  	vm7 =	vgt.s32 v10, $0x0;
	v7 =	vnsel vm5, $0x0, v7;
	v5 =	vnsel vm6, $0x0, v5  }
0x23d: {  	vm8 =	vgt.s32 v6, $0x0;
	v62 =	vmin.u32 v7, $0x13;
	v63 =	vmin.u32 v5, $0x13  }
0x23e: {  	v10 =	vnsel vm7, $0x0, v10;
	v6 =	vnsel vm8, $0x0, v6;
	v18 =	vmin.u32 v62, v63  }
0x23f: {  	v10 =	vmin.u32 v10, $0x13;
	v6 =	vmin.u32 v6, $0x13;
	v13 =	vmul.u32 $0x14, v18  }
0x240: {  	v9 =	vadd.s32 v9, v10;
	v6 =	vsub.s32 v6, v10  }
0x241: {  	v6 =	vadd.s32 $0x1, v6;
	v19 =	vadd.s32 v13, v9  }
0x242: {  	v13 =	vadd.s32 v6, v19  }
0x243: {  	[tilespmem:v60+s22+$0x0] =	vst.idx.msk $0xffff, v62  }
0x244: {  	[tilespmem:v60+s5+$0x0] =	vst.idx.msk $0xffff, v63  }
0x245: {  	[tilespmem:v60+s6+$0x0] =	vst.idx.msk $0xffff, v9  }
0x246: {  	v20 =	vadd.s32 $0x1, v62;
	[tilespmem:v60+s7+$0x0] =	vst.idx.msk $0xffff, v6  }
0x247: {  	v14 =	vmin.u32 v20, v63;
	v13 =	vld.idx.msk [tilespmem:v13+s26+$0x0], $0xffff  }
0x248: {  	v14 =	vmul.u32 $0x14, v14;
	v10 =	vld.idx.msk [tilespmem:v19+s26+$0x0], $0xffff;
	_ =	sdelay $0x1  }
0x249: {  	v14 =	vadd.s32 v9, v14  }
0x24a: {  	v21 =	vadd.s32 v6, v14  }
0x24b: {  	v13 =	vshll.u32 v13, $0x10  }
0x24c: {  	vm9 =	vlt.u32 v5, v62;
	v5 =	vor.u32 v10, v13  }
0x24d: {  	v5 =	vsel vm9, $0x0, v5  }
0x24e: {  	[tilespmem:v60+s8+$0x0] =	vst.idx.msk $0xffff, v5;
	v5 =	vadd.s32 $0x2, v62  }
0x24f: {  	v22 =	vld.idx.msk [tilespmem:v21+s26+$0x0], $0xffff;
	v11 =	vmin.u32 v5, v63  }
0x250: {  	v23 =	vld.idx.msk [tilespmem:v14+s26+$0x0], $0xffff;
	v11 =	vmul.u32 $0x14, v11;
	_ =	sdelay $0x1  }
0x251: {  	v9 =	vadd.s32 v9, v11  }
0x252: {  	v6 =	vadd.s32 v6, v9  }
0x253: {  	v10 =	vshll.u32 v22, $0x10  }
0x254: {  	vm10 =	vlt.u32 v7, v63;
	v7 =	vor.u32 v23, v10  }
0x255: {  	v7 =	vnsel vm10, $0x0, v7  }
0x256: {  	[tilespmem:v60+s15+$0x0] =	vst.idx.msk $0xffff, v7  }
0x257: {  	v6 =	vld.idx.msk [tilespmem:v6+s26+$0x0], $0xffff  }
0x258: {  	v7 =	vld.idx.msk [tilespmem:v9+s26+$0x0], $0xffff;
	_ =	sdelay $0x2  }
0x259: {  	v24 =	vor.u32 $0x40, v0  }
0x25a: {  	v6 =	vshll.u32 v6, $0x10  }
0x25b: {  	vm11 =	vgt.u32 v5, v63;
	v5 =	vor.u32 v7, v6  }
0x25c: {  	v5 =	vsel vm11, $0x0, v5  }
0x25d: {  	[tilespmem:v60+s10+$0x0] =	vst.idx.msk $0xffff, v5  }
0x25e: {  	v5 =	vld.idx.msk [tilespmem:v24+s2+$0x0], $0xffff  }
0x25f: {  	v6 =	vld.idx.msk [tilespmem:v24+s1+$0x0], $0xffff  }
0x260: {  	v8 =	vld.idx.msk [tilespmem:v24+s0+$0x0], $0xffff;
	_ =	sdelay $0x3  }
0x261: {  	v7 =	vsub.f32 v5, v4  }
0x262: {  	v5 =	vadd.f32 v5, v4;
	v25 =	vsub.f32 v6, v4;
	v8 =	vtrunc.f32 v8  }
0x263: {  	v6 =	vadd.f32 v6, v4;
	v8 =	vcvt.f32.s32 v8;
	v7 =	vmax.f32 v7, $0.0e+00  }
0x264: {  	v5 =	vmax.f32 v5, $0.0e+00;
	v10 =	vmax.f32 v25, $0.0e+00;
	v7 =	vtrunc.f32 v7  }
0x265: {  	v5 =	vtrunc.f32 v5;
	v10 =	vtrunc.f32 v10  }
0x266: {  	v6 =	vmax.f32 v6, $0.0e+00;
	v7 =	vcvt.f32.s32 v7;
	v5 =	vcvt.f32.s32 v5  }
0x267: {  	v6 =	vtrunc.f32 v6;
	v8 =	vmul.u32 $0x190, v8;
	v10 =	vcvt.f32.s32 v10  }
0x268: {  	v6 =	vcvt.f32.s32 v6;
	vm12 =	vgt.s32 v7, $0x0;
	vm13 =	vgt.s32 v5, $0x0  }
0x269: {  	vm14 =	vgt.s32 v10, $0x0;
	v7 =	vnsel vm12, $0x0, v7;
	v5 =	vnsel vm13, $0x0, v5  }
0x26a: {  	vm15 =	vgt.s32 v6, $0x0;
	v26 =	vmin.u32 v7, $0x13;
	v27 =	vmin.u32 v5, $0x13  }
0x26b: {  	v10 =	vnsel vm14, $0x0, v10;
	v6 =	vnsel vm15, $0x0, v6;
	v28 =	vmin.u32 v26, v27  }
0x26c: {  	v10 =	vmin.u32 v10, $0x13;
	v6 =	vmin.u32 v6, $0x13;
	v13 =	vmul.u32 $0x14, v28  }
0x26d: {  	v8 =	vadd.s32 v8, v10;
	v6 =	vsub.s32 v6, v10  }
0x26e: {  	v6 =	vadd.s32 $0x1, v6;
	v29 =	vadd.s32 v13, v8  }
0x26f: {  	v13 =	vadd.s32 v6, v29  }
0x270: {  	[tilespmem:v24+s22+$0x0] =	vst.idx.msk $0xffff, v26  }
0x271: {  	[tilespmem:v24+s5+$0x0] =	vst.idx.msk $0xffff, v27  }
0x272: {  	[tilespmem:v24+s6+$0x0] =	vst.idx.msk $0xffff, v8  }
0x273: {  	v30 =	vadd.s32 $0x1, v26;
	[tilespmem:v24+s7+$0x0] =	vst.idx.msk $0xffff, v6  }
0x274: {  	v14 =	vmin.u32 v30, v27;
	v13 =	vld.idx.msk [tilespmem:v13+s26+$0x0], $0xffff  }
0x275: {  	v14 =	vmul.u32 $0x14, v14;
	v10 =	vld.idx.msk [tilespmem:v29+s26+$0x0], $0xffff;
	_ =	sdelay $0x1  }
0x276: {  	v14 =	vadd.s32 v8, v14  }
0x277: {  	v31 =	vadd.s32 v6, v14  }
0x278: {  	v13 =	vshll.u32 v13, $0x10  }
0x279: {  	vm4 =	vlt.u32 v5, v26;
	v5 =	vor.u32 v10, v13  }
0x27a: {  	v5 =	vsel vm4, $0x0, v5  }
0x27b: {  	[tilespmem:v24+s8+$0x0] =	vst.idx.msk $0xffff, v5;
	v5 =	vadd.s32 $0x2, v26  }
0x27c: {  	v32 =	vld.idx.msk [tilespmem:v31+s26+$0x0], $0xffff;
	v11 =	vmin.u32 v5, v27  }
0x27d: {  	v33 =	vld.idx.msk [tilespmem:v14+s26+$0x0], $0xffff;
	v11 =	vmul.u32 $0x14, v11;
	_ =	sdelay $0x1  }
0x27e: {  	v8 =	vadd.s32 v8, v11  }
0x27f: {  	v6 =	vadd.s32 v6, v8  }
0x280: {  	v10 =	vshll.u32 v32, $0x10  }
0x281: {  	vm5 =	vlt.u32 v7, v27;
	v7 =	vor.u32 v33, v10  }
0x282: {  	v7 =	vnsel vm5, $0x0, v7  }
0x283: {  	[tilespmem:v24+s15+$0x0] =	vst.idx.msk $0xffff, v7  }
0x284: {  	v6 =	vld.idx.msk [tilespmem:v6+s26+$0x0], $0xffff  }
0x285: {  	v7 =	vld.idx.msk [tilespmem:v8+s26+$0x0], $0xffff;
	_ =	sdelay $0x2  }
0x286: {  	v34 =	vor.u32 $0x50, v0  }
0x287: {  	v6 =	vshll.u32 v6, $0x10  }
0x288: {  	vm6 =	vgt.u32 v5, v27;
	v5 =	vor.u32 v7, v6  }
0x289: {  	v5 =	vsel vm6, $0x0, v5  }
0x28a: {  	[tilespmem:v24+s10+$0x0] =	vst.idx.msk $0xffff, v5  }
0x28b: {  	v5 =	vld.idx.msk [tilespmem:v34+s2+$0x0], $0xffff  }
0x28c: {  	v6 =	vld.idx.msk [tilespmem:v34+s1+$0x0], $0xffff  }
0x28d: {  	v9 =	vld.idx.msk [tilespmem:v34+s0+$0x0], $0xffff;
	_ =	sdelay $0x3  }
0x28e: {  	v7 =	vsub.f32 v5, v4  }
0x28f: {  	v5 =	vadd.f32 v5, v4;
	v35 =	vsub.f32 v6, v4;
	v9 =	vtrunc.f32 v9  }
0x290: {  	v6 =	vadd.f32 v6, v4;
	v9 =	vcvt.f32.s32 v9;
	v7 =	vmax.f32 v7, $0.0e+00  }
0x291: {  	v5 =	vmax.f32 v5, $0.0e+00;
	v10 =	vmax.f32 v35, $0.0e+00;
	v7 =	vtrunc.f32 v7  }
0x292: {  	v5 =	vtrunc.f32 v5;
	v10 =	vtrunc.f32 v10  }
0x293: {  	v6 =	vmax.f32 v6, $0.0e+00;
	v7 =	vcvt.f32.s32 v7;
	v5 =	vcvt.f32.s32 v5  }
0x294: {  	v6 =	vtrunc.f32 v6;
	v9 =	vmul.u32 $0x190, v9;
	v10 =	vcvt.f32.s32 v10  }
0x295: {  	v6 =	vcvt.f32.s32 v6;
	vm7 =	vgt.s32 v7, $0x0;
	vm8 =	vgt.s32 v5, $0x0  }
0x296: {  	vm9 =	vgt.s32 v10, $0x0;
	v7 =	vnsel vm7, $0x0, v7;
	v5 =	vnsel vm8, $0x0, v5  }
0x297: {  	vm10 =	vgt.s32 v6, $0x0;
	v36 =	vmin.u32 v7, $0x13;
	v37 =	vmin.u32 v5, $0x13  }
0x298: {  	v10 =	vnsel vm9, $0x0, v10;
	v6 =	vnsel vm10, $0x0, v6;
	v38 =	vmin.u32 v36, v37  }
0x299: {  	v10 =	vmin.u32 v10, $0x13;
	v6 =	vmin.u32 v6, $0x13;
	v13 =	vmul.u32 $0x14, v38  }
0x29a: {  	v9 =	vadd.s32 v9, v10;
	v6 =	vsub.s32 v6, v10  }
0x29b: {  	v6 =	vadd.s32 $0x1, v6;
	v39 =	vadd.s32 v13, v9  }
0x29c: {  	v13 =	vadd.s32 v6, v39  }
0x29d: {  	[tilespmem:v34+s22+$0x0] =	vst.idx.msk $0xffff, v36  }
0x29e: {  	[tilespmem:v34+s5+$0x0] =	vst.idx.msk $0xffff, v37  }
0x29f: {  	[tilespmem:v34+s6+$0x0] =	vst.idx.msk $0xffff, v9  }
0x2a0: {  	v40 =	vadd.s32 $0x1, v36;
	[tilespmem:v34+s7+$0x0] =	vst.idx.msk $0xffff, v6  }
0x2a1: {  	v14 =	vmin.u32 v40, v37;
	v13 =	vld.idx.msk [tilespmem:v13+s26+$0x0], $0xffff  }
0x2a2: {  	v14 =	vmul.u32 $0x14, v14;
	v10 =	vld.idx.msk [tilespmem:v39+s26+$0x0], $0xffff;
	_ =	sdelay $0x1  }
0x2a3: {  	v14 =	vadd.s32 v9, v14  }
0x2a4: {  	v41 =	vadd.s32 v6, v14  }
0x2a5: {  	v13 =	vshll.u32 v13, $0x10  }
0x2a6: {  	vm11 =	vlt.u32 v5, v36;
	v5 =	vor.u32 v10, v13  }
0x2a7: {  	v5 =	vsel vm11, $0x0, v5  }
0x2a8: {  	[tilespmem:v34+s8+$0x0] =	vst.idx.msk $0xffff, v5;
	v5 =	vadd.s32 $0x2, v36  }
0x2a9: {  	v42 =	vld.idx.msk [tilespmem:v41+s26+$0x0], $0xffff;
	v11 =	vmin.u32 v5, v37  }
0x2aa: {  	v43 =	vld.idx.msk [tilespmem:v14+s26+$0x0], $0xffff;
	v11 =	vmul.u32 $0x14, v11;
	_ =	sdelay $0x1  }
0x2ab: {  	v9 =	vadd.s32 v9, v11  }
0x2ac: {  	v6 =	vadd.s32 v6, v9  }
0x2ad: {  	v10 =	vshll.u32 v42, $0x10  }
0x2ae: {  	vm12 =	vlt.u32 v7, v37;
	v7 =	vor.u32 v43, v10  }
0x2af: {  	v7 =	vnsel vm12, $0x0, v7  }
0x2b0: {  	[tilespmem:v34+s15+$0x0] =	vst.idx.msk $0xffff, v7  }
0x2b1: {  	v6 =	vld.idx.msk [tilespmem:v6+s26+$0x0], $0xffff  }
0x2b2: {  	v7 =	vld.idx.msk [tilespmem:v9+s26+$0x0], $0xffff;
	_ =	sdelay $0x2  }
0x2b3: {  	v44 =	vor.u32 $0x60, v0  }
0x2b4: {  	v6 =	vshll.u32 v6, $0x10  }
0x2b5: {  	vm13 =	vgt.u32 v5, v37;
	v5 =	vor.u32 v7, v6  }
0x2b6: {  	v5 =	vsel vm13, $0x0, v5  }
0x2b7: {  	[tilespmem:v34+s10+$0x0] =	vst.idx.msk $0xffff, v5  }
0x2b8: {  	v5 =	vld.idx.msk [tilespmem:v44+s2+$0x0], $0xffff  }
0x2b9: {  	v6 =	vld.idx.msk [tilespmem:v44+s1+$0x0], $0xffff  }
0x2ba: {  	v8 =	vld.idx.msk [tilespmem:v44+s0+$0x0], $0xffff;
	_ =	sdelay $0x3  }
0x2bb: {  	v7 =	vsub.f32 v5, v4  }
0x2bc: {  	v5 =	vadd.f32 v5, v4;
	v45 =	vsub.f32 v6, v4;
	v8 =	vtrunc.f32 v8  }
0x2bd: {  	v6 =	vadd.f32 v6, v4;
	v8 =	vcvt.f32.s32 v8;
	v7 =	vmax.f32 v7, $0.0e+00  }
0x2be: {  	v5 =	vmax.f32 v5, $0.0e+00;
	v10 =	vmax.f32 v45, $0.0e+00;
	v7 =	vtrunc.f32 v7  }
0x2bf: {  	v5 =	vtrunc.f32 v5;
	v10 =	vtrunc.f32 v10  }
0x2c0: {  	v6 =	vmax.f32 v6, $0.0e+00;
	v7 =	vcvt.f32.s32 v7;
	v5 =	vcvt.f32.s32 v5  }
0x2c1: {  	v6 =	vtrunc.f32 v6;
	v8 =	vmul.u32 $0x190, v8;
	v10 =	vcvt.f32.s32 v10  }
0x2c2: {  	v6 =	vcvt.f32.s32 v6;
	vm14 =	vgt.s32 v7, $0x0;
	vm15 =	vgt.s32 v5, $0x0  }
0x2c3: {  	vm4 =	vgt.s32 v10, $0x0;
	v7 =	vnsel vm14, $0x0, v7;
	v5 =	vnsel vm15, $0x0, v5  }
0x2c4: {  	vm5 =	vgt.s32 v6, $0x0;
	v46 =	vmin.u32 v7, $0x13;
	v47 =	vmin.u32 v5, $0x13  }
0x2c5: {  	v10 =	vnsel vm4, $0x0, v10;
	v6 =	vnsel vm5, $0x0, v6;
	v48 =	vmin.u32 v46, v47  }
0x2c6: {  	v10 =	vmin.u32 v10, $0x13;
	v6 =	vmin.u32 v6, $0x13;
	v13 =	vmul.u32 $0x14, v48  }
0x2c7: {  	v8 =	vadd.s32 v8, v10;
	v6 =	vsub.s32 v6, v10  }
0x2c8: {  	v6 =	vadd.s32 $0x1, v6;
	v49 =	vadd.s32 v13, v8  }
0x2c9: {  	v13 =	vadd.s32 v6, v49  }
0x2ca: {  	[tilespmem:v44+s22+$0x0] =	vst.idx.msk $0xffff, v46  }
0x2cb: {  	[tilespmem:v44+s5+$0x0] =	vst.idx.msk $0xffff, v47  }
0x2cc: {  	[tilespmem:v44+s6+$0x0] =	vst.idx.msk $0xffff, v8  }
0x2cd: {  	v50 =	vadd.s32 $0x1, v46;
	[tilespmem:v44+s7+$0x0] =	vst.idx.msk $0xffff, v6  }
0x2ce: {  	v14 =	vmin.u32 v50, v47;
	v13 =	vld.idx.msk [tilespmem:v13+s26+$0x0], $0xffff  }
0x2cf: {  	v14 =	vmul.u32 $0x14, v14;
	v10 =	vld.idx.msk [tilespmem:v49+s26+$0x0], $0xffff;
	_ =	sdelay $0x1  }
0x2d0: {  	v14 =	vadd.s32 v8, v14  }
0x2d1: {  	v51 =	vadd.s32 v6, v14  }
0x2d2: {  	v13 =	vshll.u32 v13, $0x10  }
0x2d3: {  	vm6 =	vlt.u32 v5, v46;
	v5 =	vor.u32 v10, v13  }
0x2d4: {  	v5 =	vsel vm6, $0x0, v5  }
0x2d5: {  	[tilespmem:v44+s8+$0x0] =	vst.idx.msk $0xffff, v5;
	v5 =	vadd.s32 $0x2, v46  }
0x2d6: {  	v52 =	vld.idx.msk [tilespmem:v51+s26+$0x0], $0xffff;
	v11 =	vmin.u32 v5, v47  }
0x2d7: {  	v53 =	vld.idx.msk [tilespmem:v14+s26+$0x0], $0xffff;
	v11 =	vmul.u32 $0x14, v11;
	_ =	sdelay $0x1  }
0x2d8: {  	v8 =	vadd.s32 v8, v11  }
0x2d9: {  	v6 =	vadd.s32 v6, v8  }
0x2da: {  	v10 =	vshll.u32 v52, $0x10  }
0x2db: {  	vm7 =	vlt.u32 v7, v47;
	v7 =	vor.u32 v53, v10  }
0x2dc: {  	v7 =	vnsel vm7, $0x0, v7  }
0x2dd: {  	[tilespmem:v44+s15+$0x0] =	vst.idx.msk $0xffff, v7  }
0x2de: {  	v6 =	vld.idx.msk [tilespmem:v6+s26+$0x0], $0xffff  }
0x2df: {  	v7 =	vld.idx.msk [tilespmem:v8+s26+$0x0], $0xffff;
	_ =	sdelay $0x2  }
0x2e0: {  	v54 =	vor.u32 $0x70, v0  }
0x2e1: {  	v6 =	vshll.u32 v6, $0x10  }
0x2e2: {  	vm8 =	vgt.u32 v5, v47;
	v5 =	vor.u32 v7, v6  }
0x2e3: {  	v5 =	vsel vm8, $0x0, v5  }
0x2e4: {  	[tilespmem:v44+s10+$0x0] =	vst.idx.msk $0xffff, v5  }
0x2e5: {  	v5 =	vld.idx.msk [tilespmem:v54+s2+$0x0], $0xffff  }
0x2e6: {  	v6 =	vld.idx.msk [tilespmem:v54+s1+$0x0], $0xffff  }
0x2e7: {  	v9 =	vld.idx.msk [tilespmem:v54+s0+$0x0], $0xffff;
	_ =	sdelay $0x3  }
0x2e8: {  	v7 =	vsub.f32 v5, v4  }
0x2e9: {  	v5 =	vadd.f32 v5, v4;
	v55 =	vsub.f32 v6, v4;
	v9 =	vtrunc.f32 v9  }
0x2ea: {  	v6 =	vadd.f32 v6, v4;
	v9 =	vcvt.f32.s32 v9;
	v7 =	vmax.f32 v7, $0.0e+00  }
0x2eb: {  	v5 =	vmax.f32 v5, $0.0e+00;
	v10 =	vmax.f32 v55, $0.0e+00;
	v7 =	vtrunc.f32 v7  }
0x2ec: {  	v5 =	vtrunc.f32 v5;
	v10 =	vtrunc.f32 v10  }
0x2ed: {  	v6 =	vmax.f32 v6, $0.0e+00;
	v7 =	vcvt.f32.s32 v7;
	v5 =	vcvt.f32.s32 v5  }
0x2ee: {  	v6 =	vtrunc.f32 v6;
	v9 =	vmul.u32 $0x190, v9;
	v10 =	vcvt.f32.s32 v10  }
0x2ef: {  	v6 =	vcvt.f32.s32 v6;
	vm9 =	vgt.s32 v7, $0x0;
	vm10 =	vgt.s32 v5, $0x0  }
0x2f0: {  	vm11 =	vgt.s32 v10, $0x0;
	v7 =	vnsel vm9, $0x0, v7;
	v5 =	vnsel vm10, $0x0, v5  }
0x2f1: {  	vm12 =	vgt.s32 v6, $0x0;
	v56 =	vmin.u32 v7, $0x13;
	v57 =	vmin.u32 v5, $0x13  }
0x2f2: {  	v10 =	vnsel vm11, $0x0, v10;
	v6 =	vnsel vm12, $0x0, v6;
	v58 =	vmin.u32 v56, v57  }
0x2f3: {  	v10 =	vmin.u32 v10, $0x13;
	v6 =	vmin.u32 v6, $0x13;
	v13 =	vmul.u32 $0x14, v58  }
0x2f4: {  	v9 =	vadd.s32 v9, v10;
	v6 =	vsub.s32 v6, v10  }
0x2f5: {  	v6 =	vadd.s32 $0x1, v6;
	v59 =	vadd.s32 v13, v9  }
0x2f6: {  	v13 =	vadd.s32 v6, v59  }
0x2f7: {  	[tilespmem:v54+s22+$0x0] =	vst.idx.msk $0xffff, v56  }
0x2f8: {  	[tilespmem:v54+s5+$0x0] =	vst.idx.msk $0xffff, v57  }
0x2f9: {  	[tilespmem:v54+s6+$0x0] =	vst.idx.msk $0xffff, v9  }
0x2fa: {  	v60 =	vadd.s32 $0x1, v56;
	[tilespmem:v54+s7+$0x0] =	vst.idx.msk $0xffff, v6  }
0x2fb: {  	v14 =	vmin.u32 v60, v57;
	v13 =	vld.idx.msk [tilespmem:v13+s26+$0x0], $0xffff  }
0x2fc: {  	v14 =	vmul.u32 $0x14, v14;
	v10 =	vld.idx.msk [tilespmem:v59+s26+$0x0], $0xffff;
	_ =	sdelay $0x1  }
0x2fd: {  	v14 =	vadd.s32 v9, v14  }
0x2fe: {  	v61 =	vadd.s32 v6, v14  }
0x2ff: {  	v13 =	vshll.u32 v13, $0x10  }
0x300: {  	vm13 =	vlt.u32 v5, v56;
	v5 =	vor.u32 v10, v13  }
0x301: {  	v5 =	vsel vm13, $0x0, v5  }
0x302: {  	[tilespmem:v54+s8+$0x0] =	vst.idx.msk $0xffff, v5;
	v5 =	vadd.s32 $0x2, v56  }
0x303: {  	v62 =	vld.idx.msk [tilespmem:v61+s26+$0x0], $0xffff;
	v11 =	vmin.u32 v5, v57  }
0x304: {  	v63 =	vld.idx.msk [tilespmem:v14+s26+$0x0], $0xffff;
	v11 =	vmul.u32 $0x14, v11;
	_ =	sdelay $0x1  }
0x305: {  	v9 =	vadd.s32 v9, v11  }
0x306: {  	v6 =	vadd.s32 v6, v9  }
0x307: {  	v10 =	vshll.u32 v62, $0x10  }
0x308: {  	vm14 =	vlt.u32 v7, v57;
	v7 =	vor.u32 v63, v10  }
0x309: {  	v7 =	vnsel vm14, $0x0, v7  }
0x30a: {  	[tilespmem:v54+s15+$0x0] =	vst.idx.msk $0xffff, v7  }
0x30b: {  	v6 =	vld.idx.msk [tilespmem:v6+s26+$0x0], $0xffff  }
0x30c: {  	v7 =	vld.idx.msk [tilespmem:v9+s26+$0x0], $0xffff;
	_ =	sdelay $0x3  }
.Ltmp11:
0x30d: {  	v6 =	vshll.u32 v6, $0x10;
	(pc) =	sbr.rel .LBB2_20-.Ltmp11, $4  }
0x30e: {  	vm15 =	vgt.u32 v5, v57;
	v5 =	vor.u32 v7, v6  }
0x30f: {  	v5 =	vsel vm15, $0x0, v5  }
0x310: {  	[tilespmem:v54+s10+$0x0] =	vst.idx.msk $0xffff, v5  }
0x311: {  	v4 =	vmul.f32 v4, v4;
	v5 =	vld [tilespmem:$0x1BB80]  }
.LBB2_45:
0x312: {  	v9 =	vpsel p0, v9, v9  }
.LBB2_56:
0x313: {  	v6 =	vld [tilespmem:$0x1B980];
	_ =	sdelay $0x2  }
0x314: {  	s4 =	sshll.u32 s14, $0x4  }
0x315: {  	s22 =	sadd.s32 s9, s14;
	s14 =	sadd.s32 $0x1, s14;
	v7 =	vor.u32 s4, v0  }
0x316: {  	p0 =	sne.s32 s14, $0x80;
	vm0 =	vlt.f32 v6, $+Inf;
	vm1 =	vgt.f32 v6, $+Inf  }
.Ltmp12:
0x317: {  	vm15 =	vgt.s32 v5, v0;
	vm0 =	vmor vm1, vm0;
	(pc) =	sbr.rel @!p0 .LBB2_57-.Ltmp12, $4  }
0x318: {  	vm0 =	vmand vm15, vm0  }
0x319: {  	v8 =	vmov s22;
	v6 =	vnsel vm0, $0xFFFFFFFF, v9  }
0x31a: {  	[tilespmem:v7+s11+$0x0] =	vst.idx.msk $0xffff, v6;
	v6 =	vnsel vm0, $0xFFFFFFFF, v8  }
0x31b: {  	[tilespmem:v7+s12+$0x0] =	vst.idx.msk $0xffff, v6  }
.LBB2_20:
0x31c: {  	v8 =	vmov s14;
	_ =	sdelay $0x4  }
0x31d: {  	v6 =	vld.idx.msk [tilespmem:v8+s2+$0x0], $0xffff  }
0x31e: {  	v7 =	vld.idx.msk [tilespmem:v8+s1+$0x0], $0xffff  }
0x31f: {  	v9 =	vimm.s32 $0xFFFFFFFF;
	v8 =	vld.idx.msk [tilespmem:v8+s21+$0x0], $0xffff;
	[tilespmem:$0x1B980] =	vst v3  }
0x320: {  	[tilespmem:$0x1BA00] =	vst v9  }
0x321: {  	v10 =	vld [tilespmem:s14+$0x1A680];
	_ =	sdelay $0x4  }
0x322: {  	(v2sf) =	vpush v10, $0x0;
	_ =	sdelay $0xe  }
0x323: {  	s4 =	spop (v2sf)  }
0x324: {  	s5 =	sand.u32 $0xFFFF, s4;
	s15 =	sshra.s32 s4, $0x10  }
0x325: {  	p0 =	sge.s32 s5, s15  }
.Ltmp13:
0x326: {  	_ = 	snop;
	(pc) =	sbr.rel @p0 .LBB2_28-.Ltmp13, $1  }
0x327: {  	_ =	sdelay $0x3  }
0x328: {  	s4 =	sadd.s32 $0x20, s5  }
0x329: {  	p1 =	slt.s32 s4, s15  }
.Ltmp14:
0x32a: {  	_ = 	snop;
	(pc) =	sbr.rel @!p1 .LBB2_22-.Ltmp14, $4  }
0x32b: {  	_ = 	snop  }
0x32c: {  	v10 =	vmov s15;
	v11 =	vadd.s32 s5, v0  }
0x32d: {  	vm0 =	vlt.s32 v11, v10  }
0x32e: {  	v9 =	vimm.s32 $0xFFFFFFFF;
	p0 =	por $0x0, $0x0;
	v12 =	vnsel vm0, $0x0, v11  }
0x32f: {  	_ =	sdelay $0x3  }
0x330: {  	v11 =	vld.idx.msk [tilespmem:v12+s31+$0x0], $0xffff;
	_ =	sdelay $0x7  }
0x331: {  	v12 =	vld.idx.msk [tilespmem:v11+s18+$0x0], $0xffff  }
0x332: {  	v13 =	vld.idx.msk [tilespmem:v11+s19+$0x0], $0xffff;
	_ =	sdelay $0x1  }
0x333: {  	v14 =	vld.idx.msk [tilespmem:v11+s20+$0x0], $0xffff;
	_ =	sdelay $0x2  }
0x334: {  	v12 =	vsub.f32 v12, v6;
	v13 =	vsub.f32 v13, v7;
	_ =	sdelay $0x1  }
0x335: {  	v14 =	vsub.f32 v14, v8;
	v12 =	vmul.f32 v12, v12;
	v13 =	vmul.f32 v13, v13  }
0x336: {  	s5 =	sadd.s32 $0x10, s5  }
0x337: {  	v15 =	vadd.s32 s5, v0;
	v12 =	vadd.f32 v13, v12;
	v13 =	vmul.f32 v14, v14  }
0x338: {  	vm1 =	vlt.s32 v15, v10  }
0x339: {  	v14 =	vnsel vm1, $0x0, v15;
	v12 =	vadd.f32 v13, v12;
	_ =	sdelay $0x1  }
0x33a: {  	vm2 =	vle.f32 v12, v4  }
0x33b: {  	vm0 =	vmand vm0, vm2  }
0x33c: {  	v12 =	vnsel vm0, $0x7F800000, v12  }
0x33d: {  	v13 =	vld.idx.msk [tilespmem:v14+s31+$0x0], $0xffff;
	(xrf1) =	vsort.ascd.msk.f32 $0xffff, v12, v11;
	_ =	sdelay $0x6  }
0x33e: {  	v12 =	vld [tilespmem:$0x1B980]  }
0x33f: {  	v14 =	vld.idx.msk [tilespmem:v13+s18+$0x0], $0xffff  }
0x340: {  	v15 =	vld.idx.msk [tilespmem:v13+s19+$0x0], $0xffff  }
0x341: {  	v11 =	vmul.u32 $0xFFFFFFFF, v0;
	v16 =	vld.idx.msk [tilespmem:v13+s20+$0x0], $0xffff;
	_ =	sdelay $0x1  }
0x342: {  	v11 =	vadd.s32 $0xF, v11  }
0x343: {  	v12 =	vperm.xlane v12, v11;
	v14 =	vsub.f32 v14, v6  }
0x344: {  	v17 =	vperm.xlane v9, v11;
	v15 =	vsub.f32 v15, v7;
	v18, v19, _ =	vpop (xrf1)  }
0x345: {  	v16 =	vsub.f32 v16, v8;
	v14 =	vmul.f32 v14, v14;
	vm0 =	vlt.f32 v18, v12  }
0x346: {  	v15 =	vmul.f32 v15, v15;
	v12 =	vmin.f32 v18, v12;
	v17 =	vsel vm0, v19, v17  }
0x347: {  	(xrf1) =	vsort.ascd.msk.f32 $0xffff, v12, v17  }
0x348: {  	v12 =	vadd.f32 v15, v14;
	v14 =	vmul.f32 v16, v16;
	_ =	sdelay $0x1  }
0x349: {  	v12 =	vadd.f32 v14, v12;
	_ =	sdelay $0x1  }
0x34a: {  	vm0 =	vle.f32 v12, v4  }
0x34b: {  	vm0 =	vmand vm1, vm0  }
0x34c: {  	v12 =	vnsel vm0, $0x7F800000, v12  }
0x34d: {  	(xrf1) =	vsort.ascd.msk.f32 $0xffff, v12, v13;
	_ =	sdelay $0x5  }
0x34e: {  	v12, v13, _ =	vpop (xrf1)  }
0x34f: {  	[tilespmem:$0x1B980] =	vst v12  }
0x350: {  	v12 =	vld [tilespmem:$0x1B980];
	_ =	sdelay $0x4  }
0x351: {  	v12 =	vperm.xlane v12, v11  }
0x352: {  	v14 =	vperm.xlane v13, v11;
	v15, v62, _ =	vpop (xrf1)  }
0x353: {  	vm0 =	vlt.f32 v15, v12  }
0x354: {  	v12 =	vmin.f32 v15, v12;
	v14 =	vsel vm0, v62, v14  }
0x355: {  	(xrf1) =	vsort.ascd.msk.f32 $0xffff, v12, v14;
	_ =	sdelay $0x3  }
0x356: {  	s5 =	sadd.s32 $0x20, s4  }
0x357: {  	p1 =	slt.s32 s5, s15  }
.Ltmp15:
0x358: {  	_ = 	snop;
	(pc) =	sbr.rel @!p1 .LBB2_24-.Ltmp15, $4  }
0x359: {  	_ = 	snop  }
0x35a: {  	v63 =	vadd.s32 s4, v0  }
0x35b: {  	vm0 =	vlt.s32 v63, v10  }
0x35c: {  	p0 =	por $0x1, $0x1;
	[tilespmem:$0x1BA00] =	vst v13;
	v12 =	vnsel vm0, $0x0, v63  }
.LBB2_25:
0x35d: {  	_ = 	snop  }
0x35e: {  	s6 =	smov.u32 s5;
	s5 =	sadd.s32 $0x20, s5  }
0x35f: {  	p1 =	slt.s32 s5, s15  }
0x360: {  	v14, v13, _ =	vpop (xrf1)  }
0x361: {  	[tilespmem:$0x1B980] =	vst v14  }
0x362: {  	[tilespmem:$0x1BA00] =	vst v13  }
0x363: {  	v12 =	vld.idx.msk [tilespmem:v12+s31+$0x0], $0xffff;
	_ =	sdelay $0x7  }
0x364: {  	v14 =	vld.idx.msk [tilespmem:v12+s18+$0x0], $0xffff  }
0x365: {  	v15 =	vld.idx.msk [tilespmem:v12+s19+$0x0], $0xffff  }
0x366: {  	v16 =	vld.idx.msk [tilespmem:v12+s20+$0x0], $0xffff;
	_ =	sdelay $0x4  }
0x367: {  	v14 =	vsub.f32 v14, v6;
	v15 =	vsub.f32 v15, v7;
	_ =	sdelay $0x1  }
0x368: {  	s16 =	sadd.s32 $0x10, s4;
	s4 =	smov.u32 s6;
	v16 =	vsub.f32 v16, v8;
	v14 =	vmul.f32 v14, v14;
	v15 =	vmul.f32 v15, v15  }
0x369: {  	v17 =	vadd.s32 s16, v0  }
0x36a: {  	vm1 =	vlt.s32 v17, v10;
	v14 =	vadd.f32 v15, v14;
	v15 =	vmul.f32 v16, v16  }
0x36b: {  	v16 =	vnsel vm1, $0x0, v17  }
0x36c: {  	v14 =	vadd.f32 v15, v14;
	_ =	sdelay $0x1  }
0x36d: {  	vm2 =	vle.f32 v14, v4  }
0x36e: {  	vm0 =	vmand vm0, vm2  }
0x36f: {  	v14 =	vnsel vm0, $0x7F800000, v14;
	v15 =	vld.idx.msk [tilespmem:v16+s31+$0x0], $0xffff  }
0x370: {  	(xrf1) =	vsort.ascd.msk.f32 $0xffff, v14, v12;
	_ =	sdelay $0x5  }
0x371: {  	v12 =	vld [tilespmem:$0x1B980]  }
0x372: {  	v14 =	vld.idx.msk [tilespmem:v15+s18+$0x0], $0xffff  }
0x373: {  	v16 =	vld.idx.msk [tilespmem:v15+s19+$0x0], $0xffff;
	_ =	sdelay $0x1  }
0x374: {  	v17 =	vld.idx.msk [tilespmem:v15+s20+$0x0], $0xffff;
	_ =	sdelay $0x2  }
0x375: {  	v12 =	vperm.xlane v12, v11;
	v14 =	vsub.f32 v14, v6  }
0x376: {  	v13 =	vperm.xlane v13, v11;
	v16 =	vsub.f32 v16, v7;
	v18, v19, _ =	vpop (xrf1)  }
0x377: {  	v14 =	vmul.f32 v14, v14;
	vm0 =	vlt.f32 v18, v12;
	v12 =	vmin.f32 v18, v12  }
0x378: {  	v17 =	vsub.f32 v17, v8;
	v16 =	vmul.f32 v16, v16;
	v13 =	vsel vm0, v19, v13  }
0x379: {  	(xrf1) =	vsort.ascd.msk.f32 $0xffff, v12, v13  }
0x37a: {  	v12 =	vadd.f32 v16, v14;
	v13 =	vmul.f32 v17, v17;
	_ =	sdelay $0x1  }
0x37b: {  	v12 =	vadd.f32 v13, v12;
	_ =	sdelay $0x1  }
0x37c: {  	vm0 =	vle.f32 v12, v4  }
0x37d: {  	vm0 =	vmand vm1, vm0  }
0x37e: {  	v12 =	vnsel vm0, $0x7F800000, v12  }
0x37f: {  	(xrf1) =	vsort.ascd.msk.f32 $0xffff, v12, v15;
	_ =	sdelay $0x5  }
0x380: {  	v12, v13, _ =	vpop (xrf1)  }
0x381: {  	[tilespmem:$0x1B980] =	vst v12  }
0x382: {  	[tilespmem:$0x1BA00] =	vst v13;
	v12 =	vld [tilespmem:$0x1B980];
	_ =	sdelay $0x4  }
0x383: {  	v12 =	vperm.xlane v12, v11  }
0x384: {  	v13 =	vperm.xlane v13, v11;
	v14, v15, _ =	vpop (xrf1)  }
0x385: {  	vm0 =	vlt.f32 v14, v12;
	v12 =	vmin.f32 v14, v12  }
0x386: {  	v13 =	vsel vm0, v15, v13  }
0x387: {  	(xrf1) =	vsort.ascd.msk.f32 $0xffff, v12, v13;
	_ =	sdelay $0x5  }
.Ltmp16:
0x388: {  	(pc) =	sbr.rel @p1 .LBB2_25-.Ltmp16, $4  }
0x389: {  	_ = 	snop  }
0x38a: {  	v12 =	vadd.s32 s4, v0  }
0x38b: {  	vm0 =	vlt.s32 v12, v10  }
0x38c: {  	v12 =	vnsel vm0, $0x0, v12  }
0x38d: {  	s5 =	smov.u32 s4  }
.LBB2_27:
0x38e: {  	_ =	sdelay $0x1  }
0x38f: {  	v11, v13, _ =	vpop @p0 (xrf1)  }
0x390: {  	[tilespmem:$0x1B980] =	vst @p0 v11  }
0x391: {  	[tilespmem:$0x1BA00] =	vst @p0 v13  }
0x392: {  	v11 =	vld.idx.msk [tilespmem:v12+s31+$0x0], $0xffff;
	_ =	sdelay $0x7  }
0x393: {  	v12 =	vld.idx.msk [tilespmem:v11+s18+$0x0], $0xffff  }
0x394: {  	v14 =	vld.idx.msk [tilespmem:v11+s19+$0x0], $0xffff;
	_ =	sdelay $0x1  }
0x395: {  	v15 =	vld.idx.msk [tilespmem:v11+s20+$0x0], $0xffff;
	_ =	sdelay $0x2  }
0x396: {  	v12 =	vsub.f32 v12, v6;
	v14 =	vsub.f32 v14, v7;
	_ =	sdelay $0x1  }
0x397: {  	s4 =	sadd.s32 $0x10, s5;
	v15 =	vsub.f32 v15, v8;
	v12 =	vmul.f32 v12, v12;
	v14 =	vmul.f32 v14, v14  }
0x398: {  	v16 =	vadd.s32 s4, v0  }
0x399: {  	vm1 =	vlt.s32 v16, v10;
	v56 =	vmul.f32 v15, v15;
	v12 =	vadd.f32 v14, v12  }
0x39a: {  	v10 =	vnsel vm1, $0x0, v16  }
0x39b: {  	v12 =	vadd.f32 v56, v12;
	_ =	sdelay $0x1  }
0x39c: {  	vm2 =	vle.f32 v12, v4  }
0x39d: {  	vm0 =	vmand vm0, vm2  }
0x39e: {  	v10 =	vld.idx.msk [tilespmem:v10+s31+$0x0], $0xffff;
	v12 =	vnsel vm0, $0x7F800000, v12  }
0x39f: {  	(xrf1) =	vsort.ascd.msk.f32 $0xffff, v12, v11;
	_ =	sdelay $0x6  }
0x3a0: {  	v58 =	vld.idx.msk [tilespmem:v10+s19+$0x0], $0xffff  }
0x3a1: {  	v11 =	vld [tilespmem:$0x1B980]  }
0x3a2: {  	v57 =	vld.idx.msk [tilespmem:v10+s18+$0x0], $0xffff  }
0x3a3: {  	v59 =	vmul.u32 $0xFFFFFFFF, v0;
	v60 =	vld.idx.msk [tilespmem:v10+s20+$0x0], $0xffff;
	_ =	sdelay $0x1  }
0x3a4: {  	v15 =	vadd.s32 $0xF, v59  }
0x3a5: {  	v9 =	vpsel p0, v13, v9;
	v61 =	vsub.f32 v58, v7;
	v11 =	vperm.xlane v11, v15  }
0x3a6: {  	v9 =	vperm.xlane v9, v15;
	v12 =	vsub.f32 v57, v6;
	v62, v17, _ =	vpop (xrf1)  }
0x3a7: {  	v63 =	vsub.f32 v60, v8;
	v13 =	vmul.f32 v61, v61;
	vm13 =	vlt.f32 v62, v11  }
0x3a8: {  	v12 =	vmul.f32 v12, v12;
	v11 =	vmin.f32 v62, v11;
	v9 =	vsel vm13, v17, v9  }
0x3a9: {  	(xrf1) =	vsort.ascd.msk.f32 $0xffff, v11, v9  }
0x3aa: {  	v9 =	vadd.f32 v13, v12;
	v11 =	vmul.f32 v63, v63;
	_ =	sdelay $0x1  }
0x3ab: {  	v9 =	vadd.f32 v11, v9;
	_ =	sdelay $0x1  }
0x3ac: {  	vm14 =	vle.f32 v9, v4  }
0x3ad: {  	vm0 =	vmand vm1, vm14  }
0x3ae: {  	v9 =	vnsel vm0, $0x7F800000, v9  }
0x3af: {  	(xrf1) =	vsort.ascd.msk.f32 $0xffff, v9, v10;
	_ =	sdelay $0x5  }
0x3b0: {  	v9, v10, _ =	vpop (xrf1)  }
0x3b1: {  	[tilespmem:$0x1B980] =	vst v9  }
0x3b2: {  	v9 =	vld [tilespmem:$0x1B980];
	_ =	sdelay $0x4  }
0x3b3: {  	v9 =	vperm.xlane v9, v15  }
0x3b4: {  	v11 =	vperm.xlane v10, v15;
	v12, v13, _ =	vpop (xrf1)  }
0x3b5: {  	vm15 =	vlt.f32 v12, v9  }
0x3b6: {  	v9 =	vmin.f32 v12, v9;
	v11 =	vsel vm15, v13, v11  }
0x3b7: {  	(xrf1) =	vsort.ascd.msk.f32 $0xffff, v9, v11;
	_ =	sdelay $0xd  }
0x3b8: {  	[tilespmem:$0x1BA00] =	vst v10;
	v10, v9, _ =	vpop (xrf1)  }
0x3b9: {  	[tilespmem:$0x1B980] =	vst v10  }
0x3ba: {  	[tilespmem:$0x1BA00] =	vst v9  }
.LBB2_28:
0x3bb: {  	v10 =	vld [tilespmem:s14+$0x1A780];
	_ =	sdelay $0x4  }
0x3bc: {  	(v2sf) =	vpush v10, $0x0;
	_ =	sdelay $0xe  }
0x3bd: {  	s4 =	spop (v2sf)  }
0x3be: {  	s5 =	sand.u32 $0xFFFF, s4;
	s15 =	sshra.s32 s4, $0x10  }
0x3bf: {  	p0 =	sge.s32 s5, s15  }
.Ltmp17:
0x3c0: {  	_ = 	snop;
	(pc) =	sbr.rel @p0 .LBB2_36-.Ltmp17, $1  }
0x3c1: {  	_ =	sdelay $0x3  }
0x3c2: {  	s4 =	sadd.s32 $0x20, s5  }
0x3c3: {  	p1 =	slt.s32 s4, s15  }
.Ltmp18:
0x3c4: {  	_ = 	snop;
	(pc) =	sbr.rel @!p1 .LBB2_30-.Ltmp18, $4  }
0x3c5: {  	_ = 	snop  }
0x3c6: {  	v10 =	vmov s15;
	v11 =	vadd.s32 s5, v0  }
0x3c7: {  	vm0 =	vlt.s32 v11, v10  }
0x3c8: {  	p0 =	por $0x0, $0x0;
	v12 =	vnsel vm0, $0x0, v11  }
0x3c9: {  	_ =	sdelay $0x3  }
0x3ca: {  	v11 =	vld.idx.msk [tilespmem:v12+s31+$0x0], $0xffff;
	_ =	sdelay $0x7  }
0x3cb: {  	v12 =	vld.idx.msk [tilespmem:v11+s18+$0x0], $0xffff  }
0x3cc: {  	v13 =	vld.idx.msk [tilespmem:v11+s19+$0x0], $0xffff;
	_ =	sdelay $0x1  }
0x3cd: {  	v14 =	vld.idx.msk [tilespmem:v11+s20+$0x0], $0xffff;
	_ =	sdelay $0x2  }
0x3ce: {  	v12 =	vsub.f32 v12, v6;
	v13 =	vsub.f32 v13, v7;
	_ =	sdelay $0x1  }
0x3cf: {  	v14 =	vsub.f32 v14, v8;
	v12 =	vmul.f32 v12, v12;
	v13 =	vmul.f32 v13, v13  }
0x3d0: {  	s5 =	sadd.s32 $0x10, s5  }
0x3d1: {  	v15 =	vadd.s32 s5, v0;
	v12 =	vadd.f32 v13, v12;
	v13 =	vmul.f32 v14, v14  }
0x3d2: {  	vm1 =	vlt.s32 v15, v10  }
0x3d3: {  	v14 =	vnsel vm1, $0x0, v15;
	v12 =	vadd.f32 v13, v12;
	_ =	sdelay $0x1  }
0x3d4: {  	vm2 =	vle.f32 v12, v4  }
0x3d5: {  	vm0 =	vmand vm0, vm2  }
0x3d6: {  	v12 =	vnsel vm0, $0x7F800000, v12  }
0x3d7: {  	v13 =	vld.idx.msk [tilespmem:v14+s31+$0x0], $0xffff;
	(xrf1) =	vsort.ascd.msk.f32 $0xffff, v12, v11;
	_ =	sdelay $0x6  }
0x3d8: {  	v12 =	vld [tilespmem:$0x1B980]  }
0x3d9: {  	v14 =	vld.idx.msk [tilespmem:v13+s18+$0x0], $0xffff  }
0x3da: {  	v15 =	vld.idx.msk [tilespmem:v13+s19+$0x0], $0xffff  }
0x3db: {  	v11 =	vmul.u32 $0xFFFFFFFF, v0;
	v16 =	vld.idx.msk [tilespmem:v13+s20+$0x0], $0xffff;
	_ =	sdelay $0x1  }
0x3dc: {  	v11 =	vadd.s32 $0xF, v11  }
0x3dd: {  	v12 =	vperm.xlane v12, v11;
	v14 =	vsub.f32 v14, v6  }
0x3de: {  	v17 =	vperm.xlane v9, v11;
	v15 =	vsub.f32 v15, v7;
	v18, v19, _ =	vpop (xrf1)  }
0x3df: {  	v16 =	vsub.f32 v16, v8;
	v14 =	vmul.f32 v14, v14;
	vm0 =	vlt.f32 v18, v12  }
0x3e0: {  	v15 =	vmul.f32 v15, v15;
	v12 =	vmin.f32 v18, v12;
	v17 =	vsel vm0, v19, v17  }
0x3e1: {  	(xrf1) =	vsort.ascd.msk.f32 $0xffff, v12, v17  }
0x3e2: {  	v12 =	vadd.f32 v15, v14;
	v14 =	vmul.f32 v16, v16;
	_ =	sdelay $0x1  }
0x3e3: {  	v12 =	vadd.f32 v14, v12;
	_ =	sdelay $0x1  }
0x3e4: {  	vm0 =	vle.f32 v12, v4  }
0x3e5: {  	vm0 =	vmand vm1, vm0  }
0x3e6: {  	v12 =	vnsel vm0, $0x7F800000, v12  }
0x3e7: {  	(xrf1) =	vsort.ascd.msk.f32 $0xffff, v12, v13;
	_ =	sdelay $0x5  }
0x3e8: {  	v12, v13, _ =	vpop (xrf1)  }
0x3e9: {  	[tilespmem:$0x1B980] =	vst v12  }
0x3ea: {  	v12 =	vld [tilespmem:$0x1B980];
	_ =	sdelay $0x4  }
0x3eb: {  	v12 =	vperm.xlane v12, v11  }
0x3ec: {  	v14 =	vperm.xlane v13, v11;
	v15, v62, _ =	vpop (xrf1)  }
0x3ed: {  	vm0 =	vlt.f32 v15, v12  }
0x3ee: {  	v12 =	vmin.f32 v15, v12;
	v14 =	vsel vm0, v62, v14  }
0x3ef: {  	(xrf1) =	vsort.ascd.msk.f32 $0xffff, v12, v14;
	_ =	sdelay $0x3  }
0x3f0: {  	s5 =	sadd.s32 $0x20, s4  }
0x3f1: {  	p1 =	slt.s32 s5, s15  }
.Ltmp19:
0x3f2: {  	_ = 	snop;
	(pc) =	sbr.rel @!p1 .LBB2_32-.Ltmp19, $4  }
0x3f3: {  	_ = 	snop  }
0x3f4: {  	v63 =	vadd.s32 s4, v0  }
0x3f5: {  	vm0 =	vlt.s32 v63, v10  }
0x3f6: {  	p0 =	por $0x1, $0x1;
	[tilespmem:$0x1BA00] =	vst v13;
	v12 =	vnsel vm0, $0x0, v63  }
.LBB2_33:
0x3f7: {  	_ = 	snop  }
0x3f8: {  	s6 =	smov.u32 s5;
	s5 =	sadd.s32 $0x20, s5  }
0x3f9: {  	p1 =	slt.s32 s5, s15  }
0x3fa: {  	v14, v13, _ =	vpop (xrf1)  }
0x3fb: {  	[tilespmem:$0x1B980] =	vst v14  }
0x3fc: {  	[tilespmem:$0x1BA00] =	vst v13  }
0x3fd: {  	v12 =	vld.idx.msk [tilespmem:v12+s31+$0x0], $0xffff;
	_ =	sdelay $0x7  }
0x3fe: {  	v14 =	vld.idx.msk [tilespmem:v12+s18+$0x0], $0xffff  }
0x3ff: {  	v15 =	vld.idx.msk [tilespmem:v12+s19+$0x0], $0xffff  }
0x400: {  	v16 =	vld.idx.msk [tilespmem:v12+s20+$0x0], $0xffff;
	_ =	sdelay $0x4  }
0x401: {  	v14 =	vsub.f32 v14, v6;
	v15 =	vsub.f32 v15, v7;
	_ =	sdelay $0x1  }
0x402: {  	s16 =	sadd.s32 $0x10, s4;
	s4 =	smov.u32 s6;
	v16 =	vsub.f32 v16, v8;
	v14 =	vmul.f32 v14, v14;
	v15 =	vmul.f32 v15, v15  }
0x403: {  	v17 =	vadd.s32 s16, v0  }
0x404: {  	vm1 =	vlt.s32 v17, v10;
	v14 =	vadd.f32 v15, v14;
	v15 =	vmul.f32 v16, v16  }
0x405: {  	v16 =	vnsel vm1, $0x0, v17  }
0x406: {  	v14 =	vadd.f32 v15, v14;
	_ =	sdelay $0x1  }
0x407: {  	vm2 =	vle.f32 v14, v4  }
0x408: {  	vm0 =	vmand vm0, vm2  }
0x409: {  	v14 =	vnsel vm0, $0x7F800000, v14;
	v15 =	vld.idx.msk [tilespmem:v16+s31+$0x0], $0xffff  }
0x40a: {  	(xrf1) =	vsort.ascd.msk.f32 $0xffff, v14, v12;
	_ =	sdelay $0x5  }
0x40b: {  	v12 =	vld [tilespmem:$0x1B980]  }
0x40c: {  	v14 =	vld.idx.msk [tilespmem:v15+s18+$0x0], $0xffff  }
0x40d: {  	v16 =	vld.idx.msk [tilespmem:v15+s19+$0x0], $0xffff;
	_ =	sdelay $0x1  }
0x40e: {  	v17 =	vld.idx.msk [tilespmem:v15+s20+$0x0], $0xffff;
	_ =	sdelay $0x2  }
0x40f: {  	v12 =	vperm.xlane v12, v11;
	v14 =	vsub.f32 v14, v6  }
0x410: {  	v13 =	vperm.xlane v13, v11;
	v16 =	vsub.f32 v16, v7;
	v18, v19, _ =	vpop (xrf1)  }
0x411: {  	v14 =	vmul.f32 v14, v14;
	vm0 =	vlt.f32 v18, v12;
	v12 =	vmin.f32 v18, v12  }
0x412: {  	v17 =	vsub.f32 v17, v8;
	v16 =	vmul.f32 v16, v16;
	v13 =	vsel vm0, v19, v13  }
0x413: {  	(xrf1) =	vsort.ascd.msk.f32 $0xffff, v12, v13  }
0x414: {  	v12 =	vadd.f32 v16, v14;
	v13 =	vmul.f32 v17, v17;
	_ =	sdelay $0x1  }
0x415: {  	v12 =	vadd.f32 v13, v12;
	_ =	sdelay $0x1  }
0x416: {  	vm0 =	vle.f32 v12, v4  }
0x417: {  	vm0 =	vmand vm1, vm0  }
0x418: {  	v12 =	vnsel vm0, $0x7F800000, v12  }
0x419: {  	(xrf1) =	vsort.ascd.msk.f32 $0xffff, v12, v15;
	_ =	sdelay $0x5  }
0x41a: {  	v12, v13, _ =	vpop (xrf1)  }
0x41b: {  	[tilespmem:$0x1B980] =	vst v12  }
0x41c: {  	[tilespmem:$0x1BA00] =	vst v13;
	v12 =	vld [tilespmem:$0x1B980];
	_ =	sdelay $0x4  }
0x41d: {  	v12 =	vperm.xlane v12, v11  }
0x41e: {  	v13 =	vperm.xlane v13, v11;
	v14, v15, _ =	vpop (xrf1)  }
0x41f: {  	vm0 =	vlt.f32 v14, v12;
	v12 =	vmin.f32 v14, v12  }
0x420: {  	v13 =	vsel vm0, v15, v13  }
0x421: {  	(xrf1) =	vsort.ascd.msk.f32 $0xffff, v12, v13;
	_ =	sdelay $0x5  }
.Ltmp20:
0x422: {  	(pc) =	sbr.rel @p1 .LBB2_33-.Ltmp20, $4  }
0x423: {  	_ = 	snop  }
0x424: {  	v12 =	vadd.s32 s4, v0  }
0x425: {  	vm0 =	vlt.s32 v12, v10  }
0x426: {  	v12 =	vnsel vm0, $0x0, v12  }
0x427: {  	s5 =	smov.u32 s4  }
.LBB2_35:
0x428: {  	_ =	sdelay $0x1  }
0x429: {  	v11, v13, _ =	vpop @p0 (xrf1)  }
0x42a: {  	[tilespmem:$0x1B980] =	vst @p0 v11  }
0x42b: {  	[tilespmem:$0x1BA00] =	vst @p0 v13  }
0x42c: {  	v11 =	vld.idx.msk [tilespmem:v12+s31+$0x0], $0xffff;
	_ =	sdelay $0x7  }
0x42d: {  	v12 =	vld.idx.msk [tilespmem:v11+s18+$0x0], $0xffff  }
0x42e: {  	v14 =	vld.idx.msk [tilespmem:v11+s19+$0x0], $0xffff;
	_ =	sdelay $0x1  }
0x42f: {  	v15 =	vld.idx.msk [tilespmem:v11+s20+$0x0], $0xffff;
	_ =	sdelay $0x2  }
0x430: {  	v12 =	vsub.f32 v12, v6;
	v14 =	vsub.f32 v14, v7;
	_ =	sdelay $0x1  }
0x431: {  	s4 =	sadd.s32 $0x10, s5;
	v15 =	vsub.f32 v15, v8;
	v12 =	vmul.f32 v12, v12;
	v14 =	vmul.f32 v14, v14  }
0x432: {  	v16 =	vadd.s32 s4, v0  }
0x433: {  	vm1 =	vlt.s32 v16, v10;
	v56 =	vmul.f32 v15, v15;
	v12 =	vadd.f32 v14, v12  }
0x434: {  	v10 =	vnsel vm1, $0x0, v16  }
0x435: {  	v12 =	vadd.f32 v56, v12;
	_ =	sdelay $0x1  }
0x436: {  	vm2 =	vle.f32 v12, v4  }
0x437: {  	vm0 =	vmand vm0, vm2  }
0x438: {  	v10 =	vld.idx.msk [tilespmem:v10+s31+$0x0], $0xffff;
	v12 =	vnsel vm0, $0x7F800000, v12  }
0x439: {  	(xrf1) =	vsort.ascd.msk.f32 $0xffff, v12, v11;
	_ =	sdelay $0x6  }
0x43a: {  	v58 =	vld.idx.msk [tilespmem:v10+s19+$0x0], $0xffff  }
0x43b: {  	v11 =	vld [tilespmem:$0x1B980]  }
0x43c: {  	v57 =	vld.idx.msk [tilespmem:v10+s18+$0x0], $0xffff  }
0x43d: {  	v59 =	vmul.u32 $0xFFFFFFFF, v0;
	v60 =	vld.idx.msk [tilespmem:v10+s20+$0x0], $0xffff;
	_ =	sdelay $0x1  }
0x43e: {  	v15 =	vadd.s32 $0xF, v59  }
0x43f: {  	v9 =	vpsel p0, v13, v9;
	v61 =	vsub.f32 v58, v7;
	v11 =	vperm.xlane v11, v15  }
0x440: {  	v9 =	vperm.xlane v9, v15;
	v12 =	vsub.f32 v57, v6;
	v62, v17, _ =	vpop (xrf1)  }
0x441: {  	v63 =	vsub.f32 v60, v8;
	v13 =	vmul.f32 v61, v61;
	vm13 =	vlt.f32 v62, v11  }
0x442: {  	v12 =	vmul.f32 v12, v12;
	v11 =	vmin.f32 v62, v11;
	v9 =	vsel vm13, v17, v9  }
0x443: {  	(xrf1) =	vsort.ascd.msk.f32 $0xffff, v11, v9  }
0x444: {  	v9 =	vadd.f32 v13, v12;
	v11 =	vmul.f32 v63, v63;
	_ =	sdelay $0x1  }
0x445: {  	v9 =	vadd.f32 v11, v9;
	_ =	sdelay $0x1  }
0x446: {  	vm14 =	vle.f32 v9, v4  }
0x447: {  	vm0 =	vmand vm1, vm14  }
0x448: {  	v9 =	vnsel vm0, $0x7F800000, v9  }
0x449: {  	(xrf1) =	vsort.ascd.msk.f32 $0xffff, v9, v10;
	_ =	sdelay $0x5  }
0x44a: {  	v9, v10, _ =	vpop (xrf1)  }
0x44b: {  	[tilespmem:$0x1B980] =	vst v9  }
0x44c: {  	v9 =	vld [tilespmem:$0x1B980];
	_ =	sdelay $0x4  }
0x44d: {  	v9 =	vperm.xlane v9, v15  }
0x44e: {  	v11 =	vperm.xlane v10, v15;
	v12, v13, _ =	vpop (xrf1)  }
0x44f: {  	vm15 =	vlt.f32 v12, v9  }
0x450: {  	v9 =	vmin.f32 v12, v9;
	v11 =	vsel vm15, v13, v11  }
0x451: {  	(xrf1) =	vsort.ascd.msk.f32 $0xffff, v9, v11;
	_ =	sdelay $0xd  }
0x452: {  	[tilespmem:$0x1BA00] =	vst v10;
	v10, v9, _ =	vpop (xrf1)  }
0x453: {  	[tilespmem:$0x1B980] =	vst v10  }
0x454: {  	[tilespmem:$0x1BA00] =	vst v9  }
.LBB2_36:
0x455: {  	v10 =	vld [tilespmem:s14+$0x1A880];
	_ =	sdelay $0x4  }
0x456: {  	(v2sf) =	vpush v10, $0x0;
	_ =	sdelay $0xe  }
0x457: {  	s4 =	spop (v2sf)  }
0x458: {  	s5 =	sand.u32 $0xFFFF, s4;
	s15 =	sshra.s32 s4, $0x10  }
0x459: {  	p0 =	sge.s32 s5, s15  }
.Ltmp21:
0x45a: {  	_ = 	snop;
	(pc) =	sbr.rel @p0 .LBB2_44-.Ltmp21, $1  }
0x45b: {  	_ =	sdelay $0x3  }
0x45c: {  	s4 =	sadd.s32 $0x20, s5  }
0x45d: {  	p1 =	slt.s32 s4, s15  }
.Ltmp22:
0x45e: {  	_ = 	snop;
	(pc) =	sbr.rel @!p1 .LBB2_38-.Ltmp22, $4  }
0x45f: {  	_ = 	snop  }
0x460: {  	v10 =	vmov s15;
	v11 =	vadd.s32 s5, v0  }
0x461: {  	vm0 =	vlt.s32 v11, v10  }
0x462: {  	p0 =	por $0x0, $0x0;
	v12 =	vnsel vm0, $0x0, v11  }
0x463: {  	_ =	sdelay $0x3  }
0x464: {  	v11 =	vld.idx.msk [tilespmem:v12+s31+$0x0], $0xffff;
	_ =	sdelay $0x7  }
0x465: {  	v12 =	vld.idx.msk [tilespmem:v11+s18+$0x0], $0xffff  }
0x466: {  	v13 =	vld.idx.msk [tilespmem:v11+s19+$0x0], $0xffff;
	_ =	sdelay $0x1  }
0x467: {  	v14 =	vld.idx.msk [tilespmem:v11+s20+$0x0], $0xffff;
	_ =	sdelay $0x2  }
0x468: {  	v12 =	vsub.f32 v12, v6;
	v13 =	vsub.f32 v13, v7;
	_ =	sdelay $0x1  }
0x469: {  	v14 =	vsub.f32 v14, v8;
	v12 =	vmul.f32 v12, v12;
	v13 =	vmul.f32 v13, v13  }
0x46a: {  	s5 =	sadd.s32 $0x10, s5  }
0x46b: {  	v15 =	vadd.s32 s5, v0;
	v12 =	vadd.f32 v13, v12;
	v13 =	vmul.f32 v14, v14  }
0x46c: {  	vm1 =	vlt.s32 v15, v10  }
0x46d: {  	v14 =	vnsel vm1, $0x0, v15;
	v12 =	vadd.f32 v13, v12;
	_ =	sdelay $0x1  }
0x46e: {  	vm2 =	vle.f32 v12, v4  }
0x46f: {  	vm0 =	vmand vm0, vm2  }
0x470: {  	v12 =	vnsel vm0, $0x7F800000, v12  }
0x471: {  	v13 =	vld.idx.msk [tilespmem:v14+s31+$0x0], $0xffff;
	(xrf1) =	vsort.ascd.msk.f32 $0xffff, v12, v11;
	_ =	sdelay $0x6  }
0x472: {  	v12 =	vld [tilespmem:$0x1B980]  }
0x473: {  	v14 =	vld.idx.msk [tilespmem:v13+s18+$0x0], $0xffff  }
0x474: {  	v15 =	vld.idx.msk [tilespmem:v13+s19+$0x0], $0xffff  }
0x475: {  	v11 =	vmul.u32 $0xFFFFFFFF, v0;
	v16 =	vld.idx.msk [tilespmem:v13+s20+$0x0], $0xffff;
	_ =	sdelay $0x1  }
0x476: {  	v11 =	vadd.s32 $0xF, v11  }
0x477: {  	v12 =	vperm.xlane v12, v11;
	v14 =	vsub.f32 v14, v6  }
0x478: {  	v17 =	vperm.xlane v9, v11;
	v15 =	vsub.f32 v15, v7;
	v18, v19, _ =	vpop (xrf1)  }
0x479: {  	v16 =	vsub.f32 v16, v8;
	v14 =	vmul.f32 v14, v14;
	vm0 =	vlt.f32 v18, v12  }
0x47a: {  	v15 =	vmul.f32 v15, v15;
	v12 =	vmin.f32 v18, v12;
	v17 =	vsel vm0, v19, v17  }
0x47b: {  	(xrf1) =	vsort.ascd.msk.f32 $0xffff, v12, v17  }
0x47c: {  	v12 =	vadd.f32 v15, v14;
	v14 =	vmul.f32 v16, v16;
	_ =	sdelay $0x1  }
0x47d: {  	v12 =	vadd.f32 v14, v12;
	_ =	sdelay $0x1  }
0x47e: {  	vm0 =	vle.f32 v12, v4  }
0x47f: {  	vm0 =	vmand vm1, vm0  }
0x480: {  	v12 =	vnsel vm0, $0x7F800000, v12  }
0x481: {  	(xrf1) =	vsort.ascd.msk.f32 $0xffff, v12, v13;
	_ =	sdelay $0x5  }
0x482: {  	v12, v13, _ =	vpop (xrf1)  }
0x483: {  	[tilespmem:$0x1B980] =	vst v12  }
0x484: {  	v12 =	vld [tilespmem:$0x1B980];
	_ =	sdelay $0x4  }
0x485: {  	v12 =	vperm.xlane v12, v11  }
0x486: {  	v14 =	vperm.xlane v13, v11;
	v15, v62, _ =	vpop (xrf1)  }
0x487: {  	vm0 =	vlt.f32 v15, v12  }
0x488: {  	v12 =	vmin.f32 v15, v12;
	v14 =	vsel vm0, v62, v14  }
0x489: {  	(xrf1) =	vsort.ascd.msk.f32 $0xffff, v12, v14;
	_ =	sdelay $0x3  }
0x48a: {  	s5 =	sadd.s32 $0x20, s4  }
0x48b: {  	p1 =	slt.s32 s5, s15  }
.Ltmp23:
0x48c: {  	_ = 	snop;
	(pc) =	sbr.rel @!p1 .LBB2_40-.Ltmp23, $4  }
0x48d: {  	_ = 	snop  }
0x48e: {  	v63 =	vadd.s32 s4, v0  }
0x48f: {  	vm0 =	vlt.s32 v63, v10  }
0x490: {  	p0 =	por $0x1, $0x1;
	[tilespmem:$0x1BA00] =	vst v13;
	v12 =	vnsel vm0, $0x0, v63  }
.LBB2_41:
0x491: {  	_ = 	snop  }
0x492: {  	s6 =	smov.u32 s5;
	s5 =	sadd.s32 $0x20, s5  }
0x493: {  	p1 =	slt.s32 s5, s15  }
0x494: {  	v14, v13, _ =	vpop (xrf1)  }
0x495: {  	[tilespmem:$0x1B980] =	vst v14  }
0x496: {  	[tilespmem:$0x1BA00] =	vst v13  }
0x497: {  	v12 =	vld.idx.msk [tilespmem:v12+s31+$0x0], $0xffff;
	_ =	sdelay $0x7  }
0x498: {  	v14 =	vld.idx.msk [tilespmem:v12+s18+$0x0], $0xffff  }
0x499: {  	v15 =	vld.idx.msk [tilespmem:v12+s19+$0x0], $0xffff  }
0x49a: {  	v16 =	vld.idx.msk [tilespmem:v12+s20+$0x0], $0xffff;
	_ =	sdelay $0x4  }
0x49b: {  	v14 =	vsub.f32 v14, v6;
	v15 =	vsub.f32 v15, v7;
	_ =	sdelay $0x1  }
0x49c: {  	s16 =	sadd.s32 $0x10, s4;
	s4 =	smov.u32 s6;
	v16 =	vsub.f32 v16, v8;
	v14 =	vmul.f32 v14, v14;
	v15 =	vmul.f32 v15, v15  }
0x49d: {  	v17 =	vadd.s32 s16, v0  }
0x49e: {  	vm1 =	vlt.s32 v17, v10;
	v14 =	vadd.f32 v15, v14;
	v15 =	vmul.f32 v16, v16  }
0x49f: {  	v16 =	vnsel vm1, $0x0, v17  }
0x4a0: {  	v14 =	vadd.f32 v15, v14;
	_ =	sdelay $0x1  }
0x4a1: {  	vm2 =	vle.f32 v14, v4  }
0x4a2: {  	vm0 =	vmand vm0, vm2  }
0x4a3: {  	v14 =	vnsel vm0, $0x7F800000, v14;
	v15 =	vld.idx.msk [tilespmem:v16+s31+$0x0], $0xffff  }
0x4a4: {  	(xrf1) =	vsort.ascd.msk.f32 $0xffff, v14, v12;
	_ =	sdelay $0x5  }
0x4a5: {  	v12 =	vld [tilespmem:$0x1B980]  }
0x4a6: {  	v14 =	vld.idx.msk [tilespmem:v15+s18+$0x0], $0xffff  }
0x4a7: {  	v16 =	vld.idx.msk [tilespmem:v15+s19+$0x0], $0xffff;
	_ =	sdelay $0x1  }
0x4a8: {  	v17 =	vld.idx.msk [tilespmem:v15+s20+$0x0], $0xffff;
	_ =	sdelay $0x2  }
0x4a9: {  	v12 =	vperm.xlane v12, v11;
	v14 =	vsub.f32 v14, v6  }
0x4aa: {  	v13 =	vperm.xlane v13, v11;
	v16 =	vsub.f32 v16, v7;
	v18, v19, _ =	vpop (xrf1)  }
0x4ab: {  	v14 =	vmul.f32 v14, v14;
	vm0 =	vlt.f32 v18, v12;
	v12 =	vmin.f32 v18, v12  }
0x4ac: {  	v17 =	vsub.f32 v17, v8;
	v16 =	vmul.f32 v16, v16;
	v13 =	vsel vm0, v19, v13  }
0x4ad: {  	(xrf1) =	vsort.ascd.msk.f32 $0xffff, v12, v13  }
0x4ae: {  	v12 =	vadd.f32 v16, v14;
	v13 =	vmul.f32 v17, v17;
	_ =	sdelay $0x1  }
0x4af: {  	v12 =	vadd.f32 v13, v12;
	_ =	sdelay $0x1  }
0x4b0: {  	vm0 =	vle.f32 v12, v4  }
0x4b1: {  	vm0 =	vmand vm1, vm0  }
0x4b2: {  	v12 =	vnsel vm0, $0x7F800000, v12  }
0x4b3: {  	(xrf1) =	vsort.ascd.msk.f32 $0xffff, v12, v15;
	_ =	sdelay $0x5  }
0x4b4: {  	v12, v13, _ =	vpop (xrf1)  }
0x4b5: {  	[tilespmem:$0x1B980] =	vst v12  }
0x4b6: {  	[tilespmem:$0x1BA00] =	vst v13;
	v12 =	vld [tilespmem:$0x1B980];
	_ =	sdelay $0x4  }
0x4b7: {  	v12 =	vperm.xlane v12, v11  }
0x4b8: {  	v13 =	vperm.xlane v13, v11;
	v14, v15, _ =	vpop (xrf1)  }
0x4b9: {  	vm0 =	vlt.f32 v14, v12;
	v12 =	vmin.f32 v14, v12  }
0x4ba: {  	v13 =	vsel vm0, v15, v13  }
0x4bb: {  	(xrf1) =	vsort.ascd.msk.f32 $0xffff, v12, v13;
	_ =	sdelay $0x5  }
.Ltmp24:
0x4bc: {  	(pc) =	sbr.rel @p1 .LBB2_41-.Ltmp24, $4  }
0x4bd: {  	_ = 	snop  }
0x4be: {  	v12 =	vadd.s32 s4, v0  }
0x4bf: {  	vm0 =	vlt.s32 v12, v10  }
0x4c0: {  	v12 =	vnsel vm0, $0x0, v12  }
0x4c1: {  	s5 =	smov.u32 s4  }
.LBB2_43:
0x4c2: {  	_ =	sdelay $0x1  }
0x4c3: {  	v11, v13, _ =	vpop @p0 (xrf1)  }
0x4c4: {  	[tilespmem:$0x1B980] =	vst @p0 v11  }
0x4c5: {  	[tilespmem:$0x1BA00] =	vst @p0 v13  }
0x4c6: {  	v11 =	vld.idx.msk [tilespmem:v12+s31+$0x0], $0xffff;
	_ =	sdelay $0x7  }
0x4c7: {  	v12 =	vld.idx.msk [tilespmem:v11+s18+$0x0], $0xffff  }
0x4c8: {  	v14 =	vld.idx.msk [tilespmem:v11+s19+$0x0], $0xffff;
	_ =	sdelay $0x1  }
0x4c9: {  	v15 =	vld.idx.msk [tilespmem:v11+s20+$0x0], $0xffff;
	_ =	sdelay $0x2  }
0x4ca: {  	v12 =	vsub.f32 v12, v6;
	v14 =	vsub.f32 v14, v7;
	_ =	sdelay $0x1  }
0x4cb: {  	s4 =	sadd.s32 $0x10, s5;
	v15 =	vsub.f32 v15, v8;
	v12 =	vmul.f32 v12, v12;
	v14 =	vmul.f32 v14, v14  }
0x4cc: {  	v16 =	vadd.s32 s4, v0  }
0x4cd: {  	vm1 =	vlt.s32 v16, v10;
	v56 =	vmul.f32 v15, v15;
	v12 =	vadd.f32 v14, v12  }
0x4ce: {  	v10 =	vnsel vm1, $0x0, v16  }
0x4cf: {  	v12 =	vadd.f32 v56, v12;
	_ =	sdelay $0x1  }
0x4d0: {  	vm2 =	vle.f32 v12, v4  }
0x4d1: {  	vm0 =	vmand vm0, vm2  }
0x4d2: {  	v10 =	vld.idx.msk [tilespmem:v10+s31+$0x0], $0xffff;
	v12 =	vnsel vm0, $0x7F800000, v12  }
0x4d3: {  	(xrf1) =	vsort.ascd.msk.f32 $0xffff, v12, v11;
	_ =	sdelay $0x6  }
0x4d4: {  	v58 =	vld.idx.msk [tilespmem:v10+s19+$0x0], $0xffff  }
0x4d5: {  	v11 =	vld [tilespmem:$0x1B980]  }
0x4d6: {  	v57 =	vld.idx.msk [tilespmem:v10+s18+$0x0], $0xffff  }
0x4d7: {  	v59 =	vmul.u32 $0xFFFFFFFF, v0;
	v60 =	vld.idx.msk [tilespmem:v10+s20+$0x0], $0xffff;
	_ =	sdelay $0x1  }
0x4d8: {  	v15 =	vadd.s32 $0xF, v59  }
0x4d9: {  	v9 =	vpsel p0, v13, v9;
	v61 =	vsub.f32 v58, v7;
	v11 =	vperm.xlane v11, v15  }
0x4da: {  	v9 =	vperm.xlane v9, v15;
	v12 =	vsub.f32 v57, v6;
	v62, v17, _ =	vpop (xrf1)  }
0x4db: {  	v63 =	vsub.f32 v60, v8;
	v13 =	vmul.f32 v61, v61;
	vm13 =	vlt.f32 v62, v11  }
0x4dc: {  	v12 =	vmul.f32 v12, v12;
	v11 =	vmin.f32 v62, v11;
	v9 =	vsel vm13, v17, v9  }
0x4dd: {  	(xrf1) =	vsort.ascd.msk.f32 $0xffff, v11, v9  }
0x4de: {  	v9 =	vadd.f32 v13, v12;
	v11 =	vmul.f32 v63, v63;
	_ =	sdelay $0x1  }
0x4df: {  	v9 =	vadd.f32 v11, v9;
	_ =	sdelay $0x1  }
0x4e0: {  	vm14 =	vle.f32 v9, v4  }
0x4e1: {  	vm0 =	vmand vm1, vm14  }
0x4e2: {  	v9 =	vnsel vm0, $0x7F800000, v9  }
0x4e3: {  	(xrf1) =	vsort.ascd.msk.f32 $0xffff, v9, v10;
	_ =	sdelay $0x5  }
0x4e4: {  	v9, v10, _ =	vpop (xrf1)  }
0x4e5: {  	[tilespmem:$0x1B980] =	vst v9  }
0x4e6: {  	v9 =	vld [tilespmem:$0x1B980];
	_ =	sdelay $0x4  }
0x4e7: {  	v9 =	vperm.xlane v9, v15  }
0x4e8: {  	v11 =	vperm.xlane v10, v15;
	v12, v13, _ =	vpop (xrf1)  }
0x4e9: {  	vm15 =	vlt.f32 v12, v9  }
0x4ea: {  	v9 =	vmin.f32 v12, v9;
	v11 =	vsel vm15, v13, v11  }
0x4eb: {  	(xrf1) =	vsort.ascd.msk.f32 $0xffff, v9, v11;
	_ =	sdelay $0xd  }
0x4ec: {  	[tilespmem:$0x1BA00] =	vst v10;
	v10, v9, _ =	vpop (xrf1)  }
0x4ed: {  	[tilespmem:$0x1B980] =	vst v10  }
0x4ee: {  	[tilespmem:$0x1BA00] =	vst v9  }
.LBB2_44:
0x4ef: {  	v10 =	vld [tilespmem:s14+$0x1A280]  }
0x4f0: {  	v11 =	vld [tilespmem:s14+$0x1A380];
	_ =	sdelay $0x3  }
0x4f1: {  	(v2sf) =	vpush v10, $0x0  }
0x4f2: {  	(v2sf) =	vpush v11, $0x0;
	_ =	sdelay $0xd  }
0x4f3: {  	s4 =	spop (v2sf)  }
0x4f4: {  	s15 =	spop (v2sf)  }
0x4f5: {  	s5 =	ssub.s32 s15, s4  }
0x4f6: {  	p0 =	slt.s32 s5, $0x3  }
0x4f7: {  	v10 =	vld @!p0 [tilespmem:s14+$0x1A580];
	_ =	sdelay $0x4  }
0x4f8: {  	(v2sf) =	vpush @!p0 v10, $0x0;
	_ =	sdelay $0x7  }
0x4f9: {  	s16 =	sadd.s32 @!p0 $0x3, s4;
	s4 =	sadd.s32 @!p0 $0x1, s15  }
0x4fa: {  	p1 =	sge.s32 @!p0 s16, s4  }
0x4fb: {  	p1 =	por p0, p1  }
.Ltmp25:
0x4fc: {  	_ = 	snop;
	(pc) =	sbr.rel @p1 .LBB2_45-.Ltmp25, $2  }
0x4fd: {  	_ =	sdelay $0x2  }
0x4fe: {  	s4 =	spop @!p0 (v2sf)  }
0x4ff: {  	v10 =	vld [tilespmem:s14+$0x1A480];
	_ =	sdelay $0x4  }
0x500: {  	(v2sf) =	vpush v10, $0x0;
	_ =	sdelay $0xc  }
.Ltmp26:
0x501: {  	_ = 	snop;
	(pc) =	sbr.rel .LBB2_47-.Ltmp26, $4  }
0x502: {  	_ = 	snop  }
0x503: {  	s5 =	spop (v2sf)  }
0x504: {  	s22 =	sadd.s32 $0x18D00, s5  }
0x505: {  	v11 =	vmov @!p0 s4;
	v10 =	vmov s22  }
.LBB2_49:
0x506: {  	_ = 	snop  }
.LBB2_54:
0x507: {  	_ =	sdelay $0x1  }
0x508: {  	v13, v15, _ =	vpop @p0 (xrf1)  }
0x509: {  	[tilespmem:$0x1B980] =	vst @p0 v13  }
0x50a: {  	[tilespmem:$0x1BA00] =	vst @p0 v15  }
0x50b: {  	v13 =	vld.idx.msk [tilespmem:v14+s31+$0x0], $0xffff;
	_ =	sdelay $0x7  }
0x50c: {  	v14 =	vld.idx.msk [tilespmem:v13+s18+$0x0], $0xffff  }
0x50d: {  	v16 =	vld.idx.msk [tilespmem:v13+s19+$0x0], $0xffff;
	_ =	sdelay $0x1  }
0x50e: {  	v17 =	vld.idx.msk [tilespmem:v13+s20+$0x0], $0xffff;
	_ =	sdelay $0x2  }
0x50f: {  	v14 =	vsub.f32 v14, v6;
	v16 =	vsub.f32 v16, v7;
	_ =	sdelay $0x1  }
0x510: {  	v17 =	vsub.f32 v17, v8;
	v14 =	vmul.f32 v14, v14;
	v16 =	vmul.f32 v16, v16  }
0x511: {  	s4 =	sadd.s32 $0x10, s6  }
0x512: {  	v18 =	vadd.s32 s4, v0;
	v52 =	vmul.f32 v17, v17;
	v14 =	vadd.f32 v16, v14  }
0x513: {  	vm1 =	vlt.s32 v18, v12  }
0x514: {  	v12 =	vnsel vm1, $0x0, v18;
	v14 =	vadd.f32 v52, v14;
	_ =	sdelay $0x1  }
0x515: {  	vm2 =	vle.f32 v14, v4  }
0x516: {  	vm0 =	vmand vm0, vm2  }
0x517: {  	v14 =	vnsel vm0, $0x7F800000, v14  }
0x518: {  	v12 =	vld.idx.msk [tilespmem:v12+s31+$0x0], $0xffff;
	(xrf1) =	vsort.ascd.msk.f32 $0xffff, v14, v13;
	_ =	sdelay $0x6  }
0x519: {  	v53 =	vld [tilespmem:$0x1B980]  }
0x51a: {  	v55 =	vld.idx.msk [tilespmem:v12+s19+$0x0], $0xffff  }
0x51b: {  	v54 =	vld.idx.msk [tilespmem:v12+s18+$0x0], $0xffff  }
0x51c: {  	v56 =	vmul.u32 $0xFFFFFFFF, v0;
	v57 =	vld.idx.msk [tilespmem:v12+s20+$0x0], $0xffff;
	_ =	sdelay $0x1  }
0x51d: {  	v17 =	vadd.s32 $0xF, v56  }
0x51e: {  	v9 =	vpsel p0, v15, v9;
	v58 =	vsub.f32 v55, v7;
	v13 =	vperm.xlane v53, v17  }
0x51f: {  	v9 =	vperm.xlane v9, v17;
	v14 =	vsub.f32 v54, v6;
	v59, v19, _ =	vpop (xrf1)  }
0x520: {  	v60 =	vsub.f32 v57, v8;
	v15 =	vmul.f32 v58, v58;
	vm13 =	vlt.f32 v59, v13  }
0x521: {  	v14 =	vmul.f32 v14, v14;
	v13 =	vmin.f32 v59, v13;
	v9 =	vsel vm13, v19, v9  }
0x522: {  	(xrf1) =	vsort.ascd.msk.f32 $0xffff, v13, v9  }
0x523: {  	v61 =	vmul.f32 v60, v60;
	v9 =	vadd.f32 v15, v14;
	_ =	sdelay $0x1  }
0x524: {  	v9 =	vadd.f32 v61, v9;
	_ =	sdelay $0x1  }
0x525: {  	vm14 =	vle.f32 v9, v4  }
0x526: {  	vm0 =	vmand vm1, vm14  }
0x527: {  	v9 =	vnsel vm0, $0x7F800000, v9  }
0x528: {  	(xrf1) =	vsort.ascd.msk.f32 $0xffff, v9, v12;
	_ =	sdelay $0x5  }
0x529: {  	v9, v12, _ =	vpop (xrf1)  }
0x52a: {  	[tilespmem:$0x1B980] =	vst v9  }
0x52b: {  	v9 =	vld [tilespmem:$0x1B980];
	_ =	sdelay $0x4  }
0x52c: {  	v9 =	vperm.xlane v9, v17  }
0x52d: {  	v62 =	vperm.xlane v12, v17;
	v14, v15, _ =	vpop (xrf1)  }
0x52e: {  	vm15 =	vlt.f32 v14, v9  }
0x52f: {  	v9 =	vmin.f32 v14, v9;
	v13 =	vsel vm15, v15, v62  }
0x530: {  	(xrf1) =	vsort.ascd.msk.f32 $0xffff, v9, v13;
	_ =	sdelay $0xd  }
0x531: {  	[tilespmem:$0x1BA00] =	vst v12;
	v63, v9, _ =	vpop (xrf1)  }
0x532: {  	[tilespmem:$0x1B980] =	vst v63  }
0x533: {  	[tilespmem:$0x1BA00] =	vst v9  }
.LBB2_55:
0x534: {  	p0 =	sne.s32 s16, s15  }
.Ltmp27:
0x535: {  	_ = 	snop;
	(pc) =	sbr.rel @!p0 .LBB2_56-.Ltmp27, $3  }
0x536: {  	_ =	sdelay $0x1  }
0x537: {  	s4 =	sadd.s32 $0x1, s16  }
0x538: {  	s16 =	smov.u32 s4  }
.LBB2_47:
0x539: {  	_ = 	snop  }
0x53a: {  	s4 =	smul.u32 $0x50, s16;
	_ =	sdelay $0x1  }
0x53b: {  	s4 =	sshra.s32 s4, $0x2  }
0x53c: {  	s5 =	sadd.s32 s4, s22;
	v13 =	vld.idx.msk [tilespmem:v10+s4+$0x0 ss:$0x1], $0xffff  }
0x53d: {  	v12 =	vld.idx.msk [tilespmem:v11+s5+$0x0 ss:$0x1], $0xffff;
	_ =	sdelay $0x3  }
0x53e: {  	(v2sf) =	vpush v13, $0x0  }
0x53f: {  	(v2sf) =	vpush v12, $0x0;
	_ =	sdelay $0xd  }
0x540: {  	s6 =	spop (v2sf)  }
0x541: {  	s4 =	spop (v2sf)  }
0x542: {  	p0 =	sge.s32 s6, s4  }
.Ltmp28:
0x543: {  	_ = 	snop;
	(pc) =	sbr.rel @p0 .LBB2_55-.Ltmp28, $1  }
0x544: {  	_ =	sdelay $0x3  }
0x545: {  	s5 =	sadd.s32 $0x20, s6  }
0x546: {  	p1 =	slt.s32 s5, s4  }
.Ltmp29:
0x547: {  	_ = 	snop;
	(pc) =	sbr.rel @!p1 .LBB2_49-.Ltmp29, $4  }
0x548: {  	v12 =	vbroadcast v12, $0x0  }
0x549: {  	v13 =	vadd.s32 s6, v0  }
0x54a: {  	vm0 =	vlt.s32 v13, v12  }
0x54b: {  	p0 =	por $0x0, $0x0;
	v14 =	vnsel vm0, $0x0, v13  }
0x54c: {  	_ =	sdelay $0x3  }
0x54d: {  	v13 =	vld.idx.msk [tilespmem:v14+s31+$0x0], $0xffff;
	_ =	sdelay $0x7  }
0x54e: {  	v14 =	vld.idx.msk [tilespmem:v13+s18+$0x0], $0xffff  }
0x54f: {  	v15 =	vld.idx.msk [tilespmem:v13+s19+$0x0], $0xffff;
	_ =	sdelay $0x1  }
0x550: {  	v16 =	vld.idx.msk [tilespmem:v13+s20+$0x0], $0xffff;
	_ =	sdelay $0x2  }
0x551: {  	v14 =	vsub.f32 v14, v6;
	v15 =	vsub.f32 v15, v7;
	_ =	sdelay $0x1  }
0x552: {  	v16 =	vsub.f32 v16, v8;
	v14 =	vmul.f32 v14, v14;
	v15 =	vmul.f32 v15, v15  }
0x553: {  	s6 =	sadd.s32 $0x10, s6  }
0x554: {  	v17 =	vadd.s32 s6, v0;
	v14 =	vadd.f32 v15, v14;
	v15 =	vmul.f32 v16, v16  }
0x555: {  	vm1 =	vlt.s32 v17, v12  }
0x556: {  	v57 =	vnsel vm1, $0x0, v17;
	v14 =	vadd.f32 v15, v14;
	_ =	sdelay $0x1  }
0x557: {  	vm2 =	vle.f32 v14, v4  }
0x558: {  	vm0 =	vmand vm0, vm2  }
0x559: {  	v14 =	vnsel vm0, $0x7F800000, v14  }
0x55a: {  	v15 =	vld.idx.msk [tilespmem:v57+s31+$0x0], $0xffff;
	(xrf1) =	vsort.ascd.msk.f32 $0xffff, v14, v13;
	_ =	sdelay $0x6  }
0x55b: {  	v14 =	vld [tilespmem:$0x1B980]  }
0x55c: {  	v16 =	vld.idx.msk [tilespmem:v15+s18+$0x0], $0xffff  }
0x55d: {  	v58 =	vld.idx.msk [tilespmem:v15+s19+$0x0], $0xffff  }
0x55e: {  	v13 =	vmul.u32 $0xFFFFFFFF, v0;
	v18 =	vld.idx.msk [tilespmem:v15+s20+$0x0], $0xffff;
	_ =	sdelay $0x1  }
0x55f: {  	v13 =	vadd.s32 $0xF, v13  }
0x560: {  	v14 =	vperm.xlane v14, v13;
	v16 =	vsub.f32 v16, v6  }
0x561: {  	v19 =	vperm.xlane v9, v13;
	v17 =	vsub.f32 v58, v7;
	v20, v21, _ =	vpop (xrf1)  }
0x562: {  	v18 =	vsub.f32 v18, v8;
	v16 =	vmul.f32 v16, v16;
	vm0 =	vlt.f32 v20, v14  }
0x563: {  	v17 =	vmul.f32 v17, v17;
	v14 =	vmin.f32 v20, v14;
	v19 =	vsel vm0, v21, v19  }
0x564: {  	(xrf1) =	vsort.ascd.msk.f32 $0xffff, v14, v19  }
0x565: {  	v59 =	vmul.f32 v18, v18;
	v14 =	vadd.f32 v17, v16;
	_ =	sdelay $0x1  }
0x566: {  	v14 =	vadd.f32 v59, v14;
	_ =	sdelay $0x1  }
0x567: {  	vm0 =	vle.f32 v14, v4  }
0x568: {  	vm0 =	vmand vm1, vm0  }
0x569: {  	v14 =	vnsel vm0, $0x7F800000, v14  }
0x56a: {  	(xrf1) =	vsort.ascd.msk.f32 $0xffff, v14, v15;
	_ =	sdelay $0x5  }
0x56b: {  	v14, v15, _ =	vpop (xrf1)  }
0x56c: {  	[tilespmem:$0x1B980] =	vst v14  }
0x56d: {  	v14 =	vld [tilespmem:$0x1B980];
	_ =	sdelay $0x4  }
0x56e: {  	v14 =	vperm.xlane v14, v13  }
0x56f: {  	v60 =	vperm.xlane v15, v13;
	v61, v62, _ =	vpop (xrf1)  }
0x570: {  	vm0 =	vlt.f32 v61, v14  }
0x571: {  	v14 =	vmin.f32 v61, v14;
	v16 =	vsel vm0, v62, v60  }
0x572: {  	(xrf1) =	vsort.ascd.msk.f32 $0xffff, v14, v16;
	_ =	sdelay $0x4  }
0x573: {  	s6 =	sadd.s32 $0x20, s5  }
0x574: {  	p1 =	slt.s32 s6, s4  }
.Ltmp30:
0x575: {  	_ = 	snop;
	(pc) =	sbr.rel @!p1 .LBB2_51-.Ltmp30, $4  }
0x576: {  	_ = 	snop  }
0x577: {  	v63 =	vadd.s32 s5, v0  }
0x578: {  	vm0 =	vlt.s32 v63, v12  }
0x579: {  	p0 =	por $0x1, $0x1;
	[tilespmem:$0x1BA00] =	vst v15;
	v14 =	vnsel vm0, $0x0, v63  }
.LBB2_52:
0x57a: {  	_ = 	snop  }
0x57b: {  	s7 =	smov.u32 s6;
	s6 =	sadd.s32 $0x20, s6  }
0x57c: {  	p1 =	slt.s32 s6, s4  }
0x57d: {  	v16, v15, _ =	vpop (xrf1)  }
0x57e: {  	[tilespmem:$0x1B980] =	vst v16  }
0x57f: {  	[tilespmem:$0x1BA00] =	vst v15  }
0x580: {  	v14 =	vld.idx.msk [tilespmem:v14+s31+$0x0], $0xffff;
	_ =	sdelay $0x7  }
0x581: {  	v16 =	vld.idx.msk [tilespmem:v14+s18+$0x0], $0xffff  }
0x582: {  	v17 =	vld.idx.msk [tilespmem:v14+s19+$0x0], $0xffff  }
0x583: {  	v18 =	vld.idx.msk [tilespmem:v14+s20+$0x0], $0xffff;
	_ =	sdelay $0x4  }
0x584: {  	v16 =	vsub.f32 v16, v6;
	v17 =	vsub.f32 v17, v7;
	_ =	sdelay $0x1  }
0x585: {  	s8 =	sadd.s32 $0x10, s5;
	s5 =	smov.u32 s7;
	v18 =	vsub.f32 v18, v8;
	v16 =	vmul.f32 v16, v16;
	v17 =	vmul.f32 v17, v17  }
0x586: {  	v19 =	vadd.s32 s8, v0  }
0x587: {  	vm1 =	vlt.s32 v19, v12;
	v16 =	vadd.f32 v17, v16;
	v17 =	vmul.f32 v18, v18  }
0x588: {  	v18 =	vnsel vm1, $0x0, v19  }
0x589: {  	v16 =	vadd.f32 v17, v16;
	_ =	sdelay $0x1  }
0x58a: {  	vm2 =	vle.f32 v16, v4  }
0x58b: {  	vm0 =	vmand vm0, vm2  }
0x58c: {  	v16 =	vnsel vm0, $0x7F800000, v16;
	v17 =	vld.idx.msk [tilespmem:v18+s31+$0x0], $0xffff  }
0x58d: {  	(xrf1) =	vsort.ascd.msk.f32 $0xffff, v16, v14;
	_ =	sdelay $0x5  }
0x58e: {  	v14 =	vld [tilespmem:$0x1B980]  }
0x58f: {  	v16 =	vld.idx.msk [tilespmem:v17+s18+$0x0], $0xffff  }
0x590: {  	v18 =	vld.idx.msk [tilespmem:v17+s19+$0x0], $0xffff;
	_ =	sdelay $0x1  }
0x591: {  	v19 =	vld.idx.msk [tilespmem:v17+s20+$0x0], $0xffff;
	_ =	sdelay $0x2  }
0x592: {  	v14 =	vperm.xlane v14, v13;
	v16 =	vsub.f32 v16, v6  }
0x593: {  	v15 =	vperm.xlane v15, v13;
	v18 =	vsub.f32 v18, v7;
	v20, v21, _ =	vpop (xrf1)  }
0x594: {  	v16 =	vmul.f32 v16, v16;
	vm0 =	vlt.f32 v20, v14;
	v14 =	vmin.f32 v20, v14  }
0x595: {  	v19 =	vsub.f32 v19, v8;
	v18 =	vmul.f32 v18, v18;
	v15 =	vsel vm0, v21, v15  }
0x596: {  	(xrf1) =	vsort.ascd.msk.f32 $0xffff, v14, v15  }
0x597: {  	v14 =	vadd.f32 v18, v16;
	v15 =	vmul.f32 v19, v19;
	_ =	sdelay $0x1  }
0x598: {  	v14 =	vadd.f32 v15, v14;
	_ =	sdelay $0x1  }
0x599: {  	vm0 =	vle.f32 v14, v4  }
0x59a: {  	vm0 =	vmand vm1, vm0  }
0x59b: {  	v14 =	vnsel vm0, $0x7F800000, v14  }
0x59c: {  	(xrf1) =	vsort.ascd.msk.f32 $0xffff, v14, v17;
	_ =	sdelay $0x5  }
0x59d: {  	v14, v15, _ =	vpop (xrf1)  }
0x59e: {  	[tilespmem:$0x1B980] =	vst v14  }
0x59f: {  	[tilespmem:$0x1BA00] =	vst v15;
	v14 =	vld [tilespmem:$0x1B980];
	_ =	sdelay $0x4  }
0x5a0: {  	v14 =	vperm.xlane v14, v13  }
0x5a1: {  	v15 =	vperm.xlane v15, v13;
	v16, v17, _ =	vpop (xrf1)  }
0x5a2: {  	vm0 =	vlt.f32 v16, v14;
	v14 =	vmin.f32 v16, v14  }
0x5a3: {  	v15 =	vsel vm0, v17, v15  }
0x5a4: {  	(xrf1) =	vsort.ascd.msk.f32 $0xffff, v14, v15;
	_ =	sdelay $0x5  }
.Ltmp31:
0x5a5: {  	(pc) =	sbr.rel @p1 .LBB2_52-.Ltmp31, $4  }
0x5a6: {  	_ = 	snop  }
0x5a7: {  	v14 =	vadd.s32 s5, v0  }
0x5a8: {  	vm0 =	vlt.s32 v14, v12  }
0x5a9: {  	v14 =	vnsel vm0, $0x0, v14  }
.Ltmp32:
0x5aa: {  	(pc) =	sbr.rel .LBB2_54-.Ltmp32, $2  }
0x5ab: {  	_ =	sdelay $0x2  }
0x5ac: {  	s6 =	smov.u32 s5  }
.LBB2_51:
.Ltmp33:
0x5ad: {  	(pc) =	sbr.rel .LBB2_54-.Ltmp33, $2  }
0x5ae: {  	_ =	sdelay $0x2  }
0x5af: {  	s6 =	smov.u32 s5  }
.LBB2_22:
.Ltmp34:
0x5b0: {  	(pc) =	sbr.rel .LBB2_27-.Ltmp34, $2  }
0x5b1: {  	_ =	sdelay $0x2  }
0x5b2: {  	_ = 	snop  }
.LBB2_30:
.Ltmp35:
0x5b3: {  	(pc) =	sbr.rel .LBB2_35-.Ltmp35, $2  }
0x5b4: {  	_ =	sdelay $0x2  }
0x5b5: {  	_ = 	snop  }
.LBB2_38:
.Ltmp36:
0x5b6: {  	(pc) =	sbr.rel .LBB2_43-.Ltmp36, $2  }
0x5b7: {  	_ =	sdelay $0x2  }
0x5b8: {  	_ = 	snop  }
.LBB2_24:
.Ltmp37:
0x5b9: {  	(pc) =	sbr.rel .LBB2_27-.Ltmp37, $2  }
0x5ba: {  	_ =	sdelay $0x2  }
0x5bb: {  	s5 =	smov.u32 s4  }
.LBB2_32:
.Ltmp38:
0x5bc: {  	(pc) =	sbr.rel .LBB2_35-.Ltmp38, $2  }
0x5bd: {  	_ =	sdelay $0x2  }
0x5be: {  	s5 =	smov.u32 s4  }
.LBB2_40:
.Ltmp39:
0x5bf: {  	(pc) =	sbr.rel .LBB2_43-.Ltmp39, $2  }
0x5c0: {  	_ =	sdelay $0x2  }
0x5c1: {  	s5 =	smov.u32 s4  }
.LBB2_6:
.Ltmp40:
0x5c2: {  	(pc) =	sbr.rel .LBB2_11-.Ltmp40, $2  }
0x5c3: {  	_ =	sdelay $0x2  }
0x5c4: {  	p1 =	por $0x0, $0x0  }
.LBB2_12:
.Ltmp41:
0x5c5: {  	(pc) =	sbr.rel .LBB2_17-.Ltmp41, $2  }
0x5c6: {  	_ =	sdelay $0x2  }
0x5c7: {  	v7 =	vimm.s32 $0x0  }
.LBB2_8:
.Ltmp42:
0x5c8: {  	(pc) =	sbr.rel .LBB2_11-.Ltmp42, $3  }
0x5c9: {  	_ =	sdelay $0x1  }
0x5ca: {  	v34 =	vmov v6;
	v31 =	vmov v8;
	v32 =	vmov v7  }
0x5cb: {  	v33 =	vmovc v5;
	v6 =	vmovc v15;
	v7 =	vmov v16;
	v5 =	vmov v13;
	v8 =	vmov v17  }
.LBB2_14:
.Ltmp43:
0x5cc: {  	(pc) =	sbr.rel .LBB2_17-.Ltmp43, $2  }
0x5cd: {  	_ =	sdelay $0x2  }
0x5ce: {  	v7 =	vimm.s32 $0x0;
	v10 =	vmov v6  }
.LBB2_58:
0x5cf: {  	_ =	sfence.sel $0x180000  }
0x5d0: {  	[bflag:$0x0] =	sbarrier.arrive $0xFFFF  }
0x5d1: {  	_ =	strace $0x90000047  }
0x5d2: {  	s0 =	stileid.u32;
	[bflag:$0x2] =	sbarrier.arrive $0xFFFF  }
0x5d3: {  	p0 =	sne.s32 s0, $0x0;
	s0 =	rddreg [dreg:$0x2]  }
0x5d4: {  	s0 =	sadd.s32 @!p0 $0x100000, s0  }
0x5d5: {  	[sflag:s0] =	ssyncadd.tile.s32 @!p0 $0x1;
	_ =	shalt  }
.Lfunc_end2:
_tile_overlayer_lowered:
.L_overlay_start_2:
0x5d6: {  	(tag) =	ssettag $0x2  }
0x5d7: {  	s0 =	rddreg [dreg:$0x0];
	s2 =	stileid.u32  }
0x5d8: {  	s1 =	rddreg [dreg:$0x1];
	p0 =	sne.s32 s2, $0x0  }
0x5d9: {  	s3 =	rddreg [dreg:$0x2];
	[bflag:$0x3] =	sbarrier.arrive $0xFFFF;
	s2 =	simm.s32 @!p0 $0x1C01  }
0x5da: {  	[timem:s3], [sflag:s2] =	dma.local @!p0 [hbm:s0], s1  }
0x5db: {  	s0 =	simm.s32 @!p0 $0x1  }
0x5dc: {  	_ =	swait.ge @!p0 [sflag:s0], s1  }
0x5dd: {  	s1 =	ssub.s32 @!p0 $0x0, s1;
	[sflag:s0] =	ssyncset.done @!p0 $0x0  }
0x5de: {  	[sflag:s0] =	ssyncadd.s32 @!p0 s1  }
0x5df: {  	[bflag:$0x3] =	sbarrier.arrive $0xFFFF  }
0x5e0: {  	_ =	shalt  }

</sc_bundles>
